<compile_context>
chip_gen: v7x
topology: tpu7x:2x2x1
jax: 0.10.2.dev20260603
libtpu: 0.0.44.dev20260713+nightly
codegen_flags: <defaults>
</compile_context>

<pallas_src>
import functools

import numpy as np

import jax
import jax.numpy as jnp
from jax import lax
from jax.experimental import pallas as pl
from jax.experimental.pallas import tpu as pltpu
from jax.experimental.pallas import tpu_sc as plsc

_N = 20000
_NP = 20480
_NW = 32
_PT = _NP // _NW
_NG = _PT // 80
_M = _NG * 16
_NC = _NW * _M
_CR, _CC = 8, _NC // 8
_R, _C = 8, 2560
_MAXO = 1000
_NEG = float(np.float32(-1e30))


def _lexgt(s, i, sp, ip):
    return (s > sp) | ((s == sp) & (i < ip))


def _ce_stage(lane, s, idx, j, want_max):
    perm = lane ^ j
    sp = s[perm]
    ip = idx[perm]
    gt = _lexgt(s, idx, sp, ip)
    gi = jnp.where(gt, 1, 0)
    wi = jnp.where(want_max, 1, 0)
    take_self = (gi ^ wi) == 0
    return jnp.where(take_self, s, sp), jnp.where(take_self, idx, ip)


def _sort16_desc(lane, s, idx):
    for k in (2, 4, 8, 16):
        j = k // 2
        while j >= 1:
            jb = (lane >> j.bit_length() - 1) & 1
            kb = (lane >> k.bit_length() - 1) & 1
            want_max = jb == kb
            s, idx = _ce_stage(lane, s, idx, j, want_max)
            j //= 2
    return s, idx


def _merge_top16(lane, sa, ia, sb, ib):
    rperm = lane ^ 15
    rb = sb[rperm]
    rib = ib[rperm]
    gt = _lexgt(sa, ia, rb, rib)
    ts = jnp.where(gt, sa, rb)
    ti = jnp.where(gt, ia, rib)
    bs = jnp.where(gt, rb, sa)
    j = 8
    while j >= 1:
        want_max = (lane & j) == 0
        ts, ti = _ce_stage(lane, ts, ti, j, want_max)
        j //= 2
    bmax = bs
    for d in (8, 4, 2, 1):
        bmax = jnp.maximum(bmax, bmax[lane ^ d])
    return ts, ti, bmax


def _build_sc_select():
  mesh = plsc.VectorSubcoreMesh(core_axis_name="c", subcore_axis_name="s")

  @functools.partial(
    pl.kernel,
    mesh=mesh,
    out_type=[
        jax.ShapeDtypeStruct((_NC,), jnp.float32),
        jax.ShapeDtypeStruct((_NC,), jnp.int32),
        jax.ShapeDtypeStruct((_NC,), jnp.float32),
        jax.ShapeDtypeStruct((_NC,), jnp.float32),
        jax.ShapeDtypeStruct((_NC,), jnp.float32),
        jax.ShapeDtypeStruct((_NC,), jnp.float32),
        jax.ShapeDtypeStruct((_NW * 16,), jnp.float32),
    ],
    scratch_types=[
        pltpu.VMEM((_PT,), jnp.float32),
        pltpu.VMEM((_PT,), jnp.float32),
        pltpu.VMEM((_PT,), jnp.float32),
        pltpu.VMEM((_PT,), jnp.float32),
        pltpu.VMEM((_PT,), jnp.float32),
        pltpu.VMEM((_M,), jnp.float32),
        pltpu.VMEM((_M,), jnp.int32),
        pltpu.VMEM((_M,), jnp.float32),
        pltpu.VMEM((_M,), jnp.float32),
        pltpu.VMEM((_M,), jnp.float32),
        pltpu.VMEM((_M,), jnp.float32),
        pltpu.VMEM((16,), jnp.float32),
    ],
  )
  def _sc_sel(s_hbm, y1_hbm, x1_hbm, y2_hbm, x2_hbm,
              cs_out, ci_out, cy1_out, cx1_out, cy2_out, cx2_out, thr_out,
              s_v, y1_v, x1_v, y2_v, x2_v,
              cs_v, ci_v, cy1_v, cx1_v, cy2_v, cx2_v, thr_v):
    wid = lax.axis_index("s") * 2 + lax.axis_index("c")
    base = wid * _PT
    pltpu.sync_copy(s_hbm.at[pl.ds(base, _PT)], s_v)
    pltpu.sync_copy(y1_hbm.at[pl.ds(base, _PT)], y1_v)
    pltpu.sync_copy(x1_hbm.at[pl.ds(base, _PT)], x1_v)
    pltpu.sync_copy(y2_hbm.at[pl.ds(base, _PT)], y2_v)
    pltpu.sync_copy(x2_hbm.at[pl.ds(base, _PT)], x2_v)

    lane = lax.iota(jnp.int32, 16)
    neg = jnp.float32(_NEG)

    def _group(g, thrmax):
        goff = g * 80
        vs, vi = [], []
        for k in range(5):
            sv = s_v[pl.ds(goff + k * 16, 16)]
            gi = base + goff + k * 16 + lane
            ss, si = _sort16_desc(lane, sv, gi)
            vs.append(ss)
            vi.append(si)
        t01s, t01i, b01 = _merge_top16(lane, vs[0], vi[0], vs[1], vi[1])
        t23s, t23i, b23 = _merge_top16(lane, vs[2], vi[2], vs[3], vi[3])
        tqs, tqi, bq = _merge_top16(lane, t01s, t01i, t23s, t23i)
        ts, ti, bt = _merge_top16(lane, tqs, tqi, vs[4], vi[4])
        thr_g = jnp.maximum(jnp.maximum(b01, b23), jnp.maximum(bq, bt))
        thrmax = jnp.maximum(thrmax, thr_g)

        li = ti - (base + goff)
        vno = li >> 4
        lno = li - (vno << 4)
        outs = []
        for c_v in (y1_v, x1_v, y2_v, x2_v):
            r = jnp.zeros((16,), jnp.float32)
            for k in range(5):
                ck = c_v[pl.ds(goff + k * 16, 16)]
                r = jnp.where(vno == k, ck[lno], r)
            outs.append(r)

        cs_v[pl.ds(g * 16, 16)] = ts
        ci_v[pl.ds(g * 16, 16)] = ti
        cy1_v[pl.ds(g * 16, 16)] = outs[0]
        cx1_v[pl.ds(g * 16, 16)] = outs[1]
        cy2_v[pl.ds(g * 16, 16)] = outs[2]
        cx2_v[pl.ds(g * 16, 16)] = outs[3]
        return thrmax

    thrmax = lax.fori_loop(0, _NG, _group, jnp.full((16,), neg))
    thr_v[...] = thrmax

    pltpu.sync_copy(cs_v, cs_out.at[pl.ds(wid * _M, _M)])
    pltpu.sync_copy(ci_v, ci_out.at[pl.ds(wid * _M, _M)])
    pltpu.sync_copy(cy1_v, cy1_out.at[pl.ds(wid * _M, _M)])
    pltpu.sync_copy(cx1_v, cx1_out.at[pl.ds(wid * _M, _M)])
    pltpu.sync_copy(cy2_v, cy2_out.at[pl.ds(wid * _M, _M)])
    pltpu.sync_copy(cx2_v, cx2_out.at[pl.ds(wid * _M, _M)])
    pltpu.sync_copy(thr_v, thr_out.at[pl.ds(wid * 16, 16)])

  return _sc_sel


_sc_select_cached = None


def _sc_select(*args):
    global _sc_select_cached
    if _sc_select_cached is None:
        _sc_select_cached = _build_sc_select()
    return _sc_select_cached(*args)


def _scal_iou_ge(by1a, bx1a, by2a, bx2a, bara, by1b, bx1b, by2b, bx2b, barb):
    yy1 = jnp.maximum(by1a, by1b)
    xx1 = jnp.maximum(bx1a, bx1b)
    yy2 = jnp.minimum(by2a, by2b)
    xx2 = jnp.minimum(bx2a, bx2b)
    inter = jnp.maximum(yy2 - yy1, 0.0) * jnp.maximum(xx2 - xx1, 0.0)
    union = bara + barb - inter
    iou = jnp.where(union > 0.0, inter / union, 0.0)
    return iou >= 0.7


def _nms_cand_body(mos_ref, b0_ref, thr_ref, s_ref, idxf_ref,
                   y1_ref, x1_ref, y2_ref, x2_ref,
                   out_ref, flag_ref, sw_ref, ar_ref, acc_ref):
    sw_ref[...] = s_ref[...]
    ar_ref[...] = (jnp.maximum(y2_ref[...] - y1_ref[...], 0.0)
                   * jnp.maximum(x2_ref[...] - x1_ref[...], 0.0))
    mos = mos_ref[0]
    flag_ref[0] = (mos != _MAXO).astype(jnp.int32)
    mthr = jnp.max(thr_ref[...])
    b0y1 = b0_ref[0]
    b0x1 = b0_ref[1]
    b0y2 = b0_ref[2]
    b0x2 = b0_ref[3]
    out_ref[:, pl.ds(0, 1)] = jnp.full((_MAXO + 8, 1), b0y1)
    out_ref[:, pl.ds(1, 1)] = jnp.full((_MAXO + 8, 1), b0x1)
    out_ref[:, pl.ds(2, 1)] = jnp.full((_MAXO + 8, 1), b0y2)
    out_ref[:, pl.ds(3, 1)] = jnp.full((_MAXO + 8, 1), b0x2)
    row8 = lax.broadcasted_iota(jnp.int32, (8, 4), 0)
    col8 = lax.broadcasted_iota(jnp.int32, (8, 4), 1)

    neg = jnp.float32(_NEG)
    big = jnp.float32(_NP)

    def body(i, rows):
        acc_ref[0] = 0

        @pl.when(rows < mos)
        def _():
            s = sw_ref[...]
            idxp = idxf_ref[...]
            y1 = y1_ref[...]
            x1 = x1_ref[...]
            y2 = y2_ref[...]
            x2 = x2_ref[...]
            ar = ar_ref[...]

            m1 = jnp.max(s)
            q1 = s == m1
            s2 = jnp.where(q1, neg, s)
            m2 = jnp.max(s2)
            q2 = s2 == m2
            s3 = jnp.where(q2, neg, s2)
            m3 = jnp.max(s3)
            q3 = s3 == m3
            s4 = jnp.where(q3, neg, s3)
            m4 = jnp.max(s4)
            q4 = s4 == m4
            s5 = jnp.where(q4, neg, s4)
            m5 = jnp.max(s5)
            q5 = s5 == m5
            s6 = jnp.where(q5, neg, s5)
            m6 = jnp.max(s6)
            q6 = s6 == m6

            idx1 = jnp.min(jnp.where(q1, idxp, big))
            sel1 = idxp == idx1
            ones = jnp.float32(1.0)
            cnt1 = jnp.sum(jnp.where(q1, ones, 0.0))
            cnt2 = jnp.sum(jnp.where(q2, ones, 0.0))
            cnt3 = jnp.sum(jnp.where(q3, ones, 0.0))
            cnt4 = jnp.sum(jnp.where(q4, ones, 0.0))
            cnt5 = jnp.sum(jnp.where(q5, ones, 0.0))
            cnt6 = jnp.sum(jnp.where(q6, ones, 0.0))

            def extract(sel):
                ey1 = jnp.max(jnp.where(sel, y1, neg))
                ex1 = jnp.max(jnp.where(sel, x1, neg))
                ey2 = jnp.max(jnp.where(sel, y2, neg))
                ex2 = jnp.max(jnp.where(sel, x2, neg))
                ear = (jnp.maximum(ey2 - ey1, 0.0)
                       * jnp.maximum(ex2 - ex1, 0.0))
                return (ey1, ex1, ey2, ex2, ear)

            c1 = extract(sel1)
            c2 = extract(q2)
            c3 = extract(q3)
            c4 = extract(q4)
            c5 = extract(q5)
            c6 = extract(q6)

            ok2 = (cnt1 <= 1.0) & (cnt2 <= 1.0) & (m2 > _NEG / 2.0)
            ok3 = ok2 & (cnt3 <= 1.0) & (m3 > _NEG / 2.0)
            ok4 = ok3 & (cnt4 <= 1.0) & (m4 > _NEG / 2.0)
            ok5 = ok4 & (cnt5 <= 1.0) & (m5 > _NEG / 2.0)
            ok6 = ok5 & (cnt6 <= 1.0) & (m6 > _NEG / 2.0)


            a2 = ok2 & ~_scal_iou_ge(*c1, *c2)
            a3 = ok3 & ~((a2 & _scal_iou_ge(*c2, *c3))
                         | _scal_iou_ge(*c1, *c3))
            a4 = ok4 & ~((a3 & _scal_iou_ge(*c3, *c4))
                         | (a2 & _scal_iou_ge(*c2, *c4))
                         | _scal_iou_ge(*c1, *c4))
            a5 = ok5 & ~((a4 & _scal_iou_ge(*c4, *c5))
                         | (a3 & _scal_iou_ge(*c3, *c5))
                         | (a2 & _scal_iou_ge(*c2, *c5))
                         | _scal_iou_ge(*c1, *c5))
            a6 = ok6 & ~((a5 & _scal_iou_ge(*c5, *c6))
                         | (a4 & _scal_iou_ge(*c4, *c6))
                         | (a3 & _scal_iou_ge(*c3, *c6))
                         | (a2 & _scal_iou_ge(*c2, *c6))
                         | _scal_iou_ge(*c1, *c6))

            r1 = rows
            r2 = r1 + 1
            r3 = r2 + jnp.where(a2, 1, 0)
            r4 = r3 + jnp.where(a3, 1, 0)
            r5 = r4 + jnp.where(a4, 1, 0)
            r6 = r5 + jnp.where(a5, 1, 0)
            w1 = r1 < mos
            w2 = a2 & (r2 < mos)
            w3 = a3 & (r3 < mos)
            w4 = a4 & (r4 < mos)
            w5 = a5 & (r5 < mos)
            w6 = a6 & (r6 < mos)

            mlast = jnp.where(w6, m6, jnp.where(w5, m5,
                    jnp.where(w4, m4, jnp.where(w3, m3,
                              jnp.where(w2, m2, m1)))))
            flag_ref[0] = flag_ref[0] | (mlast <= mthr).astype(jnp.int32) \
                | (m1 <= mthr).astype(jnp.int32)

            blk = jnp.where(col8 == 0, b0y1,
                  jnp.where(col8 == 1, b0x1,
                  jnp.where(col8 == 2, b0y2, b0x2)))
            for w, r, c in ((w1, r1, c1), (w2, r2, c2),
                            (w3, r3, c3), (w4, r4, c4),
                            (w5, r5, c5), (w6, r6, c6)):
                hit = w & (row8 == (r - rows))
                blk = jnp.where(hit & (col8 == 0), c[0],
                      jnp.where(hit & (col8 == 1), c[1],
                      jnp.where(hit & (col8 == 2), c[2],
                      jnp.where(hit & (col8 == 3), c[3], blk))))
            out_ref[pl.ds(rows, 8), :] = blk

            def supp_mask(c, selq):
                yy1 = jnp.maximum(c[0], y1)
                xx1 = jnp.maximum(c[1], x1)
                yy2 = jnp.minimum(c[2], y2)
                xx2 = jnp.minimum(c[3], x2)
                inter = (jnp.maximum(yy2 - yy1, 0.0)
                         * jnp.maximum(xx2 - xx1, 0.0))
                union = c[4] + ar - inter
                iou = jnp.where(union > 0.0, inter / union, 0.0)
                return (iou >= 0.7) | selq

            sm = supp_mask(c1, sel1)
            sm = sm | (w2 & supp_mask(c2, q2))
            sm = sm | (w3 & supp_mask(c3, q3))
            sm = sm | (w4 & supp_mask(c4, q4))
            sm = sm | (w5 & supp_mask(c5, q5))
            sm = sm | (w6 & supp_mask(c6, q6))
            sw_ref[...] = jnp.where(sm, neg, s)

            acc_ref[0] = (jnp.where(w1, 1, 0) + jnp.where(w2, 1, 0)
                          + jnp.where(w3, 1, 0) + jnp.where(w4, 1, 0)
                          + jnp.where(w5, 1, 0) + jnp.where(w6, 1, 0))

        return rows + acc_ref[0]

    rows = lax.fori_loop(0, 224, body, jnp.int32(0))
    flag_ref[0] = flag_ref[0] | (rows < mos).astype(jnp.int32)


def _nms_full_body(mos_ref, s_ref, y1_ref, x1_ref, y2_ref, x2_ref,
                   out_ref, sw_ref, ar_ref):
    sw_ref[...] = s_ref[...]
    ar_ref[...] = (jnp.maximum(y2_ref[...] - y1_ref[...], 0.0)
                   * jnp.maximum(x2_ref[...] - x1_ref[...], 0.0))
    mos = mos_ref[0]
    rows = lax.broadcasted_iota(jnp.int32, (_R, _C), 0)
    cols = lax.broadcasted_iota(jnp.int32, (_R, _C), 1)
    idxg = (rows * _C + cols).astype(jnp.float32)

    b0y1 = y1_ref[0, 0]
    b0x1 = x1_ref[0, 0]
    b0y2 = y2_ref[0, 0]
    b0x2 = x2_ref[0, 0]

    def body(i, _):
        s = sw_ref[...]
        m = jnp.max(s)
        idx = jnp.min(jnp.where(s == m, idxg, jnp.float32(_NP)))
        valid = (m > _NEG / 2.0) & (i < mos)
        sel = idxg == idx
        by1 = jnp.max(jnp.where(sel, y1_ref[...], _NEG))
        bx1 = jnp.max(jnp.where(sel, x1_ref[...], _NEG))
        by2 = jnp.max(jnp.where(sel, y2_ref[...], _NEG))
        bx2 = jnp.max(jnp.where(sel, x2_ref[...], _NEG))
        barea = jnp.max(jnp.where(sel, ar_ref[...], _NEG))

        yy1 = jnp.maximum(by1, y1_ref[...])
        xx1 = jnp.maximum(bx1, x1_ref[...])
        yy2 = jnp.minimum(by2, y2_ref[...])
        xx2 = jnp.minimum(bx2, x2_ref[...])
        inter = jnp.maximum(yy2 - yy1, 0.0) * jnp.maximum(xx2 - xx1, 0.0)
        union = barea + ar_ref[...] - inter
        iou = jnp.where(union > 0.0, inter / union, 0.0)
        supp = (iou >= 0.7) | sel
        sw_ref[...] = jnp.where(supp, _NEG, s)

        oy1 = jnp.where(valid, by1, b0y1)
        ox1 = jnp.where(valid, bx1, b0x1)
        oy2 = jnp.where(valid, by2, b0y2)
        ox2 = jnp.where(valid, bx2, b0x2)
        out_ref[pl.ds(i, 1), pl.ds(0, 1)] = jnp.full((1, 1), oy1)
        out_ref[pl.ds(i, 1), pl.ds(1, 1)] = jnp.full((1, 1), ox1)
        out_ref[pl.ds(i, 1), pl.ds(2, 1)] = jnp.full((1, 1), oy2)
        out_ref[pl.ds(i, 1), pl.ds(3, 1)] = jnp.full((1, 1), ox2)
        return 0

    lax.fori_loop(0, _MAXO, body, 0)


def kernel(rois, scores, max_output_size):
    s = jnp.squeeze(scores, axis=-1)
    s_p = jnp.concatenate([s, jnp.full((_NP - _N,), _NEG, jnp.float32)])
    zpad = jnp.zeros((_NP - _N,), jnp.float32)
    y1 = jnp.concatenate([rois[:, 0], zpad])
    x1 = jnp.concatenate([rois[:, 1], zpad])
    y2 = jnp.concatenate([rois[:, 2], zpad])
    x2 = jnp.concatenate([rois[:, 3], zpad])
    mos = jnp.asarray(max_output_size, jnp.int32).reshape(1)
    b0 = rois[0]

    cs, ci, cy1, cx1, cy2, cx2, thr = _sc_select(s_p, y1, x1, y2, x2)

    vspec = pl.BlockSpec(memory_space=pltpu.VMEM)
    sspec = pl.BlockSpec(memory_space=pltpu.SMEM)
    fast_out, flag = pl.pallas_call(
        _nms_cand_body,
        out_shape=[jax.ShapeDtypeStruct((_MAXO + 8, 4), jnp.float32),
                   jax.ShapeDtypeStruct((1,), jnp.int32)],
        in_specs=[sspec, sspec] + [vspec] * 7,
        out_specs=[vspec, sspec],
        scratch_shapes=[pltpu.VMEM((_CR, _CC), jnp.float32),
                        pltpu.VMEM((_CR, _CC), jnp.float32),
                        pltpu.SMEM((1,), jnp.int32)],
    )(mos, b0, thr.reshape(8, -1), cs.reshape(_CR, _CC),
      ci.astype(jnp.float32).reshape(_CR, _CC), cy1.reshape(_CR, _CC),
      cx1.reshape(_CR, _CC), cy2.reshape(_CR, _CC), cx2.reshape(_CR, _CC))

    def _full(_):
        return pl.pallas_call(
            _nms_full_body,
            out_shape=jax.ShapeDtypeStruct((_MAXO, 4), jnp.float32),
            in_specs=[sspec] + [vspec] * 5,
            scratch_shapes=[pltpu.VMEM((_R, _C), jnp.float32),
                            pltpu.VMEM((_R, _C), jnp.float32)],
        )(mos, s_p.reshape(_R, _C), y1.reshape(_R, _C), x1.reshape(_R, _C),
          y2.reshape(_R, _C), x2.reshape(_R, _C))

    def _fast(_):
        return fast_out[:_MAXO]

    return lax.cond(flag[0] > 0, _full, _fast, None)

# --- scband reference (transcript-rebuilt; emitter-appended) ---
"""Pipeline reference for scband-nms-52132313038913 (READ-ONLY COPY).

The authoritative reference and input builder live on the scoring server;
editing this copy changes nothing except your own understanding.
"""

import jax, jax.numpy as jnp
import numpy as np

N = 20000
MAX_OUT = 1000
IOU_THR = 0.7
NEG_INF = jnp.float32(-1e30)


def setup_inputs(seed: int = 0) -> dict:
    key = jax.random.key(seed)
    k1, k2 = jax.random.split(key)
    rois = jax.random.uniform(k1, (N, 4), dtype=jnp.float32)
    scores = jax.random.uniform(k2, (N, 1), dtype=jnp.float32)
    return {"rois": rois, "scores": scores, "max_output_size": MAX_OUT}


def _iou_one_vs_all(box, boxes):
    # box: [4] (y1, x1, y2, x2); boxes: [N, 4]
    y1 = jnp.maximum(box[0], boxes[:, 0])
    x1 = jnp.maximum(box[1], boxes[:, 1])
    y2 = jnp.minimum(box[2], boxes[:, 2])
    x2 = jnp.minimum(box[3], boxes[:, 3])
    inter = jnp.maximum(y2 - y1, 0.0) * jnp.maximum(x2 - x1, 0.0)
    area_b = jnp.maximum(box[2] - box[0], 0.0) * jnp.maximum(box[3] - box[1], 0.0)
    areas = jnp.maximum(boxes[:, 2] - boxes[:, 0], 0.0) * jnp.maximum(boxes[:, 3] - boxes[:, 1], 0.0)
    union = area_b + areas - inter
    return jnp.where(union > 0.0, inter / union, 0.0)


def _nms_gather(rois, scores, max_output_size):
    # Faithful translation of tf.image.non_max_suppression_padded with
    # pad_to_max_output_size=True (pads selected indices with 0), followed by
    # gathering the rois at the selected (padded) indices.
    s = jnp.squeeze(scores, axis=-1)

    def body(scores_w, i):
        idx = jnp.argmax(scores_w)
        valid = (scores_w[idx] > (NEG_INF / 2.0)) & (i < max_output_size)
        box = rois[idx]
        iou = _iou_one_vs_all(box, rois)
        suppress = iou >= IOU_THR
        scores_w = jnp.where(suppress, NEG_INF, scores_w)
        scores_w = scores_w.at[idx].set(NEG_INF)
        sel = jnp.where(valid, idx, 0)  # pad with index 0, like TF padded NMS
        return scores_w, sel

    _, idxs = jax.lax.scan(body, s, jnp.arange(MAX_OUT))
    return jnp.take(rois, idxs, axis=0)


def reference(rois, scores, max_output_size):
    return _nms_gather(rois, scores, max_output_size)

if __name__ == "__main__":
    import jax
    _d = setup_inputs()
    print(jax.jit(kernel)(*tuple(_d.values())))

</pallas_src>

<mosaic_0001>
#map = affine_map<(d0, d1) -> (0)>
module attributes {stable_mosaic.version = 14 : i64} {
  func.func @_sc_sel(%arg0: i32, %arg1: i32, %arg2: memref<20480xf32, #tpu.memory_space<hbm>>, %arg3: memref<20480xf32, #tpu.memory_space<hbm>>, %arg4: memref<20480xf32, #tpu.memory_space<hbm>>, %arg5: memref<20480xf32, #tpu.memory_space<hbm>>, %arg6: memref<20480xf32, #tpu.memory_space<hbm>>, %arg7: memref<4096xf32, #tpu.memory_space<hbm>>, %arg8: memref<4096xi32, #tpu.memory_space<hbm>>, %arg9: memref<4096xf32, #tpu.memory_space<hbm>>, %arg10: memref<4096xf32, #tpu.memory_space<hbm>>, %arg11: memref<4096xf32, #tpu.memory_space<hbm>>, %arg12: memref<4096xf32, #tpu.memory_space<hbm>>, %arg13: memref<512xf32, #tpu.memory_space<hbm>>, %arg14: memref<640xf32, #tpu.memory_space<vmem>>, %arg15: memref<640xf32, #tpu.memory_space<vmem>>, %arg16: memref<640xf32, #tpu.memory_space<vmem>>, %arg17: memref<640xf32, #tpu.memory_space<vmem>>, %arg18: memref<640xf32, #tpu.memory_space<vmem>>, %arg19: memref<128xf32, #tpu.memory_space<vmem>>, %arg20: memref<128xi32, #tpu.memory_space<vmem>>, %arg21: memref<128xf32, #tpu.memory_space<vmem>>, %arg22: memref<128xf32, #tpu.memory_space<vmem>>, %arg23: memref<128xf32, #tpu.memory_space<vmem>>, %arg24: memref<128xf32, #tpu.memory_space<vmem>>, %arg25: memref<16xf32, #tpu.memory_space<vmem>>) attributes {dimension_semantics = [#tpu.dimension_semantics<core_parallel>, #tpu.dimension_semantics<subcore_parallel>], iteration_bounds = array<i64: 2, 16>, scalar_prefetch = 0 : i64, scratch_operands = 12 : i64, tpu.core_type = #tpu.core_type<sc_vector_subcore>, window_params = [{transform_indices = #map}, {transform_indices = #map}, {transform_indices = #map}, {transform_indices = #map}, {transform_indices = #map}, {transform_indices = #map}, {transform_indices = #map}, {transform_indices = #map}, {transform_indices = #map}, {transform_indices = #map}, {transform_indices = #map}, {transform_indices = #map}]} {
    %mul3A = arith.constant 2 : i32
    %mul3A_0 = arith.muli %arg1, %mul3A : i32
    %add3A = arith.addi %mul3A_0, %arg0 : i32
    %mul3A_1 = arith.constant 640 : i32
    %mul3A_2 = arith.muli %add3A, %mul3A_1 : i32
    "tpu.region"() ({
      %run_scoped3A = tpu.sem_alloc : memref<!tpu.dma_semaphore, #tpu.memory_space<semaphore_mem>>
      %dma_start3A = tpu.memref_slice %arg2[%mul3A_2] : memref<20480xf32, #tpu.memory_space<hbm>> -> memref<640xf32, #tpu.memory_space<hbm>>
      %dma_start3A_26 = tpu.memref_slice %arg2[%mul3A_2] : memref<20480xf32, #tpu.memory_space<hbm>> -> memref<640xf32, #tpu.memory_space<hbm>>
      tpu.enqueue_dma source(%dma_start3A_26 : memref<640xf32, #tpu.memory_space<hbm>>) target(%arg14 : memref<640xf32, #tpu.memory_space<vmem>>) target_semaphore(%run_scoped3A : memref<!tpu.dma_semaphore, #tpu.memory_space<semaphore_mem>>)
      %dma_wait3A = tpu.memref_slice %arg2[%mul3A_2] : memref<20480xf32, #tpu.memory_space<hbm>> -> memref<640xf32, #tpu.memory_space<hbm>>
      %dma_wait3A_27 = tpu.memref_slice %arg2[%mul3A_2] : memref<20480xf32, #tpu.memory_space<hbm>> -> memref<640xf32, #tpu.memory_space<hbm>>
      tpu.wait_dma2 semaphore(%run_scoped3A : memref<!tpu.dma_semaphore, #tpu.memory_space<semaphore_mem>>) src(%dma_wait3A_27 : memref<640xf32, #tpu.memory_space<hbm>>) dst(%arg14 : memref<640xf32, #tpu.memory_space<vmem>>)
      tpu.yield
    }) : () -> ()
    "tpu.region"() ({
      %run_scoped3A = tpu.sem_alloc : memref<!tpu.dma_semaphore, #tpu.memory_space<semaphore_mem>>
      %dma_start3A = tpu.memref_slice %arg3[%mul3A_2] : memref<20480xf32, #tpu.memory_space<hbm>> -> memref<640xf32, #tpu.memory_space<hbm>>
      %dma_start3A_26 = tpu.memref_slice %arg3[%mul3A_2] : memref<20480xf32, #tpu.memory_space<hbm>> -> memref<640xf32, #tpu.memory_space<hbm>>
      tpu.enqueue_dma source(%dma_start3A_26 : memref<640xf32, #tpu.memory_space<hbm>>) target(%arg15 : memref<640xf32, #tpu.memory_space<vmem>>) target_semaphore(%run_scoped3A : memref<!tpu.dma_semaphore, #tpu.memory_space<semaphore_mem>>)
      %dma_wait3A = tpu.memref_slice %arg3[%mul3A_2] : memref<20480xf32, #tpu.memory_space<hbm>> -> memref<640xf32, #tpu.memory_space<hbm>>
      %dma_wait3A_27 = tpu.memref_slice %arg3[%mul3A_2] : memref<20480xf32, #tpu.memory_space<hbm>> -> memref<640xf32, #tpu.memory_space<hbm>>
      tpu.wait_dma2 semaphore(%run_scoped3A : memref<!tpu.dma_semaphore, #tpu.memory_space<semaphore_mem>>) src(%dma_wait3A_27 : memref<640xf32, #tpu.memory_space<hbm>>) dst(%arg15 : memref<640xf32, #tpu.memory_space<vmem>>)
      tpu.yield
    }) : () -> ()
    "tpu.region"() ({
      %run_scoped3A = tpu.sem_alloc : memref<!tpu.dma_semaphore, #tpu.memory_space<semaphore_mem>>
      %dma_start3A = tpu.memref_slice %arg4[%mul3A_2] : memref<20480xf32, #tpu.memory_space<hbm>> -> memref<640xf32, #tpu.memory_space<hbm>>
      %dma_start3A_26 = tpu.memref_slice %arg4[%mul3A_2] : memref<20480xf32, #tpu.memory_space<hbm>> -> memref<640xf32, #tpu.memory_space<hbm>>
      tpu.enqueue_dma source(%dma_start3A_26 : memref<640xf32, #tpu.memory_space<hbm>>) target(%arg16 : memref<640xf32, #tpu.memory_space<vmem>>) target_semaphore(%run_scoped3A : memref<!tpu.dma_semaphore, #tpu.memory_space<semaphore_mem>>)
      %dma_wait3A = tpu.memref_slice %arg4[%mul3A_2] : memref<20480xf32, #tpu.memory_space<hbm>> -> memref<640xf32, #tpu.memory_space<hbm>>
      %dma_wait3A_27 = tpu.memref_slice %arg4[%mul3A_2] : memref<20480xf32, #tpu.memory_space<hbm>> -> memref<640xf32, #tpu.memory_space<hbm>>
      tpu.wait_dma2 semaphore(%run_scoped3A : memref<!tpu.dma_semaphore, #tpu.memory_space<semaphore_mem>>) src(%dma_wait3A_27 : memref<640xf32, #tpu.memory_space<hbm>>) dst(%arg16 : memref<640xf32, #tpu.memory_space<vmem>>)
      tpu.yield
    }) : () -> ()
    "tpu.region"() ({
      %run_scoped3A = tpu.sem_alloc : memref<!tpu.dma_semaphore, #tpu.memory_space<semaphore_mem>>
      %dma_start3A = tpu.memref_slice %arg5[%mul3A_2] : memref<20480xf32, #tpu.memory_space<hbm>> -> memref<640xf32, #tpu.memory_space<hbm>>
      %dma_start3A_26 = tpu.memref_slice %arg5[%mul3A_2] : memref<20480xf32, #tpu.memory_space<hbm>> -> memref<640xf32, #tpu.memory_space<hbm>>
      tpu.enqueue_dma source(%dma_start3A_26 : memref<640xf32, #tpu.memory_space<hbm>>) target(%arg17 : memref<640xf32, #tpu.memory_space<vmem>>) target_semaphore(%run_scoped3A : memref<!tpu.dma_semaphore, #tpu.memory_space<semaphore_mem>>)
      %dma_wait3A = tpu.memref_slice %arg5[%mul3A_2] : memref<20480xf32, #tpu.memory_space<hbm>> -> memref<640xf32, #tpu.memory_space<hbm>>
      %dma_wait3A_27 = tpu.memref_slice %arg5[%mul3A_2] : memref<20480xf32, #tpu.memory_space<hbm>> -> memref<640xf32, #tpu.memory_space<hbm>>
      tpu.wait_dma2 semaphore(%run_scoped3A : memref<!tpu.dma_semaphore, #tpu.memory_space<semaphore_mem>>) src(%dma_wait3A_27 : memref<640xf32, #tpu.memory_space<hbm>>) dst(%arg17 : memref<640xf32, #tpu.memory_space<vmem>>)
      tpu.yield
    }) : () -> ()
    "tpu.region"() ({
      %run_scoped3A = tpu.sem_alloc : memref<!tpu.dma_semaphore, #tpu.memory_space<semaphore_mem>>
      %dma_start3A = tpu.memref_slice %arg6[%mul3A_2] : memref<20480xf32, #tpu.memory_space<hbm>> -> memref<640xf32, #tpu.memory_space<hbm>>
      %dma_start3A_26 = tpu.memref_slice %arg6[%mul3A_2] : memref<20480xf32, #tpu.memory_space<hbm>> -> memref<640xf32, #tpu.memory_space<hbm>>
      tpu.enqueue_dma source(%dma_start3A_26 : memref<640xf32, #tpu.memory_space<hbm>>) target(%arg18 : memref<640xf32, #tpu.memory_space<vmem>>) target_semaphore(%run_scoped3A : memref<!tpu.dma_semaphore, #tpu.memory_space<semaphore_mem>>)
      %dma_wait3A = tpu.memref_slice %arg6[%mul3A_2] : memref<20480xf32, #tpu.memory_space<hbm>> -> memref<640xf32, #tpu.memory_space<hbm>>
      %dma_wait3A_27 = tpu.memref_slice %arg6[%mul3A_2] : memref<20480xf32, #tpu.memory_space<hbm>> -> memref<640xf32, #tpu.memory_space<hbm>>
      tpu.wait_dma2 semaphore(%run_scoped3A : memref<!tpu.dma_semaphore, #tpu.memory_space<semaphore_mem>>) src(%dma_wait3A_27 : memref<640xf32, #tpu.memory_space<hbm>>) dst(%arg18 : memref<640xf32, #tpu.memory_space<vmem>>)
      tpu.yield
    }) : () -> ()
    %iota3A = tpu.iota {dimensions = array<i32: 0>} : vector<16xi32>
    %broadcast_in_dim3A = arith.constant -1.000000e+30 : f32
    %broadcast_in_dim3A_3 = vector.broadcast %broadcast_in_dim3A : f32 to vector<16xf32>
    %scan3A = arith.constant 0 : i32
    %scan3A_4 = arith.constant 8 : i32
    %scan3A_5 = arith.addi %scan3A, %scan3A_4 : i32
    %scan3A_6 = arith.constant 1 : i32
    %scan3A_7 = scf.for %scan3A_26 = %scan3A to %scan3A_5 step %scan3A_6 iter_args(%scan3A_27 = %broadcast_in_dim3A_3) -> (vector<16xf32>)  : i32 {
      %mul3A_28 = arith.constant 80 : i32
      %mul3A_29 = arith.muli %scan3A_26, %mul3A_28 : i32
      %add3A_30 = arith.constant 0 : i32
      %add3A_31 = arith.addi %mul3A_29, %add3A_30 : i32
      %get3A = arith.index_cast %add3A_31 : i32 to index
      %get3A_32 = tpu.vector_load %arg14[%get3A] {strides = array<i32>} : memref<640xf32, #tpu.memory_space<vmem>>, vector<16xf32>,
      %get3A_33 = vector.shape_cast %get3A_32 : vector<16xf32> to vector<16xf32>
      %add3A_34 = arith.addi %mul3A_2, %mul3A_29 : i32
      %add3A_35 = arith.constant 0 : i32
      %add3A_36 = arith.addi %add3A_34, %add3A_35 : i32
      %add3A_37 = vector.broadcast %add3A_36 : i32 to vector<16xi32>
      %add3A_38 = arith.addi %add3A_37, %iota3A : vector<16xi32>
      %shift_right_arithmetic3A = arith.constant 0 : i32
      %shift_right_arithmetic3A_39 = vector.broadcast %shift_right_arithmetic3A : i32 to vector<16xi32>
      %shift_right_arithmetic3A_40 = arith.shrsi %iota3A, %shift_right_arithmetic3A_39 : vector<16xi32>
      %and3A = arith.constant 1 : i32
      %and3A_41 = vector.broadcast %and3A : i32 to vector<16xi32>
      %and3A_42 = arith.andi %shift_right_arithmetic3A_40, %and3A_41 : vector<16xi32>
      %shift_right_arithmetic3A_43 = arith.constant 1 : i32
      %shift_right_arithmetic3A_44 = vector.broadcast %shift_right_arithmetic3A_43 : i32 to vector<16xi32>
      %shift_right_arithmetic3A_45 = arith.shrsi %iota3A, %shift_right_arithmetic3A_44 : vector<16xi32>
      %and3A_46 = arith.constant 1 : i32
      %and3A_47 = vector.broadcast %and3A_46 : i32 to vector<16xi32>
      %and3A_48 = arith.andi %shift_right_arithmetic3A_45, %and3A_47 : vector<16xi32>
      %eq3A = arith.cmpi eq, %and3A_42, %and3A_48 : vector<16xi32>
      %xor3A = arith.constant 1 : i32
      %xor3A_49 = vector.broadcast %xor3A : i32 to vector<16xi32>
      %xor3A_50 = arith.xori %iota3A, %xor3A_49 : vector<16xi32>
      %lt3A = arith.constant 0 : i32
      %lt3A_51 = vector.broadcast %lt3A : i32 to vector<16xi32>
      %lt3A_52 = arith.cmpi slt, %xor3A_50, %lt3A_51 : vector<16xi32>
      %add3A_53 = arith.constant 16 : i32
      %add3A_54 = vector.broadcast %add3A_53 : i32 to vector<16xi32>
      %add3A_55 = arith.addi %xor3A_50, %add3A_54 : vector<16xi32>
      %select_n3A = arith.select %lt3A_52, %add3A_55, %xor3A_50 : vector<16xi1>, vector<16xi32>
      %broadcast_in_dim3A_56 = vector.shape_cast %select_n3A : vector<16xi32> to vector<16x1xi32>
      %gather3A = vector.shape_cast %broadcast_in_dim3A_56 : vector<16x1xi32> to vector<16xi32>
      %gather3A_57 = tpu.dynamic_gather %get3A_33[%gather3A] in [0] : vector<16xf32>, vector<16xi32> -> vector<16xf32>
      %lt3A_58 = arith.constant 0 : i32
      %lt3A_59 = vector.broadcast %lt3A_58 : i32 to vector<16xi32>
      %lt3A_60 = arith.cmpi slt, %xor3A_50, %lt3A_59 : vector<16xi32>
      %add3A_61 = arith.constant 16 : i32
      %add3A_62 = vector.broadcast %add3A_61 : i32 to vector<16xi32>
      %add3A_63 = arith.addi %xor3A_50, %add3A_62 : vector<16xi32>
      %select_n3A_64 = arith.select %lt3A_60, %add3A_63, %xor3A_50 : vector<16xi1>, vector<16xi32>
      %broadcast_in_dim3A_65 = vector.shape_cast %select_n3A_64 : vector<16xi32> to vector<16x1xi32>
      %gather3A_66 = vector.shape_cast %broadcast_in_dim3A_65 : vector<16x1xi32> to vector<16xi32>
      %gather3A_67 = tpu.dynamic_gather %add3A_38[%gather3A_66] in [0] : vector<16xi32>, vector<16xi32> -> vector<16xi32>
      %gt3A = arith.cmpf ogt, %get3A_33, %gather3A_57 : vector<16xf32>
      %eq3A_68 = arith.cmpf oeq, %get3A_33, %gather3A_57 : vector<16xf32>
      %lt3A_69 = arith.cmpi slt, %add3A_38, %gather3A_67 : vector<16xi32>
      %and3A_70 = arith.andi %eq3A_68, %lt3A_69 : vector<16xi1>
      %or3A = arith.ori %gt3A, %and3A_70 : vector<16xi1>
      %jit3A = arith.constant 1 : i32
      %jit3A_71 = arith.constant 0 : i32
      %broadcast_in_dim3A_72 = vector.broadcast %jit3A : i32 to vector<16xi32>
      %broadcast_in_dim3A_73 = vector.broadcast %jit3A_71 : i32 to vector<16xi32>
      %select_n3A_74 = arith.select %or3A, %broadcast_in_dim3A_72, %broadcast_in_dim3A_73 : vector<16xi1>, vector<16xi32>
      %jit3A_75 = arith.constant 1 : i32
      %jit3A_76 = arith.constant 0 : i32
      %broadcast_in_dim3A_77 = vector.broadcast %jit3A_75 : i32 to vector<16xi32>
      %broadcast_in_dim3A_78 = vector.broadcast %jit3A_76 : i32 to vector<16xi32>
      %select_n3A_79 = arith.select %eq3A, %broadcast_in_dim3A_77, %broadcast_in_dim3A_78 : vector<16xi1>, vector<16xi32>
      %xor3A_80 = arith.xori %select_n3A_74, %select_n3A_79 : vector<16xi32>
      %eq3A_81 = arith.constant 0 : i32
      %eq3A_82 = vector.broadcast %eq3A_81 : i32 to vector<16xi32>
      %eq3A_83 = arith.cmpi eq, %xor3A_80, %eq3A_82 : vector<16xi32>
      %select_n3A_84 = arith.select %eq3A_83, %get3A_33, %gather3A_57 : vector<16xi1>, vector<16xf32>
      %select_n3A_85 = arith.select %eq3A_83, %add3A_38, %gather3A_67 : vector<16xi1>, vector<16xi32>
      %shift_right_arithmetic3A_86 = arith.constant 1 : i32
      %shift_right_arithmetic3A_87 = vector.broadcast %shift_right_arithmetic3A_86 : i32 to vector<16xi32>
      %shift_right_arithmetic3A_88 = arith.shrsi %iota3A, %shift_right_arithmetic3A_87 : vector<16xi32>
      %and3A_89 = arith.constant 1 : i32
      %and3A_90 = vector.broadcast %and3A_89 : i32 to vector<16xi32>
      %and3A_91 = arith.andi %shift_right_arithmetic3A_88, %and3A_90 : vector<16xi32>
      %shift_right_arithmetic3A_92 = arith.constant 2 : i32
      %shift_right_arithmetic3A_93 = vector.broadcast %shift_right_arithmetic3A_92 : i32 to vector<16xi32>
      %shift_right_arithmetic3A_94 = arith.shrsi %iota3A, %shift_right_arithmetic3A_93 : vector<16xi32>
      %and3A_95 = arith.constant 1 : i32
      %and3A_96 = vector.broadcast %and3A_95 : i32 to vector<16xi32>
      %and3A_97 = arith.andi %shift_right_arithmetic3A_94, %and3A_96 : vector<16xi32>
      %eq3A_98 = arith.cmpi eq, %and3A_91, %and3A_97 : vector<16xi32>
      %xor3A_99 = arith.constant 2 : i32
      %xor3A_100 = vector.broadcast %xor3A_99 : i32 to vector<16xi32>
      %xor3A_101 = arith.xori %iota3A, %xor3A_100 : vector<16xi32>
      %lt3A_102 = arith.constant 0 : i32
      %lt3A_103 = vector.broadcast %lt3A_102 : i32 to vector<16xi32>
      %lt3A_104 = arith.cmpi slt, %xor3A_101, %lt3A_103 : vector<16xi32>
      %add3A_105 = arith.constant 16 : i32
      %add3A_106 = vector.broadcast %add3A_105 : i32 to vector<16xi32>
      %add3A_107 = arith.addi %xor3A_101, %add3A_106 : vector<16xi32>
      %select_n3A_108 = arith.select %lt3A_104, %add3A_107, %xor3A_101 : vector<16xi1>, vector<16xi32>
      %broadcast_in_dim3A_109 = vector.shape_cast %select_n3A_108 : vector<16xi32> to vector<16x1xi32>
      %gather3A_110 = vector.shape_cast %broadcast_in_dim3A_109 : vector<16x1xi32> to vector<16xi32>
      %gather3A_111 = tpu.dynamic_gather %select_n3A_84[%gather3A_110] in [0] : vector<16xf32>, vector<16xi32> -> vector<16xf32>
      %lt3A_112 = arith.constant 0 : i32
      %lt3A_113 = vector.broadcast %lt3A_112 : i32 to vector<16xi32>
      %lt3A_114 = arith.cmpi slt, %xor3A_101, %lt3A_113 : vector<16xi32>
      %add3A_115 = arith.constant 16 : i32
      %add3A_116 = vector.broadcast %add3A_115 : i32 to vector<16xi32>
      %add3A_117 = arith.addi %xor3A_101, %add3A_116 : vector<16xi32>
      %select_n3A_118 = arith.select %lt3A_114, %add3A_117, %xor3A_101 : vector<16xi1>, vector<16xi32>
      %broadcast_in_dim3A_119 = vector.shape_cast %select_n3A_118 : vector<16xi32> to vector<16x1xi32>
      %gather3A_120 = vector.shape_cast %broadcast_in_dim3A_119 : vector<16x1xi32> to vector<16xi32>
      %gather3A_121 = tpu.dynamic_gather %select_n3A_85[%gather3A_120] in [0] : vector<16xi32>, vector<16xi32> -> vector<16xi32>
      %gt3A_122 = arith.cmpf ogt, %select_n3A_84, %gather3A_111 : vector<16xf32>
      %eq3A_123 = arith.cmpf oeq, %select_n3A_84, %gather3A_111 : vector<16xf32>
      %lt3A_124 = arith.cmpi slt, %select_n3A_85, %gather3A_121 : vector<16xi32>
      %and3A_125 = arith.andi %eq3A_123, %lt3A_124 : vector<16xi1>
      %or3A_126 = arith.ori %gt3A_122, %and3A_125 : vector<16xi1>
      %jit3A_127 = arith.constant 1 : i32
      %jit3A_128 = arith.constant 0 : i32
      %broadcast_in_dim3A_129 = vector.broadcast %jit3A_127 : i32 to vector<16xi32>
      %broadcast_in_dim3A_130 = vector.broadcast %jit3A_128 : i32 to vector<16xi32>
      %select_n3A_131 = arith.select %or3A_126, %broadcast_in_dim3A_129, %broadcast_in_dim3A_130 : vector<16xi1>, vector<16xi32>
      %jit3A_132 = arith.constant 1 : i32
      %jit3A_133 = arith.constant 0 : i32
      %broadcast_in_dim3A_134 = vector.broadcast %jit3A_132 : i32 to vector<16xi32>
      %broadcast_in_dim3A_135 = vector.broadcast %jit3A_133 : i32 to vector<16xi32>
      %select_n3A_136 = arith.select %eq3A_98, %broadcast_in_dim3A_134, %broadcast_in_dim3A_135 : vector<16xi1>, vector<16xi32>
      %xor3A_137 = arith.xori %select_n3A_131, %select_n3A_136 : vector<16xi32>
      %eq3A_138 = arith.constant 0 : i32
      %eq3A_139 = vector.broadcast %eq3A_138 : i32 to vector<16xi32>
      %eq3A_140 = arith.cmpi eq, %xor3A_137, %eq3A_139 : vector<16xi32>
      %select_n3A_141 = arith.select %eq3A_140, %select_n3A_84, %gather3A_111 : vector<16xi1>, vector<16xf32>
      %select_n3A_142 = arith.select %eq3A_140, %select_n3A_85, %gather3A_121 : vector<16xi1>, vector<16xi32>
      %shift_right_arithmetic3A_143 = arith.constant 0 : i32
      %shift_right_arithmetic3A_144 = vector.broadcast %shift_right_arithmetic3A_143 : i32 to vector<16xi32>
      %shift_right_arithmetic3A_145 = arith.shrsi %iota3A, %shift_right_arithmetic3A_144 : vector<16xi32>
      %and3A_146 = arith.constant 1 : i32
      %and3A_147 = vector.broadcast %and3A_146 : i32 to vector<16xi32>
      %and3A_148 = arith.andi %shift_right_arithmetic3A_145, %and3A_147 : vector<16xi32>
      %shift_right_arithmetic3A_149 = arith.constant 2 : i32
      %shift_right_arithmetic3A_150 = vector.broadcast %shift_right_arithmetic3A_149 : i32 to vector<16xi32>
      %shift_right_arithmetic3A_151 = arith.shrsi %iota3A, %shift_right_arithmetic3A_150 : vector<16xi32>
      %and3A_152 = arith.constant 1 : i32
      %and3A_153 = vector.broadcast %and3A_152 : i32 to vector<16xi32>
      %and3A_154 = arith.andi %shift_right_arithmetic3A_151, %and3A_153 : vector<16xi32>
      %eq3A_155 = arith.cmpi eq, %and3A_148, %and3A_154 : vector<16xi32>
      %xor3A_156 = arith.constant 1 : i32
      %xor3A_157 = vector.broadcast %xor3A_156 : i32 to vector<16xi32>
      %xor3A_158 = arith.xori %iota3A, %xor3A_157 : vector<16xi32>
      %lt3A_159 = arith.constant 0 : i32
      %lt3A_160 = vector.broadcast %lt3A_159 : i32 to vector<16xi32>
      %lt3A_161 = arith.cmpi slt, %xor3A_158, %lt3A_160 : vector<16xi32>
      %add3A_162 = arith.constant 16 : i32
      %add3A_163 = vector.broadcast %add3A_162 : i32 to vector<16xi32>
      %add3A_164 = arith.addi %xor3A_158, %add3A_163 : vector<16xi32>
      %select_n3A_165 = arith.select %lt3A_161, %add3A_164, %xor3A_158 : vector<16xi1>, vector<16xi32>
      %broadcast_in_dim3A_166 = vector.shape_cast %select_n3A_165 : vector<16xi32> to vector<16x1xi32>
      %gather3A_167 = vector.shape_cast %broadcast_in_dim3A_166 : vector<16x1xi32> to vector<16xi32>
      %gather3A_168 = tpu.dynamic_gather %select_n3A_141[%gather3A_167] in [0] : vector<16xf32>, vector<16xi32> -> vector<16xf32>
      %lt3A_169 = arith.constant 0 : i32
      %lt3A_170 = vector.broadcast %lt3A_169 : i32 to vector<16xi32>
      %lt3A_171 = arith.cmpi slt, %xor3A_158, %lt3A_170 : vector<16xi32>
      %add3A_172 = arith.constant 16 : i32
      %add3A_173 = vector.broadcast %add3A_172 : i32 to vector<16xi32>
      %add3A_174 = arith.addi %xor3A_158, %add3A_173 : vector<16xi32>
      %select_n3A_175 = arith.select %lt3A_171, %add3A_174, %xor3A_158 : vector<16xi1>, vector<16xi32>
      %broadcast_in_dim3A_176 = vector.shape_cast %select_n3A_175 : vector<16xi32> to vector<16x1xi32>
      %gather3A_177 = vector.shape_cast %broadcast_in_dim3A_176 : vector<16x1xi32> to vector<16xi32>
      %gather3A_178 = tpu.dynamic_gather %select_n3A_142[%gather3A_177] in [0] : vector<16xi32>, vector<16xi32> -> vector<16xi32>
      %gt3A_179 = arith.cmpf ogt, %select_n3A_141, %gather3A_168 : vector<16xf32>
      %eq3A_180 = arith.cmpf oeq, %select_n3A_141, %gather3A_168 : vector<16xf32>
      %lt3A_181 = arith.cmpi slt, %select_n3A_142, %gather3A_178 : vector<16xi32>
      %and3A_182 = arith.andi %eq3A_180, %lt3A_181 : vector<16xi1>
      %or3A_183 = arith.ori %gt3A_179, %and3A_182 : vector<16xi1>
      %jit3A_184 = arith.constant 1 : i32
      %jit3A_185 = arith.constant 0 : i32
      %broadcast_in_dim3A_186 = vector.broadcast %jit3A_184 : i32 to vector<16xi32>
      %broadcast_in_dim3A_187 = vector.broadcast %jit3A_185 : i32 to vector<16xi32>
      %select_n3A_188 = arith.select %or3A_183, %broadcast_in_dim3A_186, %broadcast_in_dim3A_187 : vector<16xi1>, vector<16xi32>
      %jit3A_189 = arith.constant 1 : i32
      %jit3A_190 = arith.constant 0 : i32
      %broadcast_in_dim3A_191 = vector.broadcast %jit3A_189 : i32 to vector<16xi32>
      %broadcast_in_dim3A_192 = vector.broadcast %jit3A_190 : i32 to vector<16xi32>
      %select_n3A_193 = arith.select %eq3A_155, %broadcast_in_dim3A_191, %broadcast_in_dim3A_192 : vector<16xi1>, vector<16xi32>
      %xor3A_194 = arith.xori %select_n3A_188, %select_n3A_193 : vector<16xi32>
      %eq3A_195 = arith.constant 0 : i32
      %eq3A_196 = vector.broadcast %eq3A_195 : i32 to vector<16xi32>
      %eq3A_197 = arith.cmpi eq, %xor3A_194, %eq3A_196 : vector<16xi32>
      %select_n3A_198 = arith.select %eq3A_197, %select_n3A_141, %gather3A_168 : vector<16xi1>, vector<16xf32>
      %select_n3A_199 = arith.select %eq3A_197, %select_n3A_142, %gather3A_178 : vector<16xi1>, vector<16xi32>
      %shift_right_arithmetic3A_200 = arith.constant 2 : i32
      %shift_right_arithmetic3A_201 = vector.broadcast %shift_right_arithmetic3A_200 : i32 to vector<16xi32>
      %shift_right_arithmetic3A_202 = arith.shrsi %iota3A, %shift_right_arithmetic3A_201 : vector<16xi32>
      %and3A_203 = arith.constant 1 : i32
      %and3A_204 = vector.broadcast %and3A_203 : i32 to vector<16xi32>
      %and3A_205 = arith.andi %shift_right_arithmetic3A_202, %and3A_204 : vector<16xi32>
      %shift_right_arithmetic3A_206 = arith.constant 3 : i32
      %shift_right_arithmetic3A_207 = vector.broadcast %shift_right_arithmetic3A_206 : i32 to vector<16xi32>
      %shift_right_arithmetic3A_208 = arith.shrsi %iota3A, %shift_right_arithmetic3A_207 : vector<16xi32>
      %and3A_209 = arith.constant 1 : i32
      %and3A_210 = vector.broadcast %and3A_209 : i32 to vector<16xi32>
      %and3A_211 = arith.andi %shift_right_arithmetic3A_208, %and3A_210 : vector<16xi32>
      %eq3A_212 = arith.cmpi eq, %and3A_205, %and3A_211 : vector<16xi32>
      %xor3A_213 = arith.constant 4 : i32
      %xor3A_214 = vector.broadcast %xor3A_213 : i32 to vector<16xi32>
      %xor3A_215 = arith.xori %iota3A, %xor3A_214 : vector<16xi32>
      %lt3A_216 = arith.constant 0 : i32
      %lt3A_217 = vector.broadcast %lt3A_216 : i32 to vector<16xi32>
      %lt3A_218 = arith.cmpi slt, %xor3A_215, %lt3A_217 : vector<16xi32>
      %add3A_219 = arith.constant 16 : i32
      %add3A_220 = vector.broadcast %add3A_219 : i32 to vector<16xi32>
      %add3A_221 = arith.addi %xor3A_215, %add3A_220 : vector<16xi32>
      %select_n3A_222 = arith.select %lt3A_218, %add3A_221, %xor3A_215 : vector<16xi1>, vector<16xi32>
      %broadcast_in_dim3A_223 = vector.shape_cast %select_n3A_222 : vector<16xi32> to vector<16x1xi32>
      %gather3A_224 = vector.shape_cast %broadcast_in_dim3A_223 : vector<16x1xi32> to vector<16xi32>
      %gather3A_225 = tpu.dynamic_gather %select_n3A_198[%gather3A_224] in [0] : vector<16xf32>, vector<16xi32> -> vector<16xf32>
      %lt3A_226 = arith.constant 0 : i32
      %lt3A_227 = vector.broadcast %lt3A_226 : i32 to vector<16xi32>
      %lt3A_228 = arith.cmpi slt, %xor3A_215, %lt3A_227 : vector<16xi32>
      %add3A_229 = arith.constant 16 : i32
      %add3A_230 = vector.broadcast %add3A_229 : i32 to vector<16xi32>
      %add3A_231 = arith.addi %xor3A_215, %add3A_230 : vector<16xi32>
      %select_n3A_232 = arith.select %lt3A_228, %add3A_231, %xor3A_215 : vector<16xi1>, vector<16xi32>
      %broadcast_in_dim3A_233 = vector.shape_cast %select_n3A_232 : vector<16xi32> to vector<16x1xi32>
      %gather3A_234 = vector.shape_cast %broadcast_in_dim3A_233 : vector<16x1xi32> to vector<16xi32>
      %gather3A_235 = tpu.dynamic_gather %select_n3A_199[%gather3A_234] in [0] : vector<16xi32>, vector<16xi32> -> vector<16xi32>
      %gt3A_236 = arith.cmpf ogt, %select_n3A_198, %gather3A_225 : vector<16xf32>
      %eq3A_237 = arith.cmpf oeq, %select_n3A_198, %gather3A_225 : vector<16xf32>
      %lt3A_238 = arith.cmpi slt, %select_n3A_199, %gather3A_235 : vector<16xi32>
      %and3A_239 = arith.andi %eq3A_237, %lt3A_238 : vector<16xi1>
      %or3A_240 = arith.ori %gt3A_236, %and3A_239 : vector<16xi1>
      %jit3A_241 = arith.constant 1 : i32
      %jit3A_242 = arith.constant 0 : i32
      %broadcast_in_dim3A_243 = vector.broadcast %jit3A_241 : i32 to vector<16xi32>
      %broadcast_in_dim3A_244 = vector.broadcast %jit3A_242 : i32 to vector<16xi32>
      %select_n3A_245 = arith.select %or3A_240, %broadcast_in_dim3A_243, %broadcast_in_dim3A_244 : vector<16xi1>, vector<16xi32>
      %jit3A_246 = arith.constant 1 : i32
      %jit3A_247 = arith.constant 0 : i32
      %broadcast_in_dim3A_248 = vector.broadcast %jit3A_246 : i32 to vector<16xi32>
      %broadcast_in_dim3A_249 = vector.broadcast %jit3A_247 : i32 to vector<16xi32>
      %select_n3A_250 = arith.select %eq3A_212, %broadcast_in_dim3A_248, %broadcast_in_dim3A_249 : vector<16xi1>, vector<16xi32>
      %xor3A_251 = arith.xori %select_n3A_245, %select_n3A_250 : vector<16xi32>
      %eq3A_252 = arith.constant 0 : i32
      %eq3A_253 = vector.broadcast %eq3A_252 : i32 to vector<16xi32>
      %eq3A_254 = arith.cmpi eq, %xor3A_251, %eq3A_253 : vector<16xi32>
      %select_n3A_255 = arith.select %eq3A_254, %select_n3A_198, %gather3A_225 : vector<16xi1>, vector<16xf32>
      %select_n3A_256 = arith.select %eq3A_254, %select_n3A_199, %gather3A_235 : vector<16xi1>, vector<16xi32>
      %shift_right_arithmetic3A_257 = arith.constant 1 : i32
      %shift_right_arithmetic3A_258 = vector.broadcast %shift_right_arithmetic3A_257 : i32 to vector<16xi32>
      %shift_right_arithmetic3A_259 = arith.shrsi %iota3A, %shift_right_arithmetic3A_258 : vector<16xi32>
      %and3A_260 = arith.constant 1 : i32
      %and3A_261 = vector.broadcast %and3A_260 : i32 to vector<16xi32>
      %and3A_262 = arith.andi %shift_right_arithmetic3A_259, %and3A_261 : vector<16xi32>
      %shift_right_arithmetic3A_263 = arith.constant 3 : i32
      %shift_right_arithmetic3A_264 = vector.broadcast %shift_right_arithmetic3A_263 : i32 to vector<16xi32>
      %shift_right_arithmetic3A_265 = arith.shrsi %iota3A, %shift_right_arithmetic3A_264 : vector<16xi32>
      %and3A_266 = arith.constant 1 : i32
      %and3A_267 = vector.broadcast %and3A_266 : i32 to vector<16xi32>
      %and3A_268 = arith.andi %shift_right_arithmetic3A_265, %and3A_267 : vector<16xi32>
      %eq3A_269 = arith.cmpi eq, %and3A_262, %and3A_268 : vector<16xi32>
      %xor3A_270 = arith.constant 2 : i32
      %xor3A_271 = vector.broadcast %xor3A_270 : i32 to vector<16xi32>
      %xor3A_272 = arith.xori %iota3A, %xor3A_271 : vector<16xi32>
      %lt3A_273 = arith.constant 0 : i32
      %lt3A_274 = vector.broadcast %lt3A_273 : i32 to vector<16xi32>
      %lt3A_275 = arith.cmpi slt, %xor3A_272, %lt3A_274 : vector<16xi32>
      %add3A_276 = arith.constant 16 : i32
      %add3A_277 = vector.broadcast %add3A_276 : i32 to vector<16xi32>
      %add3A_278 = arith.addi %xor3A_272, %add3A_277 : vector<16xi32>
      %select_n3A_279 = arith.select %lt3A_275, %add3A_278, %xor3A_272 : vector<16xi1>, vector<16xi32>
      %broadcast_in_dim3A_280 = vector.shape_cast %select_n3A_279 : vector<16xi32> to vector<16x1xi32>
      %gather3A_281 = vector.shape_cast %broadcast_in_dim3A_280 : vector<16x1xi32> to vector<16xi32>
      %gather3A_282 = tpu.dynamic_gather %select_n3A_255[%gather3A_281] in [0] : vector<16xf32>, vector<16xi32> -> vector<16xf32>
      %lt3A_283 = arith.constant 0 : i32
      %lt3A_284 = vector.broadcast %lt3A_283 : i32 to vector<16xi32>
      %lt3A_285 = arith.cmpi slt, %xor3A_272, %lt3A_284 : vector<16xi32>
      %add3A_286 = arith.constant 16 : i32
      %add3A_287 = vector.broadcast %add3A_286 : i32 to vector<16xi32>
      %add3A_288 = arith.addi %xor3A_272, %add3A_287 : vector<16xi32>
      %select_n3A_289 = arith.select %lt3A_285, %add3A_288, %xor3A_272 : vector<16xi1>, vector<16xi32>
      %broadcast_in_dim3A_290 = vector.shape_cast %select_n3A_289 : vector<16xi32> to vector<16x1xi32>
      %gather3A_291 = vector.shape_cast %broadcast_in_dim3A_290 : vector<16x1xi32> to vector<16xi32>
      %gather3A_292 = tpu.dynamic_gather %select_n3A_256[%gather3A_291] in [0] : vector<16xi32>, vector<16xi32> -> vector<16xi32>
      %gt3A_293 = arith.cmpf ogt, %select_n3A_255, %gather3A_282 : vector<16xf32>
      %eq3A_294 = arith.cmpf oeq, %select_n3A_255, %gather3A_282 : vector<16xf32>
      %lt3A_295 = arith.cmpi slt, %select_n3A_256, %gather3A_292 : vector<16xi32>
      %and3A_296 = arith.andi %eq3A_294, %lt3A_295 : vector<16xi1>
      %or3A_297 = arith.ori %gt3A_293, %and3A_296 : vector<16xi1>
      %jit3A_298 = arith.constant 1 : i32
      %jit3A_299 = arith.constant 0 : i32
      %broadcast_in_dim3A_300 = vector.broadcast %jit3A_298 : i32 to vector<16xi32>
      %broadcast_in_dim3A_301 = vector.broadcast %jit3A_299 : i32 to vector<16xi32>
      %select_n3A_302 = arith.select %or3A_297, %broadcast_in_dim3A_300, %broadcast_in_dim3A_301 : vector<16xi1>, vector<16xi32>
      %jit3A_303 = arith.constant 1 : i32
      %jit3A_304 = arith.constant 0 : i32
      %broadcast_in_dim3A_305 = vector.broadcast %jit3A_303 : i32 to vector<16xi32>
      %broadcast_in_dim3A_306 = vector.broadcast %jit3A_304 : i32 to vector<16xi32>
      %select_n3A_307 = arith.select %eq3A_269, %broadcast_in_dim3A_305, %broadcast_in_dim3A_306 : vector<16xi1>, vector<16xi32>
      %xor3A_308 = arith.xori %select_n3A_302, %select_n3A_307 : vector<16xi32>
      %eq3A_309 = arith.constant 0 : i32
      %eq3A_310 = vector.broadcast %eq3A_309 : i32 to vector<16xi32>
      %eq3A_311 = arith.cmpi eq, %xor3A_308, %eq3A_310 : vector<16xi32>
      %select_n3A_312 = arith.select %eq3A_311, %select_n3A_255, %gather3A_282 : vector<16xi1>, vector<16xf32>
      %select_n3A_313 = arith.select %eq3A_311, %select_n3A_256, %gather3A_292 : vector<16xi1>, vector<16xi32>
      %shift_right_arithmetic3A_314 = arith.constant 0 : i32
      %shift_right_arithmetic3A_315 = vector.broadcast %shift_right_arithmetic3A_314 : i32 to vector<16xi32>
      %shift_right_arithmetic3A_316 = arith.shrsi %iota3A, %shift_right_arithmetic3A_315 : vector<16xi32>
      %and3A_317 = arith.constant 1 : i32
      %and3A_318 = vector.broadcast %and3A_317 : i32 to vector<16xi32>
      %and3A_319 = arith.andi %shift_right_arithmetic3A_316, %and3A_318 : vector<16xi32>
      %shift_right_arithmetic3A_320 = arith.constant 3 : i32
      %shift_right_arithmetic3A_321 = vector.broadcast %shift_right_arithmetic3A_320 : i32 to vector<16xi32>
      %shift_right_arithmetic3A_322 = arith.shrsi %iota3A, %shift_right_arithmetic3A_321 : vector<16xi32>
      %and3A_323 = arith.constant 1 : i32
      %and3A_324 = vector.broadcast %and3A_323 : i32 to vector<16xi32>
      %and3A_325 = arith.andi %shift_right_arithmetic3A_322, %and3A_324 : vector<16xi32>
      %eq3A_326 = arith.cmpi eq, %and3A_319, %and3A_325 : vector<16xi32>
      %xor3A_327 = arith.constant 1 : i32
      %xor3A_328 = vector.broadcast %xor3A_327 : i32 to vector<16xi32>
      %xor3A_329 = arith.xori %iota3A, %xor3A_328 : vector<16xi32>
      %lt3A_330 = arith.constant 0 : i32
      %lt3A_331 = vector.broadcast %lt3A_330 : i32 to vector<16xi32>
      %lt3A_332 = arith.cmpi slt, %xor3A_329, %lt3A_331 : vector<16xi32>
      %add3A_333 = arith.constant 16 : i32
      %add3A_334 = vector.broadcast %add3A_333 : i32 to vector<16xi32>
      %add3A_335 = arith.addi %xor3A_329, %add3A_334 : vector<16xi32>
      %select_n3A_336 = arith.select %lt3A_332, %add3A_335, %xor3A_329 : vector<16xi1>, vector<16xi32>
      %broadcast_in_dim3A_337 = vector.shape_cast %select_n3A_336 : vector<16xi32> to vector<16x1xi32>
      %gather3A_338 = vector.shape_cast %broadcast_in_dim3A_337 : vector<16x1xi32> to vector<16xi32>
      %gather3A_339 = tpu.dynamic_gather %select_n3A_312[%gather3A_338] in [0] : vector<16xf32>, vector<16xi32> -> vector<16xf32>
      %lt3A_340 = arith.constant 0 : i32
      %lt3A_341 = vector.broadcast %lt3A_340 : i32 to vector<16xi32>
      %lt3A_342 = arith.cmpi slt, %xor3A_329, %lt3A_341 : vector<16xi32>
      %add3A_343 = arith.constant 16 : i32
      %add3A_344 = vector.broadcast %add3A_343 : i32 to vector<16xi32>
      %add3A_345 = arith.addi %xor3A_329, %add3A_344 : vector<16xi32>
      %select_n3A_346 = arith.select %lt3A_342, %add3A_345, %xor3A_329 : vector<16xi1>, vector<16xi32>
      %broadcast_in_dim3A_347 = vector.shape_cast %select_n3A_346 : vector<16xi32> to vector<16x1xi32>
      %gather3A_348 = vector.shape_cast %broadcast_in_dim3A_347 : vector<16x1xi32> to vector<16xi32>
      %gather3A_349 = tpu.dynamic_gather %select_n3A_313[%gather3A_348] in [0] : vector<16xi32>, vector<16xi32> -> vector<16xi32>
      %gt3A_350 = arith.cmpf ogt, %select_n3A_312, %gather3A_339 : vector<16xf32>
      %eq3A_351 = arith.cmpf oeq, %select_n3A_312, %gather3A_339 : vector<16xf32>
      %lt3A_352 = arith.cmpi slt, %select_n3A_313, %gather3A_349 : vector<16xi32>
      %and3A_353 = arith.andi %eq3A_351, %lt3A_352 : vector<16xi1>
      %or3A_354 = arith.ori %gt3A_350, %and3A_353 : vector<16xi1>
      %jit3A_355 = arith.constant 1 : i32
      %jit3A_356 = arith.constant 0 : i32
      %broadcast_in_dim3A_357 = vector.broadcast %jit3A_355 : i32 to vector<16xi32>
      %broadcast_in_dim3A_358 = vector.broadcast %jit3A_356 : i32 to vector<16xi32>
      %select_n3A_359 = arith.select %or3A_354, %broadcast_in_dim3A_357, %broadcast_in_dim3A_358 : vector<16xi1>, vector<16xi32>
      %jit3A_360 = arith.constant 1 : i32
      %jit3A_361 = arith.constant 0 : i32
      %broadcast_in_dim3A_362 = vector.broadcast %jit3A_360 : i32 to vector<16xi32>
      %broadcast_in_dim3A_363 = vector.broadcast %jit3A_361 : i32 to vector<16xi32>
      %select_n3A_364 = arith.select %eq3A_326, %broadcast_in_dim3A_362, %broadcast_in_dim3A_363 : vector<16xi1>, vector<16xi32>
      %xor3A_365 = arith.xori %select_n3A_359, %select_n3A_364 : vector<16xi32>
      %eq3A_366 = arith.constant 0 : i32
      %eq3A_367 = vector.broadcast %eq3A_366 : i32 to vector<16xi32>
      %eq3A_368 = arith.cmpi eq, %xor3A_365, %eq3A_367 : vector<16xi32>
      %select_n3A_369 = arith.select %eq3A_368, %select_n3A_312, %gather3A_339 : vector<16xi1>, vector<16xf32>
      %select_n3A_370 = arith.select %eq3A_368, %select_n3A_313, %gather3A_349 : vector<16xi1>, vector<16xi32>
      %shift_right_arithmetic3A_371 = arith.constant 3 : i32
      %shift_right_arithmetic3A_372 = vector.broadcast %shift_right_arithmetic3A_371 : i32 to vector<16xi32>
      %shift_right_arithmetic3A_373 = arith.shrsi %iota3A, %shift_right_arithmetic3A_372 : vector<16xi32>
      %and3A_374 = arith.constant 1 : i32
      %and3A_375 = vector.broadcast %and3A_374 : i32 to vector<16xi32>
      %and3A_376 = arith.andi %shift_right_arithmetic3A_373, %and3A_375 : vector<16xi32>
      %shift_right_arithmetic3A_377 = arith.constant 4 : i32
      %shift_right_arithmetic3A_378 = vector.broadcast %shift_right_arithmetic3A_377 : i32 to vector<16xi32>
      %shift_right_arithmetic3A_379 = arith.shrsi %iota3A, %shift_right_arithmetic3A_378 : vector<16xi32>
      %and3A_380 = arith.constant 1 : i32
      %and3A_381 = vector.broadcast %and3A_380 : i32 to vector<16xi32>
      %and3A_382 = arith.andi %shift_right_arithmetic3A_379, %and3A_381 : vector<16xi32>
      %eq3A_383 = arith.cmpi eq, %and3A_376, %and3A_382 : vector<16xi32>
      %xor3A_384 = arith.constant 8 : i32
      %xor3A_385 = vector.broadcast %xor3A_384 : i32 to vector<16xi32>
      %xor3A_386 = arith.xori %iota3A, %xor3A_385 : vector<16xi32>
      %lt3A_387 = arith.constant 0 : i32
      %lt3A_388 = vector.broadcast %lt3A_387 : i32 to vector<16xi32>
      %lt3A_389 = arith.cmpi slt, %xor3A_386, %lt3A_388 : vector<16xi32>
      %add3A_390 = arith.constant 16 : i32
      %add3A_391 = vector.broadcast %add3A_390 : i32 to vector<16xi32>
      %add3A_392 = arith.addi %xor3A_386, %add3A_391 : vector<16xi32>
      %select_n3A_393 = arith.select %lt3A_389, %add3A_392, %xor3A_386 : vector<16xi1>, vector<16xi32>
      %broadcast_in_dim3A_394 = vector.shape_cast %select_n3A_393 : vector<16xi32> to vector<16x1xi32>
      %gather3A_395 = vector.shape_cast %broadcast_in_dim3A_394 : vector<16x1xi32> to vector<16xi32>
      %gather3A_396 = tpu.dynamic_gather %select_n3A_369[%gather3A_395] in [0] : vector<16xf32>, vector<16xi32> -> vector<16xf32>
      %lt3A_397 = arith.constant 0 : i32
      %lt3A_398 = vector.broadcast %lt3A_397 : i32 to vector<16xi32>
      %lt3A_399 = arith.cmpi slt, %xor3A_386, %lt3A_398 : vector<16xi32>
      %add3A_400 = arith.constant 16 : i32
      %add3A_401 = vector.broadcast %add3A_400 : i32 to vector<16xi32>
      %add3A_402 = arith.addi %xor3A_386, %add3A_401 : vector<16xi32>
      %select_n3A_403 = arith.select %lt3A_399, %add3A_402, %xor3A_386 : vector<16xi1>, vector<16xi32>
      %broadcast_in_dim3A_404 = vector.shape_cast %select_n3A_403 : vector<16xi32> to vector<16x1xi32>
      %gather3A_405 = vector.shape_cast %broadcast_in_dim3A_404 : vector<16x1xi32> to vector<16xi32>
      %gather3A_406 = tpu.dynamic_gather %select_n3A_370[%gather3A_405] in [0] : vector<16xi32>, vector<16xi32> -> vector<16xi32>
      %gt3A_407 = arith.cmpf ogt, %select_n3A_369, %gather3A_396 : vector<16xf32>
      %eq3A_408 = arith.cmpf oeq, %select_n3A_369, %gather3A_396 : vector<16xf32>
      %lt3A_409 = arith.cmpi slt, %select_n3A_370, %gather3A_406 : vector<16xi32>
      %and3A_410 = arith.andi %eq3A_408, %lt3A_409 : vector<16xi1>
      %or3A_411 = arith.ori %gt3A_407, %and3A_410 : vector<16xi1>
      %jit3A_412 = arith.constant 1 : i32
      %jit3A_413 = arith.constant 0 : i32
      %broadcast_in_dim3A_414 = vector.broadcast %jit3A_412 : i32 to vector<16xi32>
      %broadcast_in_dim3A_415 = vector.broadcast %jit3A_413 : i32 to vector<16xi32>
      %select_n3A_416 = arith.select %or3A_411, %broadcast_in_dim3A_414, %broadcast_in_dim3A_415 : vector<16xi1>, vector<16xi32>
      %jit3A_417 = arith.constant 1 : i32
      %jit3A_418 = arith.constant 0 : i32
      %broadcast_in_dim3A_419 = vector.broadcast %jit3A_417 : i32 to vector<16xi32>
      %broadcast_in_dim3A_420 = vector.broadcast %jit3A_418 : i32 to vector<16xi32>
      %select_n3A_421 = arith.select %eq3A_383, %broadcast_in_dim3A_419, %broadcast_in_dim3A_420 : vector<16xi1>, vector<16xi32>
      %xor3A_422 = arith.xori %select_n3A_416, %select_n3A_421 : vector<16xi32>
      %eq3A_423 = arith.constant 0 : i32
      %eq3A_424 = vector.broadcast %eq3A_423 : i32 to vector<16xi32>
      %eq3A_425 = arith.cmpi eq, %xor3A_422, %eq3A_424 : vector<16xi32>
      %select_n3A_426 = arith.select %eq3A_425, %select_n3A_369, %gather3A_396 : vector<16xi1>, vector<16xf32>
      %select_n3A_427 = arith.select %eq3A_425, %select_n3A_370, %gather3A_406 : vector<16xi1>, vector<16xi32>
      %shift_right_arithmetic3A_428 = arith.constant 2 : i32
      %shift_right_arithmetic3A_429 = vector.broadcast %shift_right_arithmetic3A_428 : i32 to vector<16xi32>
      %shift_right_arithmetic3A_430 = arith.shrsi %iota3A, %shift_right_arithmetic3A_429 : vector<16xi32>
      %and3A_431 = arith.constant 1 : i32
      %and3A_432 = vector.broadcast %and3A_431 : i32 to vector<16xi32>
      %and3A_433 = arith.andi %shift_right_arithmetic3A_430, %and3A_432 : vector<16xi32>
      %shift_right_arithmetic3A_434 = arith.constant 4 : i32
      %shift_right_arithmetic3A_435 = vector.broadcast %shift_right_arithmetic3A_434 : i32 to vector<16xi32>
      %shift_right_arithmetic3A_436 = arith.shrsi %iota3A, %shift_right_arithmetic3A_435 : vector<16xi32>
      %and3A_437 = arith.constant 1 : i32
      %and3A_438 = vector.broadcast %and3A_437 : i32 to vector<16xi32>
      %and3A_439 = arith.andi %shift_right_arithmetic3A_436, %and3A_438 : vector<16xi32>
      %eq3A_440 = arith.cmpi eq, %and3A_433, %and3A_439 : vector<16xi32>
      %xor3A_441 = arith.constant 4 : i32
      %xor3A_442 = vector.broadcast %xor3A_441 : i32 to vector<16xi32>
      %xor3A_443 = arith.xori %iota3A, %xor3A_442 : vector<16xi32>
      %lt3A_444 = arith.constant 0 : i32
      %lt3A_445 = vector.broadcast %lt3A_444 : i32 to vector<16xi32>
      %lt3A_446 = arith.cmpi slt, %xor3A_443, %lt3A_445 : vector<16xi32>
      %add3A_447 = arith.constant 16 : i32
      %add3A_448 = vector.broadcast %add3A_447 : i32 to vector<16xi32>
      %add3A_449 = arith.addi %xor3A_443, %add3A_448 : vector<16xi32>
      %select_n3A_450 = arith.select %lt3A_446, %add3A_449, %xor3A_443 : vector<16xi1>, vector<16xi32>
      %broadcast_in_dim3A_451 = vector.shape_cast %select_n3A_450 : vector<16xi32> to vector<16x1xi32>
      %gather3A_452 = vector.shape_cast %broadcast_in_dim3A_451 : vector<16x1xi32> to vector<16xi32>
      %gather3A_453 = tpu.dynamic_gather %select_n3A_426[%gather3A_452] in [0] : vector<16xf32>, vector<16xi32> -> vector<16xf32>
      %lt3A_454 = arith.constant 0 : i32
      %lt3A_455 = vector.broadcast %lt3A_454 : i32 to vector<16xi32>
      %lt3A_456 = arith.cmpi slt, %xor3A_443, %lt3A_455 : vector<16xi32>
      %add3A_457 = arith.constant 16 : i32
      %add3A_458 = vector.broadcast %add3A_457 : i32 to vector<16xi32>
      %add3A_459 = arith.addi %xor3A_443, %add3A_458 : vector<16xi32>
      %select_n3A_460 = arith.select %lt3A_456, %add3A_459, %xor3A_443 : vector<16xi1>, vector<16xi32>
      %broadcast_in_dim3A_461 = vector.shape_cast %select_n3A_460 : vector<16xi32> to vector<16x1xi32>
      %gather3A_462 = vector.shape_cast %broadcast_in_dim3A_461 : vector<16x1xi32> to vector<16xi32>
      %gather3A_463 = tpu.dynamic_gather %select_n3A_427[%gather3A_462] in [0] : vector<16xi32>, vector<16xi32> -> vector<16xi32>
      %gt3A_464 = arith.cmpf ogt, %select_n3A_426, %gather3A_453 : vector<16xf32>
      %eq3A_465 = arith.cmpf oeq, %select_n3A_426, %gather3A_453 : vector<16xf32>
      %lt3A_466 = arith.cmpi slt, %select_n3A_427, %gather3A_463 : vector<16xi32>
      %and3A_467 = arith.andi %eq3A_465, %lt3A_466 : vector<16xi1>
      %or3A_468 = arith.ori %gt3A_464, %and3A_467 : vector<16xi1>
      %jit3A_469 = arith.constant 1 : i32
      %jit3A_470 = arith.constant 0 : i32
      %broadcast_in_dim3A_471 = vector.broadcast %jit3A_469 : i32 to vector<16xi32>
      %broadcast_in_dim3A_472 = vector.broadcast %jit3A_470 : i32 to vector<16xi32>
      %select_n3A_473 = arith.select %or3A_468, %broadcast_in_dim3A_471, %broadcast_in_dim3A_472 : vector<16xi1>, vector<16xi32>
      %jit3A_474 = arith.constant 1 : i32
      %jit3A_475 = arith.constant 0 : i32
      %broadcast_in_dim3A_476 = vector.broadcast %jit3A_474 : i32 to vector<16xi32>
      %broadcast_in_dim3A_477 = vector.broadcast %jit3A_475 : i32 to vector<16xi32>
      %select_n3A_478 = arith.select %eq3A_440, %broadcast_in_dim3A_476, %broadcast_in_dim3A_477 : vector<16xi1>, vector<16xi32>
      %xor3A_479 = arith.xori %select_n3A_473, %select_n3A_478 : vector<16xi32>
      %eq3A_480 = arith.constant 0 : i32
      %eq3A_481 = vector.broadcast %eq3A_480 : i32 to vector<16xi32>
      %eq3A_482 = arith.cmpi eq, %xor3A_479, %eq3A_481 : vector<16xi32>
      %select_n3A_483 = arith.select %eq3A_482, %select_n3A_426, %gather3A_453 : vector<16xi1>, vector<16xf32>
      %select_n3A_484 = arith.select %eq3A_482, %select_n3A_427, %gather3A_463 : vector<16xi1>, vector<16xi32>
      %shift_right_arithmetic3A_485 = arith.constant 1 : i32
      %shift_right_arithmetic3A_486 = vector.broadcast %shift_right_arithmetic3A_485 : i32 to vector<16xi32>
      %shift_right_arithmetic3A_487 = arith.shrsi %iota3A, %shift_right_arithmetic3A_486 : vector<16xi32>
      %and3A_488 = arith.constant 1 : i32
      %and3A_489 = vector.broadcast %and3A_488 : i32 to vector<16xi32>
      %and3A_490 = arith.andi %shift_right_arithmetic3A_487, %and3A_489 : vector<16xi32>
      %shift_right_arithmetic3A_491 = arith.constant 4 : i32
      %shift_right_arithmetic3A_492 = vector.broadcast %shift_right_arithmetic3A_491 : i32 to vector<16xi32>
      %shift_right_arithmetic3A_493 = arith.shrsi %iota3A, %shift_right_arithmetic3A_492 : vector<16xi32>
      %and3A_494 = arith.constant 1 : i32
      %and3A_495 = vector.broadcast %and3A_494 : i32 to vector<16xi32>
      %and3A_496 = arith.andi %shift_right_arithmetic3A_493, %and3A_495 : vector<16xi32>
      %eq3A_497 = arith.cmpi eq, %and3A_490, %and3A_496 : vector<16xi32>
      %xor3A_498 = arith.constant 2 : i32
      %xor3A_499 = vector.broadcast %xor3A_498 : i32 to vector<16xi32>
      %xor3A_500 = arith.xori %iota3A, %xor3A_499 : vector<16xi32>
      %lt3A_501 = arith.constant 0 : i32
      %lt3A_502 = vector.broadcast %lt3A_501 : i32 to vector<16xi32>
      %lt3A_503 = arith.cmpi slt, %xor3A_500, %lt3A_502 : vector<16xi32>
      %add3A_504 = arith.constant 16 : i32
      %add3A_505 = vector.broadcast %add3A_504 : i32 to vector<16xi32>
      %add3A_506 = arith.addi %xor3A_500, %add3A_505 : vector<16xi32>
      %select_n3A_507 = arith.select %lt3A_503, %add3A_506, %xor3A_500 : vector<16xi1>, vector<16xi32>
      %broadcast_in_dim3A_508 = vector.shape_cast %select_n3A_507 : vector<16xi32> to vector<16x1xi32>
      %gather3A_509 = vector.shape_cast %broadcast_in_dim3A_508 : vector<16x1xi32> to vector<16xi32>
      %gather3A_510 = tpu.dynamic_gather %select_n3A_483[%gather3A_509] in [0] : vector<16xf32>, vector<16xi32> -> vector<16xf32>
      %lt3A_511 = arith.constant 0 : i32
      %lt3A_512 = vector.broadcast %lt3A_511 : i32 to vector<16xi32>
      %lt3A_513 = arith.cmpi slt, %xor3A_500, %lt3A_512 : vector<16xi32>
      %add3A_514 = arith.constant 16 : i32
      %add3A_515 = vector.broadcast %add3A_514 : i32 to vector<16xi32>
      %add3A_516 = arith.addi %xor3A_500, %add3A_515 : vector<16xi32>
      %select_n3A_517 = arith.select %lt3A_513, %add3A_516, %xor3A_500 : vector<16xi1>, vector<16xi32>
      %broadcast_in_dim3A_518 = vector.shape_cast %select_n3A_517 : vector<16xi32> to vector<16x1xi32>
      %gather3A_519 = vector.shape_cast %broadcast_in_dim3A_518 : vector<16x1xi32> to vector<16xi32>
      %gather3A_520 = tpu.dynamic_gather %select_n3A_484[%gather3A_519] in [0] : vector<16xi32>, vector<16xi32> -> vector<16xi32>
      %gt3A_521 = arith.cmpf ogt, %select_n3A_483, %gather3A_510 : vector<16xf32>
      %eq3A_522 = arith.cmpf oeq, %select_n3A_483, %gather3A_510 : vector<16xf32>
      %lt3A_523 = arith.cmpi slt, %select_n3A_484, %gather3A_520 : vector<16xi32>
      %and3A_524 = arith.andi %eq3A_522, %lt3A_523 : vector<16xi1>
      %or3A_525 = arith.ori %gt3A_521, %and3A_524 : vector<16xi1>
      %jit3A_526 = arith.constant 1 : i32
      %jit3A_527 = arith.constant 0 : i32
      %broadcast_in_dim3A_528 = vector.broadcast %jit3A_526 : i32 to vector<16xi32>
      %broadcast_in_dim3A_529 = vector.broadcast %jit3A_527 : i32 to vector<16xi32>
      %select_n3A_530 = arith.select %or3A_525, %broadcast_in_dim3A_528, %broadcast_in_dim3A_529 : vector<16xi1>, vector<16xi32>
      %jit3A_531 = arith.constant 1 : i32
      %jit3A_532 = arith.constant 0 : i32
      %broadcast_in_dim3A_533 = vector.broadcast %jit3A_531 : i32 to vector<16xi32>
      %broadcast_in_dim3A_534 = vector.broadcast %jit3A_532 : i32 to vector<16xi32>
      %select_n3A_535 = arith.select %eq3A_497, %broadcast_in_dim3A_533, %broadcast_in_dim3A_534 : vector<16xi1>, vector<16xi32>
      %xor3A_536 = arith.xori %select_n3A_530, %select_n3A_535 : vector<16xi32>
      %eq3A_537 = arith.constant 0 : i32
      %eq3A_538 = vector.broadcast %eq3A_537 : i32 to vector<16xi32>
      %eq3A_539 = arith.cmpi eq, %xor3A_536, %eq3A_538 : vector<16xi32>
      %select_n3A_540 = arith.select %eq3A_539, %select_n3A_483, %gather3A_510 : vector<16xi1>, vector<16xf32>
      %select_n3A_541 = arith.select %eq3A_539, %select_n3A_484, %gather3A_520 : vector<16xi1>, vector<16xi32>
      %shift_right_arithmetic3A_542 = arith.constant 0 : i32
      %shift_right_arithmetic3A_543 = vector.broadcast %shift_right_arithmetic3A_542 : i32 to vector<16xi32>
      %shift_right_arithmetic3A_544 = arith.shrsi %iota3A, %shift_right_arithmetic3A_543 : vector<16xi32>
      %and3A_545 = arith.constant 1 : i32
      %and3A_546 = vector.broadcast %and3A_545 : i32 to vector<16xi32>
      %and3A_547 = arith.andi %shift_right_arithmetic3A_544, %and3A_546 : vector<16xi32>
      %shift_right_arithmetic3A_548 = arith.constant 4 : i32
      %shift_right_arithmetic3A_549 = vector.broadcast %shift_right_arithmetic3A_548 : i32 to vector<16xi32>
      %shift_right_arithmetic3A_550 = arith.shrsi %iota3A, %shift_right_arithmetic3A_549 : vector<16xi32>
      %and3A_551 = arith.constant 1 : i32
      %and3A_552 = vector.broadcast %and3A_551 : i32 to vector<16xi32>
      %and3A_553 = arith.andi %shift_right_arithmetic3A_550, %and3A_552 : vector<16xi32>
      %eq3A_554 = arith.cmpi eq, %and3A_547, %and3A_553 : vector<16xi32>
      %xor3A_555 = arith.constant 1 : i32
      %xor3A_556 = vector.broadcast %xor3A_555 : i32 to vector<16xi32>
      %xor3A_557 = arith.xori %iota3A, %xor3A_556 : vector<16xi32>
      %lt3A_558 = arith.constant 0 : i32
      %lt3A_559 = vector.broadcast %lt3A_558 : i32 to vector<16xi32>
      %lt3A_560 = arith.cmpi slt, %xor3A_557, %lt3A_559 : vector<16xi32>
      %add3A_561 = arith.constant 16 : i32
      %add3A_562 = vector.broadcast %add3A_561 : i32 to vector<16xi32>
      %add3A_563 = arith.addi %xor3A_557, %add3A_562 : vector<16xi32>
      %select_n3A_564 = arith.select %lt3A_560, %add3A_563, %xor3A_557 : vector<16xi1>, vector<16xi32>
      %broadcast_in_dim3A_565 = vector.shape_cast %select_n3A_564 : vector<16xi32> to vector<16x1xi32>
      %gather3A_566 = vector.shape_cast %broadcast_in_dim3A_565 : vector<16x1xi32> to vector<16xi32>
      %gather3A_567 = tpu.dynamic_gather %select_n3A_540[%gather3A_566] in [0] : vector<16xf32>, vector<16xi32> -> vector<16xf32>
      %lt3A_568 = arith.constant 0 : i32
      %lt3A_569 = vector.broadcast %lt3A_568 : i32 to vector<16xi32>
      %lt3A_570 = arith.cmpi slt, %xor3A_557, %lt3A_569 : vector<16xi32>
      %add3A_571 = arith.constant 16 : i32
      %add3A_572 = vector.broadcast %add3A_571 : i32 to vector<16xi32>
      %add3A_573 = arith.addi %xor3A_557, %add3A_572 : vector<16xi32>
      %select_n3A_574 = arith.select %lt3A_570, %add3A_573, %xor3A_557 : vector<16xi1>, vector<16xi32>
      %broadcast_in_dim3A_575 = vector.shape_cast %select_n3A_574 : vector<16xi32> to vector<16x1xi32>
      %gather3A_576 = vector.shape_cast %broadcast_in_dim3A_575 : vector<16x1xi32> to vector<16xi32>
      %gather3A_577 = tpu.dynamic_gather %select_n3A_541[%gather3A_576] in [0] : vector<16xi32>, vector<16xi32> -> vector<16xi32>
      %gt3A_578 = arith.cmpf ogt, %select_n3A_540, %gather3A_567 : vector<16xf32>
      %eq3A_579 = arith.cmpf oeq, %select_n3A_540, %gather3A_567 : vector<16xf32>
      %lt3A_580 = arith.cmpi slt, %select_n3A_541, %gather3A_577 : vector<16xi32>
      %and3A_581 = arith.andi %eq3A_579, %lt3A_580 : vector<16xi1>
      %or3A_582 = arith.ori %gt3A_578, %and3A_581 : vector<16xi1>
      %jit3A_583 = arith.constant 1 : i32
      %jit3A_584 = arith.constant 0 : i32
      %broadcast_in_dim3A_585 = vector.broadcast %jit3A_583 : i32 to vector<16xi32>
      %broadcast_in_dim3A_586 = vector.broadcast %jit3A_584 : i32 to vector<16xi32>
      %select_n3A_587 = arith.select %or3A_582, %broadcast_in_dim3A_585, %broadcast_in_dim3A_586 : vector<16xi1>, vector<16xi32>
      %jit3A_588 = arith.constant 1 : i32
      %jit3A_589 = arith.constant 0 : i32
      %broadcast_in_dim3A_590 = vector.broadcast %jit3A_588 : i32 to vector<16xi32>
      %broadcast_in_dim3A_591 = vector.broadcast %jit3A_589 : i32 to vector<16xi32>
      %select_n3A_592 = arith.select %eq3A_554, %broadcast_in_dim3A_590, %broadcast_in_dim3A_591 : vector<16xi1>, vector<16xi32>
      %xor3A_593 = arith.xori %select_n3A_587, %select_n3A_592 : vector<16xi32>
      %eq3A_594 = arith.constant 0 : i32
      %eq3A_595 = vector.broadcast %eq3A_594 : i32 to vector<16xi32>
      %eq3A_596 = arith.cmpi eq, %xor3A_593, %eq3A_595 : vector<16xi32>
      %select_n3A_597 = arith.select %eq3A_596, %select_n3A_540, %gather3A_567 : vector<16xi1>, vector<16xf32>
      %select_n3A_598 = arith.select %eq3A_596, %select_n3A_541, %gather3A_577 : vector<16xi1>, vector<16xi32>
      %add3A_599 = arith.constant 16 : i32
      %add3A_600 = arith.addi %mul3A_29, %add3A_599 : i32
      %get3A_601 = arith.index_cast %add3A_600 : i32 to index
      %get3A_602 = tpu.vector_load %arg14[%get3A_601] {strides = array<i32>} : memref<640xf32, #tpu.memory_space<vmem>>, vector<16xf32>,
      %get3A_603 = vector.shape_cast %get3A_602 : vector<16xf32> to vector<16xf32>
      %add3A_604 = arith.addi %mul3A_2, %mul3A_29 : i32
      %add3A_605 = arith.constant 16 : i32
      %add3A_606 = arith.addi %add3A_604, %add3A_605 : i32
      %add3A_607 = vector.broadcast %add3A_606 : i32 to vector<16xi32>
      %add3A_608 = arith.addi %add3A_607, %iota3A : vector<16xi32>
      %shift_right_arithmetic3A_609 = arith.constant 0 : i32
      %shift_right_arithmetic3A_610 = vector.broadcast %shift_right_arithmetic3A_609 : i32 to vector<16xi32>
      %shift_right_arithmetic3A_611 = arith.shrsi %iota3A, %shift_right_arithmetic3A_610 : vector<16xi32>
      %and3A_612 = arith.constant 1 : i32
      %and3A_613 = vector.broadcast %and3A_612 : i32 to vector<16xi32>
      %and3A_614 = arith.andi %shift_right_arithmetic3A_611, %and3A_613 : vector<16xi32>
      %shift_right_arithmetic3A_615 = arith.constant 1 : i32
      %shift_right_arithmetic3A_616 = vector.broadcast %shift_right_arithmetic3A_615 : i32 to vector<16xi32>
      %shift_right_arithmetic3A_617 = arith.shrsi %iota3A, %shift_right_arithmetic3A_616 : vector<16xi32>
      %and3A_618 = arith.constant 1 : i32
      %and3A_619 = vector.broadcast %and3A_618 : i32 to vector<16xi32>
      %and3A_620 = arith.andi %shift_right_arithmetic3A_617, %and3A_619 : vector<16xi32>
      %eq3A_621 = arith.cmpi eq, %and3A_614, %and3A_620 : vector<16xi32>
      %xor3A_622 = arith.constant 1 : i32
      %xor3A_623 = vector.broadcast %xor3A_622 : i32 to vector<16xi32>
      %xor3A_624 = arith.xori %iota3A, %xor3A_623 : vector<16xi32>
      %lt3A_625 = arith.constant 0 : i32
      %lt3A_626 = vector.broadcast %lt3A_625 : i32 to vector<16xi32>
      %lt3A_627 = arith.cmpi slt, %xor3A_624, %lt3A_626 : vector<16xi32>
      %add3A_628 = arith.constant 16 : i32
      %add3A_629 = vector.broadcast %add3A_628 : i32 to vector<16xi32>
      %add3A_630 = arith.addi %xor3A_624, %add3A_629 : vector<16xi32>
      %select_n3A_631 = arith.select %lt3A_627, %add3A_630, %xor3A_624 : vector<16xi1>, vector<16xi32>
      %broadcast_in_dim3A_632 = vector.shape_cast %select_n3A_631 : vector<16xi32> to vector<16x1xi32>
      %gather3A_633 = vector.shape_cast %broadcast_in_dim3A_632 : vector<16x1xi32> to vector<16xi32>
      %gather3A_634 = tpu.dynamic_gather %get3A_603[%gather3A_633] in [0] : vector<16xf32>, vector<16xi32> -> vector<16xf32>
      %lt3A_635 = arith.constant 0 : i32
      %lt3A_636 = vector.broadcast %lt3A_635 : i32 to vector<16xi32>
      %lt3A_637 = arith.cmpi slt, %xor3A_624, %lt3A_636 : vector<16xi32>
      %add3A_638 = arith.constant 16 : i32
      %add3A_639 = vector.broadcast %add3A_638 : i32 to vector<16xi32>
      %add3A_640 = arith.addi %xor3A_624, %add3A_639 : vector<16xi32>
      %select_n3A_641 = arith.select %lt3A_637, %add3A_640, %xor3A_624 : vector<16xi1>, vector<16xi32>
      %broadcast_in_dim3A_642 = vector.shape_cast %select_n3A_641 : vector<16xi32> to vector<16x1xi32>
      %gather3A_643 = vector.shape_cast %broadcast_in_dim3A_642 : vector<16x1xi32> to vector<16xi32>
      %gather3A_644 = tpu.dynamic_gather %add3A_608[%gather3A_643] in [0] : vector<16xi32>, vector<16xi32> -> vector<16xi32>
      %gt3A_645 = arith.cmpf ogt, %get3A_603, %gather3A_634 : vector<16xf32>
      %eq3A_646 = arith.cmpf oeq, %get3A_603, %gather3A_634 : vector<16xf32>
      %lt3A_647 = arith.cmpi slt, %add3A_608, %gather3A_644 : vector<16xi32>
      %and3A_648 = arith.andi %eq3A_646, %lt3A_647 : vector<16xi1>
      %or3A_649 = arith.ori %gt3A_645, %and3A_648 : vector<16xi1>
      %jit3A_650 = arith.constant 1 : i32
      %jit3A_651 = arith.constant 0 : i32
      %broadcast_in_dim3A_652 = vector.broadcast %jit3A_650 : i32 to vector<16xi32>
      %broadcast_in_dim3A_653 = vector.broadcast %jit3A_651 : i32 to vector<16xi32>
      %select_n3A_654 = arith.select %or3A_649, %broadcast_in_dim3A_652, %broadcast_in_dim3A_653 : vector<16xi1>, vector<16xi32>
      %jit3A_655 = arith.constant 1 : i32
      %jit3A_656 = arith.constant 0 : i32
      %broadcast_in_dim3A_657 = vector.broadcast %jit3A_655 : i32 to vector<16xi32>
      %broadcast_in_dim3A_658 = vector.broadcast %jit3A_656 : i32 to vector<16xi32>
      %select_n3A_659 = arith.select %eq3A_621, %broadcast_in_dim3A_657, %broadcast_in_dim3A_658 : vector<16xi1>, vector<16xi32>
      %xor3A_660 = arith.xori %select_n3A_654, %select_n3A_659 : vector<16xi32>
      %eq3A_661 = arith.constant 0 : i32
      %eq3A_662 = vector.broadcast %eq3A_661 : i32 to vector<16xi32>
      %eq3A_663 = arith.cmpi eq, %xor3A_660, %eq3A_662 : vector<16xi32>
      %select_n3A_664 = arith.select %eq3A_663, %get3A_603, %gather3A_634 : vector<16xi1>, vector<16xf32>
      %select_n3A_665 = arith.select %eq3A_663, %add3A_608, %gather3A_644 : vector<16xi1>, vector<16xi32>
      %shift_right_arithmetic3A_666 = arith.constant 1 : i32
      %shift_right_arithmetic3A_667 = vector.broadcast %shift_right_arithmetic3A_666 : i32 to vector<16xi32>
      %shift_right_arithmetic3A_668 = arith.shrsi %iota3A, %shift_right_arithmetic3A_667 : vector<16xi32>
      %and3A_669 = arith.constant 1 : i32
      %and3A_670 = vector.broadcast %and3A_669 : i32 to vector<16xi32>
      %and3A_671 = arith.andi %shift_right_arithmetic3A_668, %and3A_670 : vector<16xi32>
      %shift_right_arithmetic3A_672 = arith.constant 2 : i32
      %shift_right_arithmetic3A_673 = vector.broadcast %shift_right_arithmetic3A_672 : i32 to vector<16xi32>
      %shift_right_arithmetic3A_674 = arith.shrsi %iota3A, %shift_right_arithmetic3A_673 : vector<16xi32>
      %and3A_675 = arith.constant 1 : i32
      %and3A_676 = vector.broadcast %and3A_675 : i32 to vector<16xi32>
      %and3A_677 = arith.andi %shift_right_arithmetic3A_674, %and3A_676 : vector<16xi32>
      %eq3A_678 = arith.cmpi eq, %and3A_671, %and3A_677 : vector<16xi32>
      %xor3A_679 = arith.constant 2 : i32
      %xor3A_680 = vector.broadcast %xor3A_679 : i32 to vector<16xi32>
      %xor3A_681 = arith.xori %iota3A, %xor3A_680 : vector<16xi32>
      %lt3A_682 = arith.constant 0 : i32
      %lt3A_683 = vector.broadcast %lt3A_682 : i32 to vector<16xi32>
      %lt3A_684 = arith.cmpi slt, %xor3A_681, %lt3A_683 : vector<16xi32>
      %add3A_685 = arith.constant 16 : i32
      %add3A_686 = vector.broadcast %add3A_685 : i32 to vector<16xi32>
      %add3A_687 = arith.addi %xor3A_681, %add3A_686 : vector<16xi32>
      %select_n3A_688 = arith.select %lt3A_684, %add3A_687, %xor3A_681 : vector<16xi1>, vector<16xi32>
      %broadcast_in_dim3A_689 = vector.shape_cast %select_n3A_688 : vector<16xi32> to vector<16x1xi32>
      %gather3A_690 = vector.shape_cast %broadcast_in_dim3A_689 : vector<16x1xi32> to vector<16xi32>
      %gather3A_691 = tpu.dynamic_gather %select_n3A_664[%gather3A_690] in [0] : vector<16xf32>, vector<16xi32> -> vector<16xf32>
      %lt3A_692 = arith.constant 0 : i32
      %lt3A_693 = vector.broadcast %lt3A_692 : i32 to vector<16xi32>
      %lt3A_694 = arith.cmpi slt, %xor3A_681, %lt3A_693 : vector<16xi32>
      %add3A_695 = arith.constant 16 : i32
      %add3A_696 = vector.broadcast %add3A_695 : i32 to vector<16xi32>
      %add3A_697 = arith.addi %xor3A_681, %add3A_696 : vector<16xi32>
      %select_n3A_698 = arith.select %lt3A_694, %add3A_697, %xor3A_681 : vector<16xi1>, vector<16xi32>
      %broadcast_in_dim3A_699 = vector.shape_cast %select_n3A_698 : vector<16xi32> to vector<16x1xi32>
      %gather3A_700 = vector.shape_cast %broadcast_in_dim3A_699 : vector<16x1xi32> to vector<16xi32>
      %gather3A_701 = tpu.dynamic_gather %select_n3A_665[%gather3A_700] in [0] : vector<16xi32>, vector<16xi32> -> vector<16xi32>
      %gt3A_702 = arith.cmpf ogt, %select_n3A_664, %gather3A_691 : vector<16xf32>
      %eq3A_703 = arith.cmpf oeq, %select_n3A_664, %gather3A_691 : vector<16xf32>
      %lt3A_704 = arith.cmpi slt, %select_n3A_665, %gather3A_701 : vector<16xi32>
      %and3A_705 = arith.andi %eq3A_703, %lt3A_704 : vector<16xi1>
      %or3A_706 = arith.ori %gt3A_702, %and3A_705 : vector<16xi1>
      %jit3A_707 = arith.constant 1 : i32
      %jit3A_708 = arith.constant 0 : i32
      %broadcast_in_dim3A_709 = vector.broadcast %jit3A_707 : i32 to vector<16xi32>
      %broadcast_in_dim3A_710 = vector.broadcast %jit3A_708 : i32 to vector<16xi32>
      %select_n3A_711 = arith.select %or3A_706, %broadcast_in_dim3A_709, %broadcast_in_dim3A_710 : vector<16xi1>, vector<16xi32>
      %jit3A_712 = arith.constant 1 : i32
      %jit3A_713 = arith.constant 0 : i32
      %broadcast_in_dim3A_714 = vector.broadcast %jit3A_712 : i32 to vector<16xi32>
      %broadcast_in_dim3A_715 = vector.broadcast %jit3A_713 : i32 to vector<16xi32>
      %select_n3A_716 = arith.select %eq3A_678, %broadcast_in_dim3A_714, %broadcast_in_dim3A_715 : vector<16xi1>, vector<16xi32>
      %xor3A_717 = arith.xori %select_n3A_711, %select_n3A_716 : vector<16xi32>
      %eq3A_718 = arith.constant 0 : i32
      %eq3A_719 = vector.broadcast %eq3A_718 : i32 to vector<16xi32>
      %eq3A_720 = arith.cmpi eq, %xor3A_717, %eq3A_719 : vector<16xi32>
      %select_n3A_721 = arith.select %eq3A_720, %select_n3A_664, %gather3A_691 : vector<16xi1>, vector<16xf32>
      %select_n3A_722 = arith.select %eq3A_720, %select_n3A_665, %gather3A_701 : vector<16xi1>, vector<16xi32>
      %shift_right_arithmetic3A_723 = arith.constant 0 : i32
      %shift_right_arithmetic3A_724 = vector.broadcast %shift_right_arithmetic3A_723 : i32 to vector<16xi32>
      %shift_right_arithmetic3A_725 = arith.shrsi %iota3A, %shift_right_arithmetic3A_724 : vector<16xi32>
      %and3A_726 = arith.constant 1 : i32
      %and3A_727 = vector.broadcast %and3A_726 : i32 to vector<16xi32>
      %and3A_728 = arith.andi %shift_right_arithmetic3A_725, %and3A_727 : vector<16xi32>
      %shift_right_arithmetic3A_729 = arith.constant 2 : i32
      %shift_right_arithmetic3A_730 = vector.broadcast %shift_right_arithmetic3A_729 : i32 to vector<16xi32>
      %shift_right_arithmetic3A_731 = arith.shrsi %iota3A, %shift_right_arithmetic3A_730 : vector<16xi32>
      %and3A_732 = arith.constant 1 : i32
      %and3A_733 = vector.broadcast %and3A_732 : i32 to vector<16xi32>
      %and3A_734 = arith.andi %shift_right_arithmetic3A_731, %and3A_733 : vector<16xi32>
      %eq3A_735 = arith.cmpi eq, %and3A_728, %and3A_734 : vector<16xi32>
      %xor3A_736 = arith.constant 1 : i32
      %xor3A_737 = vector.broadcast %xor3A_736 : i32 to vector<16xi32>
      %xor3A_738 = arith.xori %iota3A, %xor3A_737 : vector<16xi32>
      %lt3A_739 = arith.constant 0 : i32
      %lt3A_740 = vector.broadcast %lt3A_739 : i32 to vector<16xi32>
      %lt3A_741 = arith.cmpi slt, %xor3A_738, %lt3A_740 : vector<16xi32>
      %add3A_742 = arith.constant 16 : i32
      %add3A_743 = vector.broadcast %add3A_742 : i32 to vector<16xi32>
      %add3A_744 = arith.addi %xor3A_738, %add3A_743 : vector<16xi32>
      %select_n3A_745 = arith.select %lt3A_741, %add3A_744, %xor3A_738 : vector<16xi1>, vector<16xi32>
      %broadcast_in_dim3A_746 = vector.shape_cast %select_n3A_745 : vector<16xi32> to vector<16x1xi32>
      %gather3A_747 = vector.shape_cast %broadcast_in_dim3A_746 : vector<16x1xi32> to vector<16xi32>
      %gather3A_748 = tpu.dynamic_gather %select_n3A_721[%gather3A_747] in [0] : vector<16xf32>, vector<16xi32> -> vector<16xf32>
      %lt3A_749 = arith.constant 0 : i32
      %lt3A_750 = vector.broadcast %lt3A_749 : i32 to vector<16xi32>
      %lt3A_751 = arith.cmpi slt, %xor3A_738, %lt3A_750 : vector<16xi32>
      %add3A_752 = arith.constant 16 : i32
      %add3A_753 = vector.broadcast %add3A_752 : i32 to vector<16xi32>
      %add3A_754 = arith.addi %xor3A_738, %add3A_753 : vector<16xi32>
      %select_n3A_755 = arith.select %lt3A_751, %add3A_754, %xor3A_738 : vector<16xi1>, vector<16xi32>
      %broadcast_in_dim3A_756 = vector.shape_cast %select_n3A_755 : vector<16xi32> to vector<16x1xi32>
      %gather3A_757 = vector.shape_cast %broadcast_in_dim3A_756 : vector<16x1xi32> to vector<16xi32>
      %gather3A_758 = tpu.dynamic_gather %select_n3A_722[%gather3A_757] in [0] : vector<16xi32>, vector<16xi32> -> vector<16xi32>
      %gt3A_759 = arith.cmpf ogt, %select_n3A_721, %gather3A_748 : vector<16xf32>
      %eq3A_760 = arith.cmpf oeq, %select_n3A_721, %gather3A_748 : vector<16xf32>
      %lt3A_761 = arith.cmpi slt, %select_n3A_722, %gather3A_758 : vector<16xi32>
      %and3A_762 = arith.andi %eq3A_760, %lt3A_761 : vector<16xi1>
      %or3A_763 = arith.ori %gt3A_759, %and3A_762 : vector<16xi1>
      %jit3A_764 = arith.constant 1 : i32
      %jit3A_765 = arith.constant 0 : i32
      %broadcast_in_dim3A_766 = vector.broadcast %jit3A_764 : i32 to vector<16xi32>
      %broadcast_in_dim3A_767 = vector.broadcast %jit3A_765 : i32 to vector<16xi32>
      %select_n3A_768 = arith.select %or3A_763, %broadcast_in_dim3A_766, %broadcast_in_dim3A_767 : vector<16xi1>, vector<16xi32>
      %jit3A_769 = arith.constant 1 : i32
      %jit3A_770 = arith.constant 0 : i32
      %broadcast_in_dim3A_771 = vector.broadcast %jit3A_769 : i32 to vector<16xi32>
      %broadcast_in_dim3A_772 = vector.broadcast %jit3A_770 : i32 to vector<16xi32>
      %select_n3A_773 = arith.select %eq3A_735, %broadcast_in_dim3A_771, %broadcast_in_dim3A_772 : vector<16xi1>, vector<16xi32>
      %xor3A_774 = arith.xori %select_n3A_768, %select_n3A_773 : vector<16xi32>
      %eq3A_775 = arith.constant 0 : i32
      %eq3A_776 = vector.broadcast %eq3A_775 : i32 to vector<16xi32>
      %eq3A_777 = arith.cmpi eq, %xor3A_774, %eq3A_776 : vector<16xi32>
      %select_n3A_778 = arith.select %eq3A_777, %select_n3A_721, %gather3A_748 : vector<16xi1>, vector<16xf32>
      %select_n3A_779 = arith.select %eq3A_777, %select_n3A_722, %gather3A_758 : vector<16xi1>, vector<16xi32>
      %shift_right_arithmetic3A_780 = arith.constant 2 : i32
      %shift_right_arithmetic3A_781 = vector.broadcast %shift_right_arithmetic3A_780 : i32 to vector<16xi32>
      %shift_right_arithmetic3A_782 = arith.shrsi %iota3A, %shift_right_arithmetic3A_781 : vector<16xi32>
      %and3A_783 = arith.constant 1 : i32
      %and3A_784 = vector.broadcast %and3A_783 : i32 to vector<16xi32>
      %and3A_785 = arith.andi %shift_right_arithmetic3A_782, %and3A_784 : vector<16xi32>
      %shift_right_arithmetic3A_786 = arith.constant 3 : i32
      %shift_right_arithmetic3A_787 = vector.broadcast %shift_right_arithmetic3A_786 : i32 to vector<16xi32>
      %shift_right_arithmetic3A_788 = arith.shrsi %iota3A, %shift_right_arithmetic3A_787 : vector<16xi32>
      %and3A_789 = arith.constant 1 : i32
      %and3A_790 = vector.broadcast %and3A_789 : i32 to vector<16xi32>
      %and3A_791 = arith.andi %shift_right_arithmetic3A_788, %and3A_790 : vector<16xi32>
      %eq3A_792 = arith.cmpi eq, %and3A_785, %and3A_791 : vector<16xi32>
      %xor3A_793 = arith.constant 4 : i32
      %xor3A_794 = vector.broadcast %xor3A_793 : i32 to vector<16xi32>
      %xor3A_795 = arith.xori %iota3A, %xor3A_794 : vector<16xi32>
      %lt3A_796 = arith.constant 0 : i32
      %lt3A_797 = vector.broadcast %lt3A_796 : i32 to vector<16xi32>
      %lt3A_798 = arith.cmpi slt, %xor3A_795, %lt3A_797 : vector<16xi32>
      %add3A_799 = arith.constant 16 : i32
      %add3A_800 = vector.broadcast %add3A_799 : i32 to vector<16xi32>
      %add3A_801 = arith.addi %xor3A_795, %add3A_800 : vector<16xi32>
      %select_n3A_802 = arith.select %lt3A_798, %add3A_801, %xor3A_795 : vector<16xi1>, vector<16xi32>
      %broadcast_in_dim3A_803 = vector.shape_cast %select_n3A_802 : vector<16xi32> to vector<16x1xi32>
      %gather3A_804 = vector.shape_cast %broadcast_in_dim3A_803 : vector<16x1xi32> to vector<16xi32>
      %gather3A_805 = tpu.dynamic_gather %select_n3A_778[%gather3A_804] in [0] : vector<16xf32>, vector<16xi32> -> vector<16xf32>
      %lt3A_806 = arith.constant 0 : i32
      %lt3A_807 = vector.broadcast %lt3A_806 : i32 to vector<16xi32>
      %lt3A_808 = arith.cmpi slt, %xor3A_795, %lt3A_807 : vector<16xi32>
      %add3A_809 = arith.constant 16 : i32
      %add3A_810 = vector.broadcast %add3A_809 : i32 to vector<16xi32>
      %add3A_811 = arith.addi %xor3A_795, %add3A_810 : vector<16xi32>
      %select_n3A_812 = arith.select %lt3A_808, %add3A_811, %xor3A_795 : vector<16xi1>, vector<16xi32>
      %broadcast_in_dim3A_813 = vector.shape_cast %select_n3A_812 : vector<16xi32> to vector<16x1xi32>
      %gather3A_814 = vector.shape_cast %broadcast_in_dim3A_813 : vector<16x1xi32> to vector<16xi32>
      %gather3A_815 = tpu.dynamic_gather %select_n3A_779[%gather3A_814] in [0] : vector<16xi32>, vector<16xi32> -> vector<16xi32>
      %gt3A_816 = arith.cmpf ogt, %select_n3A_778, %gather3A_805 : vector<16xf32>
      %eq3A_817 = arith.cmpf oeq, %select_n3A_778, %gather3A_805 : vector<16xf32>
      %lt3A_818 = arith.cmpi slt, %select_n3A_779, %gather3A_815 : vector<16xi32>
      %and3A_819 = arith.andi %eq3A_817, %lt3A_818 : vector<16xi1>
      %or3A_820 = arith.ori %gt3A_816, %and3A_819 : vector<16xi1>
      %jit3A_821 = arith.constant 1 : i32
      %jit3A_822 = arith.constant 0 : i32
      %broadcast_in_dim3A_823 = vector.broadcast %jit3A_821 : i32 to vector<16xi32>
      %broadcast_in_dim3A_824 = vector.broadcast %jit3A_822 : i32 to vector<16xi32>
      %select_n3A_825 = arith.select %or3A_820, %broadcast_in_dim3A_823, %broadcast_in_dim3A_824 : vector<16xi1>, vector<16xi32>
      %jit3A_826 = arith.constant 1 : i32
      %jit3A_827 = arith.constant 0 : i32
      %broadcast_in_dim3A_828 = vector.broadcast %jit3A_826 : i32 to vector<16xi32>
      %broadcast_in_dim3A_829 = vector.broadcast %jit3A_827 : i32 to vector<16xi32>
      %select_n3A_830 = arith.select %eq3A_792, %broadcast_in_dim3A_828, %broadcast_in_dim3A_829 : vector<16xi1>, vector<16xi32>
      %xor3A_831 = arith.xori %select_n3A_825, %select_n3A_830 : vector<16xi32>
      %eq3A_832 = arith.constant 0 : i32
      %eq3A_833 = vector.broadcast %eq3A_832 : i32 to vector<16xi32>
      %eq3A_834 = arith.cmpi eq, %xor3A_831, %eq3A_833 : vector<16xi32>
      %select_n3A_835 = arith.select %eq3A_834, %select_n3A_778, %gather3A_805 : vector<16xi1>, vector<16xf32>
      %select_n3A_836 = arith.select %eq3A_834, %select_n3A_779, %gather3A_815 : vector<16xi1>, vector<16xi32>
      %shift_right_arithmetic3A_837 = arith.constant 1 : i32
      %shift_right_arithmetic3A_838 = vector.broadcast %shift_right_arithmetic3A_837 : i32 to vector<16xi32>
      %shift_right_arithmetic3A_839 = arith.shrsi %iota3A, %shift_right_arithmetic3A_838 : vector<16xi32>
      %and3A_840 = arith.constant 1 : i32
      %and3A_841 = vector.broadcast %and3A_840 : i32 to vector<16xi32>
      %and3A_842 = arith.andi %shift_right_arithmetic3A_839, %and3A_841 : vector<16xi32>
      %shift_right_arithmetic3A_843 = arith.constant 3 : i32
      %shift_right_arithmetic3A_844 = vector.broadcast %shift_right_arithmetic3A_843 : i32 to vector<16xi32>
      %shift_right_arithmetic3A_845 = arith.shrsi %iota3A, %shift_right_arithmetic3A_844 : vector<16xi32>
      %and3A_846 = arith.constant 1 : i32
      %and3A_847 = vector.broadcast %and3A_846 : i32 to vector<16xi32>
      %and3A_848 = arith.andi %shift_right_arithmetic3A_845, %and3A_847 : vector<16xi32>
      %eq3A_849 = arith.cmpi eq, %and3A_842, %and3A_848 : vector<16xi32>
      %xor3A_850 = arith.constant 2 : i32
      %xor3A_851 = vector.broadcast %xor3A_850 : i32 to vector<16xi32>
      %xor3A_852 = arith.xori %iota3A, %xor3A_851 : vector<16xi32>
      %lt3A_853 = arith.constant 0 : i32
      %lt3A_854 = vector.broadcast %lt3A_853 : i32 to vector<16xi32>
      %lt3A_855 = arith.cmpi slt, %xor3A_852, %lt3A_854 : vector<16xi32>
      %add3A_856 = arith.constant 16 : i32
      %add3A_857 = vector.broadcast %add3A_856 : i32 to vector<16xi32>
      %add3A_858 = arith.addi %xor3A_852, %add3A_857 : vector<16xi32>
      %select_n3A_859 = arith.select %lt3A_855, %add3A_858, %xor3A_852 : vector<16xi1>, vector<16xi32>
      %broadcast_in_dim3A_860 = vector.shape_cast %select_n3A_859 : vector<16xi32> to vector<16x1xi32>
      %gather3A_861 = vector.shape_cast %broadcast_in_dim3A_860 : vector<16x1xi32> to vector<16xi32>
      %gather3A_862 = tpu.dynamic_gather %select_n3A_835[%gather3A_861] in [0] : vector<16xf32>, vector<16xi32> -> vector<16xf32>
      %lt3A_863 = arith.constant 0 : i32
      %lt3A_864 = vector.broadcast %lt3A_863 : i32 to vector<16xi32>
      %lt3A_865 = arith.cmpi slt, %xor3A_852, %lt3A_864 : vector<16xi32>
      %add3A_866 = arith.constant 16 : i32
      %add3A_867 = vector.broadcast %add3A_866 : i32 to vector<16xi32>
      %add3A_868 = arith.addi %xor3A_852, %add3A_867 : vector<16xi32>
      %select_n3A_869 = arith.select %lt3A_865, %add3A_868, %xor3A_852 : vector<16xi1>, vector<16xi32>
      %broadcast_in_dim3A_870 = vector.shape_cast %select_n3A_869 : vector<16xi32> to vector<16x1xi32>
      %gather3A_871 = vector.shape_cast %broadcast_in_dim3A_870 : vector<16x1xi32> to vector<16xi32>
      %gather3A_872 = tpu.dynamic_gather %select_n3A_836[%gather3A_871] in [0] : vector<16xi32>, vector<16xi32> -> vector<16xi32>
      %gt3A_873 = arith.cmpf ogt, %select_n3A_835, %gather3A_862 : vector<16xf32>
      %eq3A_874 = arith.cmpf oeq, %select_n3A_835, %gather3A_862 : vector<16xf32>
      %lt3A_875 = arith.cmpi slt, %select_n3A_836, %gather3A_872 : vector<16xi32>
      %and3A_876 = arith.andi %eq3A_874, %lt3A_875 : vector<16xi1>
      %or3A_877 = arith.ori %gt3A_873, %and3A_876 : vector<16xi1>
      %jit3A_878 = arith.constant 1 : i32
      %jit3A_879 = arith.constant 0 : i32
      %broadcast_in_dim3A_880 = vector.broadcast %jit3A_878 : i32 to vector<16xi32>
      %broadcast_in_dim3A_881 = vector.broadcast %jit3A_879 : i32 to vector<16xi32>
      %select_n3A_882 = arith.select %or3A_877, %broadcast_in_dim3A_880, %broadcast_in_dim3A_881 : vector<16xi1>, vector<16xi32>
      %jit3A_883 = arith.constant 1 : i32
      %jit3A_884 = arith.constant 0 : i32
      %broadcast_in_dim3A_885 = vector.broadcast %jit3A_883 : i32 to vector<16xi32>
      %broadcast_in_dim3A_886 = vector.broadcast %jit3A_884 : i32 to vector<16xi32>
      %select_n3A_887 = arith.select %eq3A_849, %broadcast_in_dim3A_885, %broadcast_in_dim3A_886 : vector<16xi1>, vector<16xi32>
      %xor3A_888 = arith.xori %select_n3A_882, %select_n3A_887 : vector<16xi32>
      %eq3A_889 = arith.constant 0 : i32
      %eq3A_890 = vector.broadcast %eq3A_889 : i32 to vector<16xi32>
      %eq3A_891 = arith.cmpi eq, %xor3A_888, %eq3A_890 : vector<16xi32>
      %select_n3A_892 = arith.select %eq3A_891, %select_n3A_835, %gather3A_862 : vector<16xi1>, vector<16xf32>
      %select_n3A_893 = arith.select %eq3A_891, %select_n3A_836, %gather3A_872 : vector<16xi1>, vector<16xi32>
      %shift_right_arithmetic3A_894 = arith.constant 0 : i32
      %shift_right_arithmetic3A_895 = vector.broadcast %shift_right_arithmetic3A_894 : i32 to vector<16xi32>
      %shift_right_arithmetic3A_896 = arith.shrsi %iota3A, %shift_right_arithmetic3A_895 : vector<16xi32>
      %and3A_897 = arith.constant 1 : i32
      %and3A_898 = vector.broadcast %and3A_897 : i32 to vector<16xi32>
      %and3A_899 = arith.andi %shift_right_arithmetic3A_896, %and3A_898 : vector<16xi32>
      %shift_right_arithmetic3A_900 = arith.constant 3 : i32
      %shift_right_arithmetic3A_901 = vector.broadcast %shift_right_arithmetic3A_900 : i32 to vector<16xi32>
      %shift_right_arithmetic3A_902 = arith.shrsi %iota3A, %shift_right_arithmetic3A_901 : vector<16xi32>
      %and3A_903 = arith.constant 1 : i32
      %and3A_904 = vector.broadcast %and3A_903 : i32 to vector<16xi32>
      %and3A_905 = arith.andi %shift_right_arithmetic3A_902, %and3A_904 : vector<16xi32>
      %eq3A_906 = arith.cmpi eq, %and3A_899, %and3A_905 : vector<16xi32>
      %xor3A_907 = arith.constant 1 : i32
      %xor3A_908 = vector.broadcast %xor3A_907 : i32 to vector<16xi32>
      %xor3A_909 = arith.xori %iota3A, %xor3A_908 : vector<16xi32>
      %lt3A_910 = arith.constant 0 : i32
      %lt3A_911 = vector.broadcast %lt3A_910 : i32 to vector<16xi32>
      %lt3A_912 = arith.cmpi slt, %xor3A_909, %lt3A_911 : vector<16xi32>
      %add3A_913 = arith.constant 16 : i32
      %add3A_914 = vector.broadcast %add3A_913 : i32 to vector<16xi32>
      %add3A_915 = arith.addi %xor3A_909, %add3A_914 : vector<16xi32>
      %select_n3A_916 = arith.select %lt3A_912, %add3A_915, %xor3A_909 : vector<16xi1>, vector<16xi32>
      %broadcast_in_dim3A_917 = vector.shape_cast %select_n3A_916 : vector<16xi32> to vector<16x1xi32>
      %gather3A_918 = vector.shape_cast %broadcast_in_dim3A_917 : vector<16x1xi32> to vector<16xi32>
      %gather3A_919 = tpu.dynamic_gather %select_n3A_892[%gather3A_918] in [0] : vector<16xf32>, vector<16xi32> -> vector<16xf32>
      %lt3A_920 = arith.constant 0 : i32
      %lt3A_921 = vector.broadcast %lt3A_920 : i32 to vector<16xi32>
      %lt3A_922 = arith.cmpi slt, %xor3A_909, %lt3A_921 : vector<16xi32>
      %add3A_923 = arith.constant 16 : i32
      %add3A_924 = vector.broadcast %add3A_923 : i32 to vector<16xi32>
      %add3A_925 = arith.addi %xor3A_909, %add3A_924 : vector<16xi32>
      %select_n3A_926 = arith.select %lt3A_922, %add3A_925, %xor3A_909 : vector<16xi1>, vector<16xi32>
      %broadcast_in_dim3A_927 = vector.shape_cast %select_n3A_926 : vector<16xi32> to vector<16x1xi32>
      %gather3A_928 = vector.shape_cast %broadcast_in_dim3A_927 : vector<16x1xi32> to vector<16xi32>
      %gather3A_929 = tpu.dynamic_gather %select_n3A_893[%gather3A_928] in [0] : vector<16xi32>, vector<16xi32> -> vector<16xi32>
      %gt3A_930 = arith.cmpf ogt, %select_n3A_892, %gather3A_919 : vector<16xf32>
      %eq3A_931 = arith.cmpf oeq, %select_n3A_892, %gather3A_919 : vector<16xf32>
      %lt3A_932 = arith.cmpi slt, %select_n3A_893, %gather3A_929 : vector<16xi32>
      %and3A_933 = arith.andi %eq3A_931, %lt3A_932 : vector<16xi1>
      %or3A_934 = arith.ori %gt3A_930, %and3A_933 : vector<16xi1>
      %jit3A_935 = arith.constant 1 : i32
      %jit3A_936 = arith.constant 0 : i32
      %broadcast_in_dim3A_937 = vector.broadcast %jit3A_935 : i32 to vector<16xi32>
      %broadcast_in_dim3A_938 = vector.broadcast %jit3A_936 : i32 to vector<16xi32>
      %select_n3A_939 = arith.select %or3A_934, %broadcast_in_dim3A_937, %broadcast_in_dim3A_938 : vector<16xi1>, vector<16xi32>
      %jit3A_940 = arith.constant 1 : i32
      %jit3A_941 = arith.constant 0 : i32
      %broadcast_in_dim3A_942 = vector.broadcast %jit3A_940 : i32 to vector<16xi32>
      %broadcast_in_dim3A_943 = vector.broadcast %jit3A_941 : i32 to vector<16xi32>
      %select_n3A_944 = arith.select %eq3A_906, %broadcast_in_dim3A_942, %broadcast_in_dim3A_943 : vector<16xi1>, vector<16xi32>
      %xor3A_945 = arith.xori %select_n3A_939, %select_n3A_944 : vector<16xi32>
      %eq3A_946 = arith.constant 0 : i32
      %eq3A_947 = vector.broadcast %eq3A_946 : i32 to vector<16xi32>
      %eq3A_948 = arith.cmpi eq, %xor3A_945, %eq3A_947 : vector<16xi32>
      %select_n3A_949 = arith.select %eq3A_948, %select_n3A_892, %gather3A_919 : vector<16xi1>, vector<16xf32>
      %select_n3A_950 = arith.select %eq3A_948, %select_n3A_893, %gather3A_929 : vector<16xi1>, vector<16xi32>
      %shift_right_arithmetic3A_951 = arith.constant 3 : i32
      %shift_right_arithmetic3A_952 = vector.broadcast %shift_right_arithmetic3A_951 : i32 to vector<16xi32>
      %shift_right_arithmetic3A_953 = arith.shrsi %iota3A, %shift_right_arithmetic3A_952 : vector<16xi32>
      %and3A_954 = arith.constant 1 : i32
      %and3A_955 = vector.broadcast %and3A_954 : i32 to vector<16xi32>
      %and3A_956 = arith.andi %shift_right_arithmetic3A_953, %and3A_955 : vector<16xi32>
      %shift_right_arithmetic3A_957 = arith.constant 4 : i32
      %shift_right_arithmetic3A_958 = vector.broadcast %shift_right_arithmetic3A_957 : i32 to vector<16xi32>
      %shift_right_arithmetic3A_959 = arith.shrsi %iota3A, %shift_right_arithmetic3A_958 : vector<16xi32>
      %and3A_960 = arith.constant 1 : i32
      %and3A_961 = vector.broadcast %and3A_960 : i32 to vector<16xi32>
      %and3A_962 = arith.andi %shift_right_arithmetic3A_959, %and3A_961 : vector<16xi32>
      %eq3A_963 = arith.cmpi eq, %and3A_956, %and3A_962 : vector<16xi32>
      %xor3A_964 = arith.constant 8 : i32
      %xor3A_965 = vector.broadcast %xor3A_964 : i32 to vector<16xi32>
      %xor3A_966 = arith.xori %iota3A, %xor3A_965 : vector<16xi32>
      %lt3A_967 = arith.constant 0 : i32
      %lt3A_968 = vector.broadcast %lt3A_967 : i32 to vector<16xi32>
      %lt3A_969 = arith.cmpi slt, %xor3A_966, %lt3A_968 : vector<16xi32>
      %add3A_970 = arith.constant 16 : i32
      %add3A_971 = vector.broadcast %add3A_970 : i32 to vector<16xi32>
      %add3A_972 = arith.addi %xor3A_966, %add3A_971 : vector<16xi32>
      %select_n3A_973 = arith.select %lt3A_969, %add3A_972, %xor3A_966 : vector<16xi1>, vector<16xi32>
      %broadcast_in_dim3A_974 = vector.shape_cast %select_n3A_973 : vector<16xi32> to vector<16x1xi32>
      %gather3A_975 = vector.shape_cast %broadcast_in_dim3A_974 : vector<16x1xi32> to vector<16xi32>
      %gather3A_976 = tpu.dynamic_gather %select_n3A_949[%gather3A_975] in [0] : vector<16xf32>, vector<16xi32> -> vector<16xf32>
      %lt3A_977 = arith.constant 0 : i32
      %lt3A_978 = vector.broadcast %lt3A_977 : i32 to vector<16xi32>
      %lt3A_979 = arith.cmpi slt, %xor3A_966, %lt3A_978 : vector<16xi32>
      %add3A_980 = arith.constant 16 : i32
      %add3A_981 = vector.broadcast %add3A_980 : i32 to vector<16xi32>
      %add3A_982 = arith.addi %xor3A_966, %add3A_981 : vector<16xi32>
      %select_n3A_983 = arith.select %lt3A_979, %add3A_982, %xor3A_966 : vector<16xi1>, vector<16xi32>
      %broadcast_in_dim3A_984 = vector.shape_cast %select_n3A_983 : vector<16xi32> to vector<16x1xi32>
      %gather3A_985 = vector.shape_cast %broadcast_in_dim3A_984 : vector<16x1xi32> to vector<16xi32>
      %gather3A_986 = tpu.dynamic_gather %select_n3A_950[%gather3A_985] in [0] : vector<16xi32>, vector<16xi32> -> vector<16xi32>
      %gt3A_987 = arith.cmpf ogt, %select_n3A_949, %gather3A_976 : vector<16xf32>
      %eq3A_988 = arith.cmpf oeq, %select_n3A_949, %gather3A_976 : vector<16xf32>
      %lt3A_989 = arith.cmpi slt, %select_n3A_950, %gather3A_986 : vector<16xi32>
      %and3A_990 = arith.andi %eq3A_988, %lt3A_989 : vector<16xi1>
      %or3A_991 = arith.ori %gt3A_987, %and3A_990 : vector<16xi1>
      %jit3A_992 = arith.constant 1 : i32
      %jit3A_993 = arith.constant 0 : i32
      %broadcast_in_dim3A_994 = vector.broadcast %jit3A_992 : i32 to vector<16xi32>
      %broadcast_in_dim3A_995 = vector.broadcast %jit3A_993 : i32 to vector<16xi32>
      %select_n3A_996 = arith.select %or3A_991, %broadcast_in_dim3A_994, %broadcast_in_dim3A_995 : vector<16xi1>, vector<16xi32>
      %jit3A_997 = arith.constant 1 : i32
      %jit3A_998 = arith.constant 0 : i32
      %broadcast_in_dim3A_999 = vector.broadcast %jit3A_997 : i32 to vector<16xi32>
      %broadcast_in_dim3A_1000 = vector.broadcast %jit3A_998 : i32 to vector<16xi32>
      %select_n3A_1001 = arith.select %eq3A_963, %broadcast_in_dim3A_999, %broadcast_in_dim3A_1000 : vector<16xi1>, vector<16xi32>
      %xor3A_1002 = arith.xori %select_n3A_996, %select_n3A_1001 : vector<16xi32>
      %eq3A_1003 = arith.constant 0 : i32
      %eq3A_1004 = vector.broadcast %eq3A_1003 : i32 to vector<16xi32>
      %eq3A_1005 = arith.cmpi eq, %xor3A_1002, %eq3A_1004 : vector<16xi32>
      %select_n3A_1006 = arith.select %eq3A_1005, %select_n3A_949, %gather3A_976 : vector<16xi1>, vector<16xf32>
      %select_n3A_1007 = arith.select %eq3A_1005, %select_n3A_950, %gather3A_986 : vector<16xi1>, vector<16xi32>
      %shift_right_arithmetic3A_1008 = arith.constant 2 : i32
      %shift_right_arithmetic3A_1009 = vector.broadcast %shift_right_arithmetic3A_1008 : i32 to vector<16xi32>
      %shift_right_arithmetic3A_1010 = arith.shrsi %iota3A, %shift_right_arithmetic3A_1009 : vector<16xi32>
      %and3A_1011 = arith.constant 1 : i32
      %and3A_1012 = vector.broadcast %and3A_1011 : i32 to vector<16xi32>
      %and3A_1013 = arith.andi %shift_right_arithmetic3A_1010, %and3A_1012 : vector<16xi32>
      %shift_right_arithmetic3A_1014 = arith.constant 4 : i32
      %shift_right_arithmetic3A_1015 = vector.broadcast %shift_right_arithmetic3A_1014 : i32 to vector<16xi32>
      %shift_right_arithmetic3A_1016 = arith.shrsi %iota3A, %shift_right_arithmetic3A_1015 : vector<16xi32>
      %and3A_1017 = arith.constant 1 : i32
      %and3A_1018 = vector.broadcast %and3A_1017 : i32 to vector<16xi32>
      %and3A_1019 = arith.andi %shift_right_arithmetic3A_1016, %and3A_1018 : vector<16xi32>
      %eq3A_1020 = arith.cmpi eq, %and3A_1013, %and3A_1019 : vector<16xi32>
      %xor3A_1021 = arith.constant 4 : i32
      %xor3A_1022 = vector.broadcast %xor3A_1021 : i32 to vector<16xi32>
      %xor3A_1023 = arith.xori %iota3A, %xor3A_1022 : vector<16xi32>
      %lt3A_1024 = arith.constant 0 : i32
      %lt3A_1025 = vector.broadcast %lt3A_1024 : i32 to vector<16xi32>
      %lt3A_1026 = arith.cmpi slt, %xor3A_1023, %lt3A_1025 : vector<16xi32>
      %add3A_1027 = arith.constant 16 : i32
      %add3A_1028 = vector.broadcast %add3A_1027 : i32 to vector<16xi32>
      %add3A_1029 = arith.addi %xor3A_1023, %add3A_1028 : vector<16xi32>
      %select_n3A_1030 = arith.select %lt3A_1026, %add3A_1029, %xor3A_1023 : vector<16xi1>, vector<16xi32>
      %broadcast_in_dim3A_1031 = vector.shape_cast %select_n3A_1030 : vector<16xi32> to vector<16x1xi32>
      %gather3A_1032 = vector.shape_cast %broadcast_in_dim3A_1031 : vector<16x1xi32> to vector<16xi32>
      %gather3A_1033 = tpu.dynamic_gather %select_n3A_1006[%gather3A_1032] in [0] : vector<16xf32>, vector<16xi32> -> vector<16xf32>
      %lt3A_1034 = arith.constant 0 : i32
      %lt3A_1035 = vector.broadcast %lt3A_1034 : i32 to vector<16xi32>
      %lt3A_1036 = arith.cmpi slt, %xor3A_1023, %lt3A_1035 : vector<16xi32>
      %add3A_1037 = arith.constant 16 : i32
      %add3A_1038 = vector.broadcast %add3A_1037 : i32 to vector<16xi32>
      %add3A_1039 = arith.addi %xor3A_1023, %add3A_1038 : vector<16xi32>
      %select_n3A_1040 = arith.select %lt3A_1036, %add3A_1039, %xor3A_1023 : vector<16xi1>, vector<16xi32>
      %broadcast_in_dim3A_1041 = vector.shape_cast %select_n3A_1040 : vector<16xi32> to vector<16x1xi32>
      %gather3A_1042 = vector.shape_cast %broadcast_in_dim3A_1041 : vector<16x1xi32> to vector<16xi32>
      %gather3A_1043 = tpu.dynamic_gather %select_n3A_1007[%gather3A_1042] in [0] : vector<16xi32>, vector<16xi32> -> vector<16xi32>
      %gt3A_1044 = arith.cmpf ogt, %select_n3A_1006, %gather3A_1033 : vector<16xf32>
      %eq3A_1045 = arith.cmpf oeq, %select_n3A_1006, %gather3A_1033 : vector<16xf32>
      %lt3A_1046 = arith.cmpi slt, %select_n3A_1007, %gather3A_1043 : vector<16xi32>
      %and3A_1047 = arith.andi %eq3A_1045, %lt3A_1046 : vector<16xi1>
      %or3A_1048 = arith.ori %gt3A_1044, %and3A_1047 : vector<16xi1>
      %jit3A_1049 = arith.constant 1 : i32
      %jit3A_1050 = arith.constant 0 : i32
      %broadcast_in_dim3A_1051 = vector.broadcast %jit3A_1049 : i32 to vector<16xi32>
      %broadcast_in_dim3A_1052 = vector.broadcast %jit3A_1050 : i32 to vector<16xi32>
      %select_n3A_1053 = arith.select %or3A_1048, %broadcast_in_dim3A_1051, %broadcast_in_dim3A_1052 : vector<16xi1>, vector<16xi32>
      %jit3A_1054 = arith.constant 1 : i32
      %jit3A_1055 = arith.constant 0 : i32
      %broadcast_in_dim3A_1056 = vector.broadcast %jit3A_1054 : i32 to vector<16xi32>
      %broadcast_in_dim3A_1057 = vector.broadcast %jit3A_1055 : i32 to vector<16xi32>
      %select_n3A_1058 = arith.select %eq3A_1020, %broadcast_in_dim3A_1056, %broadcast_in_dim3A_1057 : vector<16xi1>, vector<16xi32>
      %xor3A_1059 = arith.xori %select_n3A_1053, %select_n3A_1058 : vector<16xi32>
      %eq3A_1060 = arith.constant 0 : i32
      %eq3A_1061 = vector.broadcast %eq3A_1060 : i32 to vector<16xi32>
      %eq3A_1062 = arith.cmpi eq, %xor3A_1059, %eq3A_1061 : vector<16xi32>
      %select_n3A_1063 = arith.select %eq3A_1062, %select_n3A_1006, %gather3A_1033 : vector<16xi1>, vector<16xf32>
      %select_n3A_1064 = arith.select %eq3A_1062, %select_n3A_1007, %gather3A_1043 : vector<16xi1>, vector<16xi32>
      %shift_right_arithmetic3A_1065 = arith.constant 1 : i32
      %shift_right_arithmetic3A_1066 = vector.broadcast %shift_right_arithmetic3A_1065 : i32 to vector<16xi32>
      %shift_right_arithmetic3A_1067 = arith.shrsi %iota3A, %shift_right_arithmetic3A_1066 : vector<16xi32>
      %and3A_1068 = arith.constant 1 : i32
      %and3A_1069 = vector.broadcast %and3A_1068 : i32 to vector<16xi32>
      %and3A_1070 = arith.andi %shift_right_arithmetic3A_1067, %and3A_1069 : vector<16xi32>
      %shift_right_arithmetic3A_1071 = arith.constant 4 : i32
      %shift_right_arithmetic3A_1072 = vector.broadcast %shift_right_arithmetic3A_1071 : i32 to vector<16xi32>
      %shift_right_arithmetic3A_1073 = arith.shrsi %iota3A, %shift_right_arithmetic3A_1072 : vector<16xi32>
      %and3A_1074 = arith.constant 1 : i32
      %and3A_1075 = vector.broadcast %and3A_1074 : i32 to vector<16xi32>
      %and3A_1076 = arith.andi %shift_right_arithmetic3A_1073, %and3A_1075 : vector<16xi32>
      %eq3A_1077 = arith.cmpi eq, %and3A_1070, %and3A_1076 : vector<16xi32>
      %xor3A_1078 = arith.constant 2 : i32
      %xor3A_1079 = vector.broadcast %xor3A_1078 : i32 to vector<16xi32>
      %xor3A_1080 = arith.xori %iota3A, %xor3A_1079 : vector<16xi32>
      %lt3A_1081 = arith.constant 0 : i32
      %lt3A_1082 = vector.broadcast %lt3A_1081 : i32 to vector<16xi32>
      %lt3A_1083 = arith.cmpi slt, %xor3A_1080, %lt3A_1082 : vector<16xi32>
      %add3A_1084 = arith.constant 16 : i32
      %add3A_1085 = vector.broadcast %add3A_1084 : i32 to vector<16xi32>
      %add3A_1086 = arith.addi %xor3A_1080, %add3A_1085 : vector<16xi32>
      %select_n3A_1087 = arith.select %lt3A_1083, %add3A_1086, %xor3A_1080 : vector<16xi1>, vector<16xi32>
      %broadcast_in_dim3A_1088 = vector.shape_cast %select_n3A_1087 : vector<16xi32> to vector<16x1xi32>
      %gather3A_1089 = vector.shape_cast %broadcast_in_dim3A_1088 : vector<16x1xi32> to vector<16xi32>
      %gather3A_1090 = tpu.dynamic_gather %select_n3A_1063[%gather3A_1089] in [0] : vector<16xf32>, vector<16xi32> -> vector<16xf32>
      %lt3A_1091 = arith.constant 0 : i32
      %lt3A_1092 = vector.broadcast %lt3A_1091 : i32 to vector<16xi32>
      %lt3A_1093 = arith.cmpi slt, %xor3A_1080, %lt3A_1092 : vector<16xi32>
      %add3A_1094 = arith.constant 16 : i32
      %add3A_1095 = vector.broadcast %add3A_1094 : i32 to vector<16xi32>
      %add3A_1096 = arith.addi %xor3A_1080, %add3A_1095 : vector<16xi32>
      %select_n3A_1097 = arith.select %lt3A_1093, %add3A_1096, %xor3A_1080 : vector<16xi1>, vector<16xi32>
      %broadcast_in_dim3A_1098 = vector.shape_cast %select_n3A_1097 : vector<16xi32> to vector<16x1xi32>
      %gather3A_1099 = vector.shape_cast %broadcast_in_dim3A_1098 : vector<16x1xi32> to vector<16xi32>
      %gather3A_1100 = tpu.dynamic_gather %select_n3A_1064[%gather3A_1099] in [0] : vector<16xi32>, vector<16xi32> -> vector<16xi32>
      %gt3A_1101 = arith.cmpf ogt, %select_n3A_1063, %gather3A_1090 : vector<16xf32>
      %eq3A_1102 = arith.cmpf oeq, %select_n3A_1063, %gather3A_1090 : vector<16xf32>
      %lt3A_1103 = arith.cmpi slt, %select_n3A_1064, %gather3A_1100 : vector<16xi32>
      %and3A_1104 = arith.andi %eq3A_1102, %lt3A_1103 : vector<16xi1>
      %or3A_1105 = arith.ori %gt3A_1101, %and3A_1104 : vector<16xi1>
      %jit3A_1106 = arith.constant 1 : i32
      %jit3A_1107 = arith.constant 0 : i32
      %broadcast_in_dim3A_1108 = vector.broadcast %jit3A_1106 : i32 to vector<16xi32>
      %broadcast_in_dim3A_1109 = vector.broadcast %jit3A_1107 : i32 to vector<16xi32>
      %select_n3A_1110 = arith.select %or3A_1105, %broadcast_in_dim3A_1108, %broadcast_in_dim3A_1109 : vector<16xi1>, vector<16xi32>
      %jit3A_1111 = arith.constant 1 : i32
      %jit3A_1112 = arith.constant 0 : i32
      %broadcast_in_dim3A_1113 = vector.broadcast %jit3A_1111 : i32 to vector<16xi32>
      %broadcast_in_dim3A_1114 = vector.broadcast %jit3A_1112 : i32 to vector<16xi32>
      %select_n3A_1115 = arith.select %eq3A_1077, %broadcast_in_dim3A_1113, %broadcast_in_dim3A_1114 : vector<16xi1>, vector<16xi32>
      %xor3A_1116 = arith.xori %select_n3A_1110, %select_n3A_1115 : vector<16xi32>
      %eq3A_1117 = arith.constant 0 : i32
      %eq3A_1118 = vector.broadcast %eq3A_1117 : i32 to vector<16xi32>
      %eq3A_1119 = arith.cmpi eq, %xor3A_1116, %eq3A_1118 : vector<16xi32>
      %select_n3A_1120 = arith.select %eq3A_1119, %select_n3A_1063, %gather3A_1090 : vector<16xi1>, vector<16xf32>
      %select_n3A_1121 = arith.select %eq3A_1119, %select_n3A_1064, %gather3A_1100 : vector<16xi1>, vector<16xi32>
      %shift_right_arithmetic3A_1122 = arith.constant 0 : i32
      %shift_right_arithmetic3A_1123 = vector.broadcast %shift_right_arithmetic3A_1122 : i32 to vector<16xi32>
      %shift_right_arithmetic3A_1124 = arith.shrsi %iota3A, %shift_right_arithmetic3A_1123 : vector<16xi32>
      %and3A_1125 = arith.constant 1 : i32
      %and3A_1126 = vector.broadcast %and3A_1125 : i32 to vector<16xi32>
      %and3A_1127 = arith.andi %shift_right_arithmetic3A_1124, %and3A_1126 : vector<16xi32>
      %shift_right_arithmetic3A_1128 = arith.constant 4 : i32
      %shift_right_arithmetic3A_1129 = vector.broadcast %shift_right_arithmetic3A_1128 : i32 to vector<16xi32>
      %shift_right_arithmetic3A_1130 = arith.shrsi %iota3A, %shift_right_arithmetic3A_1129 : vector<16xi32>
      %and3A_1131 = arith.constant 1 : i32
      %and3A_1132 = vector.broadcast %and3A_1131 : i32 to vector<16xi32>
      %and3A_1133 = arith.andi %shift_right_arithmetic3A_1130, %and3A_1132 : vector<16xi32>
      %eq3A_1134 = arith.cmpi eq, %and3A_1127, %and3A_1133 : vector<16xi32>
      %xor3A_1135 = arith.constant 1 : i32
      %xor3A_1136 = vector.broadcast %xor3A_1135 : i32 to vector<16xi32>
      %xor3A_1137 = arith.xori %iota3A, %xor3A_1136 : vector<16xi32>
      %lt3A_1138 = arith.constant 0 : i32
      %lt3A_1139 = vector.broadcast %lt3A_1138 : i32 to vector<16xi32>
      %lt3A_1140 = arith.cmpi slt, %xor3A_1137, %lt3A_1139 : vector<16xi32>
      %add3A_1141 = arith.constant 16 : i32
      %add3A_1142 = vector.broadcast %add3A_1141 : i32 to vector<16xi32>
      %add3A_1143 = arith.addi %xor3A_1137, %add3A_1142 : vector<16xi32>
      %select_n3A_1144 = arith.select %lt3A_1140, %add3A_1143, %xor3A_1137 : vector<16xi1>, vector<16xi32>
      %broadcast_in_dim3A_1145 = vector.shape_cast %select_n3A_1144 : vector<16xi32> to vector<16x1xi32>
      %gather3A_1146 = vector.shape_cast %broadcast_in_dim3A_1145 : vector<16x1xi32> to vector<16xi32>
      %gather3A_1147 = tpu.dynamic_gather %select_n3A_1120[%gather3A_1146] in [0] : vector<16xf32>, vector<16xi32> -> vector<16xf32>
      %lt3A_1148 = arith.constant 0 : i32
      %lt3A_1149 = vector.broadcast %lt3A_1148 : i32 to vector<16xi32>
      %lt3A_1150 = arith.cmpi slt, %xor3A_1137, %lt3A_1149 : vector<16xi32>
      %add3A_1151 = arith.constant 16 : i32
      %add3A_1152 = vector.broadcast %add3A_1151 : i32 to vector<16xi32>
      %add3A_1153 = arith.addi %xor3A_1137, %add3A_1152 : vector<16xi32>
      %select_n3A_1154 = arith.select %lt3A_1150, %add3A_1153, %xor3A_1137 : vector<16xi1>, vector<16xi32>
      %broadcast_in_dim3A_1155 = vector.shape_cast %select_n3A_1154 : vector<16xi32> to vector<16x1xi32>
      %gather3A_1156 = vector.shape_cast %broadcast_in_dim3A_1155 : vector<16x1xi32> to vector<16xi32>
      %gather3A_1157 = tpu.dynamic_gather %select_n3A_1121[%gather3A_1156] in [0] : vector<16xi32>, vector<16xi32> -> vector<16xi32>
      %gt3A_1158 = arith.cmpf ogt, %select_n3A_1120, %gather3A_1147 : vector<16xf32>
      %eq3A_1159 = arith.cmpf oeq, %select_n3A_1120, %gather3A_1147 : vector<16xf32>
      %lt3A_1160 = arith.cmpi slt, %select_n3A_1121, %gather3A_1157 : vector<16xi32>
      %and3A_1161 = arith.andi %eq3A_1159, %lt3A_1160 : vector<16xi1>
      %or3A_1162 = arith.ori %gt3A_1158, %and3A_1161 : vector<16xi1>
      %jit3A_1163 = arith.constant 1 : i32
      %jit3A_1164 = arith.constant 0 : i32
      %broadcast_in_dim3A_1165 = vector.broadcast %jit3A_1163 : i32 to vector<16xi32>
      %broadcast_in_dim3A_1166 = vector.broadcast %jit3A_1164 : i32 to vector<16xi32>
      %select_n3A_1167 = arith.select %or3A_1162, %broadcast_in_dim3A_1165, %broadcast_in_dim3A_1166 : vector<16xi1>, vector<16xi32>
      %jit3A_1168 = arith.constant 1 : i32
      %jit3A_1169 = arith.constant 0 : i32
      %broadcast_in_dim3A_1170 = vector.broadcast %jit3A_1168 : i32 to vector<16xi32>
      %broadcast_in_dim3A_1171 = vector.broadcast %jit3A_1169 : i32 to vector<16xi32>
      %select_n3A_1172 = arith.select %eq3A_1134, %broadcast_in_dim3A_1170, %broadcast_in_dim3A_1171 : vector<16xi1>, vector<16xi32>
      %xor3A_1173 = arith.xori %select_n3A_1167, %select_n3A_1172 : vector<16xi32>
      %eq3A_1174 = arith.constant 0 : i32
      %eq3A_1175 = vector.broadcast %eq3A_1174 : i32 to vector<16xi32>
      %eq3A_1176 = arith.cmpi eq, %xor3A_1173, %eq3A_1175 : vector<16xi32>
      %select_n3A_1177 = arith.select %eq3A_1176, %select_n3A_1120, %gather3A_1147 : vector<16xi1>, vector<16xf32>
      %select_n3A_1178 = arith.select %eq3A_1176, %select_n3A_1121, %gather3A_1157 : vector<16xi1>, vector<16xi32>
      %add3A_1179 = arith.constant 32 : i32
      %add3A_1180 = arith.addi %mul3A_29, %add3A_1179 : i32
      %get3A_1181 = arith.index_cast %add3A_1180 : i32 to index
      %get3A_1182 = tpu.vector_load %arg14[%get3A_1181] {strides = array<i32>} : memref<640xf32, #tpu.memory_space<vmem>>, vector<16xf32>,
      %get3A_1183 = vector.shape_cast %get3A_1182 : vector<16xf32> to vector<16xf32>
      %add3A_1184 = arith.addi %mul3A_2, %mul3A_29 : i32
      %add3A_1185 = arith.constant 32 : i32
      %add3A_1186 = arith.addi %add3A_1184, %add3A_1185 : i32
      %add3A_1187 = vector.broadcast %add3A_1186 : i32 to vector<16xi32>
      %add3A_1188 = arith.addi %add3A_1187, %iota3A : vector<16xi32>
      %shift_right_arithmetic3A_1189 = arith.constant 0 : i32
      %shift_right_arithmetic3A_1190 = vector.broadcast %shift_right_arithmetic3A_1189 : i32 to vector<16xi32>
      %shift_right_arithmetic3A_1191 = arith.shrsi %iota3A, %shift_right_arithmetic3A_1190 : vector<16xi32>
      %and3A_1192 = arith.constant 1 : i32
      %and3A_1193 = vector.broadcast %and3A_1192 : i32 to vector<16xi32>
      %and3A_1194 = arith.andi %shift_right_arithmetic3A_1191, %and3A_1193 : vector<16xi32>
      %shift_right_arithmetic3A_1195 = arith.constant 1 : i32
      %shift_right_arithmetic3A_1196 = vector.broadcast %shift_right_arithmetic3A_1195 : i32 to vector<16xi32>
      %shift_right_arithmetic3A_1197 = arith.shrsi %iota3A, %shift_right_arithmetic3A_1196 : vector<16xi32>
      %and3A_1198 = arith.constant 1 : i32
      %and3A_1199 = vector.broadcast %and3A_1198 : i32 to vector<16xi32>
      %and3A_1200 = arith.andi %shift_right_arithmetic3A_1197, %and3A_1199 : vector<16xi32>
      %eq3A_1201 = arith.cmpi eq, %and3A_1194, %and3A_1200 : vector<16xi32>
      %xor3A_1202 = arith.constant 1 : i32
      %xor3A_1203 = vector.broadcast %xor3A_1202 : i32 to vector<16xi32>
      %xor3A_1204 = arith.xori %iota3A, %xor3A_1203 : vector<16xi32>
      %lt3A_1205 = arith.constant 0 : i32
      %lt3A_1206 = vector.broadcast %lt3A_1205 : i32 to vector<16xi32>
      %lt3A_1207 = arith.cmpi slt, %xor3A_1204, %lt3A_1206 : vector<16xi32>
      %add3A_1208 = arith.constant 16 : i32
      %add3A_1209 = vector.broadcast %add3A_1208 : i32 to vector<16xi32>
      %add3A_1210 = arith.addi %xor3A_1204, %add3A_1209 : vector<16xi32>
      %select_n3A_1211 = arith.select %lt3A_1207, %add3A_1210, %xor3A_1204 : vector<16xi1>, vector<16xi32>
      %broadcast_in_dim3A_1212 = vector.shape_cast %select_n3A_1211 : vector<16xi32> to vector<16x1xi32>
      %gather3A_1213 = vector.shape_cast %broadcast_in_dim3A_1212 : vector<16x1xi32> to vector<16xi32>
      %gather3A_1214 = tpu.dynamic_gather %get3A_1183[%gather3A_1213] in [0] : vector<16xf32>, vector<16xi32> -> vector<16xf32>
      %lt3A_1215 = arith.constant 0 : i32
      %lt3A_1216 = vector.broadcast %lt3A_1215 : i32 to vector<16xi32>
      %lt3A_1217 = arith.cmpi slt, %xor3A_1204, %lt3A_1216 : vector<16xi32>
      %add3A_1218 = arith.constant 16 : i32
      %add3A_1219 = vector.broadcast %add3A_1218 : i32 to vector<16xi32>
      %add3A_1220 = arith.addi %xor3A_1204, %add3A_1219 : vector<16xi32>
      %select_n3A_1221 = arith.select %lt3A_1217, %add3A_1220, %xor3A_1204 : vector<16xi1>, vector<16xi32>
      %broadcast_in_dim3A_1222 = vector.shape_cast %select_n3A_1221 : vector<16xi32> to vector<16x1xi32>
      %gather3A_1223 = vector.shape_cast %broadcast_in_dim3A_1222 : vector<16x1xi32> to vector<16xi32>
      %gather3A_1224 = tpu.dynamic_gather %add3A_1188[%gather3A_1223] in [0] : vector<16xi32>, vector<16xi32> -> vector<16xi32>
      %gt3A_1225 = arith.cmpf ogt, %get3A_1183, %gather3A_1214 : vector<16xf32>
      %eq3A_1226 = arith.cmpf oeq, %get3A_1183, %gather3A_1214 : vector<16xf32>
      %lt3A_1227 = arith.cmpi slt, %add3A_1188, %gather3A_1224 : vector<16xi32>
      %and3A_1228 = arith.andi %eq3A_1226, %lt3A_1227 : vector<16xi1>
      %or3A_1229 = arith.ori %gt3A_1225, %and3A_1228 : vector<16xi1>
      %jit3A_1230 = arith.constant 1 : i32
      %jit3A_1231 = arith.constant 0 : i32
      %broadcast_in_dim3A_1232 = vector.broadcast %jit3A_1230 : i32 to vector<16xi32>
      %broadcast_in_dim3A_1233 = vector.broadcast %jit3A_1231 : i32 to vector<16xi32>
      %select_n3A_1234 = arith.select %or3A_1229, %broadcast_in_dim3A_1232, %broadcast_in_dim3A_1233 : vector<16xi1>, vector<16xi32>
      %jit3A_1235 = arith.constant 1 : i32
      %jit3A_1236 = arith.constant 0 : i32
      %broadcast_in_dim3A_1237 = vector.broadcast %jit3A_1235 : i32 to vector<16xi32>
      %broadcast_in_dim3A_1238 = vector.broadcast %jit3A_1236 : i32 to vector<16xi32>
      %select_n3A_1239 = arith.select %eq3A_1201, %broadcast_in_dim3A_1237, %broadcast_in_dim3A_1238 : vector<16xi1>, vector<16xi32>
      %xor3A_1240 = arith.xori %select_n3A_1234, %select_n3A_1239 : vector<16xi32>
      %eq3A_1241 = arith.constant 0 : i32
      %eq3A_1242 = vector.broadcast %eq3A_1241 : i32 to vector<16xi32>
      %eq3A_1243 = arith.cmpi eq, %xor3A_1240, %eq3A_1242 : vector<16xi32>
      %select_n3A_1244 = arith.select %eq3A_1243, %get3A_1183, %gather3A_1214 : vector<16xi1>, vector<16xf32>
      %select_n3A_1245 = arith.select %eq3A_1243, %add3A_1188, %gather3A_1224 : vector<16xi1>, vector<16xi32>
      %shift_right_arithmetic3A_1246 = arith.constant 1 : i32
      %shift_right_arithmetic3A_1247 = vector.broadcast %shift_right_arithmetic3A_1246 : i32 to vector<16xi32>
      %shift_right_arithmetic3A_1248 = arith.shrsi %iota3A, %shift_right_arithmetic3A_1247 : vector<16xi32>
      %and3A_1249 = arith.constant 1 : i32
      %and3A_1250 = vector.broadcast %and3A_1249 : i32 to vector<16xi32>
      %and3A_1251 = arith.andi %shift_right_arithmetic3A_1248, %and3A_1250 : vector<16xi32>
      %shift_right_arithmetic3A_1252 = arith.constant 2 : i32
      %shift_right_arithmetic3A_1253 = vector.broadcast %shift_right_arithmetic3A_1252 : i32 to vector<16xi32>
      %shift_right_arithmetic3A_1254 = arith.shrsi %iota3A, %shift_right_arithmetic3A_1253 : vector<16xi32>
      %and3A_1255 = arith.constant 1 : i32
      %and3A_1256 = vector.broadcast %and3A_1255 : i32 to vector<16xi32>
      %and3A_1257 = arith.andi %shift_right_arithmetic3A_1254, %and3A_1256 : vector<16xi32>
      %eq3A_1258 = arith.cmpi eq, %and3A_1251, %and3A_1257 : vector<16xi32>
      %xor3A_1259 = arith.constant 2 : i32
      %xor3A_1260 = vector.broadcast %xor3A_1259 : i32 to vector<16xi32>
      %xor3A_1261 = arith.xori %iota3A, %xor3A_1260 : vector<16xi32>
      %lt3A_1262 = arith.constant 0 : i32
      %lt3A_1263 = vector.broadcast %lt3A_1262 : i32 to vector<16xi32>
      %lt3A_1264 = arith.cmpi slt, %xor3A_1261, %lt3A_1263 : vector<16xi32>
      %add3A_1265 = arith.constant 16 : i32
      %add3A_1266 = vector.broadcast %add3A_1265 : i32 to vector<16xi32>
      %add3A_1267 = arith.addi %xor3A_1261, %add3A_1266 : vector<16xi32>
      %select_n3A_1268 = arith.select %lt3A_1264, %add3A_1267, %xor3A_1261 : vector<16xi1>, vector<16xi32>
      %broadcast_in_dim3A_1269 = vector.shape_cast %select_n3A_1268 : vector<16xi32> to vector<16x1xi32>
      %gather3A_1270 = vector.shape_cast %broadcast_in_dim3A_1269 : vector<16x1xi32> to vector<16xi32>
      %gather3A_1271 = tpu.dynamic_gather %select_n3A_1244[%gather3A_1270] in [0] : vector<16xf32>, vector<16xi32> -> vector<16xf32>
      %lt3A_1272 = arith.constant 0 : i32
      %lt3A_1273 = vector.broadcast %lt3A_1272 : i32 to vector<16xi32>
      %lt3A_1274 = arith.cmpi slt, %xor3A_1261, %lt3A_1273 : vector<16xi32>
      %add3A_1275 = arith.constant 16 : i32
      %add3A_1276 = vector.broadcast %add3A_1275 : i32 to vector<16xi32>
      %add3A_1277 = arith.addi %xor3A_1261, %add3A_1276 : vector<16xi32>
      %select_n3A_1278 = arith.select %lt3A_1274, %add3A_1277, %xor3A_1261 : vector<16xi1>, vector<16xi32>
      %broadcast_in_dim3A_1279 = vector.shape_cast %select_n3A_1278 : vector<16xi32> to vector<16x1xi32>
      %gather3A_1280 = vector.shape_cast %broadcast_in_dim3A_1279 : vector<16x1xi32> to vector<16xi32>
      %gather3A_1281 = tpu.dynamic_gather %select_n3A_1245[%gather3A_1280] in [0] : vector<16xi32>, vector<16xi32> -> vector<16xi32>
      %gt3A_1282 = arith.cmpf ogt, %select_n3A_1244, %gather3A_1271 : vector<16xf32>
      %eq3A_1283 = arith.cmpf oeq, %select_n3A_1244, %gather3A_1271 : vector<16xf32>
      %lt3A_1284 = arith.cmpi slt, %select_n3A_1245, %gather3A_1281 : vector<16xi32>
      %and3A_1285 = arith.andi %eq3A_1283, %lt3A_1284 : vector<16xi1>
      %or3A_1286 = arith.ori %gt3A_1282, %and3A_1285 : vector<16xi1>
      %jit3A_1287 = arith.constant 1 : i32
      %jit3A_1288 = arith.constant 0 : i32
      %broadcast_in_dim3A_1289 = vector.broadcast %jit3A_1287 : i32 to vector<16xi32>
      %broadcast_in_dim3A_1290 = vector.broadcast %jit3A_1288 : i32 to vector<16xi32>
      %select_n3A_1291 = arith.select %or3A_1286, %broadcast_in_dim3A_1289, %broadcast_in_dim3A_1290 : vector<16xi1>, vector<16xi32>
      %jit3A_1292 = arith.constant 1 : i32
      %jit3A_1293 = arith.constant 0 : i32
      %broadcast_in_dim3A_1294 = vector.broadcast %jit3A_1292 : i32 to vector<16xi32>
      %broadcast_in_dim3A_1295 = vector.broadcast %jit3A_1293 : i32 to vector<16xi32>
      %select_n3A_1296 = arith.select %eq3A_1258, %broadcast_in_dim3A_1294, %broadcast_in_dim3A_1295 : vector<16xi1>, vector<16xi32>
      %xor3A_1297 = arith.xori %select_n3A_1291, %select_n3A_1296 : vector<16xi32>
      %eq3A_1298 = arith.constant 0 : i32
      %eq3A_1299 = vector.broadcast %eq3A_1298 : i32 to vector<16xi32>
      %eq3A_1300 = arith.cmpi eq, %xor3A_1297, %eq3A_1299 : vector<16xi32>
      %select_n3A_1301 = arith.select %eq3A_1300, %select_n3A_1244, %gather3A_1271 : vector<16xi1>, vector<16xf32>
      %select_n3A_1302 = arith.select %eq3A_1300, %select_n3A_1245, %gather3A_1281 : vector<16xi1>, vector<16xi32>
      %shift_right_arithmetic3A_1303 = arith.constant 0 : i32
      %shift_right_arithmetic3A_1304 = vector.broadcast %shift_right_arithmetic3A_1303 : i32 to vector<16xi32>
      %shift_right_arithmetic3A_1305 = arith.shrsi %iota3A, %shift_right_arithmetic3A_1304 : vector<16xi32>
      %and3A_1306 = arith.constant 1 : i32
      %and3A_1307 = vector.broadcast %and3A_1306 : i32 to vector<16xi32>
      %and3A_1308 = arith.andi %shift_right_arithmetic3A_1305, %and3A_1307 : vector<16xi32>
      %shift_right_arithmetic3A_1309 = arith.constant 2 : i32
      %shift_right_arithmetic3A_1310 = vector.broadcast %shift_right_arithmetic3A_1309 : i32 to vector<16xi32>
      %shift_right_arithmetic3A_1311 = arith.shrsi %iota3A, %shift_right_arithmetic3A_1310 : vector<16xi32>
      %and3A_1312 = arith.constant 1 : i32
      %and3A_1313 = vector.broadcast %and3A_1312 : i32 to vector<16xi32>
      %and3A_1314 = arith.andi %shift_right_arithmetic3A_1311, %and3A_1313 : vector<16xi32>
      %eq3A_1315 = arith.cmpi eq, %and3A_1308, %and3A_1314 : vector<16xi32>
      %xor3A_1316 = arith.constant 1 : i32
      %xor3A_1317 = vector.broadcast %xor3A_1316 : i32 to vector<16xi32>
      %xor3A_1318 = arith.xori %iota3A, %xor3A_1317 : vector<16xi32>
      %lt3A_1319 = arith.constant 0 : i32
      %lt3A_1320 = vector.broadcast %lt3A_1319 : i32 to vector<16xi32>
      %lt3A_1321 = arith.cmpi slt, %xor3A_1318, %lt3A_1320 : vector<16xi32>
      %add3A_1322 = arith.constant 16 : i32
      %add3A_1323 = vector.broadcast %add3A_1322 : i32 to vector<16xi32>
      %add3A_1324 = arith.addi %xor3A_1318, %add3A_1323 : vector<16xi32>
      %select_n3A_1325 = arith.select %lt3A_1321, %add3A_1324, %xor3A_1318 : vector<16xi1>, vector<16xi32>
      %broadcast_in_dim3A_1326 = vector.shape_cast %select_n3A_1325 : vector<16xi32> to vector<16x1xi32>
      %gather3A_1327 = vector.shape_cast %broadcast_in_dim3A_1326 : vector<16x1xi32> to vector<16xi32>
      %gather3A_1328 = tpu.dynamic_gather %select_n3A_1301[%gather3A_1327] in [0] : vector<16xf32>, vector<16xi32> -> vector<16xf32>
      %lt3A_1329 = arith.constant 0 : i32
      %lt3A_1330 = vector.broadcast %lt3A_1329 : i32 to vector<16xi32>
      %lt3A_1331 = arith.cmpi slt, %xor3A_1318, %lt3A_1330 : vector<16xi32>
      %add3A_1332 = arith.constant 16 : i32
      %add3A_1333 = vector.broadcast %add3A_1332 : i32 to vector<16xi32>
      %add3A_1334 = arith.addi %xor3A_1318, %add3A_1333 : vector<16xi32>
      %select_n3A_1335 = arith.select %lt3A_1331, %add3A_1334, %xor3A_1318 : vector<16xi1>, vector<16xi32>
      %broadcast_in_dim3A_1336 = vector.shape_cast %select_n3A_1335 : vector<16xi32> to vector<16x1xi32>
      %gather3A_1337 = vector.shape_cast %broadcast_in_dim3A_1336 : vector<16x1xi32> to vector<16xi32>
      %gather3A_1338 = tpu.dynamic_gather %select_n3A_1302[%gather3A_1337] in [0] : vector<16xi32>, vector<16xi32> -> vector<16xi32>
      %gt3A_1339 = arith.cmpf ogt, %select_n3A_1301, %gather3A_1328 : vector<16xf32>
      %eq3A_1340 = arith.cmpf oeq, %select_n3A_1301, %gather3A_1328 : vector<16xf32>
      %lt3A_1341 = arith.cmpi slt, %select_n3A_1302, %gather3A_1338 : vector<16xi32>
      %and3A_1342 = arith.andi %eq3A_1340, %lt3A_1341 : vector<16xi1>
      %or3A_1343 = arith.ori %gt3A_1339, %and3A_1342 : vector<16xi1>
      %jit3A_1344 = arith.constant 1 : i32
      %jit3A_1345 = arith.constant 0 : i32
      %broadcast_in_dim3A_1346 = vector.broadcast %jit3A_1344 : i32 to vector<16xi32>
      %broadcast_in_dim3A_1347 = vector.broadcast %jit3A_1345 : i32 to vector<16xi32>
      %select_n3A_1348 = arith.select %or3A_1343, %broadcast_in_dim3A_1346, %broadcast_in_dim3A_1347 : vector<16xi1>, vector<16xi32>
      %jit3A_1349 = arith.constant 1 : i32
      %jit3A_1350 = arith.constant 0 : i32
      %broadcast_in_dim3A_1351 = vector.broadcast %jit3A_1349 : i32 to vector<16xi32>
      %broadcast_in_dim3A_1352 = vector.broadcast %jit3A_1350 : i32 to vector<16xi32>
      %select_n3A_1353 = arith.select %eq3A_1315, %broadcast_in_dim3A_1351, %broadcast_in_dim3A_1352 : vector<16xi1>, vector<16xi32>
      %xor3A_1354 = arith.xori %select_n3A_1348, %select_n3A_1353 : vector<16xi32>
      %eq3A_1355 = arith.constant 0 : i32
      %eq3A_1356 = vector.broadcast %eq3A_1355 : i32 to vector<16xi32>
      %eq3A_1357 = arith.cmpi eq, %xor3A_1354, %eq3A_1356 : vector<16xi32>
      %select_n3A_1358 = arith.select %eq3A_1357, %select_n3A_1301, %gather3A_1328 : vector<16xi1>, vector<16xf32>
      %select_n3A_1359 = arith.select %eq3A_1357, %select_n3A_1302, %gather3A_1338 : vector<16xi1>, vector<16xi32>
      %shift_right_arithmetic3A_1360 = arith.constant 2 : i32
      %shift_right_arithmetic3A_1361 = vector.broadcast %shift_right_arithmetic3A_1360 : i32 to vector<16xi32>
      %shift_right_arithmetic3A_1362 = arith.shrsi %iota3A, %shift_right_arithmetic3A_1361 : vector<16xi32>
      %and3A_1363 = arith.constant 1 : i32
      %and3A_1364 = vector.broadcast %and3A_1363 : i32 to vector<16xi32>
      %and3A_1365 = arith.andi %shift_right_arithmetic3A_1362, %and3A_1364 : vector<16xi32>
      %shift_right_arithmetic3A_1366 = arith.constant 3 : i32
      %shift_right_arithmetic3A_1367 = vector.broadcast %shift_right_arithmetic3A_1366 : i32 to vector<16xi32>
      %shift_right_arithmetic3A_1368 = arith.shrsi %iota3A, %shift_right_arithmetic3A_1367 : vector<16xi32>
      %and3A_1369 = arith.constant 1 : i32
      %and3A_1370 = vector.broadcast %and3A_1369 : i32 to vector<16xi32>
      %and3A_1371 = arith.andi %shift_right_arithmetic3A_1368, %and3A_1370 : vector<16xi32>
      %eq3A_1372 = arith.cmpi eq, %and3A_1365, %and3A_1371 : vector<16xi32>
      %xor3A_1373 = arith.constant 4 : i32
      %xor3A_1374 = vector.broadcast %xor3A_1373 : i32 to vector<16xi32>
      %xor3A_1375 = arith.xori %iota3A, %xor3A_1374 : vector<16xi32>
      %lt3A_1376 = arith.constant 0 : i32
      %lt3A_1377 = vector.broadcast %lt3A_1376 : i32 to vector<16xi32>
      %lt3A_1378 = arith.cmpi slt, %xor3A_1375, %lt3A_1377 : vector<16xi32>
      %add3A_1379 = arith.constant 16 : i32
      %add3A_1380 = vector.broadcast %add3A_1379 : i32 to vector<16xi32>
      %add3A_1381 = arith.addi %xor3A_1375, %add3A_1380 : vector<16xi32>
      %select_n3A_1382 = arith.select %lt3A_1378, %add3A_1381, %xor3A_1375 : vector<16xi1>, vector<16xi32>
      %broadcast_in_dim3A_1383 = vector.shape_cast %select_n3A_1382 : vector<16xi32> to vector<16x1xi32>
      %gather3A_1384 = vector.shape_cast %broadcast_in_dim3A_1383 : vector<16x1xi32> to vector<16xi32>
      %gather3A_1385 = tpu.dynamic_gather %select_n3A_1358[%gather3A_1384] in [0] : vector<16xf32>, vector<16xi32> -> vector<16xf32>
      %lt3A_1386 = arith.constant 0 : i32
      %lt3A_1387 = vector.broadcast %lt3A_1386 : i32 to vector<16xi32>
      %lt3A_1388 = arith.cmpi slt, %xor3A_1375, %lt3A_1387 : vector<16xi32>
      %add3A_1389 = arith.constant 16 : i32
      %add3A_1390 = vector.broadcast %add3A_1389 : i32 to vector<16xi32>
      %add3A_1391 = arith.addi %xor3A_1375, %add3A_1390 : vector<16xi32>
      %select_n3A_1392 = arith.select %lt3A_1388, %add3A_1391, %xor3A_1375 : vector<16xi1>, vector<16xi32>
      %broadcast_in_dim3A_1393 = vector.shape_cast %select_n3A_1392 : vector<16xi32> to vector<16x1xi32>
      %gather3A_1394 = vector.shape_cast %broadcast_in_dim3A_1393 : vector<16x1xi32> to vector<16xi32>
      %gather3A_1395 = tpu.dynamic_gather %select_n3A_1359[%gather3A_1394] in [0] : vector<16xi32>, vector<16xi32> -> vector<16xi32>
      %gt3A_1396 = arith.cmpf ogt, %select_n3A_1358, %gather3A_1385 : vector<16xf32>
      %eq3A_1397 = arith.cmpf oeq, %select_n3A_1358, %gather3A_1385 : vector<16xf32>
      %lt3A_1398 = arith.cmpi slt, %select_n3A_1359, %gather3A_1395 : vector<16xi32>
      %and3A_1399 = arith.andi %eq3A_1397, %lt3A_1398 : vector<16xi1>
      %or3A_1400 = arith.ori %gt3A_1396, %and3A_1399 : vector<16xi1>
      %jit3A_1401 = arith.constant 1 : i32
      %jit3A_1402 = arith.constant 0 : i32
      %broadcast_in_dim3A_1403 = vector.broadcast %jit3A_1401 : i32 to vector<16xi32>
      %broadcast_in_dim3A_1404 = vector.broadcast %jit3A_1402 : i32 to vector<16xi32>
      %select_n3A_1405 = arith.select %or3A_1400, %broadcast_in_dim3A_1403, %broadcast_in_dim3A_1404 : vector<16xi1>, vector<16xi32>
      %jit3A_1406 = arith.constant 1 : i32
      %jit3A_1407 = arith.constant 0 : i32
      %broadcast_in_dim3A_1408 = vector.broadcast %jit3A_1406 : i32 to vector<16xi32>
      %broadcast_in_dim3A_1409 = vector.broadcast %jit3A_1407 : i32 to vector<16xi32>
      %select_n3A_1410 = arith.select %eq3A_1372, %broadcast_in_dim3A_1408, %broadcast_in_dim3A_1409 : vector<16xi1>, vector<16xi32>
      %xor3A_1411 = arith.xori %select_n3A_1405, %select_n3A_1410 : vector<16xi32>
      %eq3A_1412 = arith.constant 0 : i32
      %eq3A_1413 = vector.broadcast %eq3A_1412 : i32 to vector<16xi32>
      %eq3A_1414 = arith.cmpi eq, %xor3A_1411, %eq3A_1413 : vector<16xi32>
      %select_n3A_1415 = arith.select %eq3A_1414, %select_n3A_1358, %gather3A_1385 : vector<16xi1>, vector<16xf32>
      %select_n3A_1416 = arith.select %eq3A_1414, %select_n3A_1359, %gather3A_1395 : vector<16xi1>, vector<16xi32>
      %shift_right_arithmetic3A_1417 = arith.constant 1 : i32
      %shift_right_arithmetic3A_1418 = vector.broadcast %shift_right_arithmetic3A_1417 : i32 to vector<16xi32>
      %shift_right_arithmetic3A_1419 = arith.shrsi %iota3A, %shift_right_arithmetic3A_1418 : vector<16xi32>
      %and3A_1420 = arith.constant 1 : i32
      %and3A_1421 = vector.broadcast %and3A_1420 : i32 to vector<16xi32>
      %and3A_1422 = arith.andi %shift_right_arithmetic3A_1419, %and3A_1421 : vector<16xi32>
      %shift_right_arithmetic3A_1423 = arith.constant 3 : i32
      %shift_right_arithmetic3A_1424 = vector.broadcast %shift_right_arithmetic3A_1423 : i32 to vector<16xi32>
      %shift_right_arithmetic3A_1425 = arith.shrsi %iota3A, %shift_right_arithmetic3A_1424 : vector<16xi32>
      %and3A_1426 = arith.constant 1 : i32
      %and3A_1427 = vector.broadcast %and3A_1426 : i32 to vector<16xi32>
      %and3A_1428 = arith.andi %shift_right_arithmetic3A_1425, %and3A_1427 : vector<16xi32>
      %eq3A_1429 = arith.cmpi eq, %and3A_1422, %and3A_1428 : vector<16xi32>
      %xor3A_1430 = arith.constant 2 : i32
      %xor3A_1431 = vector.broadcast %xor3A_1430 : i32 to vector<16xi32>
      %xor3A_1432 = arith.xori %iota3A, %xor3A_1431 : vector<16xi32>
      %lt3A_1433 = arith.constant 0 : i32
      %lt3A_1434 = vector.broadcast %lt3A_1433 : i32 to vector<16xi32>
      %lt3A_1435 = arith.cmpi slt, %xor3A_1432, %lt3A_1434 : vector<16xi32>
      %add3A_1436 = arith.constant 16 : i32
      %add3A_1437 = vector.broadcast %add3A_1436 : i32 to vector<16xi32>
      %add3A_1438 = arith.addi %xor3A_1432, %add3A_1437 : vector<16xi32>
      %select_n3A_1439 = arith.select %lt3A_1435, %add3A_1438, %xor3A_1432 : vector<16xi1>, vector<16xi32>
      %broadcast_in_dim3A_1440 = vector.shape_cast %select_n3A_1439 : vector<16xi32> to vector<16x1xi32>
      %gather3A_1441 = vector.shape_cast %broadcast_in_dim3A_1440 : vector<16x1xi32> to vector<16xi32>
      %gather3A_1442 = tpu.dynamic_gather %select_n3A_1415[%gather3A_1441] in [0] : vector<16xf32>, vector<16xi32> -> vector<16xf32>
      %lt3A_1443 = arith.constant 0 : i32
      %lt3A_1444 = vector.broadcast %lt3A_1443 : i32 to vector<16xi32>
      %lt3A_1445 = arith.cmpi slt, %xor3A_1432, %lt3A_1444 : vector<16xi32>
      %add3A_1446 = arith.constant 16 : i32
      %add3A_1447 = vector.broadcast %add3A_1446 : i32 to vector<16xi32>
      %add3A_1448 = arith.addi %xor3A_1432, %add3A_1447 : vector<16xi32>
      %select_n3A_1449 = arith.select %lt3A_1445, %add3A_1448, %xor3A_1432 : vector<16xi1>, vector<16xi32>
      %broadcast_in_dim3A_1450 = vector.shape_cast %select_n3A_1449 : vector<16xi32> to vector<16x1xi32>
      %gather3A_1451 = vector.shape_cast %broadcast_in_dim3A_1450 : vector<16x1xi32> to vector<16xi32>
      %gather3A_1452 = tpu.dynamic_gather %select_n3A_1416[%gather3A_1451] in [0] : vector<16xi32>, vector<16xi32> -> vector<16xi32>
      %gt3A_1453 = arith.cmpf ogt, %select_n3A_1415, %gather3A_1442 : vector<16xf32>
      %eq3A_1454 = arith.cmpf oeq, %select_n3A_1415, %gather3A_1442 : vector<16xf32>
      %lt3A_1455 = arith.cmpi slt, %select_n3A_1416, %gather3A_1452 : vector<16xi32>
      %and3A_1456 = arith.andi %eq3A_1454, %lt3A_1455 : vector<16xi1>
      %or3A_1457 = arith.ori %gt3A_1453, %and3A_1456 : vector<16xi1>
      %jit3A_1458 = arith.constant 1 : i32
      %jit3A_1459 = arith.constant 0 : i32
      %broadcast_in_dim3A_1460 = vector.broadcast %jit3A_1458 : i32 to vector<16xi32>
      %broadcast_in_dim3A_1461 = vector.broadcast %jit3A_1459 : i32 to vector<16xi32>
      %select_n3A_1462 = arith.select %or3A_1457, %broadcast_in_dim3A_1460, %broadcast_in_dim3A_1461 : vector<16xi1>, vector<16xi32>
      %jit3A_1463 = arith.constant 1 : i32
      %jit3A_1464 = arith.constant 0 : i32
      %broadcast_in_dim3A_1465 = vector.broadcast %jit3A_1463 : i32 to vector<16xi32>
      %broadcast_in_dim3A_1466 = vector.broadcast %jit3A_1464 : i32 to vector<16xi32>
      %select_n3A_1467 = arith.select %eq3A_1429, %broadcast_in_dim3A_1465, %broadcast_in_dim3A_1466 : vector<16xi1>, vector<16xi32>
      %xor3A_1468 = arith.xori %select_n3A_1462, %select_n3A_1467 : vector<16xi32>
      %eq3A_1469 = arith.constant 0 : i32
      %eq3A_1470 = vector.broadcast %eq3A_1469 : i32 to vector<16xi32>
      %eq3A_1471 = arith.cmpi eq, %xor3A_1468, %eq3A_1470 : vector<16xi32>
      %select_n3A_1472 = arith.select %eq3A_1471, %select_n3A_1415, %gather3A_1442 : vector<16xi1>, vector<16xf32>
      %select_n3A_1473 = arith.select %eq3A_1471, %select_n3A_1416, %gather3A_1452 : vector<16xi1>, vector<16xi32>
      %shift_right_arithmetic3A_1474 = arith.constant 0 : i32
      %shift_right_arithmetic3A_1475 = vector.broadcast %shift_right_arithmetic3A_1474 : i32 to vector<16xi32>
      %shift_right_arithmetic3A_1476 = arith.shrsi %iota3A, %shift_right_arithmetic3A_1475 : vector<16xi32>
      %and3A_1477 = arith.constant 1 : i32
      %and3A_1478 = vector.broadcast %and3A_1477 : i32 to vector<16xi32>
      %and3A_1479 = arith.andi %shift_right_arithmetic3A_1476, %and3A_1478 : vector<16xi32>
      %shift_right_arithmetic3A_1480 = arith.constant 3 : i32
      %shift_right_arithmetic3A_1481 = vector.broadcast %shift_right_arithmetic3A_1480 : i32 to vector<16xi32>
      %shift_right_arithmetic3A_1482 = arith.shrsi %iota3A, %shift_right_arithmetic3A_1481 : vector<16xi32>
      %and3A_1483 = arith.constant 1 : i32
      %and3A_1484 = vector.broadcast %and3A_1483 : i32 to vector<16xi32>
      %and3A_1485 = arith.andi %shift_right_arithmetic3A_1482, %and3A_1484 : vector<16xi32>
      %eq3A_1486 = arith.cmpi eq, %and3A_1479, %and3A_1485 : vector<16xi32>
      %xor3A_1487 = arith.constant 1 : i32
      %xor3A_1488 = vector.broadcast %xor3A_1487 : i32 to vector<16xi32>
      %xor3A_1489 = arith.xori %iota3A, %xor3A_1488 : vector<16xi32>
      %lt3A_1490 = arith.constant 0 : i32
      %lt3A_1491 = vector.broadcast %lt3A_1490 : i32 to vector<16xi32>
      %lt3A_1492 = arith.cmpi slt, %xor3A_1489, %lt3A_1491 : vector<16xi32>
      %add3A_1493 = arith.constant 16 : i32
      %add3A_1494 = vector.broadcast %add3A_1493 : i32 to vector<16xi32>
      %add3A_1495 = arith.addi %xor3A_1489, %add3A_1494 : vector<16xi32>
      %select_n3A_1496 = arith.select %lt3A_1492, %add3A_1495, %xor3A_1489 : vector<16xi1>, vector<16xi32>
      %broadcast_in_dim3A_1497 = vector.shape_cast %select_n3A_1496 : vector<16xi32> to vector<16x1xi32>
      %gather3A_1498 = vector.shape_cast %broadcast_in_dim3A_1497 : vector<16x1xi32> to vector<16xi32>
      %gather3A_1499 = tpu.dynamic_gather %select_n3A_1472[%gather3A_1498] in [0] : vector<16xf32>, vector<16xi32> -> vector<16xf32>
      %lt3A_1500 = arith.constant 0 : i32
      %lt3A_1501 = vector.broadcast %lt3A_1500 : i32 to vector<16xi32>
      %lt3A_1502 = arith.cmpi slt, %xor3A_1489, %lt3A_1501 : vector<16xi32>
      %add3A_1503 = arith.constant 16 : i32
      %add3A_1504 = vector.broadcast %add3A_1503 : i32 to vector<16xi32>
      %add3A_1505 = arith.addi %xor3A_1489, %add3A_1504 : vector<16xi32>
      %select_n3A_1506 = arith.select %lt3A_1502, %add3A_1505, %xor3A_1489 : vector<16xi1>, vector<16xi32>
      %broadcast_in_dim3A_1507 = vector.shape_cast %select_n3A_1506 : vector<16xi32> to vector<16x1xi32>
      %gather3A_1508 = vector.shape_cast %broadcast_in_dim3A_1507 : vector<16x1xi32> to vector<16xi32>
      %gather3A_1509 = tpu.dynamic_gather %select_n3A_1473[%gather3A_1508] in [0] : vector<16xi32>, vector<16xi32> -> vector<16xi32>
      %gt3A_1510 = arith.cmpf ogt, %select_n3A_1472, %gather3A_1499 : vector<16xf32>
      %eq3A_1511 = arith.cmpf oeq, %select_n3A_1472, %gather3A_1499 : vector<16xf32>
      %lt3A_1512 = arith.cmpi slt, %select_n3A_1473, %gather3A_1509 : vector<16xi32>
      %and3A_1513 = arith.andi %eq3A_1511, %lt3A_1512 : vector<16xi1>
      %or3A_1514 = arith.ori %gt3A_1510, %and3A_1513 : vector<16xi1>
      %jit3A_1515 = arith.constant 1 : i32
      %jit3A_1516 = arith.constant 0 : i32
      %broadcast_in_dim3A_1517 = vector.broadcast %jit3A_1515 : i32 to vector<16xi32>
      %broadcast_in_dim3A_1518 = vector.broadcast %jit3A_1516 : i32 to vector<16xi32>
      %select_n3A_1519 = arith.select %or3A_1514, %broadcast_in_dim3A_1517, %broadcast_in_dim3A_1518 : vector<16xi1>, vector<16xi32>
      %jit3A_1520 = arith.constant 1 : i32
      %jit3A_1521 = arith.constant 0 : i32
      %broadcast_in_dim3A_1522 = vector.broadcast %jit3A_1520 : i32 to vector<16xi32>
      %broadcast_in_dim3A_1523 = vector.broadcast %jit3A_1521 : i32 to vector<16xi32>
      %select_n3A_1524 = arith.select %eq3A_1486, %broadcast_in_dim3A_1522, %broadcast_in_dim3A_1523 : vector<16xi1>, vector<16xi32>
      %xor3A_1525 = arith.xori %select_n3A_1519, %select_n3A_1524 : vector<16xi32>
      %eq3A_1526 = arith.constant 0 : i32
      %eq3A_1527 = vector.broadcast %eq3A_1526 : i32 to vector<16xi32>
      %eq3A_1528 = arith.cmpi eq, %xor3A_1525, %eq3A_1527 : vector<16xi32>
      %select_n3A_1529 = arith.select %eq3A_1528, %select_n3A_1472, %gather3A_1499 : vector<16xi1>, vector<16xf32>
      %select_n3A_1530 = arith.select %eq3A_1528, %select_n3A_1473, %gather3A_1509 : vector<16xi1>, vector<16xi32>
      %shift_right_arithmetic3A_1531 = arith.constant 3 : i32
      %shift_right_arithmetic3A_1532 = vector.broadcast %shift_right_arithmetic3A_1531 : i32 to vector<16xi32>
      %shift_right_arithmetic3A_1533 = arith.shrsi %iota3A, %shift_right_arithmetic3A_1532 : vector<16xi32>
      %and3A_1534 = arith.constant 1 : i32
      %and3A_1535 = vector.broadcast %and3A_1534 : i32 to vector<16xi32>
      %and3A_1536 = arith.andi %shift_right_arithmetic3A_1533, %and3A_1535 : vector<16xi32>
      %shift_right_arithmetic3A_1537 = arith.constant 4 : i32
      %shift_right_arithmetic3A_1538 = vector.broadcast %shift_right_arithmetic3A_1537 : i32 to vector<16xi32>
      %shift_right_arithmetic3A_1539 = arith.shrsi %iota3A, %shift_right_arithmetic3A_1538 : vector<16xi32>
      %and3A_1540 = arith.constant 1 : i32
      %and3A_1541 = vector.broadcast %and3A_1540 : i32 to vector<16xi32>
      %and3A_1542 = arith.andi %shift_right_arithmetic3A_1539, %and3A_1541 : vector<16xi32>
      %eq3A_1543 = arith.cmpi eq, %and3A_1536, %and3A_1542 : vector<16xi32>
      %xor3A_1544 = arith.constant 8 : i32
      %xor3A_1545 = vector.broadcast %xor3A_1544 : i32 to vector<16xi32>
      %xor3A_1546 = arith.xori %iota3A, %xor3A_1545 : vector<16xi32>
      %lt3A_1547 = arith.constant 0 : i32
      %lt3A_1548 = vector.broadcast %lt3A_1547 : i32 to vector<16xi32>
      %lt3A_1549 = arith.cmpi slt, %xor3A_1546, %lt3A_1548 : vector<16xi32>
      %add3A_1550 = arith.constant 16 : i32
      %add3A_1551 = vector.broadcast %add3A_1550 : i32 to vector<16xi32>
      %add3A_1552 = arith.addi %xor3A_1546, %add3A_1551 : vector<16xi32>
      %select_n3A_1553 = arith.select %lt3A_1549, %add3A_1552, %xor3A_1546 : vector<16xi1>, vector<16xi32>
      %broadcast_in_dim3A_1554 = vector.shape_cast %select_n3A_1553 : vector<16xi32> to vector<16x1xi32>
      %gather3A_1555 = vector.shape_cast %broadcast_in_dim3A_1554 : vector<16x1xi32> to vector<16xi32>
      %gather3A_1556 = tpu.dynamic_gather %select_n3A_1529[%gather3A_1555] in [0] : vector<16xf32>, vector<16xi32> -> vector<16xf32>
      %lt3A_1557 = arith.constant 0 : i32
      %lt3A_1558 = vector.broadcast %lt3A_1557 : i32 to vector<16xi32>
      %lt3A_1559 = arith.cmpi slt, %xor3A_1546, %lt3A_1558 : vector<16xi32>
      %add3A_1560 = arith.constant 16 : i32
      %add3A_1561 = vector.broadcast %add3A_1560 : i32 to vector<16xi32>
      %add3A_1562 = arith.addi %xor3A_1546, %add3A_1561 : vector<16xi32>
      %select_n3A_1563 = arith.select %lt3A_1559, %add3A_1562, %xor3A_1546 : vector<16xi1>, vector<16xi32>
      %broadcast_in_dim3A_1564 = vector.shape_cast %select_n3A_1563 : vector<16xi32> to vector<16x1xi32>
      %gather3A_1565 = vector.shape_cast %broadcast_in_dim3A_1564 : vector<16x1xi32> to vector<16xi32>
      %gather3A_1566 = tpu.dynamic_gather %select_n3A_1530[%gather3A_1565] in [0] : vector<16xi32>, vector<16xi32> -> vector<16xi32>
      %gt3A_1567 = arith.cmpf ogt, %select_n3A_1529, %gather3A_1556 : vector<16xf32>
      %eq3A_1568 = arith.cmpf oeq, %select_n3A_1529, %gather3A_1556 : vector<16xf32>
      %lt3A_1569 = arith.cmpi slt, %select_n3A_1530, %gather3A_1566 : vector<16xi32>
      %and3A_1570 = arith.andi %eq3A_1568, %lt3A_1569 : vector<16xi1>
      %or3A_1571 = arith.ori %gt3A_1567, %and3A_1570 : vector<16xi1>
      %jit3A_1572 = arith.constant 1 : i32
      %jit3A_1573 = arith.constant 0 : i32
      %broadcast_in_dim3A_1574 = vector.broadcast %jit3A_1572 : i32 to vector<16xi32>
      %broadcast_in_dim3A_1575 = vector.broadcast %jit3A_1573 : i32 to vector<16xi32>
      %select_n3A_1576 = arith.select %or3A_1571, %broadcast_in_dim3A_1574, %broadcast_in_dim3A_1575 : vector<16xi1>, vector<16xi32>
      %jit3A_1577 = arith.constant 1 : i32
      %jit3A_1578 = arith.constant 0 : i32
      %broadcast_in_dim3A_1579 = vector.broadcast %jit3A_1577 : i32 to vector<16xi32>
      %broadcast_in_dim3A_1580 = vector.broadcast %jit3A_1578 : i32 to vector<16xi32>
      %select_n3A_1581 = arith.select %eq3A_1543, %broadcast_in_dim3A_1579, %broadcast_in_dim3A_1580 : vector<16xi1>, vector<16xi32>
      %xor3A_1582 = arith.xori %select_n3A_1576, %select_n3A_1581 : vector<16xi32>
      %eq3A_1583 = arith.constant 0 : i32
      %eq3A_1584 = vector.broadcast %eq3A_1583 : i32 to vector<16xi32>
      %eq3A_1585 = arith.cmpi eq, %xor3A_1582, %eq3A_1584 : vector<16xi32>
      %select_n3A_1586 = arith.select %eq3A_1585, %select_n3A_1529, %gather3A_1556 : vector<16xi1>, vector<16xf32>
      %select_n3A_1587 = arith.select %eq3A_1585, %select_n3A_1530, %gather3A_1566 : vector<16xi1>, vector<16xi32>
      %shift_right_arithmetic3A_1588 = arith.constant 2 : i32
      %shift_right_arithmetic3A_1589 = vector.broadcast %shift_right_arithmetic3A_1588 : i32 to vector<16xi32>
      %shift_right_arithmetic3A_1590 = arith.shrsi %iota3A, %shift_right_arithmetic3A_1589 : vector<16xi32>
      %and3A_1591 = arith.constant 1 : i32
      %and3A_1592 = vector.broadcast %and3A_1591 : i32 to vector<16xi32>
      %and3A_1593 = arith.andi %shift_right_arithmetic3A_1590, %and3A_1592 : vector<16xi32>
      %shift_right_arithmetic3A_1594 = arith.constant 4 : i32
      %shift_right_arithmetic3A_1595 = vector.broadcast %shift_right_arithmetic3A_1594 : i32 to vector<16xi32>
      %shift_right_arithmetic3A_1596 = arith.shrsi %iota3A, %shift_right_arithmetic3A_1595 : vector<16xi32>
      %and3A_1597 = arith.constant 1 : i32
      %and3A_1598 = vector.broadcast %and3A_1597 : i32 to vector<16xi32>
      %and3A_1599 = arith.andi %shift_right_arithmetic3A_1596, %and3A_1598 : vector<16xi32>
      %eq3A_1600 = arith.cmpi eq, %and3A_1593, %and3A_1599 : vector<16xi32>
      %xor3A_1601 = arith.constant 4 : i32
      %xor3A_1602 = vector.broadcast %xor3A_1601 : i32 to vector<16xi32>
      %xor3A_1603 = arith.xori %iota3A, %xor3A_1602 : vector<16xi32>
      %lt3A_1604 = arith.constant 0 : i32
      %lt3A_1605 = vector.broadcast %lt3A_1604 : i32 to vector<16xi32>
      %lt3A_1606 = arith.cmpi slt, %xor3A_1603, %lt3A_1605 : vector<16xi32>
      %add3A_1607 = arith.constant 16 : i32
      %add3A_1608 = vector.broadcast %add3A_1607 : i32 to vector<16xi32>
      %add3A_1609 = arith.addi %xor3A_1603, %add3A_1608 : vector<16xi32>
      %select_n3A_1610 = arith.select %lt3A_1606, %add3A_1609, %xor3A_1603 : vector<16xi1>, vector<16xi32>
      %broadcast_in_dim3A_1611 = vector.shape_cast %select_n3A_1610 : vector<16xi32> to vector<16x1xi32>
      %gather3A_1612 = vector.shape_cast %broadcast_in_dim3A_1611 : vector<16x1xi32> to vector<16xi32>
      %gather3A_1613 = tpu.dynamic_gather %select_n3A_1586[%gather3A_1612] in [0] : vector<16xf32>, vector<16xi32> -> vector<16xf32>
      %lt3A_1614 = arith.constant 0 : i32
      %lt3A_1615 = vector.broadcast %lt3A_1614 : i32 to vector<16xi32>
      %lt3A_1616 = arith.cmpi slt, %xor3A_1603, %lt3A_1615 : vector<16xi32>
      %add3A_1617 = arith.constant 16 : i32
      %add3A_1618 = vector.broadcast %add3A_1617 : i32 to vector<16xi32>
      %add3A_1619 = arith.addi %xor3A_1603, %add3A_1618 : vector<16xi32>
      %select_n3A_1620 = arith.select %lt3A_1616, %add3A_1619, %xor3A_1603 : vector<16xi1>, vector<16xi32>
      %broadcast_in_dim3A_1621 = vector.shape_cast %select_n3A_1620 : vector<16xi32> to vector<16x1xi32>
      %gather3A_1622 = vector.shape_cast %broadcast_in_dim3A_1621 : vector<16x1xi32> to vector<16xi32>
      %gather3A_1623 = tpu.dynamic_gather %select_n3A_1587[%gather3A_1622] in [0] : vector<16xi32>, vector<16xi32> -> vector<16xi32>
      %gt3A_1624 = arith.cmpf ogt, %select_n3A_1586, %gather3A_1613 : vector<16xf32>
      %eq3A_1625 = arith.cmpf oeq, %select_n3A_1586, %gather3A_1613 : vector<16xf32>
      %lt3A_1626 = arith.cmpi slt, %select_n3A_1587, %gather3A_1623 : vector<16xi32>
      %and3A_1627 = arith.andi %eq3A_1625, %lt3A_1626 : vector<16xi1>
      %or3A_1628 = arith.ori %gt3A_1624, %and3A_1627 : vector<16xi1>
      %jit3A_1629 = arith.constant 1 : i32
      %jit3A_1630 = arith.constant 0 : i32
      %broadcast_in_dim3A_1631 = vector.broadcast %jit3A_1629 : i32 to vector<16xi32>
      %broadcast_in_dim3A_1632 = vector.broadcast %jit3A_1630 : i32 to vector<16xi32>
      %select_n3A_1633 = arith.select %or3A_1628, %broadcast_in_dim3A_1631, %broadcast_in_dim3A_1632 : vector<16xi1>, vector<16xi32>
      %jit3A_1634 = arith.constant 1 : i32
      %jit3A_1635 = arith.constant 0 : i32
      %broadcast_in_dim3A_1636 = vector.broadcast %jit3A_1634 : i32 to vector<16xi32>
      %broadcast_in_dim3A_1637 = vector.broadcast %jit3A_1635 : i32 to vector<16xi32>
      %select_n3A_1638 = arith.select %eq3A_1600, %broadcast_in_dim3A_1636, %broadcast_in_dim3A_1637 : vector<16xi1>, vector<16xi32>
      %xor3A_1639 = arith.xori %select_n3A_1633, %select_n3A_1638 : vector<16xi32>
      %eq3A_1640 = arith.constant 0 : i32
      %eq3A_1641 = vector.broadcast %eq3A_1640 : i32 to vector<16xi32>
      %eq3A_1642 = arith.cmpi eq, %xor3A_1639, %eq3A_1641 : vector<16xi32>
      %select_n3A_1643 = arith.select %eq3A_1642, %select_n3A_1586, %gather3A_1613 : vector<16xi1>, vector<16xf32>
      %select_n3A_1644 = arith.select %eq3A_1642, %select_n3A_1587, %gather3A_1623 : vector<16xi1>, vector<16xi32>
      %shift_right_arithmetic3A_1645 = arith.constant 1 : i32
      %shift_right_arithmetic3A_1646 = vector.broadcast %shift_right_arithmetic3A_1645 : i32 to vector<16xi32>
      %shift_right_arithmetic3A_1647 = arith.shrsi %iota3A, %shift_right_arithmetic3A_1646 : vector<16xi32>
      %and3A_1648 = arith.constant 1 : i32
      %and3A_1649 = vector.broadcast %and3A_1648 : i32 to vector<16xi32>
      %and3A_1650 = arith.andi %shift_right_arithmetic3A_1647, %and3A_1649 : vector<16xi32>
      %shift_right_arithmetic3A_1651 = arith.constant 4 : i32
      %shift_right_arithmetic3A_1652 = vector.broadcast %shift_right_arithmetic3A_1651 : i32 to vector<16xi32>
      %shift_right_arithmetic3A_1653 = arith.shrsi %iota3A, %shift_right_arithmetic3A_1652 : vector<16xi32>
      %and3A_1654 = arith.constant 1 : i32
      %and3A_1655 = vector.broadcast %and3A_1654 : i32 to vector<16xi32>
      %and3A_1656 = arith.andi %shift_right_arithmetic3A_1653, %and3A_1655 : vector<16xi32>
      %eq3A_1657 = arith.cmpi eq, %and3A_1650, %and3A_1656 : vector<16xi32>
      %xor3A_1658 = arith.constant 2 : i32
      %xor3A_1659 = vector.broadcast %xor3A_1658 : i32 to vector<16xi32>
      %xor3A_1660 = arith.xori %iota3A, %xor3A_1659 : vector<16xi32>
      %lt3A_1661 = arith.constant 0 : i32
      %lt3A_1662 = vector.broadcast %lt3A_1661 : i32 to vector<16xi32>
      %lt3A_1663 = arith.cmpi slt, %xor3A_1660, %lt3A_1662 : vector<16xi32>
      %add3A_1664 = arith.constant 16 : i32
      %add3A_1665 = vector.broadcast %add3A_1664 : i32 to vector<16xi32>
      %add3A_1666 = arith.addi %xor3A_1660, %add3A_1665 : vector<16xi32>
      %select_n3A_1667 = arith.select %lt3A_1663, %add3A_1666, %xor3A_1660 : vector<16xi1>, vector<16xi32>
      %broadcast_in_dim3A_1668 = vector.shape_cast %select_n3A_1667 : vector<16xi32> to vector<16x1xi32>
      %gather3A_1669 = vector.shape_cast %broadcast_in_dim3A_1668 : vector<16x1xi32> to vector<16xi32>
      %gather3A_1670 = tpu.dynamic_gather %select_n3A_1643[%gather3A_1669] in [0] : vector<16xf32>, vector<16xi32> -> vector<16xf32>
      %lt3A_1671 = arith.constant 0 : i32
      %lt3A_1672 = vector.broadcast %lt3A_1671 : i32 to vector<16xi32>
      %lt3A_1673 = arith.cmpi slt, %xor3A_1660, %lt3A_1672 : vector<16xi32>
      %add3A_1674 = arith.constant 16 : i32
      %add3A_1675 = vector.broadcast %add3A_1674 : i32 to vector<16xi32>
      %add3A_1676 = arith.addi %xor3A_1660, %add3A_1675 : vector<16xi32>
      %select_n3A_1677 = arith.select %lt3A_1673, %add3A_1676, %xor3A_1660 : vector<16xi1>, vector<16xi32>
      %broadcast_in_dim3A_1678 = vector.shape_cast %select_n3A_1677 : vector<16xi32> to vector<16x1xi32>
      %gather3A_1679 = vector.shape_cast %broadcast_in_dim3A_1678 : vector<16x1xi32> to vector<16xi32>
      %gather3A_1680 = tpu.dynamic_gather %select_n3A_1644[%gather3A_1679] in [0] : vector<16xi32>, vector<16xi32> -> vector<16xi32>
      %gt3A_1681 = arith.cmpf ogt, %select_n3A_1643, %gather3A_1670 : vector<16xf32>
      %eq3A_1682 = arith.cmpf oeq, %select_n3A_1643, %gather3A_1670 : vector<16xf32>
      %lt3A_1683 = arith.cmpi slt, %select_n3A_1644, %gather3A_1680 : vector<16xi32>
      %and3A_1684 = arith.andi %eq3A_1682, %lt3A_1683 : vector<16xi1>
      %or3A_1685 = arith.ori %gt3A_1681, %and3A_1684 : vector<16xi1>
      %jit3A_1686 = arith.constant 1 : i32
      %jit3A_1687 = arith.constant 0 : i32
      %broadcast_in_dim3A_1688 = vector.broadcast %jit3A_1686 : i32 to vector<16xi32>
      %broadcast_in_dim3A_1689 = vector.broadcast %jit3A_1687 : i32 to vector<16xi32>
      %select_n3A_1690 = arith.select %or3A_1685, %broadcast_in_dim3A_1688, %broadcast_in_dim3A_1689 : vector<16xi1>, vector<16xi32>
      %jit3A_1691 = arith.constant 1 : i32
      %jit3A_1692 = arith.constant 0 : i32
      %broadcast_in_dim3A_1693 = vector.broadcast %jit3A_1691 : i32 to vector<16xi32>
      %broadcast_in_dim3A_1694 = vector.broadcast %jit3A_1692 : i32 to vector<16xi32>
      %select_n3A_1695 = arith.select %eq3A_1657, %broadcast_in_dim3A_1693, %broadcast_in_dim3A_1694 : vector<16xi1>, vector<16xi32>
      %xor3A_1696 = arith.xori %select_n3A_1690, %select_n3A_1695 : vector<16xi32>
      %eq3A_1697 = arith.constant 0 : i32
      %eq3A_1698 = vector.broadcast %eq3A_1697 : i32 to vector<16xi32>
      %eq3A_1699 = arith.cmpi eq, %xor3A_1696, %eq3A_1698 : vector<16xi32>
      %select_n3A_1700 = arith.select %eq3A_1699, %select_n3A_1643, %gather3A_1670 : vector<16xi1>, vector<16xf32>
      %select_n3A_1701 = arith.select %eq3A_1699, %select_n3A_1644, %gather3A_1680 : vector<16xi1>, vector<16xi32>
      %shift_right_arithmetic3A_1702 = arith.constant 0 : i32
      %shift_right_arithmetic3A_1703 = vector.broadcast %shift_right_arithmetic3A_1702 : i32 to vector<16xi32>
      %shift_right_arithmetic3A_1704 = arith.shrsi %iota3A, %shift_right_arithmetic3A_1703 : vector<16xi32>
      %and3A_1705 = arith.constant 1 : i32
      %and3A_1706 = vector.broadcast %and3A_1705 : i32 to vector<16xi32>
      %and3A_1707 = arith.andi %shift_right_arithmetic3A_1704, %and3A_1706 : vector<16xi32>
      %shift_right_arithmetic3A_1708 = arith.constant 4 : i32
      %shift_right_arithmetic3A_1709 = vector.broadcast %shift_right_arithmetic3A_1708 : i32 to vector<16xi32>
      %shift_right_arithmetic3A_1710 = arith.shrsi %iota3A, %shift_right_arithmetic3A_1709 : vector<16xi32>
      %and3A_1711 = arith.constant 1 : i32
      %and3A_1712 = vector.broadcast %and3A_1711 : i32 to vector<16xi32>
      %and3A_1713 = arith.andi %shift_right_arithmetic3A_1710, %and3A_1712 : vector<16xi32>
      %eq3A_1714 = arith.cmpi eq, %and3A_1707, %and3A_1713 : vector<16xi32>
      %xor3A_1715 = arith.constant 1 : i32
      %xor3A_1716 = vector.broadcast %xor3A_1715 : i32 to vector<16xi32>
      %xor3A_1717 = arith.xori %iota3A, %xor3A_1716 : vector<16xi32>
      %lt3A_1718 = arith.constant 0 : i32
      %lt3A_1719 = vector.broadcast %lt3A_1718 : i32 to vector<16xi32>
      %lt3A_1720 = arith.cmpi slt, %xor3A_1717, %lt3A_1719 : vector<16xi32>
      %add3A_1721 = arith.constant 16 : i32
      %add3A_1722 = vector.broadcast %add3A_1721 : i32 to vector<16xi32>
      %add3A_1723 = arith.addi %xor3A_1717, %add3A_1722 : vector<16xi32>
      %select_n3A_1724 = arith.select %lt3A_1720, %add3A_1723, %xor3A_1717 : vector<16xi1>, vector<16xi32>
      %broadcast_in_dim3A_1725 = vector.shape_cast %select_n3A_1724 : vector<16xi32> to vector<16x1xi32>
      %gather3A_1726 = vector.shape_cast %broadcast_in_dim3A_1725 : vector<16x1xi32> to vector<16xi32>
      %gather3A_1727 = tpu.dynamic_gather %select_n3A_1700[%gather3A_1726] in [0] : vector<16xf32>, vector<16xi32> -> vector<16xf32>
      %lt3A_1728 = arith.constant 0 : i32
      %lt3A_1729 = vector.broadcast %lt3A_1728 : i32 to vector<16xi32>
      %lt3A_1730 = arith.cmpi slt, %xor3A_1717, %lt3A_1729 : vector<16xi32>
      %add3A_1731 = arith.constant 16 : i32
      %add3A_1732 = vector.broadcast %add3A_1731 : i32 to vector<16xi32>
      %add3A_1733 = arith.addi %xor3A_1717, %add3A_1732 : vector<16xi32>
      %select_n3A_1734 = arith.select %lt3A_1730, %add3A_1733, %xor3A_1717 : vector<16xi1>, vector<16xi32>
      %broadcast_in_dim3A_1735 = vector.shape_cast %select_n3A_1734 : vector<16xi32> to vector<16x1xi32>
      %gather3A_1736 = vector.shape_cast %broadcast_in_dim3A_1735 : vector<16x1xi32> to vector<16xi32>
      %gather3A_1737 = tpu.dynamic_gather %select_n3A_1701[%gather3A_1736] in [0] : vector<16xi32>, vector<16xi32> -> vector<16xi32>
      %gt3A_1738 = arith.cmpf ogt, %select_n3A_1700, %gather3A_1727 : vector<16xf32>
      %eq3A_1739 = arith.cmpf oeq, %select_n3A_1700, %gather3A_1727 : vector<16xf32>
      %lt3A_1740 = arith.cmpi slt, %select_n3A_1701, %gather3A_1737 : vector<16xi32>
      %and3A_1741 = arith.andi %eq3A_1739, %lt3A_1740 : vector<16xi1>
      %or3A_1742 = arith.ori %gt3A_1738, %and3A_1741 : vector<16xi1>
      %jit3A_1743 = arith.constant 1 : i32
      %jit3A_1744 = arith.constant 0 : i32
      %broadcast_in_dim3A_1745 = vector.broadcast %jit3A_1743 : i32 to vector<16xi32>
      %broadcast_in_dim3A_1746 = vector.broadcast %jit3A_1744 : i32 to vector<16xi32>
      %select_n3A_1747 = arith.select %or3A_1742, %broadcast_in_dim3A_1745, %broadcast_in_dim3A_1746 : vector<16xi1>, vector<16xi32>
      %jit3A_1748 = arith.constant 1 : i32
      %jit3A_1749 = arith.constant 0 : i32
      %broadcast_in_dim3A_1750 = vector.broadcast %jit3A_1748 : i32 to vector<16xi32>
      %broadcast_in_dim3A_1751 = vector.broadcast %jit3A_1749 : i32 to vector<16xi32>
      %select_n3A_1752 = arith.select %eq3A_1714, %broadcast_in_dim3A_1750, %broadcast_in_dim3A_1751 : vector<16xi1>, vector<16xi32>
      %xor3A_1753 = arith.xori %select_n3A_1747, %select_n3A_1752 : vector<16xi32>
      %eq3A_1754 = arith.constant 0 : i32
      %eq3A_1755 = vector.broadcast %eq3A_1754 : i32 to vector<16xi32>
      %eq3A_1756 = arith.cmpi eq, %xor3A_1753, %eq3A_1755 : vector<16xi32>
      %select_n3A_1757 = arith.select %eq3A_1756, %select_n3A_1700, %gather3A_1727 : vector<16xi1>, vector<16xf32>
      %select_n3A_1758 = arith.select %eq3A_1756, %select_n3A_1701, %gather3A_1737 : vector<16xi1>, vector<16xi32>
      %add3A_1759 = arith.constant 48 : i32
      %add3A_1760 = arith.addi %mul3A_29, %add3A_1759 : i32
      %get3A_1761 = arith.index_cast %add3A_1760 : i32 to index
      %get3A_1762 = tpu.vector_load %arg14[%get3A_1761] {strides = array<i32>} : memref<640xf32, #tpu.memory_space<vmem>>, vector<16xf32>,
      %get3A_1763 = vector.shape_cast %get3A_1762 : vector<16xf32> to vector<16xf32>
      %add3A_1764 = arith.addi %mul3A_2, %mul3A_29 : i32
      %add3A_1765 = arith.constant 48 : i32
      %add3A_1766 = arith.addi %add3A_1764, %add3A_1765 : i32
      %add3A_1767 = vector.broadcast %add3A_1766 : i32 to vector<16xi32>
      %add3A_1768 = arith.addi %add3A_1767, %iota3A : vector<16xi32>
      %shift_right_arithmetic3A_1769 = arith.constant 0 : i32
      %shift_right_arithmetic3A_1770 = vector.broadcast %shift_right_arithmetic3A_1769 : i32 to vector<16xi32>
      %shift_right_arithmetic3A_1771 = arith.shrsi %iota3A, %shift_right_arithmetic3A_1770 : vector<16xi32>
      %and3A_1772 = arith.constant 1 : i32
      %and3A_1773 = vector.broadcast %and3A_1772 : i32 to vector<16xi32>
      %and3A_1774 = arith.andi %shift_right_arithmetic3A_1771, %and3A_1773 : vector<16xi32>
      %shift_right_arithmetic3A_1775 = arith.constant 1 : i32
      %shift_right_arithmetic3A_1776 = vector.broadcast %shift_right_arithmetic3A_1775 : i32 to vector<16xi32>
      %shift_right_arithmetic3A_1777 = arith.shrsi %iota3A, %shift_right_arithmetic3A_1776 : vector<16xi32>
      %and3A_1778 = arith.constant 1 : i32
      %and3A_1779 = vector.broadcast %and3A_1778 : i32 to vector<16xi32>
      %and3A_1780 = arith.andi %shift_right_arithmetic3A_1777, %and3A_1779 : vector<16xi32>
      %eq3A_1781 = arith.cmpi eq, %and3A_1774, %and3A_1780 : vector<16xi32>
      %xor3A_1782 = arith.constant 1 : i32
      %xor3A_1783 = vector.broadcast %xor3A_1782 : i32 to vector<16xi32>
      %xor3A_1784 = arith.xori %iota3A, %xor3A_1783 : vector<16xi32>
      %lt3A_1785 = arith.constant 0 : i32
      %lt3A_1786 = vector.broadcast %lt3A_1785 : i32 to vector<16xi32>
      %lt3A_1787 = arith.cmpi slt, %xor3A_1784, %lt3A_1786 : vector<16xi32>
      %add3A_1788 = arith.constant 16 : i32
      %add3A_1789 = vector.broadcast %add3A_1788 : i32 to vector<16xi32>
      %add3A_1790 = arith.addi %xor3A_1784, %add3A_1789 : vector<16xi32>
      %select_n3A_1791 = arith.select %lt3A_1787, %add3A_1790, %xor3A_1784 : vector<16xi1>, vector<16xi32>
      %broadcast_in_dim3A_1792 = vector.shape_cast %select_n3A_1791 : vector<16xi32> to vector<16x1xi32>
      %gather3A_1793 = vector.shape_cast %broadcast_in_dim3A_1792 : vector<16x1xi32> to vector<16xi32>
      %gather3A_1794 = tpu.dynamic_gather %get3A_1763[%gather3A_1793] in [0] : vector<16xf32>, vector<16xi32> -> vector<16xf32>
      %lt3A_1795 = arith.constant 0 : i32
      %lt3A_1796 = vector.broadcast %lt3A_1795 : i32 to vector<16xi32>
      %lt3A_1797 = arith.cmpi slt, %xor3A_1784, %lt3A_1796 : vector<16xi32>
      %add3A_1798 = arith.constant 16 : i32
      %add3A_1799 = vector.broadcast %add3A_1798 : i32 to vector<16xi32>
      %add3A_1800 = arith.addi %xor3A_1784, %add3A_1799 : vector<16xi32>
      %select_n3A_1801 = arith.select %lt3A_1797, %add3A_1800, %xor3A_1784 : vector<16xi1>, vector<16xi32>
      %broadcast_in_dim3A_1802 = vector.shape_cast %select_n3A_1801 : vector<16xi32> to vector<16x1xi32>
      %gather3A_1803 = vector.shape_cast %broadcast_in_dim3A_1802 : vector<16x1xi32> to vector<16xi32>
      %gather3A_1804 = tpu.dynamic_gather %add3A_1768[%gather3A_1803] in [0] : vector<16xi32>, vector<16xi32> -> vector<16xi32>
      %gt3A_1805 = arith.cmpf ogt, %get3A_1763, %gather3A_1794 : vector<16xf32>
      %eq3A_1806 = arith.cmpf oeq, %get3A_1763, %gather3A_1794 : vector<16xf32>
      %lt3A_1807 = arith.cmpi slt, %add3A_1768, %gather3A_1804 : vector<16xi32>
      %and3A_1808 = arith.andi %eq3A_1806, %lt3A_1807 : vector<16xi1>
      %or3A_1809 = arith.ori %gt3A_1805, %and3A_1808 : vector<16xi1>
      %jit3A_1810 = arith.constant 1 : i32
      %jit3A_1811 = arith.constant 0 : i32
      %broadcast_in_dim3A_1812 = vector.broadcast %jit3A_1810 : i32 to vector<16xi32>
      %broadcast_in_dim3A_1813 = vector.broadcast %jit3A_1811 : i32 to vector<16xi32>
      %select_n3A_1814 = arith.select %or3A_1809, %broadcast_in_dim3A_1812, %broadcast_in_dim3A_1813 : vector<16xi1>, vector<16xi32>
      %jit3A_1815 = arith.constant 1 : i32
      %jit3A_1816 = arith.constant 0 : i32
      %broadcast_in_dim3A_1817 = vector.broadcast %jit3A_1815 : i32 to vector<16xi32>
      %broadcast_in_dim3A_1818 = vector.broadcast %jit3A_1816 : i32 to vector<16xi32>
      %select_n3A_1819 = arith.select %eq3A_1781, %broadcast_in_dim3A_1817, %broadcast_in_dim3A_1818 : vector<16xi1>, vector<16xi32>
      %xor3A_1820 = arith.xori %select_n3A_1814, %select_n3A_1819 : vector<16xi32>
      %eq3A_1821 = arith.constant 0 : i32
      %eq3A_1822 = vector.broadcast %eq3A_1821 : i32 to vector<16xi32>
      %eq3A_1823 = arith.cmpi eq, %xor3A_1820, %eq3A_1822 : vector<16xi32>
      %select_n3A_1824 = arith.select %eq3A_1823, %get3A_1763, %gather3A_1794 : vector<16xi1>, vector<16xf32>
      %select_n3A_1825 = arith.select %eq3A_1823, %add3A_1768, %gather3A_1804 : vector<16xi1>, vector<16xi32>
      %shift_right_arithmetic3A_1826 = arith.constant 1 : i32
      %shift_right_arithmetic3A_1827 = vector.broadcast %shift_right_arithmetic3A_1826 : i32 to vector<16xi32>
      %shift_right_arithmetic3A_1828 = arith.shrsi %iota3A, %shift_right_arithmetic3A_1827 : vector<16xi32>
      %and3A_1829 = arith.constant 1 : i32
      %and3A_1830 = vector.broadcast %and3A_1829 : i32 to vector<16xi32>
      %and3A_1831 = arith.andi %shift_right_arithmetic3A_1828, %and3A_1830 : vector<16xi32>
      %shift_right_arithmetic3A_1832 = arith.constant 2 : i32
      %shift_right_arithmetic3A_1833 = vector.broadcast %shift_right_arithmetic3A_1832 : i32 to vector<16xi32>
      %shift_right_arithmetic3A_1834 = arith.shrsi %iota3A, %shift_right_arithmetic3A_1833 : vector<16xi32>
      %and3A_1835 = arith.constant 1 : i32
      %and3A_1836 = vector.broadcast %and3A_1835 : i32 to vector<16xi32>
      %and3A_1837 = arith.andi %shift_right_arithmetic3A_1834, %and3A_1836 : vector<16xi32>
      %eq3A_1838 = arith.cmpi eq, %and3A_1831, %and3A_1837 : vector<16xi32>
      %xor3A_1839 = arith.constant 2 : i32
      %xor3A_1840 = vector.broadcast %xor3A_1839 : i32 to vector<16xi32>
      %xor3A_1841 = arith.xori %iota3A, %xor3A_1840 : vector<16xi32>
      %lt3A_1842 = arith.constant 0 : i32
      %lt3A_1843 = vector.broadcast %lt3A_1842 : i32 to vector<16xi32>
      %lt3A_1844 = arith.cmpi slt, %xor3A_1841, %lt3A_1843 : vector<16xi32>
      %add3A_1845 = arith.constant 16 : i32
      %add3A_1846 = vector.broadcast %add3A_1845 : i32 to vector<16xi32>
      %add3A_1847 = arith.addi %xor3A_1841, %add3A_1846 : vector<16xi32>
      %select_n3A_1848 = arith.select %lt3A_1844, %add3A_1847, %xor3A_1841 : vector<16xi1>, vector<16xi32>
      %broadcast_in_dim3A_1849 = vector.shape_cast %select_n3A_1848 : vector<16xi32> to vector<16x1xi32>
      %gather3A_1850 = vector.shape_cast %broadcast_in_dim3A_1849 : vector<16x1xi32> to vector<16xi32>
      %gather3A_1851 = tpu.dynamic_gather %select_n3A_1824[%gather3A_1850] in [0] : vector<16xf32>, vector<16xi32> -> vector<16xf32>
      %lt3A_1852 = arith.constant 0 : i32
      %lt3A_1853 = vector.broadcast %lt3A_1852 : i32 to vector<16xi32>
      %lt3A_1854 = arith.cmpi slt, %xor3A_1841, %lt3A_1853 : vector<16xi32>
      %add3A_1855 = arith.constant 16 : i32
      %add3A_1856 = vector.broadcast %add3A_1855 : i32 to vector<16xi32>
      %add3A_1857 = arith.addi %xor3A_1841, %add3A_1856 : vector<16xi32>
      %select_n3A_1858 = arith.select %lt3A_1854, %add3A_1857, %xor3A_1841 : vector<16xi1>, vector<16xi32>
      %broadcast_in_dim3A_1859 = vector.shape_cast %select_n3A_1858 : vector<16xi32> to vector<16x1xi32>
      %gather3A_1860 = vector.shape_cast %broadcast_in_dim3A_1859 : vector<16x1xi32> to vector<16xi32>
      %gather3A_1861 = tpu.dynamic_gather %select_n3A_1825[%gather3A_1860] in [0] : vector<16xi32>, vector<16xi32> -> vector<16xi32>
      %gt3A_1862 = arith.cmpf ogt, %select_n3A_1824, %gather3A_1851 : vector<16xf32>
      %eq3A_1863 = arith.cmpf oeq, %select_n3A_1824, %gather3A_1851 : vector<16xf32>
      %lt3A_1864 = arith.cmpi slt, %select_n3A_1825, %gather3A_1861 : vector<16xi32>
      %and3A_1865 = arith.andi %eq3A_1863, %lt3A_1864 : vector<16xi1>
      %or3A_1866 = arith.ori %gt3A_1862, %and3A_1865 : vector<16xi1>
      %jit3A_1867 = arith.constant 1 : i32
      %jit3A_1868 = arith.constant 0 : i32
      %broadcast_in_dim3A_1869 = vector.broadcast %jit3A_1867 : i32 to vector<16xi32>
      %broadcast_in_dim3A_1870 = vector.broadcast %jit3A_1868 : i32 to vector<16xi32>
      %select_n3A_1871 = arith.select %or3A_1866, %broadcast_in_dim3A_1869, %broadcast_in_dim3A_1870 : vector<16xi1>, vector<16xi32>
      %jit3A_1872 = arith.constant 1 : i32
      %jit3A_1873 = arith.constant 0 : i32
      %broadcast_in_dim3A_1874 = vector.broadcast %jit3A_1872 : i32 to vector<16xi32>
      %broadcast_in_dim3A_1875 = vector.broadcast %jit3A_1873 : i32 to vector<16xi32>
      %select_n3A_1876 = arith.select %eq3A_1838, %broadcast_in_dim3A_1874, %broadcast_in_dim3A_1875 : vector<16xi1>, vector<16xi32>
      %xor3A_1877 = arith.xori %select_n3A_1871, %select_n3A_1876 : vector<16xi32>
      %eq3A_1878 = arith.constant 0 : i32
      %eq3A_1879 = vector.broadcast %eq3A_1878 : i32 to vector<16xi32>
      %eq3A_1880 = arith.cmpi eq, %xor3A_1877, %eq3A_1879 : vector<16xi32>
      %select_n3A_1881 = arith.select %eq3A_1880, %select_n3A_1824, %gather3A_1851 : vector<16xi1>, vector<16xf32>
      %select_n3A_1882 = arith.select %eq3A_1880, %select_n3A_1825, %gather3A_1861 : vector<16xi1>, vector<16xi32>
      %shift_right_arithmetic3A_1883 = arith.constant 0 : i32
      %shift_right_arithmetic3A_1884 = vector.broadcast %shift_right_arithmetic3A_1883 : i32 to vector<16xi32>
      %shift_right_arithmetic3A_1885 = arith.shrsi %iota3A, %shift_right_arithmetic3A_1884 : vector<16xi32>
      %and3A_1886 = arith.constant 1 : i32
      %and3A_1887 = vector.broadcast %and3A_1886 : i32 to vector<16xi32>
      %and3A_1888 = arith.andi %shift_right_arithmetic3A_1885, %and3A_1887 : vector<16xi32>
      %shift_right_arithmetic3A_1889 = arith.constant 2 : i32
      %shift_right_arithmetic3A_1890 = vector.broadcast %shift_right_arithmetic3A_1889 : i32 to vector<16xi32>
      %shift_right_arithmetic3A_1891 = arith.shrsi %iota3A, %shift_right_arithmetic3A_1890 : vector<16xi32>
      %and3A_1892 = arith.constant 1 : i32
      %and3A_1893 = vector.broadcast %and3A_1892 : i32 to vector<16xi32>
      %and3A_1894 = arith.andi %shift_right_arithmetic3A_1891, %and3A_1893 : vector<16xi32>
      %eq3A_1895 = arith.cmpi eq, %and3A_1888, %and3A_1894 : vector<16xi32>
      %xor3A_1896 = arith.constant 1 : i32
      %xor3A_1897 = vector.broadcast %xor3A_1896 : i32 to vector<16xi32>
      %xor3A_1898 = arith.xori %iota3A, %xor3A_1897 : vector<16xi32>
      %lt3A_1899 = arith.constant 0 : i32
      %lt3A_1900 = vector.broadcast %lt3A_1899 : i32 to vector<16xi32>
      %lt3A_1901 = arith.cmpi slt, %xor3A_1898, %lt3A_1900 : vector<16xi32>
      %add3A_1902 = arith.constant 16 : i32
      %add3A_1903 = vector.broadcast %add3A_1902 : i32 to vector<16xi32>
      %add3A_1904 = arith.addi %xor3A_1898, %add3A_1903 : vector<16xi32>
      %select_n3A_1905 = arith.select %lt3A_1901, %add3A_1904, %xor3A_1898 : vector<16xi1>, vector<16xi32>
      %broadcast_in_dim3A_1906 = vector.shape_cast %select_n3A_1905 : vector<16xi32> to vector<16x1xi32>
      %gather3A_1907 = vector.shape_cast %broadcast_in_dim3A_1906 : vector<16x1xi32> to vector<16xi32>
      %gather3A_1908 = tpu.dynamic_gather %select_n3A_1881[%gather3A_1907] in [0] : vector<16xf32>, vector<16xi32> -> vector<16xf32>
      %lt3A_1909 = arith.constant 0 : i32
      %lt3A_1910 = vector.broadcast %lt3A_1909 : i32 to vector<16xi32>
      %lt3A_1911 = arith.cmpi slt, %xor3A_1898, %lt3A_1910 : vector<16xi32>
      %add3A_1912 = arith.constant 16 : i32
      %add3A_1913 = vector.broadcast %add3A_1912 : i32 to vector<16xi32>
      %add3A_1914 = arith.addi %xor3A_1898, %add3A_1913 : vector<16xi32>
      %select_n3A_1915 = arith.select %lt3A_1911, %add3A_1914, %xor3A_1898 : vector<16xi1>, vector<16xi32>
      %broadcast_in_dim3A_1916 = vector.shape_cast %select_n3A_1915 : vector<16xi32> to vector<16x1xi32>
      %gather3A_1917 = vector.shape_cast %broadcast_in_dim3A_1916 : vector<16x1xi32> to vector<16xi32>
      %gather3A_1918 = tpu.dynamic_gather %select_n3A_1882[%gather3A_1917] in [0] : vector<16xi32>, vector<16xi32> -> vector<16xi32>
      %gt3A_1919 = arith.cmpf ogt, %select_n3A_1881, %gather3A_1908 : vector<16xf32>
      %eq3A_1920 = arith.cmpf oeq, %select_n3A_1881, %gather3A_1908 : vector<16xf32>
      %lt3A_1921 = arith.cmpi slt, %select_n3A_1882, %gather3A_1918 : vector<16xi32>
      %and3A_1922 = arith.andi %eq3A_1920, %lt3A_1921 : vector<16xi1>
      %or3A_1923 = arith.ori %gt3A_1919, %and3A_1922 : vector<16xi1>
      %jit3A_1924 = arith.constant 1 : i32
      %jit3A_1925 = arith.constant 0 : i32
      %broadcast_in_dim3A_1926 = vector.broadcast %jit3A_1924 : i32 to vector<16xi32>
      %broadcast_in_dim3A_1927 = vector.broadcast %jit3A_1925 : i32 to vector<16xi32>
      %select_n3A_1928 = arith.select %or3A_1923, %broadcast_in_dim3A_1926, %broadcast_in_dim3A_1927 : vector<16xi1>, vector<16xi32>
      %jit3A_1929 = arith.constant 1 : i32
      %jit3A_1930 = arith.constant 0 : i32
      %broadcast_in_dim3A_1931 = vector.broadcast %jit3A_1929 : i32 to vector<16xi32>
      %broadcast_in_dim3A_1932 = vector.broadcast %jit3A_1930 : i32 to vector<16xi32>
      %select_n3A_1933 = arith.select %eq3A_1895, %broadcast_in_dim3A_1931, %broadcast_in_dim3A_1932 : vector<16xi1>, vector<16xi32>
      %xor3A_1934 = arith.xori %select_n3A_1928, %select_n3A_1933 : vector<16xi32>
      %eq3A_1935 = arith.constant 0 : i32
      %eq3A_1936 = vector.broadcast %eq3A_1935 : i32 to vector<16xi32>
      %eq3A_1937 = arith.cmpi eq, %xor3A_1934, %eq3A_1936 : vector<16xi32>
      %select_n3A_1938 = arith.select %eq3A_1937, %select_n3A_1881, %gather3A_1908 : vector<16xi1>, vector<16xf32>
      %select_n3A_1939 = arith.select %eq3A_1937, %select_n3A_1882, %gather3A_1918 : vector<16xi1>, vector<16xi32>
      %shift_right_arithmetic3A_1940 = arith.constant 2 : i32
      %shift_right_arithmetic3A_1941 = vector.broadcast %shift_right_arithmetic3A_1940 : i32 to vector<16xi32>
      %shift_right_arithmetic3A_1942 = arith.shrsi %iota3A, %shift_right_arithmetic3A_1941 : vector<16xi32>
      %and3A_1943 = arith.constant 1 : i32
      %and3A_1944 = vector.broadcast %and3A_1943 : i32 to vector<16xi32>
      %and3A_1945 = arith.andi %shift_right_arithmetic3A_1942, %and3A_1944 : vector<16xi32>
      %shift_right_arithmetic3A_1946 = arith.constant 3 : i32
      %shift_right_arithmetic3A_1947 = vector.broadcast %shift_right_arithmetic3A_1946 : i32 to vector<16xi32>
      %shift_right_arithmetic3A_1948 = arith.shrsi %iota3A, %shift_right_arithmetic3A_1947 : vector<16xi32>
      %and3A_1949 = arith.constant 1 : i32
      %and3A_1950 = vector.broadcast %and3A_1949 : i32 to vector<16xi32>
      %and3A_1951 = arith.andi %shift_right_arithmetic3A_1948, %and3A_1950 : vector<16xi32>
      %eq3A_1952 = arith.cmpi eq, %and3A_1945, %and3A_1951 : vector<16xi32>
      %xor3A_1953 = arith.constant 4 : i32
      %xor3A_1954 = vector.broadcast %xor3A_1953 : i32 to vector<16xi32>
      %xor3A_1955 = arith.xori %iota3A, %xor3A_1954 : vector<16xi32>
      %lt3A_1956 = arith.constant 0 : i32
      %lt3A_1957 = vector.broadcast %lt3A_1956 : i32 to vector<16xi32>
      %lt3A_1958 = arith.cmpi slt, %xor3A_1955, %lt3A_1957 : vector<16xi32>
      %add3A_1959 = arith.constant 16 : i32
      %add3A_1960 = vector.broadcast %add3A_1959 : i32 to vector<16xi32>
      %add3A_1961 = arith.addi %xor3A_1955, %add3A_1960 : vector<16xi32>
      %select_n3A_1962 = arith.select %lt3A_1958, %add3A_1961, %xor3A_1955 : vector<16xi1>, vector<16xi32>
      %broadcast_in_dim3A_1963 = vector.shape_cast %select_n3A_1962 : vector<16xi32> to vector<16x1xi32>
      %gather3A_1964 = vector.shape_cast %broadcast_in_dim3A_1963 : vector<16x1xi32> to vector<16xi32>
      %gather3A_1965 = tpu.dynamic_gather %select_n3A_1938[%gather3A_1964] in [0] : vector<16xf32>, vector<16xi32> -> vector<16xf32>
      %lt3A_1966 = arith.constant 0 : i32
      %lt3A_1967 = vector.broadcast %lt3A_1966 : i32 to vector<16xi32>
      %lt3A_1968 = arith.cmpi slt, %xor3A_1955, %lt3A_1967 : vector<16xi32>
      %add3A_1969 = arith.constant 16 : i32
      %add3A_1970 = vector.broadcast %add3A_1969 : i32 to vector<16xi32>
      %add3A_1971 = arith.addi %xor3A_1955, %add3A_1970 : vector<16xi32>
      %select_n3A_1972 = arith.select %lt3A_1968, %add3A_1971, %xor3A_1955 : vector<16xi1>, vector<16xi32>
      %broadcast_in_dim3A_1973 = vector.shape_cast %select_n3A_1972 : vector<16xi32> to vector<16x1xi32>
      %gather3A_1974 = vector.shape_cast %broadcast_in_dim3A_1973 : vector<16x1xi32> to vector<16xi32>
      %gather3A_1975 = tpu.dynamic_gather %select_n3A_1939[%gather3A_1974] in [0] : vector<16xi32>, vector<16xi32> -> vector<16xi32>
      %gt3A_1976 = arith.cmpf ogt, %select_n3A_1938, %gather3A_1965 : vector<16xf32>
      %eq3A_1977 = arith.cmpf oeq, %select_n3A_1938, %gather3A_1965 : vector<16xf32>
      %lt3A_1978 = arith.cmpi slt, %select_n3A_1939, %gather3A_1975 : vector<16xi32>
      %and3A_1979 = arith.andi %eq3A_1977, %lt3A_1978 : vector<16xi1>
      %or3A_1980 = arith.ori %gt3A_1976, %and3A_1979 : vector<16xi1>
      %jit3A_1981 = arith.constant 1 : i32
      %jit3A_1982 = arith.constant 0 : i32
      %broadcast_in_dim3A_1983 = vector.broadcast %jit3A_1981 : i32 to vector<16xi32>
      %broadcast_in_dim3A_1984 = vector.broadcast %jit3A_1982 : i32 to vector<16xi32>
      %select_n3A_1985 = arith.select %or3A_1980, %broadcast_in_dim3A_1983, %broadcast_in_dim3A_1984 : vector<16xi1>, vector<16xi32>
      %jit3A_1986 = arith.constant 1 : i32
      %jit3A_1987 = arith.constant 0 : i32
      %broadcast_in_dim3A_1988 = vector.broadcast %jit3A_1986 : i32 to vector<16xi32>
      %broadcast_in_dim3A_1989 = vector.broadcast %jit3A_1987 : i32 to vector<16xi32>
      %select_n3A_1990 = arith.select %eq3A_1952, %broadcast_in_dim3A_1988, %broadcast_in_dim3A_1989 : vector<16xi1>, vector<16xi32>
      %xor3A_1991 = arith.xori %select_n3A_1985, %select_n3A_1990 : vector<16xi32>
      %eq3A_1992 = arith.constant 0 : i32
      %eq3A_1993 = vector.broadcast %eq3A_1992 : i32 to vector<16xi32>
      %eq3A_1994 = arith.cmpi eq, %xor3A_1991, %eq3A_1993 : vector<16xi32>
      %select_n3A_1995 = arith.select %eq3A_1994, %select_n3A_1938, %gather3A_1965 : vector<16xi1>, vector<16xf32>
      %select_n3A_1996 = arith.select %eq3A_1994, %select_n3A_1939, %gather3A_1975 : vector<16xi1>, vector<16xi32>
      %shift_right_arithmetic3A_1997 = arith.constant 1 : i32
      %shift_right_arithmetic3A_1998 = vector.broadcast %shift_right_arithmetic3A_1997 : i32 to vector<16xi32>
      %shift_right_arithmetic3A_1999 = arith.shrsi %iota3A, %shift_right_arithmetic3A_1998 : vector<16xi32>
      %and3A_2000 = arith.constant 1 : i32
      %and3A_2001 = vector.broadcast %and3A_2000 : i32 to vector<16xi32>
      %and3A_2002 = arith.andi %shift_right_arithmetic3A_1999, %and3A_2001 : vector<16xi32>
      %shift_right_arithmetic3A_2003 = arith.constant 3 : i32
      %shift_right_arithmetic3A_2004 = vector.broadcast %shift_right_arithmetic3A_2003 : i32 to vector<16xi32>
      %shift_right_arithmetic3A_2005 = arith.shrsi %iota3A, %shift_right_arithmetic3A_2004 : vector<16xi32>
      %and3A_2006 = arith.constant 1 : i32
      %and3A_2007 = vector.broadcast %and3A_2006 : i32 to vector<16xi32>
      %and3A_2008 = arith.andi %shift_right_arithmetic3A_2005, %and3A_2007 : vector<16xi32>
      %eq3A_2009 = arith.cmpi eq, %and3A_2002, %and3A_2008 : vector<16xi32>
      %xor3A_2010 = arith.constant 2 : i32
      %xor3A_2011 = vector.broadcast %xor3A_2010 : i32 to vector<16xi32>
      %xor3A_2012 = arith.xori %iota3A, %xor3A_2011 : vector<16xi32>
      %lt3A_2013 = arith.constant 0 : i32
      %lt3A_2014 = vector.broadcast %lt3A_2013 : i32 to vector<16xi32>
      %lt3A_2015 = arith.cmpi slt, %xor3A_2012, %lt3A_2014 : vector<16xi32>
      %add3A_2016 = arith.constant 16 : i32
      %add3A_2017 = vector.broadcast %add3A_2016 : i32 to vector<16xi32>
      %add3A_2018 = arith.addi %xor3A_2012, %add3A_2017 : vector<16xi32>
      %select_n3A_2019 = arith.select %lt3A_2015, %add3A_2018, %xor3A_2012 : vector<16xi1>, vector<16xi32>
      %broadcast_in_dim3A_2020 = vector.shape_cast %select_n3A_2019 : vector<16xi32> to vector<16x1xi32>
      %gather3A_2021 = vector.shape_cast %broadcast_in_dim3A_2020 : vector<16x1xi32> to vector<16xi32>
      %gather3A_2022 = tpu.dynamic_gather %select_n3A_1995[%gather3A_2021] in [0] : vector<16xf32>, vector<16xi32> -> vector<16xf32>
      %lt3A_2023 = arith.constant 0 : i32
      %lt3A_2024 = vector.broadcast %lt3A_2023 : i32 to vector<16xi32>
      %lt3A_2025 = arith.cmpi slt, %xor3A_2012, %lt3A_2024 : vector<16xi32>
      %add3A_2026 = arith.constant 16 : i32
      %add3A_2027 = vector.broadcast %add3A_2026 : i32 to vector<16xi32>
      %add3A_2028 = arith.addi %xor3A_2012, %add3A_2027 : vector<16xi32>
      %select_n3A_2029 = arith.select %lt3A_2025, %add3A_2028, %xor3A_2012 : vector<16xi1>, vector<16xi32>
      %broadcast_in_dim3A_2030 = vector.shape_cast %select_n3A_2029 : vector<16xi32> to vector<16x1xi32>
      %gather3A_2031 = vector.shape_cast %broadcast_in_dim3A_2030 : vector<16x1xi32> to vector<16xi32>
      %gather3A_2032 = tpu.dynamic_gather %select_n3A_1996[%gather3A_2031] in [0] : vector<16xi32>, vector<16xi32> -> vector<16xi32>
      %gt3A_2033 = arith.cmpf ogt, %select_n3A_1995, %gather3A_2022 : vector<16xf32>
      %eq3A_2034 = arith.cmpf oeq, %select_n3A_1995, %gather3A_2022 : vector<16xf32>
      %lt3A_2035 = arith.cmpi slt, %select_n3A_1996, %gather3A_2032 : vector<16xi32>
      %and3A_2036 = arith.andi %eq3A_2034, %lt3A_2035 : vector<16xi1>
      %or3A_2037 = arith.ori %gt3A_2033, %and3A_2036 : vector<16xi1>
      %jit3A_2038 = arith.constant 1 : i32
      %jit3A_2039 = arith.constant 0 : i32
      %broadcast_in_dim3A_2040 = vector.broadcast %jit3A_2038 : i32 to vector<16xi32>
      %broadcast_in_dim3A_2041 = vector.broadcast %jit3A_2039 : i32 to vector<16xi32>
      %select_n3A_2042 = arith.select %or3A_2037, %broadcast_in_dim3A_2040, %broadcast_in_dim3A_2041 : vector<16xi1>, vector<16xi32>
      %jit3A_2043 = arith.constant 1 : i32
      %jit3A_2044 = arith.constant 0 : i32
      %broadcast_in_dim3A_2045 = vector.broadcast %jit3A_2043 : i32 to vector<16xi32>
      %broadcast_in_dim3A_2046 = vector.broadcast %jit3A_2044 : i32 to vector<16xi32>
      %select_n3A_2047 = arith.select %eq3A_2009, %broadcast_in_dim3A_2045, %broadcast_in_dim3A_2046 : vector<16xi1>, vector<16xi32>
      %xor3A_2048 = arith.xori %select_n3A_2042, %select_n3A_2047 : vector<16xi32>
      %eq3A_2049 = arith.constant 0 : i32
      %eq3A_2050 = vector.broadcast %eq3A_2049 : i32 to vector<16xi32>
      %eq3A_2051 = arith.cmpi eq, %xor3A_2048, %eq3A_2050 : vector<16xi32>
      %select_n3A_2052 = arith.select %eq3A_2051, %select_n3A_1995, %gather3A_2022 : vector<16xi1>, vector<16xf32>
      %select_n3A_2053 = arith.select %eq3A_2051, %select_n3A_1996, %gather3A_2032 : vector<16xi1>, vector<16xi32>
      %shift_right_arithmetic3A_2054 = arith.constant 0 : i32
      %shift_right_arithmetic3A_2055 = vector.broadcast %shift_right_arithmetic3A_2054 : i32 to vector<16xi32>
      %shift_right_arithmetic3A_2056 = arith.shrsi %iota3A, %shift_right_arithmetic3A_2055 : vector<16xi32>
      %and3A_2057 = arith.constant 1 : i32
      %and3A_2058 = vector.broadcast %and3A_2057 : i32 to vector<16xi32>
      %and3A_2059 = arith.andi %shift_right_arithmetic3A_2056, %and3A_2058 : vector<16xi32>
      %shift_right_arithmetic3A_2060 = arith.constant 3 : i32
      %shift_right_arithmetic3A_2061 = vector.broadcast %shift_right_arithmetic3A_2060 : i32 to vector<16xi32>
      %shift_right_arithmetic3A_2062 = arith.shrsi %iota3A, %shift_right_arithmetic3A_2061 : vector<16xi32>
      %and3A_2063 = arith.constant 1 : i32
      %and3A_2064 = vector.broadcast %and3A_2063 : i32 to vector<16xi32>
      %and3A_2065 = arith.andi %shift_right_arithmetic3A_2062, %and3A_2064 : vector<16xi32>
      %eq3A_2066 = arith.cmpi eq, %and3A_2059, %and3A_2065 : vector<16xi32>
      %xor3A_2067 = arith.constant 1 : i32
      %xor3A_2068 = vector.broadcast %xor3A_2067 : i32 to vector<16xi32>
      %xor3A_2069 = arith.xori %iota3A, %xor3A_2068 : vector<16xi32>
      %lt3A_2070 = arith.constant 0 : i32
      %lt3A_2071 = vector.broadcast %lt3A_2070 : i32 to vector<16xi32>
      %lt3A_2072 = arith.cmpi slt, %xor3A_2069, %lt3A_2071 : vector<16xi32>
      %add3A_2073 = arith.constant 16 : i32
      %add3A_2074 = vector.broadcast %add3A_2073 : i32 to vector<16xi32>
      %add3A_2075 = arith.addi %xor3A_2069, %add3A_2074 : vector<16xi32>
      %select_n3A_2076 = arith.select %lt3A_2072, %add3A_2075, %xor3A_2069 : vector<16xi1>, vector<16xi32>
      %broadcast_in_dim3A_2077 = vector.shape_cast %select_n3A_2076 : vector<16xi32> to vector<16x1xi32>
      %gather3A_2078 = vector.shape_cast %broadcast_in_dim3A_2077 : vector<16x1xi32> to vector<16xi32>
      %gather3A_2079 = tpu.dynamic_gather %select_n3A_2052[%gather3A_2078] in [0] : vector<16xf32>, vector<16xi32> -> vector<16xf32>
      %lt3A_2080 = arith.constant 0 : i32
      %lt3A_2081 = vector.broadcast %lt3A_2080 : i32 to vector<16xi32>
      %lt3A_2082 = arith.cmpi slt, %xor3A_2069, %lt3A_2081 : vector<16xi32>
      %add3A_2083 = arith.constant 16 : i32
      %add3A_2084 = vector.broadcast %add3A_2083 : i32 to vector<16xi32>
      %add3A_2085 = arith.addi %xor3A_2069, %add3A_2084 : vector<16xi32>
      %select_n3A_2086 = arith.select %lt3A_2082, %add3A_2085, %xor3A_2069 : vector<16xi1>, vector<16xi32>
      %broadcast_in_dim3A_2087 = vector.shape_cast %select_n3A_2086 : vector<16xi32> to vector<16x1xi32>
      %gather3A_2088 = vector.shape_cast %broadcast_in_dim3A_2087 : vector<16x1xi32> to vector<16xi32>
      %gather3A_2089 = tpu.dynamic_gather %select_n3A_2053[%gather3A_2088] in [0] : vector<16xi32>, vector<16xi32> -> vector<16xi32>
      %gt3A_2090 = arith.cmpf ogt, %select_n3A_2052, %gather3A_2079 : vector<16xf32>
      %eq3A_2091 = arith.cmpf oeq, %select_n3A_2052, %gather3A_2079 : vector<16xf32>
      %lt3A_2092 = arith.cmpi slt, %select_n3A_2053, %gather3A_2089 : vector<16xi32>
      %and3A_2093 = arith.andi %eq3A_2091, %lt3A_2092 : vector<16xi1>
      %or3A_2094 = arith.ori %gt3A_2090, %and3A_2093 : vector<16xi1>
      %jit3A_2095 = arith.constant 1 : i32
      %jit3A_2096 = arith.constant 0 : i32
      %broadcast_in_dim3A_2097 = vector.broadcast %jit3A_2095 : i32 to vector<16xi32>
      %broadcast_in_dim3A_2098 = vector.broadcast %jit3A_2096 : i32 to vector<16xi32>
      %select_n3A_2099 = arith.select %or3A_2094, %broadcast_in_dim3A_2097, %broadcast_in_dim3A_2098 : vector<16xi1>, vector<16xi32>
      %jit3A_2100 = arith.constant 1 : i32
      %jit3A_2101 = arith.constant 0 : i32
      %broadcast_in_dim3A_2102 = vector.broadcast %jit3A_2100 : i32 to vector<16xi32>
      %broadcast_in_dim3A_2103 = vector.broadcast %jit3A_2101 : i32 to vector<16xi32>
      %select_n3A_2104 = arith.select %eq3A_2066, %broadcast_in_dim3A_2102, %broadcast_in_dim3A_2103 : vector<16xi1>, vector<16xi32>
      %xor3A_2105 = arith.xori %select_n3A_2099, %select_n3A_2104 : vector<16xi32>
      %eq3A_2106 = arith.constant 0 : i32
      %eq3A_2107 = vector.broadcast %eq3A_2106 : i32 to vector<16xi32>
      %eq3A_2108 = arith.cmpi eq, %xor3A_2105, %eq3A_2107 : vector<16xi32>
      %select_n3A_2109 = arith.select %eq3A_2108, %select_n3A_2052, %gather3A_2079 : vector<16xi1>, vector<16xf32>
      %select_n3A_2110 = arith.select %eq3A_2108, %select_n3A_2053, %gather3A_2089 : vector<16xi1>, vector<16xi32>
      %shift_right_arithmetic3A_2111 = arith.constant 3 : i32
      %shift_right_arithmetic3A_2112 = vector.broadcast %shift_right_arithmetic3A_2111 : i32 to vector<16xi32>
      %shift_right_arithmetic3A_2113 = arith.shrsi %iota3A, %shift_right_arithmetic3A_2112 : vector<16xi32>
      %and3A_2114 = arith.constant 1 : i32
      %and3A_2115 = vector.broadcast %and3A_2114 : i32 to vector<16xi32>
      %and3A_2116 = arith.andi %shift_right_arithmetic3A_2113, %and3A_2115 : vector<16xi32>
      %shift_right_arithmetic3A_2117 = arith.constant 4 : i32
      %shift_right_arithmetic3A_2118 = vector.broadcast %shift_right_arithmetic3A_2117 : i32 to vector<16xi32>
      %shift_right_arithmetic3A_2119 = arith.shrsi %iota3A, %shift_right_arithmetic3A_2118 : vector<16xi32>
      %and3A_2120 = arith.constant 1 : i32
      %and3A_2121 = vector.broadcast %and3A_2120 : i32 to vector<16xi32>
      %and3A_2122 = arith.andi %shift_right_arithmetic3A_2119, %and3A_2121 : vector<16xi32>
      %eq3A_2123 = arith.cmpi eq, %and3A_2116, %and3A_2122 : vector<16xi32>
      %xor3A_2124 = arith.constant 8 : i32
      %xor3A_2125 = vector.broadcast %xor3A_2124 : i32 to vector<16xi32>
      %xor3A_2126 = arith.xori %iota3A, %xor3A_2125 : vector<16xi32>
      %lt3A_2127 = arith.constant 0 : i32
      %lt3A_2128 = vector.broadcast %lt3A_2127 : i32 to vector<16xi32>
      %lt3A_2129 = arith.cmpi slt, %xor3A_2126, %lt3A_2128 : vector<16xi32>
      %add3A_2130 = arith.constant 16 : i32
      %add3A_2131 = vector.broadcast %add3A_2130 : i32 to vector<16xi32>
      %add3A_2132 = arith.addi %xor3A_2126, %add3A_2131 : vector<16xi32>
      %select_n3A_2133 = arith.select %lt3A_2129, %add3A_2132, %xor3A_2126 : vector<16xi1>, vector<16xi32>
      %broadcast_in_dim3A_2134 = vector.shape_cast %select_n3A_2133 : vector<16xi32> to vector<16x1xi32>
      %gather3A_2135 = vector.shape_cast %broadcast_in_dim3A_2134 : vector<16x1xi32> to vector<16xi32>
      %gather3A_2136 = tpu.dynamic_gather %select_n3A_2109[%gather3A_2135] in [0] : vector<16xf32>, vector<16xi32> -> vector<16xf32>
      %lt3A_2137 = arith.constant 0 : i32
      %lt3A_2138 = vector.broadcast %lt3A_2137 : i32 to vector<16xi32>
      %lt3A_2139 = arith.cmpi slt, %xor3A_2126, %lt3A_2138 : vector<16xi32>
      %add3A_2140 = arith.constant 16 : i32
      %add3A_2141 = vector.broadcast %add3A_2140 : i32 to vector<16xi32>
      %add3A_2142 = arith.addi %xor3A_2126, %add3A_2141 : vector<16xi32>
      %select_n3A_2143 = arith.select %lt3A_2139, %add3A_2142, %xor3A_2126 : vector<16xi1>, vector<16xi32>
      %broadcast_in_dim3A_2144 = vector.shape_cast %select_n3A_2143 : vector<16xi32> to vector<16x1xi32>
      %gather3A_2145 = vector.shape_cast %broadcast_in_dim3A_2144 : vector<16x1xi32> to vector<16xi32>
      %gather3A_2146 = tpu.dynamic_gather %select_n3A_2110[%gather3A_2145] in [0] : vector<16xi32>, vector<16xi32> -> vector<16xi32>
      %gt3A_2147 = arith.cmpf ogt, %select_n3A_2109, %gather3A_2136 : vector<16xf32>
      %eq3A_2148 = arith.cmpf oeq, %select_n3A_2109, %gather3A_2136 : vector<16xf32>
      %lt3A_2149 = arith.cmpi slt, %select_n3A_2110, %gather3A_2146 : vector<16xi32>
      %and3A_2150 = arith.andi %eq3A_2148, %lt3A_2149 : vector<16xi1>
      %or3A_2151 = arith.ori %gt3A_2147, %and3A_2150 : vector<16xi1>
      %jit3A_2152 = arith.constant 1 : i32
      %jit3A_2153 = arith.constant 0 : i32
      %broadcast_in_dim3A_2154 = vector.broadcast %jit3A_2152 : i32 to vector<16xi32>
      %broadcast_in_dim3A_2155 = vector.broadcast %jit3A_2153 : i32 to vector<16xi32>
      %select_n3A_2156 = arith.select %or3A_2151, %broadcast_in_dim3A_2154, %broadcast_in_dim3A_2155 : vector<16xi1>, vector<16xi32>
      %jit3A_2157 = arith.constant 1 : i32
      %jit3A_2158 = arith.constant 0 : i32
      %broadcast_in_dim3A_2159 = vector.broadcast %jit3A_2157 : i32 to vector<16xi32>
      %broadcast_in_dim3A_2160 = vector.broadcast %jit3A_2158 : i32 to vector<16xi32>
      %select_n3A_2161 = arith.select %eq3A_2123, %broadcast_in_dim3A_2159, %broadcast_in_dim3A_2160 : vector<16xi1>, vector<16xi32>
      %xor3A_2162 = arith.xori %select_n3A_2156, %select_n3A_2161 : vector<16xi32>
      %eq3A_2163 = arith.constant 0 : i32
      %eq3A_2164 = vector.broadcast %eq3A_2163 : i32 to vector<16xi32>
      %eq3A_2165 = arith.cmpi eq, %xor3A_2162, %eq3A_2164 : vector<16xi32>
      %select_n3A_2166 = arith.select %eq3A_2165, %select_n3A_2109, %gather3A_2136 : vector<16xi1>, vector<16xf32>
      %select_n3A_2167 = arith.select %eq3A_2165, %select_n3A_2110, %gather3A_2146 : vector<16xi1>, vector<16xi32>
      %shift_right_arithmetic3A_2168 = arith.constant 2 : i32
      %shift_right_arithmetic3A_2169 = vector.broadcast %shift_right_arithmetic3A_2168 : i32 to vector<16xi32>
      %shift_right_arithmetic3A_2170 = arith.shrsi %iota3A, %shift_right_arithmetic3A_2169 : vector<16xi32>
      %and3A_2171 = arith.constant 1 : i32
      %and3A_2172 = vector.broadcast %and3A_2171 : i32 to vector<16xi32>
      %and3A_2173 = arith.andi %shift_right_arithmetic3A_2170, %and3A_2172 : vector<16xi32>
      %shift_right_arithmetic3A_2174 = arith.constant 4 : i32
      %shift_right_arithmetic3A_2175 = vector.broadcast %shift_right_arithmetic3A_2174 : i32 to vector<16xi32>
      %shift_right_arithmetic3A_2176 = arith.shrsi %iota3A, %shift_right_arithmetic3A_2175 : vector<16xi32>
      %and3A_2177 = arith.constant 1 : i32
      %and3A_2178 = vector.broadcast %and3A_2177 : i32 to vector<16xi32>
      %and3A_2179 = arith.andi %shift_right_arithmetic3A_2176, %and3A_2178 : vector<16xi32>
      %eq3A_2180 = arith.cmpi eq, %and3A_2173, %and3A_2179 : vector<16xi32>
      %xor3A_2181 = arith.constant 4 : i32
      %xor3A_2182 = vector.broadcast %xor3A_2181 : i32 to vector<16xi32>
      %xor3A_2183 = arith.xori %iota3A, %xor3A_2182 : vector<16xi32>
      %lt3A_2184 = arith.constant 0 : i32
      %lt3A_2185 = vector.broadcast %lt3A_2184 : i32 to vector<16xi32>
      %lt3A_2186 = arith.cmpi slt, %xor3A_2183, %lt3A_2185 : vector<16xi32>
      %add3A_2187 = arith.constant 16 : i32
      %add3A_2188 = vector.broadcast %add3A_2187 : i32 to vector<16xi32>
      %add3A_2189 = arith.addi %xor3A_2183, %add3A_2188 : vector<16xi32>
      %select_n3A_2190 = arith.select %lt3A_2186, %add3A_2189, %xor3A_2183 : vector<16xi1>, vector<16xi32>
      %broadcast_in_dim3A_2191 = vector.shape_cast %select_n3A_2190 : vector<16xi32> to vector<16x1xi32>
      %gather3A_2192 = vector.shape_cast %broadcast_in_dim3A_2191 : vector<16x1xi32> to vector<16xi32>
      %gather3A_2193 = tpu.dynamic_gather %select_n3A_2166[%gather3A_2192] in [0] : vector<16xf32>, vector<16xi32> -> vector<16xf32>
      %lt3A_2194 = arith.constant 0 : i32
      %lt3A_2195 = vector.broadcast %lt3A_2194 : i32 to vector<16xi32>
      %lt3A_2196 = arith.cmpi slt, %xor3A_2183, %lt3A_2195 : vector<16xi32>
      %add3A_2197 = arith.constant 16 : i32
      %add3A_2198 = vector.broadcast %add3A_2197 : i32 to vector<16xi32>
      %add3A_2199 = arith.addi %xor3A_2183, %add3A_2198 : vector<16xi32>
      %select_n3A_2200 = arith.select %lt3A_2196, %add3A_2199, %xor3A_2183 : vector<16xi1>, vector<16xi32>
      %broadcast_in_dim3A_2201 = vector.shape_cast %select_n3A_2200 : vector<16xi32> to vector<16x1xi32>
      %gather3A_2202 = vector.shape_cast %broadcast_in_dim3A_2201 : vector<16x1xi32> to vector<16xi32>
      %gather3A_2203 = tpu.dynamic_gather %select_n3A_2167[%gather3A_2202] in [0] : vector<16xi32>, vector<16xi32> -> vector<16xi32>
      %gt3A_2204 = arith.cmpf ogt, %select_n3A_2166, %gather3A_2193 : vector<16xf32>
      %eq3A_2205 = arith.cmpf oeq, %select_n3A_2166, %gather3A_2193 : vector<16xf32>
      %lt3A_2206 = arith.cmpi slt, %select_n3A_2167, %gather3A_2203 : vector<16xi32>
      %and3A_2207 = arith.andi %eq3A_2205, %lt3A_2206 : vector<16xi1>
      %or3A_2208 = arith.ori %gt3A_2204, %and3A_2207 : vector<16xi1>
      %jit3A_2209 = arith.constant 1 : i32
      %jit3A_2210 = arith.constant 0 : i32
      %broadcast_in_dim3A_2211 = vector.broadcast %jit3A_2209 : i32 to vector<16xi32>
      %broadcast_in_dim3A_2212 = vector.broadcast %jit3A_2210 : i32 to vector<16xi32>
      %select_n3A_2213 = arith.select %or3A_2208, %broadcast_in_dim3A_2211, %broadcast_in_dim3A_2212 : vector<16xi1>, vector<16xi32>
      %jit3A_2214 = arith.constant 1 : i32
      %jit3A_2215 = arith.constant 0 : i32
      %broadcast_in_dim3A_2216 = vector.broadcast %jit3A_2214 : i32 to vector<16xi32>
      %broadcast_in_dim3A_2217 = vector.broadcast %jit3A_2215 : i32 to vector<16xi32>
      %select_n3A_2218 = arith.select %eq3A_2180, %broadcast_in_dim3A_2216, %broadcast_in_dim3A_2217 : vector<16xi1>, vector<16xi32>
      %xor3A_2219 = arith.xori %select_n3A_2213, %select_n3A_2218 : vector<16xi32>
      %eq3A_2220 = arith.constant 0 : i32
      %eq3A_2221 = vector.broadcast %eq3A_2220 : i32 to vector<16xi32>
      %eq3A_2222 = arith.cmpi eq, %xor3A_2219, %eq3A_2221 : vector<16xi32>
      %select_n3A_2223 = arith.select %eq3A_2222, %select_n3A_2166, %gather3A_2193 : vector<16xi1>, vector<16xf32>
      %select_n3A_2224 = arith.select %eq3A_2222, %select_n3A_2167, %gather3A_2203 : vector<16xi1>, vector<16xi32>
      %shift_right_arithmetic3A_2225 = arith.constant 1 : i32
      %shift_right_arithmetic3A_2226 = vector.broadcast %shift_right_arithmetic3A_2225 : i32 to vector<16xi32>
      %shift_right_arithmetic3A_2227 = arith.shrsi %iota3A, %shift_right_arithmetic3A_2226 : vector<16xi32>
      %and3A_2228 = arith.constant 1 : i32
      %and3A_2229 = vector.broadcast %and3A_2228 : i32 to vector<16xi32>
      %and3A_2230 = arith.andi %shift_right_arithmetic3A_2227, %and3A_2229 : vector<16xi32>
      %shift_right_arithmetic3A_2231 = arith.constant 4 : i32
      %shift_right_arithmetic3A_2232 = vector.broadcast %shift_right_arithmetic3A_2231 : i32 to vector<16xi32>
      %shift_right_arithmetic3A_2233 = arith.shrsi %iota3A, %shift_right_arithmetic3A_2232 : vector<16xi32>
      %and3A_2234 = arith.constant 1 : i32
      %and3A_2235 = vector.broadcast %and3A_2234 : i32 to vector<16xi32>
      %and3A_2236 = arith.andi %shift_right_arithmetic3A_2233, %and3A_2235 : vector<16xi32>
      %eq3A_2237 = arith.cmpi eq, %and3A_2230, %and3A_2236 : vector<16xi32>
      %xor3A_2238 = arith.constant 2 : i32
      %xor3A_2239 = vector.broadcast %xor3A_2238 : i32 to vector<16xi32>
      %xor3A_2240 = arith.xori %iota3A, %xor3A_2239 : vector<16xi32>
      %lt3A_2241 = arith.constant 0 : i32
      %lt3A_2242 = vector.broadcast %lt3A_2241 : i32 to vector<16xi32>
      %lt3A_2243 = arith.cmpi slt, %xor3A_2240, %lt3A_2242 : vector<16xi32>
      %add3A_2244 = arith.constant 16 : i32
      %add3A_2245 = vector.broadcast %add3A_2244 : i32 to vector<16xi32>
      %add3A_2246 = arith.addi %xor3A_2240, %add3A_2245 : vector<16xi32>
      %select_n3A_2247 = arith.select %lt3A_2243, %add3A_2246, %xor3A_2240 : vector<16xi1>, vector<16xi32>
      %broadcast_in_dim3A_2248 = vector.shape_cast %select_n3A_2247 : vector<16xi32> to vector<16x1xi32>
      %gather3A_2249 = vector.shape_cast %broadcast_in_dim3A_2248 : vector<16x1xi32> to vector<16xi32>
      %gather3A_2250 = tpu.dynamic_gather %select_n3A_2223[%gather3A_2249] in [0] : vector<16xf32>, vector<16xi32> -> vector<16xf32>
      %lt3A_2251 = arith.constant 0 : i32
      %lt3A_2252 = vector.broadcast %lt3A_2251 : i32 to vector<16xi32>
      %lt3A_2253 = arith.cmpi slt, %xor3A_2240, %lt3A_2252 : vector<16xi32>
      %add3A_2254 = arith.constant 16 : i32
      %add3A_2255 = vector.broadcast %add3A_2254 : i32 to vector<16xi32>
      %add3A_2256 = arith.addi %xor3A_2240, %add3A_2255 : vector<16xi32>
      %select_n3A_2257 = arith.select %lt3A_2253, %add3A_2256, %xor3A_2240 : vector<16xi1>, vector<16xi32>
      %broadcast_in_dim3A_2258 = vector.shape_cast %select_n3A_2257 : vector<16xi32> to vector<16x1xi32>
      %gather3A_2259 = vector.shape_cast %broadcast_in_dim3A_2258 : vector<16x1xi32> to vector<16xi32>
      %gather3A_2260 = tpu.dynamic_gather %select_n3A_2224[%gather3A_2259] in [0] : vector<16xi32>, vector<16xi32> -> vector<16xi32>
      %gt3A_2261 = arith.cmpf ogt, %select_n3A_2223, %gather3A_2250 : vector<16xf32>
      %eq3A_2262 = arith.cmpf oeq, %select_n3A_2223, %gather3A_2250 : vector<16xf32>
      %lt3A_2263 = arith.cmpi slt, %select_n3A_2224, %gather3A_2260 : vector<16xi32>
      %and3A_2264 = arith.andi %eq3A_2262, %lt3A_2263 : vector<16xi1>
      %or3A_2265 = arith.ori %gt3A_2261, %and3A_2264 : vector<16xi1>
      %jit3A_2266 = arith.constant 1 : i32
      %jit3A_2267 = arith.constant 0 : i32
      %broadcast_in_dim3A_2268 = vector.broadcast %jit3A_2266 : i32 to vector<16xi32>
      %broadcast_in_dim3A_2269 = vector.broadcast %jit3A_2267 : i32 to vector<16xi32>
      %select_n3A_2270 = arith.select %or3A_2265, %broadcast_in_dim3A_2268, %broadcast_in_dim3A_2269 : vector<16xi1>, vector<16xi32>
      %jit3A_2271 = arith.constant 1 : i32
      %jit3A_2272 = arith.constant 0 : i32
      %broadcast_in_dim3A_2273 = vector.broadcast %jit3A_2271 : i32 to vector<16xi32>
      %broadcast_in_dim3A_2274 = vector.broadcast %jit3A_2272 : i32 to vector<16xi32>
      %select_n3A_2275 = arith.select %eq3A_2237, %broadcast_in_dim3A_2273, %broadcast_in_dim3A_2274 : vector<16xi1>, vector<16xi32>
      %xor3A_2276 = arith.xori %select_n3A_2270, %select_n3A_2275 : vector<16xi32>
      %eq3A_2277 = arith.constant 0 : i32
      %eq3A_2278 = vector.broadcast %eq3A_2277 : i32 to vector<16xi32>
      %eq3A_2279 = arith.cmpi eq, %xor3A_2276, %eq3A_2278 : vector<16xi32>
      %select_n3A_2280 = arith.select %eq3A_2279, %select_n3A_2223, %gather3A_2250 : vector<16xi1>, vector<16xf32>
      %select_n3A_2281 = arith.select %eq3A_2279, %select_n3A_2224, %gather3A_2260 : vector<16xi1>, vector<16xi32>
      %shift_right_arithmetic3A_2282 = arith.constant 0 : i32
      %shift_right_arithmetic3A_2283 = vector.broadcast %shift_right_arithmetic3A_2282 : i32 to vector<16xi32>
      %shift_right_arithmetic3A_2284 = arith.shrsi %iota3A, %shift_right_arithmetic3A_2283 : vector<16xi32>
      %and3A_2285 = arith.constant 1 : i32
      %and3A_2286 = vector.broadcast %and3A_2285 : i32 to vector<16xi32>
      %and3A_2287 = arith.andi %shift_right_arithmetic3A_2284, %and3A_2286 : vector<16xi32>
      %shift_right_arithmetic3A_2288 = arith.constant 4 : i32
      %shift_right_arithmetic3A_2289 = vector.broadcast %shift_right_arithmetic3A_2288 : i32 to vector<16xi32>
      %shift_right_arithmetic3A_2290 = arith.shrsi %iota3A, %shift_right_arithmetic3A_2289 : vector<16xi32>
      %and3A_2291 = arith.constant 1 : i32
      %and3A_2292 = vector.broadcast %and3A_2291 : i32 to vector<16xi32>
      %and3A_2293 = arith.andi %shift_right_arithmetic3A_2290, %and3A_2292 : vector<16xi32>
      %eq3A_2294 = arith.cmpi eq, %and3A_2287, %and3A_2293 : vector<16xi32>
      %xor3A_2295 = arith.constant 1 : i32
      %xor3A_2296 = vector.broadcast %xor3A_2295 : i32 to vector<16xi32>
      %xor3A_2297 = arith.xori %iota3A, %xor3A_2296 : vector<16xi32>
      %lt3A_2298 = arith.constant 0 : i32
      %lt3A_2299 = vector.broadcast %lt3A_2298 : i32 to vector<16xi32>
      %lt3A_2300 = arith.cmpi slt, %xor3A_2297, %lt3A_2299 : vector<16xi32>
      %add3A_2301 = arith.constant 16 : i32
      %add3A_2302 = vector.broadcast %add3A_2301 : i32 to vector<16xi32>
      %add3A_2303 = arith.addi %xor3A_2297, %add3A_2302 : vector<16xi32>
      %select_n3A_2304 = arith.select %lt3A_2300, %add3A_2303, %xor3A_2297 : vector<16xi1>, vector<16xi32>
      %broadcast_in_dim3A_2305 = vector.shape_cast %select_n3A_2304 : vector<16xi32> to vector<16x1xi32>
      %gather3A_2306 = vector.shape_cast %broadcast_in_dim3A_2305 : vector<16x1xi32> to vector<16xi32>
      %gather3A_2307 = tpu.dynamic_gather %select_n3A_2280[%gather3A_2306] in [0] : vector<16xf32>, vector<16xi32> -> vector<16xf32>
      %lt3A_2308 = arith.constant 0 : i32
      %lt3A_2309 = vector.broadcast %lt3A_2308 : i32 to vector<16xi32>
      %lt3A_2310 = arith.cmpi slt, %xor3A_2297, %lt3A_2309 : vector<16xi32>
      %add3A_2311 = arith.constant 16 : i32
      %add3A_2312 = vector.broadcast %add3A_2311 : i32 to vector<16xi32>
      %add3A_2313 = arith.addi %xor3A_2297, %add3A_2312 : vector<16xi32>
      %select_n3A_2314 = arith.select %lt3A_2310, %add3A_2313, %xor3A_2297 : vector<16xi1>, vector<16xi32>
      %broadcast_in_dim3A_2315 = vector.shape_cast %select_n3A_2314 : vector<16xi32> to vector<16x1xi32>
      %gather3A_2316 = vector.shape_cast %broadcast_in_dim3A_2315 : vector<16x1xi32> to vector<16xi32>
      %gather3A_2317 = tpu.dynamic_gather %select_n3A_2281[%gather3A_2316] in [0] : vector<16xi32>, vector<16xi32> -> vector<16xi32>
      %gt3A_2318 = arith.cmpf ogt, %select_n3A_2280, %gather3A_2307 : vector<16xf32>
      %eq3A_2319 = arith.cmpf oeq, %select_n3A_2280, %gather3A_2307 : vector<16xf32>
      %lt3A_2320 = arith.cmpi slt, %select_n3A_2281, %gather3A_2317 : vector<16xi32>
      %and3A_2321 = arith.andi %eq3A_2319, %lt3A_2320 : vector<16xi1>
      %or3A_2322 = arith.ori %gt3A_2318, %and3A_2321 : vector<16xi1>
      %jit3A_2323 = arith.constant 1 : i32
      %jit3A_2324 = arith.constant 0 : i32
      %broadcast_in_dim3A_2325 = vector.broadcast %jit3A_2323 : i32 to vector<16xi32>
      %broadcast_in_dim3A_2326 = vector.broadcast %jit3A_2324 : i32 to vector<16xi32>
      %select_n3A_2327 = arith.select %or3A_2322, %broadcast_in_dim3A_2325, %broadcast_in_dim3A_2326 : vector<16xi1>, vector<16xi32>
      %jit3A_2328 = arith.constant 1 : i32
      %jit3A_2329 = arith.constant 0 : i32
      %broadcast_in_dim3A_2330 = vector.broadcast %jit3A_2328 : i32 to vector<16xi32>
      %broadcast_in_dim3A_2331 = vector.broadcast %jit3A_2329 : i32 to vector<16xi32>
      %select_n3A_2332 = arith.select %eq3A_2294, %broadcast_in_dim3A_2330, %broadcast_in_dim3A_2331 : vector<16xi1>, vector<16xi32>
      %xor3A_2333 = arith.xori %select_n3A_2327, %select_n3A_2332 : vector<16xi32>
      %eq3A_2334 = arith.constant 0 : i32
      %eq3A_2335 = vector.broadcast %eq3A_2334 : i32 to vector<16xi32>
      %eq3A_2336 = arith.cmpi eq, %xor3A_2333, %eq3A_2335 : vector<16xi32>
      %select_n3A_2337 = arith.select %eq3A_2336, %select_n3A_2280, %gather3A_2307 : vector<16xi1>, vector<16xf32>
      %select_n3A_2338 = arith.select %eq3A_2336, %select_n3A_2281, %gather3A_2317 : vector<16xi1>, vector<16xi32>
      %add3A_2339 = arith.constant 64 : i32
      %add3A_2340 = arith.addi %mul3A_29, %add3A_2339 : i32
      %get3A_2341 = arith.index_cast %add3A_2340 : i32 to index
      %get3A_2342 = tpu.vector_load %arg14[%get3A_2341] {strides = array<i32>} : memref<640xf32, #tpu.memory_space<vmem>>, vector<16xf32>,
      %get3A_2343 = vector.shape_cast %get3A_2342 : vector<16xf32> to vector<16xf32>
      %add3A_2344 = arith.addi %mul3A_2, %mul3A_29 : i32
      %add3A_2345 = arith.constant 64 : i32
      %add3A_2346 = arith.addi %add3A_2344, %add3A_2345 : i32
      %add3A_2347 = vector.broadcast %add3A_2346 : i32 to vector<16xi32>
      %add3A_2348 = arith.addi %add3A_2347, %iota3A : vector<16xi32>
      %shift_right_arithmetic3A_2349 = arith.constant 0 : i32
      %shift_right_arithmetic3A_2350 = vector.broadcast %shift_right_arithmetic3A_2349 : i32 to vector<16xi32>
      %shift_right_arithmetic3A_2351 = arith.shrsi %iota3A, %shift_right_arithmetic3A_2350 : vector<16xi32>
      %and3A_2352 = arith.constant 1 : i32
      %and3A_2353 = vector.broadcast %and3A_2352 : i32 to vector<16xi32>
      %and3A_2354 = arith.andi %shift_right_arithmetic3A_2351, %and3A_2353 : vector<16xi32>
      %shift_right_arithmetic3A_2355 = arith.constant 1 : i32
      %shift_right_arithmetic3A_2356 = vector.broadcast %shift_right_arithmetic3A_2355 : i32 to vector<16xi32>
      %shift_right_arithmetic3A_2357 = arith.shrsi %iota3A, %shift_right_arithmetic3A_2356 : vector<16xi32>
      %and3A_2358 = arith.constant 1 : i32
      %and3A_2359 = vector.broadcast %and3A_2358 : i32 to vector<16xi32>
      %and3A_2360 = arith.andi %shift_right_arithmetic3A_2357, %and3A_2359 : vector<16xi32>
      %eq3A_2361 = arith.cmpi eq, %and3A_2354, %and3A_2360 : vector<16xi32>
      %xor3A_2362 = arith.constant 1 : i32
      %xor3A_2363 = vector.broadcast %xor3A_2362 : i32 to vector<16xi32>
      %xor3A_2364 = arith.xori %iota3A, %xor3A_2363 : vector<16xi32>
      %lt3A_2365 = arith.constant 0 : i32
      %lt3A_2366 = vector.broadcast %lt3A_2365 : i32 to vector<16xi32>
      %lt3A_2367 = arith.cmpi slt, %xor3A_2364, %lt3A_2366 : vector<16xi32>
      %add3A_2368 = arith.constant 16 : i32
      %add3A_2369 = vector.broadcast %add3A_2368 : i32 to vector<16xi32>
      %add3A_2370 = arith.addi %xor3A_2364, %add3A_2369 : vector<16xi32>
      %select_n3A_2371 = arith.select %lt3A_2367, %add3A_2370, %xor3A_2364 : vector<16xi1>, vector<16xi32>
      %broadcast_in_dim3A_2372 = vector.shape_cast %select_n3A_2371 : vector<16xi32> to vector<16x1xi32>
      %gather3A_2373 = vector.shape_cast %broadcast_in_dim3A_2372 : vector<16x1xi32> to vector<16xi32>
      %gather3A_2374 = tpu.dynamic_gather %get3A_2343[%gather3A_2373] in [0] : vector<16xf32>, vector<16xi32> -> vector<16xf32>
      %lt3A_2375 = arith.constant 0 : i32
      %lt3A_2376 = vector.broadcast %lt3A_2375 : i32 to vector<16xi32>
      %lt3A_2377 = arith.cmpi slt, %xor3A_2364, %lt3A_2376 : vector<16xi32>
      %add3A_2378 = arith.constant 16 : i32
      %add3A_2379 = vector.broadcast %add3A_2378 : i32 to vector<16xi32>
      %add3A_2380 = arith.addi %xor3A_2364, %add3A_2379 : vector<16xi32>
      %select_n3A_2381 = arith.select %lt3A_2377, %add3A_2380, %xor3A_2364 : vector<16xi1>, vector<16xi32>
      %broadcast_in_dim3A_2382 = vector.shape_cast %select_n3A_2381 : vector<16xi32> to vector<16x1xi32>
      %gather3A_2383 = vector.shape_cast %broadcast_in_dim3A_2382 : vector<16x1xi32> to vector<16xi32>
      %gather3A_2384 = tpu.dynamic_gather %add3A_2348[%gather3A_2383] in [0] : vector<16xi32>, vector<16xi32> -> vector<16xi32>
      %gt3A_2385 = arith.cmpf ogt, %get3A_2343, %gather3A_2374 : vector<16xf32>
      %eq3A_2386 = arith.cmpf oeq, %get3A_2343, %gather3A_2374 : vector<16xf32>
      %lt3A_2387 = arith.cmpi slt, %add3A_2348, %gather3A_2384 : vector<16xi32>
      %and3A_2388 = arith.andi %eq3A_2386, %lt3A_2387 : vector<16xi1>
      %or3A_2389 = arith.ori %gt3A_2385, %and3A_2388 : vector<16xi1>
      %jit3A_2390 = arith.constant 1 : i32
      %jit3A_2391 = arith.constant 0 : i32
      %broadcast_in_dim3A_2392 = vector.broadcast %jit3A_2390 : i32 to vector<16xi32>
      %broadcast_in_dim3A_2393 = vector.broadcast %jit3A_2391 : i32 to vector<16xi32>
      %select_n3A_2394 = arith.select %or3A_2389, %broadcast_in_dim3A_2392, %broadcast_in_dim3A_2393 : vector<16xi1>, vector<16xi32>
      %jit3A_2395 = arith.constant 1 : i32
      %jit3A_2396 = arith.constant 0 : i32
      %broadcast_in_dim3A_2397 = vector.broadcast %jit3A_2395 : i32 to vector<16xi32>
      %broadcast_in_dim3A_2398 = vector.broadcast %jit3A_2396 : i32 to vector<16xi32>
      %select_n3A_2399 = arith.select %eq3A_2361, %broadcast_in_dim3A_2397, %broadcast_in_dim3A_2398 : vector<16xi1>, vector<16xi32>
      %xor3A_2400 = arith.xori %select_n3A_2394, %select_n3A_2399 : vector<16xi32>
      %eq3A_2401 = arith.constant 0 : i32
      %eq3A_2402 = vector.broadcast %eq3A_2401 : i32 to vector<16xi32>
      %eq3A_2403 = arith.cmpi eq, %xor3A_2400, %eq3A_2402 : vector<16xi32>
      %select_n3A_2404 = arith.select %eq3A_2403, %get3A_2343, %gather3A_2374 : vector<16xi1>, vector<16xf32>
      %select_n3A_2405 = arith.select %eq3A_2403, %add3A_2348, %gather3A_2384 : vector<16xi1>, vector<16xi32>
      %shift_right_arithmetic3A_2406 = arith.constant 1 : i32
      %shift_right_arithmetic3A_2407 = vector.broadcast %shift_right_arithmetic3A_2406 : i32 to vector<16xi32>
      %shift_right_arithmetic3A_2408 = arith.shrsi %iota3A, %shift_right_arithmetic3A_2407 : vector<16xi32>
      %and3A_2409 = arith.constant 1 : i32
      %and3A_2410 = vector.broadcast %and3A_2409 : i32 to vector<16xi32>
      %and3A_2411 = arith.andi %shift_right_arithmetic3A_2408, %and3A_2410 : vector<16xi32>
      %shift_right_arithmetic3A_2412 = arith.constant 2 : i32
      %shift_right_arithmetic3A_2413 = vector.broadcast %shift_right_arithmetic3A_2412 : i32 to vector<16xi32>
      %shift_right_arithmetic3A_2414 = arith.shrsi %iota3A, %shift_right_arithmetic3A_2413 : vector<16xi32>
      %and3A_2415 = arith.constant 1 : i32
      %and3A_2416 = vector.broadcast %and3A_2415 : i32 to vector<16xi32>
      %and3A_2417 = arith.andi %shift_right_arithmetic3A_2414, %and3A_2416 : vector<16xi32>
      %eq3A_2418 = arith.cmpi eq, %and3A_2411, %and3A_2417 : vector<16xi32>
      %xor3A_2419 = arith.constant 2 : i32
      %xor3A_2420 = vector.broadcast %xor3A_2419 : i32 to vector<16xi32>
      %xor3A_2421 = arith.xori %iota3A, %xor3A_2420 : vector<16xi32>
      %lt3A_2422 = arith.constant 0 : i32
      %lt3A_2423 = vector.broadcast %lt3A_2422 : i32 to vector<16xi32>
      %lt3A_2424 = arith.cmpi slt, %xor3A_2421, %lt3A_2423 : vector<16xi32>
      %add3A_2425 = arith.constant 16 : i32
      %add3A_2426 = vector.broadcast %add3A_2425 : i32 to vector<16xi32>
      %add3A_2427 = arith.addi %xor3A_2421, %add3A_2426 : vector<16xi32>
      %select_n3A_2428 = arith.select %lt3A_2424, %add3A_2427, %xor3A_2421 : vector<16xi1>, vector<16xi32>
      %broadcast_in_dim3A_2429 = vector.shape_cast %select_n3A_2428 : vector<16xi32> to vector<16x1xi32>
      %gather3A_2430 = vector.shape_cast %broadcast_in_dim3A_2429 : vector<16x1xi32> to vector<16xi32>
      %gather3A_2431 = tpu.dynamic_gather %select_n3A_2404[%gather3A_2430] in [0] : vector<16xf32>, vector<16xi32> -> vector<16xf32>
      %lt3A_2432 = arith.constant 0 : i32
      %lt3A_2433 = vector.broadcast %lt3A_2432 : i32 to vector<16xi32>
      %lt3A_2434 = arith.cmpi slt, %xor3A_2421, %lt3A_2433 : vector<16xi32>
      %add3A_2435 = arith.constant 16 : i32
      %add3A_2436 = vector.broadcast %add3A_2435 : i32 to vector<16xi32>
      %add3A_2437 = arith.addi %xor3A_2421, %add3A_2436 : vector<16xi32>
      %select_n3A_2438 = arith.select %lt3A_2434, %add3A_2437, %xor3A_2421 : vector<16xi1>, vector<16xi32>
      %broadcast_in_dim3A_2439 = vector.shape_cast %select_n3A_2438 : vector<16xi32> to vector<16x1xi32>
      %gather3A_2440 = vector.shape_cast %broadcast_in_dim3A_2439 : vector<16x1xi32> to vector<16xi32>
      %gather3A_2441 = tpu.dynamic_gather %select_n3A_2405[%gather3A_2440] in [0] : vector<16xi32>, vector<16xi32> -> vector<16xi32>
      %gt3A_2442 = arith.cmpf ogt, %select_n3A_2404, %gather3A_2431 : vector<16xf32>
      %eq3A_2443 = arith.cmpf oeq, %select_n3A_2404, %gather3A_2431 : vector<16xf32>
      %lt3A_2444 = arith.cmpi slt, %select_n3A_2405, %gather3A_2441 : vector<16xi32>
      %and3A_2445 = arith.andi %eq3A_2443, %lt3A_2444 : vector<16xi1>
      %or3A_2446 = arith.ori %gt3A_2442, %and3A_2445 : vector<16xi1>
      %jit3A_2447 = arith.constant 1 : i32
      %jit3A_2448 = arith.constant 0 : i32
      %broadcast_in_dim3A_2449 = vector.broadcast %jit3A_2447 : i32 to vector<16xi32>
      %broadcast_in_dim3A_2450 = vector.broadcast %jit3A_2448 : i32 to vector<16xi32>
      %select_n3A_2451 = arith.select %or3A_2446, %broadcast_in_dim3A_2449, %broadcast_in_dim3A_2450 : vector<16xi1>, vector<16xi32>
      %jit3A_2452 = arith.constant 1 : i32
      %jit3A_2453 = arith.constant 0 : i32
      %broadcast_in_dim3A_2454 = vector.broadcast %jit3A_2452 : i32 to vector<16xi32>
      %broadcast_in_dim3A_2455 = vector.broadcast %jit3A_2453 : i32 to vector<16xi32>
      %select_n3A_2456 = arith.select %eq3A_2418, %broadcast_in_dim3A_2454, %broadcast_in_dim3A_2455 : vector<16xi1>, vector<16xi32>
      %xor3A_2457 = arith.xori %select_n3A_2451, %select_n3A_2456 : vector<16xi32>
      %eq3A_2458 = arith.constant 0 : i32
      %eq3A_2459 = vector.broadcast %eq3A_2458 : i32 to vector<16xi32>
      %eq3A_2460 = arith.cmpi eq, %xor3A_2457, %eq3A_2459 : vector<16xi32>
      %select_n3A_2461 = arith.select %eq3A_2460, %select_n3A_2404, %gather3A_2431 : vector<16xi1>, vector<16xf32>
      %select_n3A_2462 = arith.select %eq3A_2460, %select_n3A_2405, %gather3A_2441 : vector<16xi1>, vector<16xi32>
      %shift_right_arithmetic3A_2463 = arith.constant 0 : i32
      %shift_right_arithmetic3A_2464 = vector.broadcast %shift_right_arithmetic3A_2463 : i32 to vector<16xi32>
      %shift_right_arithmetic3A_2465 = arith.shrsi %iota3A, %shift_right_arithmetic3A_2464 : vector<16xi32>
      %and3A_2466 = arith.constant 1 : i32
      %and3A_2467 = vector.broadcast %and3A_2466 : i32 to vector<16xi32>
      %and3A_2468 = arith.andi %shift_right_arithmetic3A_2465, %and3A_2467 : vector<16xi32>
      %shift_right_arithmetic3A_2469 = arith.constant 2 : i32
      %shift_right_arithmetic3A_2470 = vector.broadcast %shift_right_arithmetic3A_2469 : i32 to vector<16xi32>
      %shift_right_arithmetic3A_2471 = arith.shrsi %iota3A, %shift_right_arithmetic3A_2470 : vector<16xi32>
      %and3A_2472 = arith.constant 1 : i32
      %and3A_2473 = vector.broadcast %and3A_2472 : i32 to vector<16xi32>
      %and3A_2474 = arith.andi %shift_right_arithmetic3A_2471, %and3A_2473 : vector<16xi32>
      %eq3A_2475 = arith.cmpi eq, %and3A_2468, %and3A_2474 : vector<16xi32>
      %xor3A_2476 = arith.constant 1 : i32
      %xor3A_2477 = vector.broadcast %xor3A_2476 : i32 to vector<16xi32>
      %xor3A_2478 = arith.xori %iota3A, %xor3A_2477 : vector<16xi32>
      %lt3A_2479 = arith.constant 0 : i32
      %lt3A_2480 = vector.broadcast %lt3A_2479 : i32 to vector<16xi32>
      %lt3A_2481 = arith.cmpi slt, %xor3A_2478, %lt3A_2480 : vector<16xi32>
      %add3A_2482 = arith.constant 16 : i32
      %add3A_2483 = vector.broadcast %add3A_2482 : i32 to vector<16xi32>
      %add3A_2484 = arith.addi %xor3A_2478, %add3A_2483 : vector<16xi32>
      %select_n3A_2485 = arith.select %lt3A_2481, %add3A_2484, %xor3A_2478 : vector<16xi1>, vector<16xi32>
      %broadcast_in_dim3A_2486 = vector.shape_cast %select_n3A_2485 : vector<16xi32> to vector<16x1xi32>
      %gather3A_2487 = vector.shape_cast %broadcast_in_dim3A_2486 : vector<16x1xi32> to vector<16xi32>
      %gather3A_2488 = tpu.dynamic_gather %select_n3A_2461[%gather3A_2487] in [0] : vector<16xf32>, vector<16xi32> -> vector<16xf32>
      %lt3A_2489 = arith.constant 0 : i32
      %lt3A_2490 = vector.broadcast %lt3A_2489 : i32 to vector<16xi32>
      %lt3A_2491 = arith.cmpi slt, %xor3A_2478, %lt3A_2490 : vector<16xi32>
      %add3A_2492 = arith.constant 16 : i32
      %add3A_2493 = vector.broadcast %add3A_2492 : i32 to vector<16xi32>
      %add3A_2494 = arith.addi %xor3A_2478, %add3A_2493 : vector<16xi32>
      %select_n3A_2495 = arith.select %lt3A_2491, %add3A_2494, %xor3A_2478 : vector<16xi1>, vector<16xi32>
      %broadcast_in_dim3A_2496 = vector.shape_cast %select_n3A_2495 : vector<16xi32> to vector<16x1xi32>
      %gather3A_2497 = vector.shape_cast %broadcast_in_dim3A_2496 : vector<16x1xi32> to vector<16xi32>
      %gather3A_2498 = tpu.dynamic_gather %select_n3A_2462[%gather3A_2497] in [0] : vector<16xi32>, vector<16xi32> -> vector<16xi32>
      %gt3A_2499 = arith.cmpf ogt, %select_n3A_2461, %gather3A_2488 : vector<16xf32>
      %eq3A_2500 = arith.cmpf oeq, %select_n3A_2461, %gather3A_2488 : vector<16xf32>
      %lt3A_2501 = arith.cmpi slt, %select_n3A_2462, %gather3A_2498 : vector<16xi32>
      %and3A_2502 = arith.andi %eq3A_2500, %lt3A_2501 : vector<16xi1>
      %or3A_2503 = arith.ori %gt3A_2499, %and3A_2502 : vector<16xi1>
      %jit3A_2504 = arith.constant 1 : i32
      %jit3A_2505 = arith.constant 0 : i32
      %broadcast_in_dim3A_2506 = vector.broadcast %jit3A_2504 : i32 to vector<16xi32>
      %broadcast_in_dim3A_2507 = vector.broadcast %jit3A_2505 : i32 to vector<16xi32>
      %select_n3A_2508 = arith.select %or3A_2503, %broadcast_in_dim3A_2506, %broadcast_in_dim3A_2507 : vector<16xi1>, vector<16xi32>
      %jit3A_2509 = arith.constant 1 : i32
      %jit3A_2510 = arith.constant 0 : i32
      %broadcast_in_dim3A_2511 = vector.broadcast %jit3A_2509 : i32 to vector<16xi32>
      %broadcast_in_dim3A_2512 = vector.broadcast %jit3A_2510 : i32 to vector<16xi32>
      %select_n3A_2513 = arith.select %eq3A_2475, %broadcast_in_dim3A_2511, %broadcast_in_dim3A_2512 : vector<16xi1>, vector<16xi32>
      %xor3A_2514 = arith.xori %select_n3A_2508, %select_n3A_2513 : vector<16xi32>
      %eq3A_2515 = arith.constant 0 : i32
      %eq3A_2516 = vector.broadcast %eq3A_2515 : i32 to vector<16xi32>
      %eq3A_2517 = arith.cmpi eq, %xor3A_2514, %eq3A_2516 : vector<16xi32>
      %select_n3A_2518 = arith.select %eq3A_2517, %select_n3A_2461, %gather3A_2488 : vector<16xi1>, vector<16xf32>
      %select_n3A_2519 = arith.select %eq3A_2517, %select_n3A_2462, %gather3A_2498 : vector<16xi1>, vector<16xi32>
      %shift_right_arithmetic3A_2520 = arith.constant 2 : i32
      %shift_right_arithmetic3A_2521 = vector.broadcast %shift_right_arithmetic3A_2520 : i32 to vector<16xi32>
      %shift_right_arithmetic3A_2522 = arith.shrsi %iota3A, %shift_right_arithmetic3A_2521 : vector<16xi32>
      %and3A_2523 = arith.constant 1 : i32
      %and3A_2524 = vector.broadcast %and3A_2523 : i32 to vector<16xi32>
      %and3A_2525 = arith.andi %shift_right_arithmetic3A_2522, %and3A_2524 : vector<16xi32>
      %shift_right_arithmetic3A_2526 = arith.constant 3 : i32
      %shift_right_arithmetic3A_2527 = vector.broadcast %shift_right_arithmetic3A_2526 : i32 to vector<16xi32>
      %shift_right_arithmetic3A_2528 = arith.shrsi %iota3A, %shift_right_arithmetic3A_2527 : vector<16xi32>
      %and3A_2529 = arith.constant 1 : i32
      %and3A_2530 = vector.broadcast %and3A_2529 : i32 to vector<16xi32>
      %and3A_2531 = arith.andi %shift_right_arithmetic3A_2528, %and3A_2530 : vector<16xi32>
      %eq3A_2532 = arith.cmpi eq, %and3A_2525, %and3A_2531 : vector<16xi32>
      %xor3A_2533 = arith.constant 4 : i32
      %xor3A_2534 = vector.broadcast %xor3A_2533 : i32 to vector<16xi32>
      %xor3A_2535 = arith.xori %iota3A, %xor3A_2534 : vector<16xi32>
      %lt3A_2536 = arith.constant 0 : i32
      %lt3A_2537 = vector.broadcast %lt3A_2536 : i32 to vector<16xi32>
      %lt3A_2538 = arith.cmpi slt, %xor3A_2535, %lt3A_2537 : vector<16xi32>
      %add3A_2539 = arith.constant 16 : i32
      %add3A_2540 = vector.broadcast %add3A_2539 : i32 to vector<16xi32>
      %add3A_2541 = arith.addi %xor3A_2535, %add3A_2540 : vector<16xi32>
      %select_n3A_2542 = arith.select %lt3A_2538, %add3A_2541, %xor3A_2535 : vector<16xi1>, vector<16xi32>
      %broadcast_in_dim3A_2543 = vector.shape_cast %select_n3A_2542 : vector<16xi32> to vector<16x1xi32>
      %gather3A_2544 = vector.shape_cast %broadcast_in_dim3A_2543 : vector<16x1xi32> to vector<16xi32>
      %gather3A_2545 = tpu.dynamic_gather %select_n3A_2518[%gather3A_2544] in [0] : vector<16xf32>, vector<16xi32> -> vector<16xf32>
      %lt3A_2546 = arith.constant 0 : i32
      %lt3A_2547 = vector.broadcast %lt3A_2546 : i32 to vector<16xi32>
      %lt3A_2548 = arith.cmpi slt, %xor3A_2535, %lt3A_2547 : vector<16xi32>
      %add3A_2549 = arith.constant 16 : i32
      %add3A_2550 = vector.broadcast %add3A_2549 : i32 to vector<16xi32>
      %add3A_2551 = arith.addi %xor3A_2535, %add3A_2550 : vector<16xi32>
      %select_n3A_2552 = arith.select %lt3A_2548, %add3A_2551, %xor3A_2535 : vector<16xi1>, vector<16xi32>
      %broadcast_in_dim3A_2553 = vector.shape_cast %select_n3A_2552 : vector<16xi32> to vector<16x1xi32>
      %gather3A_2554 = vector.shape_cast %broadcast_in_dim3A_2553 : vector<16x1xi32> to vector<16xi32>
      %gather3A_2555 = tpu.dynamic_gather %select_n3A_2519[%gather3A_2554] in [0] : vector<16xi32>, vector<16xi32> -> vector<16xi32>
      %gt3A_2556 = arith.cmpf ogt, %select_n3A_2518, %gather3A_2545 : vector<16xf32>
      %eq3A_2557 = arith.cmpf oeq, %select_n3A_2518, %gather3A_2545 : vector<16xf32>
      %lt3A_2558 = arith.cmpi slt, %select_n3A_2519, %gather3A_2555 : vector<16xi32>
      %and3A_2559 = arith.andi %eq3A_2557, %lt3A_2558 : vector<16xi1>
      %or3A_2560 = arith.ori %gt3A_2556, %and3A_2559 : vector<16xi1>
      %jit3A_2561 = arith.constant 1 : i32
      %jit3A_2562 = arith.constant 0 : i32
      %broadcast_in_dim3A_2563 = vector.broadcast %jit3A_2561 : i32 to vector<16xi32>
      %broadcast_in_dim3A_2564 = vector.broadcast %jit3A_2562 : i32 to vector<16xi32>
      %select_n3A_2565 = arith.select %or3A_2560, %broadcast_in_dim3A_2563, %broadcast_in_dim3A_2564 : vector<16xi1>, vector<16xi32>
      %jit3A_2566 = arith.constant 1 : i32
      %jit3A_2567 = arith.constant 0 : i32
      %broadcast_in_dim3A_2568 = vector.broadcast %jit3A_2566 : i32 to vector<16xi32>
      %broadcast_in_dim3A_2569 = vector.broadcast %jit3A_2567 : i32 to vector<16xi32>
      %select_n3A_2570 = arith.select %eq3A_2532, %broadcast_in_dim3A_2568, %broadcast_in_dim3A_2569 : vector<16xi1>, vector<16xi32>
      %xor3A_2571 = arith.xori %select_n3A_2565, %select_n3A_2570 : vector<16xi32>
      %eq3A_2572 = arith.constant 0 : i32
      %eq3A_2573 = vector.broadcast %eq3A_2572 : i32 to vector<16xi32>
      %eq3A_2574 = arith.cmpi eq, %xor3A_2571, %eq3A_2573 : vector<16xi32>
      %select_n3A_2575 = arith.select %eq3A_2574, %select_n3A_2518, %gather3A_2545 : vector<16xi1>, vector<16xf32>
      %select_n3A_2576 = arith.select %eq3A_2574, %select_n3A_2519, %gather3A_2555 : vector<16xi1>, vector<16xi32>
      %shift_right_arithmetic3A_2577 = arith.constant 1 : i32
      %shift_right_arithmetic3A_2578 = vector.broadcast %shift_right_arithmetic3A_2577 : i32 to vector<16xi32>
      %shift_right_arithmetic3A_2579 = arith.shrsi %iota3A, %shift_right_arithmetic3A_2578 : vector<16xi32>
      %and3A_2580 = arith.constant 1 : i32
      %and3A_2581 = vector.broadcast %and3A_2580 : i32 to vector<16xi32>
      %and3A_2582 = arith.andi %shift_right_arithmetic3A_2579, %and3A_2581 : vector<16xi32>
      %shift_right_arithmetic3A_2583 = arith.constant 3 : i32
      %shift_right_arithmetic3A_2584 = vector.broadcast %shift_right_arithmetic3A_2583 : i32 to vector<16xi32>
      %shift_right_arithmetic3A_2585 = arith.shrsi %iota3A, %shift_right_arithmetic3A_2584 : vector<16xi32>
      %and3A_2586 = arith.constant 1 : i32
      %and3A_2587 = vector.broadcast %and3A_2586 : i32 to vector<16xi32>
      %and3A_2588 = arith.andi %shift_right_arithmetic3A_2585, %and3A_2587 : vector<16xi32>
      %eq3A_2589 = arith.cmpi eq, %and3A_2582, %and3A_2588 : vector<16xi32>
      %xor3A_2590 = arith.constant 2 : i32
      %xor3A_2591 = vector.broadcast %xor3A_2590 : i32 to vector<16xi32>
      %xor3A_2592 = arith.xori %iota3A, %xor3A_2591 : vector<16xi32>
      %lt3A_2593 = arith.constant 0 : i32
      %lt3A_2594 = vector.broadcast %lt3A_2593 : i32 to vector<16xi32>
      %lt3A_2595 = arith.cmpi slt, %xor3A_2592, %lt3A_2594 : vector<16xi32>
      %add3A_2596 = arith.constant 16 : i32
      %add3A_2597 = vector.broadcast %add3A_2596 : i32 to vector<16xi32>
      %add3A_2598 = arith.addi %xor3A_2592, %add3A_2597 : vector<16xi32>
      %select_n3A_2599 = arith.select %lt3A_2595, %add3A_2598, %xor3A_2592 : vector<16xi1>, vector<16xi32>
      %broadcast_in_dim3A_2600 = vector.shape_cast %select_n3A_2599 : vector<16xi32> to vector<16x1xi32>
      %gather3A_2601 = vector.shape_cast %broadcast_in_dim3A_2600 : vector<16x1xi32> to vector<16xi32>
      %gather3A_2602 = tpu.dynamic_gather %select_n3A_2575[%gather3A_2601] in [0] : vector<16xf32>, vector<16xi32> -> vector<16xf32>
      %lt3A_2603 = arith.constant 0 : i32
      %lt3A_2604 = vector.broadcast %lt3A_2603 : i32 to vector<16xi32>
      %lt3A_2605 = arith.cmpi slt, %xor3A_2592, %lt3A_2604 : vector<16xi32>
      %add3A_2606 = arith.constant 16 : i32
      %add3A_2607 = vector.broadcast %add3A_2606 : i32 to vector<16xi32>
      %add3A_2608 = arith.addi %xor3A_2592, %add3A_2607 : vector<16xi32>
      %select_n3A_2609 = arith.select %lt3A_2605, %add3A_2608, %xor3A_2592 : vector<16xi1>, vector<16xi32>
      %broadcast_in_dim3A_2610 = vector.shape_cast %select_n3A_2609 : vector<16xi32> to vector<16x1xi32>
      %gather3A_2611 = vector.shape_cast %broadcast_in_dim3A_2610 : vector<16x1xi32> to vector<16xi32>
      %gather3A_2612 = tpu.dynamic_gather %select_n3A_2576[%gather3A_2611] in [0] : vector<16xi32>, vector<16xi32> -> vector<16xi32>
      %gt3A_2613 = arith.cmpf ogt, %select_n3A_2575, %gather3A_2602 : vector<16xf32>
      %eq3A_2614 = arith.cmpf oeq, %select_n3A_2575, %gather3A_2602 : vector<16xf32>
      %lt3A_2615 = arith.cmpi slt, %select_n3A_2576, %gather3A_2612 : vector<16xi32>
      %and3A_2616 = arith.andi %eq3A_2614, %lt3A_2615 : vector<16xi1>
      %or3A_2617 = arith.ori %gt3A_2613, %and3A_2616 : vector<16xi1>
      %jit3A_2618 = arith.constant 1 : i32
      %jit3A_2619 = arith.constant 0 : i32
      %broadcast_in_dim3A_2620 = vector.broadcast %jit3A_2618 : i32 to vector<16xi32>
      %broadcast_in_dim3A_2621 = vector.broadcast %jit3A_2619 : i32 to vector<16xi32>
      %select_n3A_2622 = arith.select %or3A_2617, %broadcast_in_dim3A_2620, %broadcast_in_dim3A_2621 : vector<16xi1>, vector<16xi32>
      %jit3A_2623 = arith.constant 1 : i32
      %jit3A_2624 = arith.constant 0 : i32
      %broadcast_in_dim3A_2625 = vector.broadcast %jit3A_2623 : i32 to vector<16xi32>
      %broadcast_in_dim3A_2626 = vector.broadcast %jit3A_2624 : i32 to vector<16xi32>
      %select_n3A_2627 = arith.select %eq3A_2589, %broadcast_in_dim3A_2625, %broadcast_in_dim3A_2626 : vector<16xi1>, vector<16xi32>
      %xor3A_2628 = arith.xori %select_n3A_2622, %select_n3A_2627 : vector<16xi32>
      %eq3A_2629 = arith.constant 0 : i32
      %eq3A_2630 = vector.broadcast %eq3A_2629 : i32 to vector<16xi32>
      %eq3A_2631 = arith.cmpi eq, %xor3A_2628, %eq3A_2630 : vector<16xi32>
      %select_n3A_2632 = arith.select %eq3A_2631, %select_n3A_2575, %gather3A_2602 : vector<16xi1>, vector<16xf32>
      %select_n3A_2633 = arith.select %eq3A_2631, %select_n3A_2576, %gather3A_2612 : vector<16xi1>, vector<16xi32>
      %shift_right_arithmetic3A_2634 = arith.constant 0 : i32
      %shift_right_arithmetic3A_2635 = vector.broadcast %shift_right_arithmetic3A_2634 : i32 to vector<16xi32>
      %shift_right_arithmetic3A_2636 = arith.shrsi %iota3A, %shift_right_arithmetic3A_2635 : vector<16xi32>
      %and3A_2637 = arith.constant 1 : i32
      %and3A_2638 = vector.broadcast %and3A_2637 : i32 to vector<16xi32>
      %and3A_2639 = arith.andi %shift_right_arithmetic3A_2636, %and3A_2638 : vector<16xi32>
      %shift_right_arithmetic3A_2640 = arith.constant 3 : i32
      %shift_right_arithmetic3A_2641 = vector.broadcast %shift_right_arithmetic3A_2640 : i32 to vector<16xi32>
      %shift_right_arithmetic3A_2642 = arith.shrsi %iota3A, %shift_right_arithmetic3A_2641 : vector<16xi32>
      %and3A_2643 = arith.constant 1 : i32
      %and3A_2644 = vector.broadcast %and3A_2643 : i32 to vector<16xi32>
      %and3A_2645 = arith.andi %shift_right_arithmetic3A_2642, %and3A_2644 : vector<16xi32>
      %eq3A_2646 = arith.cmpi eq, %and3A_2639, %and3A_2645 : vector<16xi32>
      %xor3A_2647 = arith.constant 1 : i32
      %xor3A_2648 = vector.broadcast %xor3A_2647 : i32 to vector<16xi32>
      %xor3A_2649 = arith.xori %iota3A, %xor3A_2648 : vector<16xi32>
      %lt3A_2650 = arith.constant 0 : i32
      %lt3A_2651 = vector.broadcast %lt3A_2650 : i32 to vector<16xi32>
      %lt3A_2652 = arith.cmpi slt, %xor3A_2649, %lt3A_2651 : vector<16xi32>
      %add3A_2653 = arith.constant 16 : i32
      %add3A_2654 = vector.broadcast %add3A_2653 : i32 to vector<16xi32>
      %add3A_2655 = arith.addi %xor3A_2649, %add3A_2654 : vector<16xi32>
      %select_n3A_2656 = arith.select %lt3A_2652, %add3A_2655, %xor3A_2649 : vector<16xi1>, vector<16xi32>
      %broadcast_in_dim3A_2657 = vector.shape_cast %select_n3A_2656 : vector<16xi32> to vector<16x1xi32>
      %gather3A_2658 = vector.shape_cast %broadcast_in_dim3A_2657 : vector<16x1xi32> to vector<16xi32>
      %gather3A_2659 = tpu.dynamic_gather %select_n3A_2632[%gather3A_2658] in [0] : vector<16xf32>, vector<16xi32> -> vector<16xf32>
      %lt3A_2660 = arith.constant 0 : i32
      %lt3A_2661 = vector.broadcast %lt3A_2660 : i32 to vector<16xi32>
      %lt3A_2662 = arith.cmpi slt, %xor3A_2649, %lt3A_2661 : vector<16xi32>
      %add3A_2663 = arith.constant 16 : i32
      %add3A_2664 = vector.broadcast %add3A_2663 : i32 to vector<16xi32>
      %add3A_2665 = arith.addi %xor3A_2649, %add3A_2664 : vector<16xi32>
      %select_n3A_2666 = arith.select %lt3A_2662, %add3A_2665, %xor3A_2649 : vector<16xi1>, vector<16xi32>
      %broadcast_in_dim3A_2667 = vector.shape_cast %select_n3A_2666 : vector<16xi32> to vector<16x1xi32>
      %gather3A_2668 = vector.shape_cast %broadcast_in_dim3A_2667 : vector<16x1xi32> to vector<16xi32>
      %gather3A_2669 = tpu.dynamic_gather %select_n3A_2633[%gather3A_2668] in [0] : vector<16xi32>, vector<16xi32> -> vector<16xi32>
      %gt3A_2670 = arith.cmpf ogt, %select_n3A_2632, %gather3A_2659 : vector<16xf32>
      %eq3A_2671 = arith.cmpf oeq, %select_n3A_2632, %gather3A_2659 : vector<16xf32>
      %lt3A_2672 = arith.cmpi slt, %select_n3A_2633, %gather3A_2669 : vector<16xi32>
      %and3A_2673 = arith.andi %eq3A_2671, %lt3A_2672 : vector<16xi1>
      %or3A_2674 = arith.ori %gt3A_2670, %and3A_2673 : vector<16xi1>
      %jit3A_2675 = arith.constant 1 : i32
      %jit3A_2676 = arith.constant 0 : i32
      %broadcast_in_dim3A_2677 = vector.broadcast %jit3A_2675 : i32 to vector<16xi32>
      %broadcast_in_dim3A_2678 = vector.broadcast %jit3A_2676 : i32 to vector<16xi32>
      %select_n3A_2679 = arith.select %or3A_2674, %broadcast_in_dim3A_2677, %broadcast_in_dim3A_2678 : vector<16xi1>, vector<16xi32>
      %jit3A_2680 = arith.constant 1 : i32
      %jit3A_2681 = arith.constant 0 : i32
      %broadcast_in_dim3A_2682 = vector.broadcast %jit3A_2680 : i32 to vector<16xi32>
      %broadcast_in_dim3A_2683 = vector.broadcast %jit3A_2681 : i32 to vector<16xi32>
      %select_n3A_2684 = arith.select %eq3A_2646, %broadcast_in_dim3A_2682, %broadcast_in_dim3A_2683 : vector<16xi1>, vector<16xi32>
      %xor3A_2685 = arith.xori %select_n3A_2679, %select_n3A_2684 : vector<16xi32>
      %eq3A_2686 = arith.constant 0 : i32
      %eq3A_2687 = vector.broadcast %eq3A_2686 : i32 to vector<16xi32>
      %eq3A_2688 = arith.cmpi eq, %xor3A_2685, %eq3A_2687 : vector<16xi32>
      %select_n3A_2689 = arith.select %eq3A_2688, %select_n3A_2632, %gather3A_2659 : vector<16xi1>, vector<16xf32>
      %select_n3A_2690 = arith.select %eq3A_2688, %select_n3A_2633, %gather3A_2669 : vector<16xi1>, vector<16xi32>
      %shift_right_arithmetic3A_2691 = arith.constant 3 : i32
      %shift_right_arithmetic3A_2692 = vector.broadcast %shift_right_arithmetic3A_2691 : i32 to vector<16xi32>
      %shift_right_arithmetic3A_2693 = arith.shrsi %iota3A, %shift_right_arithmetic3A_2692 : vector<16xi32>
      %and3A_2694 = arith.constant 1 : i32
      %and3A_2695 = vector.broadcast %and3A_2694 : i32 to vector<16xi32>
      %and3A_2696 = arith.andi %shift_right_arithmetic3A_2693, %and3A_2695 : vector<16xi32>
      %shift_right_arithmetic3A_2697 = arith.constant 4 : i32
      %shift_right_arithmetic3A_2698 = vector.broadcast %shift_right_arithmetic3A_2697 : i32 to vector<16xi32>
      %shift_right_arithmetic3A_2699 = arith.shrsi %iota3A, %shift_right_arithmetic3A_2698 : vector<16xi32>
      %and3A_2700 = arith.constant 1 : i32
      %and3A_2701 = vector.broadcast %and3A_2700 : i32 to vector<16xi32>
      %and3A_2702 = arith.andi %shift_right_arithmetic3A_2699, %and3A_2701 : vector<16xi32>
      %eq3A_2703 = arith.cmpi eq, %and3A_2696, %and3A_2702 : vector<16xi32>
      %xor3A_2704 = arith.constant 8 : i32
      %xor3A_2705 = vector.broadcast %xor3A_2704 : i32 to vector<16xi32>
      %xor3A_2706 = arith.xori %iota3A, %xor3A_2705 : vector<16xi32>
      %lt3A_2707 = arith.constant 0 : i32
      %lt3A_2708 = vector.broadcast %lt3A_2707 : i32 to vector<16xi32>
      %lt3A_2709 = arith.cmpi slt, %xor3A_2706, %lt3A_2708 : vector<16xi32>
      %add3A_2710 = arith.constant 16 : i32
      %add3A_2711 = vector.broadcast %add3A_2710 : i32 to vector<16xi32>
      %add3A_2712 = arith.addi %xor3A_2706, %add3A_2711 : vector<16xi32>
      %select_n3A_2713 = arith.select %lt3A_2709, %add3A_2712, %xor3A_2706 : vector<16xi1>, vector<16xi32>
      %broadcast_in_dim3A_2714 = vector.shape_cast %select_n3A_2713 : vector<16xi32> to vector<16x1xi32>
      %gather3A_2715 = vector.shape_cast %broadcast_in_dim3A_2714 : vector<16x1xi32> to vector<16xi32>
      %gather3A_2716 = tpu.dynamic_gather %select_n3A_2689[%gather3A_2715] in [0] : vector<16xf32>, vector<16xi32> -> vector<16xf32>
      %lt3A_2717 = arith.constant 0 : i32
      %lt3A_2718 = vector.broadcast %lt3A_2717 : i32 to vector<16xi32>
      %lt3A_2719 = arith.cmpi slt, %xor3A_2706, %lt3A_2718 : vector<16xi32>
      %add3A_2720 = arith.constant 16 : i32
      %add3A_2721 = vector.broadcast %add3A_2720 : i32 to vector<16xi32>
      %add3A_2722 = arith.addi %xor3A_2706, %add3A_2721 : vector<16xi32>
      %select_n3A_2723 = arith.select %lt3A_2719, %add3A_2722, %xor3A_2706 : vector<16xi1>, vector<16xi32>
      %broadcast_in_dim3A_2724 = vector.shape_cast %select_n3A_2723 : vector<16xi32> to vector<16x1xi32>
      %gather3A_2725 = vector.shape_cast %broadcast_in_dim3A_2724 : vector<16x1xi32> to vector<16xi32>
      %gather3A_2726 = tpu.dynamic_gather %select_n3A_2690[%gather3A_2725] in [0] : vector<16xi32>, vector<16xi32> -> vector<16xi32>
      %gt3A_2727 = arith.cmpf ogt, %select_n3A_2689, %gather3A_2716 : vector<16xf32>
      %eq3A_2728 = arith.cmpf oeq, %select_n3A_2689, %gather3A_2716 : vector<16xf32>
      %lt3A_2729 = arith.cmpi slt, %select_n3A_2690, %gather3A_2726 : vector<16xi32>
      %and3A_2730 = arith.andi %eq3A_2728, %lt3A_2729 : vector<16xi1>
      %or3A_2731 = arith.ori %gt3A_2727, %and3A_2730 : vector<16xi1>
      %jit3A_2732 = arith.constant 1 : i32
      %jit3A_2733 = arith.constant 0 : i32
      %broadcast_in_dim3A_2734 = vector.broadcast %jit3A_2732 : i32 to vector<16xi32>
      %broadcast_in_dim3A_2735 = vector.broadcast %jit3A_2733 : i32 to vector<16xi32>
      %select_n3A_2736 = arith.select %or3A_2731, %broadcast_in_dim3A_2734, %broadcast_in_dim3A_2735 : vector<16xi1>, vector<16xi32>
      %jit3A_2737 = arith.constant 1 : i32
      %jit3A_2738 = arith.constant 0 : i32
      %broadcast_in_dim3A_2739 = vector.broadcast %jit3A_2737 : i32 to vector<16xi32>
      %broadcast_in_dim3A_2740 = vector.broadcast %jit3A_2738 : i32 to vector<16xi32>
      %select_n3A_2741 = arith.select %eq3A_2703, %broadcast_in_dim3A_2739, %broadcast_in_dim3A_2740 : vector<16xi1>, vector<16xi32>
      %xor3A_2742 = arith.xori %select_n3A_2736, %select_n3A_2741 : vector<16xi32>
      %eq3A_2743 = arith.constant 0 : i32
      %eq3A_2744 = vector.broadcast %eq3A_2743 : i32 to vector<16xi32>
      %eq3A_2745 = arith.cmpi eq, %xor3A_2742, %eq3A_2744 : vector<16xi32>
      %select_n3A_2746 = arith.select %eq3A_2745, %select_n3A_2689, %gather3A_2716 : vector<16xi1>, vector<16xf32>
      %select_n3A_2747 = arith.select %eq3A_2745, %select_n3A_2690, %gather3A_2726 : vector<16xi1>, vector<16xi32>
      %shift_right_arithmetic3A_2748 = arith.constant 2 : i32
      %shift_right_arithmetic3A_2749 = vector.broadcast %shift_right_arithmetic3A_2748 : i32 to vector<16xi32>
      %shift_right_arithmetic3A_2750 = arith.shrsi %iota3A, %shift_right_arithmetic3A_2749 : vector<16xi32>
      %and3A_2751 = arith.constant 1 : i32
      %and3A_2752 = vector.broadcast %and3A_2751 : i32 to vector<16xi32>
      %and3A_2753 = arith.andi %shift_right_arithmetic3A_2750, %and3A_2752 : vector<16xi32>
      %shift_right_arithmetic3A_2754 = arith.constant 4 : i32
      %shift_right_arithmetic3A_2755 = vector.broadcast %shift_right_arithmetic3A_2754 : i32 to vector<16xi32>
      %shift_right_arithmetic3A_2756 = arith.shrsi %iota3A, %shift_right_arithmetic3A_2755 : vector<16xi32>
      %and3A_2757 = arith.constant 1 : i32
      %and3A_2758 = vector.broadcast %and3A_2757 : i32 to vector<16xi32>
      %and3A_2759 = arith.andi %shift_right_arithmetic3A_2756, %and3A_2758 : vector<16xi32>
      %eq3A_2760 = arith.cmpi eq, %and3A_2753, %and3A_2759 : vector<16xi32>
      %xor3A_2761 = arith.constant 4 : i32
      %xor3A_2762 = vector.broadcast %xor3A_2761 : i32 to vector<16xi32>
      %xor3A_2763 = arith.xori %iota3A, %xor3A_2762 : vector<16xi32>
      %lt3A_2764 = arith.constant 0 : i32
      %lt3A_2765 = vector.broadcast %lt3A_2764 : i32 to vector<16xi32>
      %lt3A_2766 = arith.cmpi slt, %xor3A_2763, %lt3A_2765 : vector<16xi32>
      %add3A_2767 = arith.constant 16 : i32
      %add3A_2768 = vector.broadcast %add3A_2767 : i32 to vector<16xi32>
      %add3A_2769 = arith.addi %xor3A_2763, %add3A_2768 : vector<16xi32>
      %select_n3A_2770 = arith.select %lt3A_2766, %add3A_2769, %xor3A_2763 : vector<16xi1>, vector<16xi32>
      %broadcast_in_dim3A_2771 = vector.shape_cast %select_n3A_2770 : vector<16xi32> to vector<16x1xi32>
      %gather3A_2772 = vector.shape_cast %broadcast_in_dim3A_2771 : vector<16x1xi32> to vector<16xi32>
      %gather3A_2773 = tpu.dynamic_gather %select_n3A_2746[%gather3A_2772] in [0] : vector<16xf32>, vector<16xi32> -> vector<16xf32>
      %lt3A_2774 = arith.constant 0 : i32
      %lt3A_2775 = vector.broadcast %lt3A_2774 : i32 to vector<16xi32>
      %lt3A_2776 = arith.cmpi slt, %xor3A_2763, %lt3A_2775 : vector<16xi32>
      %add3A_2777 = arith.constant 16 : i32
      %add3A_2778 = vector.broadcast %add3A_2777 : i32 to vector<16xi32>
      %add3A_2779 = arith.addi %xor3A_2763, %add3A_2778 : vector<16xi32>
      %select_n3A_2780 = arith.select %lt3A_2776, %add3A_2779, %xor3A_2763 : vector<16xi1>, vector<16xi32>
      %broadcast_in_dim3A_2781 = vector.shape_cast %select_n3A_2780 : vector<16xi32> to vector<16x1xi32>
      %gather3A_2782 = vector.shape_cast %broadcast_in_dim3A_2781 : vector<16x1xi32> to vector<16xi32>
      %gather3A_2783 = tpu.dynamic_gather %select_n3A_2747[%gather3A_2782] in [0] : vector<16xi32>, vector<16xi32> -> vector<16xi32>
      %gt3A_2784 = arith.cmpf ogt, %select_n3A_2746, %gather3A_2773 : vector<16xf32>
      %eq3A_2785 = arith.cmpf oeq, %select_n3A_2746, %gather3A_2773 : vector<16xf32>
      %lt3A_2786 = arith.cmpi slt, %select_n3A_2747, %gather3A_2783 : vector<16xi32>
      %and3A_2787 = arith.andi %eq3A_2785, %lt3A_2786 : vector<16xi1>
      %or3A_2788 = arith.ori %gt3A_2784, %and3A_2787 : vector<16xi1>
      %jit3A_2789 = arith.constant 1 : i32
      %jit3A_2790 = arith.constant 0 : i32
      %broadcast_in_dim3A_2791 = vector.broadcast %jit3A_2789 : i32 to vector<16xi32>
      %broadcast_in_dim3A_2792 = vector.broadcast %jit3A_2790 : i32 to vector<16xi32>
      %select_n3A_2793 = arith.select %or3A_2788, %broadcast_in_dim3A_2791, %broadcast_in_dim3A_2792 : vector<16xi1>, vector<16xi32>
      %jit3A_2794 = arith.constant 1 : i32
      %jit3A_2795 = arith.constant 0 : i32
      %broadcast_in_dim3A_2796 = vector.broadcast %jit3A_2794 : i32 to vector<16xi32>
      %broadcast_in_dim3A_2797 = vector.broadcast %jit3A_2795 : i32 to vector<16xi32>
      %select_n3A_2798 = arith.select %eq3A_2760, %broadcast_in_dim3A_2796, %broadcast_in_dim3A_2797 : vector<16xi1>, vector<16xi32>
      %xor3A_2799 = arith.xori %select_n3A_2793, %select_n3A_2798 : vector<16xi32>
      %eq3A_2800 = arith.constant 0 : i32
      %eq3A_2801 = vector.broadcast %eq3A_2800 : i32 to vector<16xi32>
      %eq3A_2802 = arith.cmpi eq, %xor3A_2799, %eq3A_2801 : vector<16xi32>
      %select_n3A_2803 = arith.select %eq3A_2802, %select_n3A_2746, %gather3A_2773 : vector<16xi1>, vector<16xf32>
      %select_n3A_2804 = arith.select %eq3A_2802, %select_n3A_2747, %gather3A_2783 : vector<16xi1>, vector<16xi32>
      %shift_right_arithmetic3A_2805 = arith.constant 1 : i32
      %shift_right_arithmetic3A_2806 = vector.broadcast %shift_right_arithmetic3A_2805 : i32 to vector<16xi32>
      %shift_right_arithmetic3A_2807 = arith.shrsi %iota3A, %shift_right_arithmetic3A_2806 : vector<16xi32>
      %and3A_2808 = arith.constant 1 : i32
      %and3A_2809 = vector.broadcast %and3A_2808 : i32 to vector<16xi32>
      %and3A_2810 = arith.andi %shift_right_arithmetic3A_2807, %and3A_2809 : vector<16xi32>
      %shift_right_arithmetic3A_2811 = arith.constant 4 : i32
      %shift_right_arithmetic3A_2812 = vector.broadcast %shift_right_arithmetic3A_2811 : i32 to vector<16xi32>
      %shift_right_arithmetic3A_2813 = arith.shrsi %iota3A, %shift_right_arithmetic3A_2812 : vector<16xi32>
      %and3A_2814 = arith.constant 1 : i32
      %and3A_2815 = vector.broadcast %and3A_2814 : i32 to vector<16xi32>
      %and3A_2816 = arith.andi %shift_right_arithmetic3A_2813, %and3A_2815 : vector<16xi32>
      %eq3A_2817 = arith.cmpi eq, %and3A_2810, %and3A_2816 : vector<16xi32>
      %xor3A_2818 = arith.constant 2 : i32
      %xor3A_2819 = vector.broadcast %xor3A_2818 : i32 to vector<16xi32>
      %xor3A_2820 = arith.xori %iota3A, %xor3A_2819 : vector<16xi32>
      %lt3A_2821 = arith.constant 0 : i32
      %lt3A_2822 = vector.broadcast %lt3A_2821 : i32 to vector<16xi32>
      %lt3A_2823 = arith.cmpi slt, %xor3A_2820, %lt3A_2822 : vector<16xi32>
      %add3A_2824 = arith.constant 16 : i32
      %add3A_2825 = vector.broadcast %add3A_2824 : i32 to vector<16xi32>
      %add3A_2826 = arith.addi %xor3A_2820, %add3A_2825 : vector<16xi32>
      %select_n3A_2827 = arith.select %lt3A_2823, %add3A_2826, %xor3A_2820 : vector<16xi1>, vector<16xi32>
      %broadcast_in_dim3A_2828 = vector.shape_cast %select_n3A_2827 : vector<16xi32> to vector<16x1xi32>
      %gather3A_2829 = vector.shape_cast %broadcast_in_dim3A_2828 : vector<16x1xi32> to vector<16xi32>
      %gather3A_2830 = tpu.dynamic_gather %select_n3A_2803[%gather3A_2829] in [0] : vector<16xf32>, vector<16xi32> -> vector<16xf32>
      %lt3A_2831 = arith.constant 0 : i32
      %lt3A_2832 = vector.broadcast %lt3A_2831 : i32 to vector<16xi32>
      %lt3A_2833 = arith.cmpi slt, %xor3A_2820, %lt3A_2832 : vector<16xi32>
      %add3A_2834 = arith.constant 16 : i32
      %add3A_2835 = vector.broadcast %add3A_2834 : i32 to vector<16xi32>
      %add3A_2836 = arith.addi %xor3A_2820, %add3A_2835 : vector<16xi32>
      %select_n3A_2837 = arith.select %lt3A_2833, %add3A_2836, %xor3A_2820 : vector<16xi1>, vector<16xi32>
      %broadcast_in_dim3A_2838 = vector.shape_cast %select_n3A_2837 : vector<16xi32> to vector<16x1xi32>
      %gather3A_2839 = vector.shape_cast %broadcast_in_dim3A_2838 : vector<16x1xi32> to vector<16xi32>
      %gather3A_2840 = tpu.dynamic_gather %select_n3A_2804[%gather3A_2839] in [0] : vector<16xi32>, vector<16xi32> -> vector<16xi32>
      %gt3A_2841 = arith.cmpf ogt, %select_n3A_2803, %gather3A_2830 : vector<16xf32>
      %eq3A_2842 = arith.cmpf oeq, %select_n3A_2803, %gather3A_2830 : vector<16xf32>
      %lt3A_2843 = arith.cmpi slt, %select_n3A_2804, %gather3A_2840 : vector<16xi32>
      %and3A_2844 = arith.andi %eq3A_2842, %lt3A_2843 : vector<16xi1>
      %or3A_2845 = arith.ori %gt3A_2841, %and3A_2844 : vector<16xi1>
      %jit3A_2846 = arith.constant 1 : i32
      %jit3A_2847 = arith.constant 0 : i32
      %broadcast_in_dim3A_2848 = vector.broadcast %jit3A_2846 : i32 to vector<16xi32>
      %broadcast_in_dim3A_2849 = vector.broadcast %jit3A_2847 : i32 to vector<16xi32>
      %select_n3A_2850 = arith.select %or3A_2845, %broadcast_in_dim3A_2848, %broadcast_in_dim3A_2849 : vector<16xi1>, vector<16xi32>
      %jit3A_2851 = arith.constant 1 : i32
      %jit3A_2852 = arith.constant 0 : i32
      %broadcast_in_dim3A_2853 = vector.broadcast %jit3A_2851 : i32 to vector<16xi32>
      %broadcast_in_dim3A_2854 = vector.broadcast %jit3A_2852 : i32 to vector<16xi32>
      %select_n3A_2855 = arith.select %eq3A_2817, %broadcast_in_dim3A_2853, %broadcast_in_dim3A_2854 : vector<16xi1>, vector<16xi32>
      %xor3A_2856 = arith.xori %select_n3A_2850, %select_n3A_2855 : vector<16xi32>
      %eq3A_2857 = arith.constant 0 : i32
      %eq3A_2858 = vector.broadcast %eq3A_2857 : i32 to vector<16xi32>
      %eq3A_2859 = arith.cmpi eq, %xor3A_2856, %eq3A_2858 : vector<16xi32>
      %select_n3A_2860 = arith.select %eq3A_2859, %select_n3A_2803, %gather3A_2830 : vector<16xi1>, vector<16xf32>
      %select_n3A_2861 = arith.select %eq3A_2859, %select_n3A_2804, %gather3A_2840 : vector<16xi1>, vector<16xi32>
      %shift_right_arithmetic3A_2862 = arith.constant 0 : i32
      %shift_right_arithmetic3A_2863 = vector.broadcast %shift_right_arithmetic3A_2862 : i32 to vector<16xi32>
      %shift_right_arithmetic3A_2864 = arith.shrsi %iota3A, %shift_right_arithmetic3A_2863 : vector<16xi32>
      %and3A_2865 = arith.constant 1 : i32
      %and3A_2866 = vector.broadcast %and3A_2865 : i32 to vector<16xi32>
      %and3A_2867 = arith.andi %shift_right_arithmetic3A_2864, %and3A_2866 : vector<16xi32>
      %shift_right_arithmetic3A_2868 = arith.constant 4 : i32
      %shift_right_arithmetic3A_2869 = vector.broadcast %shift_right_arithmetic3A_2868 : i32 to vector<16xi32>
      %shift_right_arithmetic3A_2870 = arith.shrsi %iota3A, %shift_right_arithmetic3A_2869 : vector<16xi32>
      %and3A_2871 = arith.constant 1 : i32
      %and3A_2872 = vector.broadcast %and3A_2871 : i32 to vector<16xi32>
      %and3A_2873 = arith.andi %shift_right_arithmetic3A_2870, %and3A_2872 : vector<16xi32>
      %eq3A_2874 = arith.cmpi eq, %and3A_2867, %and3A_2873 : vector<16xi32>
      %xor3A_2875 = arith.constant 1 : i32
      %xor3A_2876 = vector.broadcast %xor3A_2875 : i32 to vector<16xi32>
      %xor3A_2877 = arith.xori %iota3A, %xor3A_2876 : vector<16xi32>
      %lt3A_2878 = arith.constant 0 : i32
      %lt3A_2879 = vector.broadcast %lt3A_2878 : i32 to vector<16xi32>
      %lt3A_2880 = arith.cmpi slt, %xor3A_2877, %lt3A_2879 : vector<16xi32>
      %add3A_2881 = arith.constant 16 : i32
      %add3A_2882 = vector.broadcast %add3A_2881 : i32 to vector<16xi32>
      %add3A_2883 = arith.addi %xor3A_2877, %add3A_2882 : vector<16xi32>
      %select_n3A_2884 = arith.select %lt3A_2880, %add3A_2883, %xor3A_2877 : vector<16xi1>, vector<16xi32>
      %broadcast_in_dim3A_2885 = vector.shape_cast %select_n3A_2884 : vector<16xi32> to vector<16x1xi32>
      %gather3A_2886 = vector.shape_cast %broadcast_in_dim3A_2885 : vector<16x1xi32> to vector<16xi32>
      %gather3A_2887 = tpu.dynamic_gather %select_n3A_2860[%gather3A_2886] in [0] : vector<16xf32>, vector<16xi32> -> vector<16xf32>
      %lt3A_2888 = arith.constant 0 : i32
      %lt3A_2889 = vector.broadcast %lt3A_2888 : i32 to vector<16xi32>
      %lt3A_2890 = arith.cmpi slt, %xor3A_2877, %lt3A_2889 : vector<16xi32>
      %add3A_2891 = arith.constant 16 : i32
      %add3A_2892 = vector.broadcast %add3A_2891 : i32 to vector<16xi32>
      %add3A_2893 = arith.addi %xor3A_2877, %add3A_2892 : vector<16xi32>
      %select_n3A_2894 = arith.select %lt3A_2890, %add3A_2893, %xor3A_2877 : vector<16xi1>, vector<16xi32>
      %broadcast_in_dim3A_2895 = vector.shape_cast %select_n3A_2894 : vector<16xi32> to vector<16x1xi32>
      %gather3A_2896 = vector.shape_cast %broadcast_in_dim3A_2895 : vector<16x1xi32> to vector<16xi32>
      %gather3A_2897 = tpu.dynamic_gather %select_n3A_2861[%gather3A_2896] in [0] : vector<16xi32>, vector<16xi32> -> vector<16xi32>
      %gt3A_2898 = arith.cmpf ogt, %select_n3A_2860, %gather3A_2887 : vector<16xf32>
      %eq3A_2899 = arith.cmpf oeq, %select_n3A_2860, %gather3A_2887 : vector<16xf32>
      %lt3A_2900 = arith.cmpi slt, %select_n3A_2861, %gather3A_2897 : vector<16xi32>
      %and3A_2901 = arith.andi %eq3A_2899, %lt3A_2900 : vector<16xi1>
      %or3A_2902 = arith.ori %gt3A_2898, %and3A_2901 : vector<16xi1>
      %jit3A_2903 = arith.constant 1 : i32
      %jit3A_2904 = arith.constant 0 : i32
      %broadcast_in_dim3A_2905 = vector.broadcast %jit3A_2903 : i32 to vector<16xi32>
      %broadcast_in_dim3A_2906 = vector.broadcast %jit3A_2904 : i32 to vector<16xi32>
      %select_n3A_2907 = arith.select %or3A_2902, %broadcast_in_dim3A_2905, %broadcast_in_dim3A_2906 : vector<16xi1>, vector<16xi32>
      %jit3A_2908 = arith.constant 1 : i32
      %jit3A_2909 = arith.constant 0 : i32
      %broadcast_in_dim3A_2910 = vector.broadcast %jit3A_2908 : i32 to vector<16xi32>
      %broadcast_in_dim3A_2911 = vector.broadcast %jit3A_2909 : i32 to vector<16xi32>
      %select_n3A_2912 = arith.select %eq3A_2874, %broadcast_in_dim3A_2910, %broadcast_in_dim3A_2911 : vector<16xi1>, vector<16xi32>
      %xor3A_2913 = arith.xori %select_n3A_2907, %select_n3A_2912 : vector<16xi32>
      %eq3A_2914 = arith.constant 0 : i32
      %eq3A_2915 = vector.broadcast %eq3A_2914 : i32 to vector<16xi32>
      %eq3A_2916 = arith.cmpi eq, %xor3A_2913, %eq3A_2915 : vector<16xi32>
      %select_n3A_2917 = arith.select %eq3A_2916, %select_n3A_2860, %gather3A_2887 : vector<16xi1>, vector<16xf32>
      %select_n3A_2918 = arith.select %eq3A_2916, %select_n3A_2861, %gather3A_2897 : vector<16xi1>, vector<16xi32>
      %xor3A_2919 = arith.constant 15 : i32
      %xor3A_2920 = vector.broadcast %xor3A_2919 : i32 to vector<16xi32>
      %xor3A_2921 = arith.xori %iota3A, %xor3A_2920 : vector<16xi32>
      %lt3A_2922 = arith.constant 0 : i32
      %lt3A_2923 = vector.broadcast %lt3A_2922 : i32 to vector<16xi32>
      %lt3A_2924 = arith.cmpi slt, %xor3A_2921, %lt3A_2923 : vector<16xi32>
      %add3A_2925 = arith.constant 16 : i32
      %add3A_2926 = vector.broadcast %add3A_2925 : i32 to vector<16xi32>
      %add3A_2927 = arith.addi %xor3A_2921, %add3A_2926 : vector<16xi32>
      %select_n3A_2928 = arith.select %lt3A_2924, %add3A_2927, %xor3A_2921 : vector<16xi1>, vector<16xi32>
      %broadcast_in_dim3A_2929 = vector.shape_cast %select_n3A_2928 : vector<16xi32> to vector<16x1xi32>
      %gather3A_2930 = vector.shape_cast %broadcast_in_dim3A_2929 : vector<16x1xi32> to vector<16xi32>
      %gather3A_2931 = tpu.dynamic_gather %select_n3A_1177[%gather3A_2930] in [0] : vector<16xf32>, vector<16xi32> -> vector<16xf32>
      %lt3A_2932 = arith.constant 0 : i32
      %lt3A_2933 = vector.broadcast %lt3A_2932 : i32 to vector<16xi32>
      %lt3A_2934 = arith.cmpi slt, %xor3A_2921, %lt3A_2933 : vector<16xi32>
      %add3A_2935 = arith.constant 16 : i32
      %add3A_2936 = vector.broadcast %add3A_2935 : i32 to vector<16xi32>
      %add3A_2937 = arith.addi %xor3A_2921, %add3A_2936 : vector<16xi32>
      %select_n3A_2938 = arith.select %lt3A_2934, %add3A_2937, %xor3A_2921 : vector<16xi1>, vector<16xi32>
      %broadcast_in_dim3A_2939 = vector.shape_cast %select_n3A_2938 : vector<16xi32> to vector<16x1xi32>
      %gather3A_2940 = vector.shape_cast %broadcast_in_dim3A_2939 : vector<16x1xi32> to vector<16xi32>
      %gather3A_2941 = tpu.dynamic_gather %select_n3A_1178[%gather3A_2940] in [0] : vector<16xi32>, vector<16xi32> -> vector<16xi32>
      %gt3A_2942 = arith.cmpf ogt, %select_n3A_597, %gather3A_2931 : vector<16xf32>
      %eq3A_2943 = arith.cmpf oeq, %select_n3A_597, %gather3A_2931 : vector<16xf32>
      %lt3A_2944 = arith.cmpi slt, %select_n3A_598, %gather3A_2941 : vector<16xi32>
      %and3A_2945 = arith.andi %eq3A_2943, %lt3A_2944 : vector<16xi1>
      %or3A_2946 = arith.ori %gt3A_2942, %and3A_2945 : vector<16xi1>
      %select_n3A_2947 = arith.select %or3A_2946, %select_n3A_597, %gather3A_2931 : vector<16xi1>, vector<16xf32>
      %select_n3A_2948 = arith.select %or3A_2946, %select_n3A_598, %gather3A_2941 : vector<16xi1>, vector<16xi32>
      %select_n3A_2949 = arith.select %or3A_2946, %gather3A_2931, %select_n3A_597 : vector<16xi1>, vector<16xf32>
      %and3A_2950 = arith.constant 8 : i32
      %and3A_2951 = vector.broadcast %and3A_2950 : i32 to vector<16xi32>
      %and3A_2952 = arith.andi %iota3A, %and3A_2951 : vector<16xi32>
      %eq3A_2953 = arith.constant 0 : i32
      %eq3A_2954 = vector.broadcast %eq3A_2953 : i32 to vector<16xi32>
      %eq3A_2955 = arith.cmpi eq, %and3A_2952, %eq3A_2954 : vector<16xi32>
      %xor3A_2956 = arith.constant 8 : i32
      %xor3A_2957 = vector.broadcast %xor3A_2956 : i32 to vector<16xi32>
      %xor3A_2958 = arith.xori %iota3A, %xor3A_2957 : vector<16xi32>
      %lt3A_2959 = arith.constant 0 : i32
      %lt3A_2960 = vector.broadcast %lt3A_2959 : i32 to vector<16xi32>
      %lt3A_2961 = arith.cmpi slt, %xor3A_2958, %lt3A_2960 : vector<16xi32>
      %add3A_2962 = arith.constant 16 : i32
      %add3A_2963 = vector.broadcast %add3A_2962 : i32 to vector<16xi32>
      %add3A_2964 = arith.addi %xor3A_2958, %add3A_2963 : vector<16xi32>
      %select_n3A_2965 = arith.select %lt3A_2961, %add3A_2964, %xor3A_2958 : vector<16xi1>, vector<16xi32>
      %broadcast_in_dim3A_2966 = vector.shape_cast %select_n3A_2965 : vector<16xi32> to vector<16x1xi32>
      %gather3A_2967 = vector.shape_cast %broadcast_in_dim3A_2966 : vector<16x1xi32> to vector<16xi32>
      %gather3A_2968 = tpu.dynamic_gather %select_n3A_2947[%gather3A_2967] in [0] : vector<16xf32>, vector<16xi32> -> vector<16xf32>
      %lt3A_2969 = arith.constant 0 : i32
      %lt3A_2970 = vector.broadcast %lt3A_2969 : i32 to vector<16xi32>
      %lt3A_2971 = arith.cmpi slt, %xor3A_2958, %lt3A_2970 : vector<16xi32>
      %add3A_2972 = arith.constant 16 : i32
      %add3A_2973 = vector.broadcast %add3A_2972 : i32 to vector<16xi32>
      %add3A_2974 = arith.addi %xor3A_2958, %add3A_2973 : vector<16xi32>
      %select_n3A_2975 = arith.select %lt3A_2971, %add3A_2974, %xor3A_2958 : vector<16xi1>, vector<16xi32>
      %broadcast_in_dim3A_2976 = vector.shape_cast %select_n3A_2975 : vector<16xi32> to vector<16x1xi32>
      %gather3A_2977 = vector.shape_cast %broadcast_in_dim3A_2976 : vector<16x1xi32> to vector<16xi32>
      %gather3A_2978 = tpu.dynamic_gather %select_n3A_2948[%gather3A_2977] in [0] : vector<16xi32>, vector<16xi32> -> vector<16xi32>
      %gt3A_2979 = arith.cmpf ogt, %select_n3A_2947, %gather3A_2968 : vector<16xf32>
      %eq3A_2980 = arith.cmpf oeq, %select_n3A_2947, %gather3A_2968 : vector<16xf32>
      %lt3A_2981 = arith.cmpi slt, %select_n3A_2948, %gather3A_2978 : vector<16xi32>
      %and3A_2982 = arith.andi %eq3A_2980, %lt3A_2981 : vector<16xi1>
      %or3A_2983 = arith.ori %gt3A_2979, %and3A_2982 : vector<16xi1>
      %jit3A_2984 = arith.constant 1 : i32
      %jit3A_2985 = arith.constant 0 : i32
      %broadcast_in_dim3A_2986 = vector.broadcast %jit3A_2984 : i32 to vector<16xi32>
      %broadcast_in_dim3A_2987 = vector.broadcast %jit3A_2985 : i32 to vector<16xi32>
      %select_n3A_2988 = arith.select %or3A_2983, %broadcast_in_dim3A_2986, %broadcast_in_dim3A_2987 : vector<16xi1>, vector<16xi32>
      %jit3A_2989 = arith.constant 1 : i32
      %jit3A_2990 = arith.constant 0 : i32
      %broadcast_in_dim3A_2991 = vector.broadcast %jit3A_2989 : i32 to vector<16xi32>
      %broadcast_in_dim3A_2992 = vector.broadcast %jit3A_2990 : i32 to vector<16xi32>
      %select_n3A_2993 = arith.select %eq3A_2955, %broadcast_in_dim3A_2991, %broadcast_in_dim3A_2992 : vector<16xi1>, vector<16xi32>
      %xor3A_2994 = arith.xori %select_n3A_2988, %select_n3A_2993 : vector<16xi32>
      %eq3A_2995 = arith.constant 0 : i32
      %eq3A_2996 = vector.broadcast %eq3A_2995 : i32 to vector<16xi32>
      %eq3A_2997 = arith.cmpi eq, %xor3A_2994, %eq3A_2996 : vector<16xi32>
      %select_n3A_2998 = arith.select %eq3A_2997, %select_n3A_2947, %gather3A_2968 : vector<16xi1>, vector<16xf32>
      %select_n3A_2999 = arith.select %eq3A_2997, %select_n3A_2948, %gather3A_2978 : vector<16xi1>, vector<16xi32>
      %and3A_3000 = arith.constant 4 : i32
      %and3A_3001 = vector.broadcast %and3A_3000 : i32 to vector<16xi32>
      %and3A_3002 = arith.andi %iota3A, %and3A_3001 : vector<16xi32>
      %eq3A_3003 = arith.constant 0 : i32
      %eq3A_3004 = vector.broadcast %eq3A_3003 : i32 to vector<16xi32>
      %eq3A_3005 = arith.cmpi eq, %and3A_3002, %eq3A_3004 : vector<16xi32>
      %xor3A_3006 = arith.constant 4 : i32
      %xor3A_3007 = vector.broadcast %xor3A_3006 : i32 to vector<16xi32>
      %xor3A_3008 = arith.xori %iota3A, %xor3A_3007 : vector<16xi32>
      %lt3A_3009 = arith.constant 0 : i32
      %lt3A_3010 = vector.broadcast %lt3A_3009 : i32 to vector<16xi32>
      %lt3A_3011 = arith.cmpi slt, %xor3A_3008, %lt3A_3010 : vector<16xi32>
      %add3A_3012 = arith.constant 16 : i32
      %add3A_3013 = vector.broadcast %add3A_3012 : i32 to vector<16xi32>
      %add3A_3014 = arith.addi %xor3A_3008, %add3A_3013 : vector<16xi32>
      %select_n3A_3015 = arith.select %lt3A_3011, %add3A_3014, %xor3A_3008 : vector<16xi1>, vector<16xi32>
      %broadcast_in_dim3A_3016 = vector.shape_cast %select_n3A_3015 : vector<16xi32> to vector<16x1xi32>
      %gather3A_3017 = vector.shape_cast %broadcast_in_dim3A_3016 : vector<16x1xi32> to vector<16xi32>
      %gather3A_3018 = tpu.dynamic_gather %select_n3A_2998[%gather3A_3017] in [0] : vector<16xf32>, vector<16xi32> -> vector<16xf32>
      %lt3A_3019 = arith.constant 0 : i32
      %lt3A_3020 = vector.broadcast %lt3A_3019 : i32 to vector<16xi32>
      %lt3A_3021 = arith.cmpi slt, %xor3A_3008, %lt3A_3020 : vector<16xi32>
      %add3A_3022 = arith.constant 16 : i32
      %add3A_3023 = vector.broadcast %add3A_3022 : i32 to vector<16xi32>
      %add3A_3024 = arith.addi %xor3A_3008, %add3A_3023 : vector<16xi32>
      %select_n3A_3025 = arith.select %lt3A_3021, %add3A_3024, %xor3A_3008 : vector<16xi1>, vector<16xi32>
      %broadcast_in_dim3A_3026 = vector.shape_cast %select_n3A_3025 : vector<16xi32> to vector<16x1xi32>
      %gather3A_3027 = vector.shape_cast %broadcast_in_dim3A_3026 : vector<16x1xi32> to vector<16xi32>
      %gather3A_3028 = tpu.dynamic_gather %select_n3A_2999[%gather3A_3027] in [0] : vector<16xi32>, vector<16xi32> -> vector<16xi32>
      %gt3A_3029 = arith.cmpf ogt, %select_n3A_2998, %gather3A_3018 : vector<16xf32>
      %eq3A_3030 = arith.cmpf oeq, %select_n3A_2998, %gather3A_3018 : vector<16xf32>
      %lt3A_3031 = arith.cmpi slt, %select_n3A_2999, %gather3A_3028 : vector<16xi32>
      %and3A_3032 = arith.andi %eq3A_3030, %lt3A_3031 : vector<16xi1>
      %or3A_3033 = arith.ori %gt3A_3029, %and3A_3032 : vector<16xi1>
      %jit3A_3034 = arith.constant 1 : i32
      %jit3A_3035 = arith.constant 0 : i32
      %broadcast_in_dim3A_3036 = vector.broadcast %jit3A_3034 : i32 to vector<16xi32>
      %broadcast_in_dim3A_3037 = vector.broadcast %jit3A_3035 : i32 to vector<16xi32>
      %select_n3A_3038 = arith.select %or3A_3033, %broadcast_in_dim3A_3036, %broadcast_in_dim3A_3037 : vector<16xi1>, vector<16xi32>
      %jit3A_3039 = arith.constant 1 : i32
      %jit3A_3040 = arith.constant 0 : i32
      %broadcast_in_dim3A_3041 = vector.broadcast %jit3A_3039 : i32 to vector<16xi32>
      %broadcast_in_dim3A_3042 = vector.broadcast %jit3A_3040 : i32 to vector<16xi32>
      %select_n3A_3043 = arith.select %eq3A_3005, %broadcast_in_dim3A_3041, %broadcast_in_dim3A_3042 : vector<16xi1>, vector<16xi32>
      %xor3A_3044 = arith.xori %select_n3A_3038, %select_n3A_3043 : vector<16xi32>
      %eq3A_3045 = arith.constant 0 : i32
      %eq3A_3046 = vector.broadcast %eq3A_3045 : i32 to vector<16xi32>
      %eq3A_3047 = arith.cmpi eq, %xor3A_3044, %eq3A_3046 : vector<16xi32>
      %select_n3A_3048 = arith.select %eq3A_3047, %select_n3A_2998, %gather3A_3018 : vector<16xi1>, vector<16xf32>
      %select_n3A_3049 = arith.select %eq3A_3047, %select_n3A_2999, %gather3A_3028 : vector<16xi1>, vector<16xi32>
      %and3A_3050 = arith.constant 2 : i32
      %and3A_3051 = vector.broadcast %and3A_3050 : i32 to vector<16xi32>
      %and3A_3052 = arith.andi %iota3A, %and3A_3051 : vector<16xi32>
      %eq3A_3053 = arith.constant 0 : i32
      %eq3A_3054 = vector.broadcast %eq3A_3053 : i32 to vector<16xi32>
      %eq3A_3055 = arith.cmpi eq, %and3A_3052, %eq3A_3054 : vector<16xi32>
      %xor3A_3056 = arith.constant 2 : i32
      %xor3A_3057 = vector.broadcast %xor3A_3056 : i32 to vector<16xi32>
      %xor3A_3058 = arith.xori %iota3A, %xor3A_3057 : vector<16xi32>
      %lt3A_3059 = arith.constant 0 : i32
      %lt3A_3060 = vector.broadcast %lt3A_3059 : i32 to vector<16xi32>
      %lt3A_3061 = arith.cmpi slt, %xor3A_3058, %lt3A_3060 : vector<16xi32>
      %add3A_3062 = arith.constant 16 : i32
      %add3A_3063 = vector.broadcast %add3A_3062 : i32 to vector<16xi32>
      %add3A_3064 = arith.addi %xor3A_3058, %add3A_3063 : vector<16xi32>
      %select_n3A_3065 = arith.select %lt3A_3061, %add3A_3064, %xor3A_3058 : vector<16xi1>, vector<16xi32>
      %broadcast_in_dim3A_3066 = vector.shape_cast %select_n3A_3065 : vector<16xi32> to vector<16x1xi32>
      %gather3A_3067 = vector.shape_cast %broadcast_in_dim3A_3066 : vector<16x1xi32> to vector<16xi32>
      %gather3A_3068 = tpu.dynamic_gather %select_n3A_3048[%gather3A_3067] in [0] : vector<16xf32>, vector<16xi32> -> vector<16xf32>
      %lt3A_3069 = arith.constant 0 : i32
      %lt3A_3070 = vector.broadcast %lt3A_3069 : i32 to vector<16xi32>
      %lt3A_3071 = arith.cmpi slt, %xor3A_3058, %lt3A_3070 : vector<16xi32>
      %add3A_3072 = arith.constant 16 : i32
      %add3A_3073 = vector.broadcast %add3A_3072 : i32 to vector<16xi32>
      %add3A_3074 = arith.addi %xor3A_3058, %add3A_3073 : vector<16xi32>
      %select_n3A_3075 = arith.select %lt3A_3071, %add3A_3074, %xor3A_3058 : vector<16xi1>, vector<16xi32>
      %broadcast_in_dim3A_3076 = vector.shape_cast %select_n3A_3075 : vector<16xi32> to vector<16x1xi32>
      %gather3A_3077 = vector.shape_cast %broadcast_in_dim3A_3076 : vector<16x1xi32> to vector<16xi32>
      %gather3A_3078 = tpu.dynamic_gather %select_n3A_3049[%gather3A_3077] in [0] : vector<16xi32>, vector<16xi32> -> vector<16xi32>
      %gt3A_3079 = arith.cmpf ogt, %select_n3A_3048, %gather3A_3068 : vector<16xf32>
      %eq3A_3080 = arith.cmpf oeq, %select_n3A_3048, %gather3A_3068 : vector<16xf32>
      %lt3A_3081 = arith.cmpi slt, %select_n3A_3049, %gather3A_3078 : vector<16xi32>
      %and3A_3082 = arith.andi %eq3A_3080, %lt3A_3081 : vector<16xi1>
      %or3A_3083 = arith.ori %gt3A_3079, %and3A_3082 : vector<16xi1>
      %jit3A_3084 = arith.constant 1 : i32
      %jit3A_3085 = arith.constant 0 : i32
      %broadcast_in_dim3A_3086 = vector.broadcast %jit3A_3084 : i32 to vector<16xi32>
      %broadcast_in_dim3A_3087 = vector.broadcast %jit3A_3085 : i32 to vector<16xi32>
      %select_n3A_3088 = arith.select %or3A_3083, %broadcast_in_dim3A_3086, %broadcast_in_dim3A_3087 : vector<16xi1>, vector<16xi32>
      %jit3A_3089 = arith.constant 1 : i32
      %jit3A_3090 = arith.constant 0 : i32
      %broadcast_in_dim3A_3091 = vector.broadcast %jit3A_3089 : i32 to vector<16xi32>
      %broadcast_in_dim3A_3092 = vector.broadcast %jit3A_3090 : i32 to vector<16xi32>
      %select_n3A_3093 = arith.select %eq3A_3055, %broadcast_in_dim3A_3091, %broadcast_in_dim3A_3092 : vector<16xi1>, vector<16xi32>
      %xor3A_3094 = arith.xori %select_n3A_3088, %select_n3A_3093 : vector<16xi32>
      %eq3A_3095 = arith.constant 0 : i32
      %eq3A_3096 = vector.broadcast %eq3A_3095 : i32 to vector<16xi32>
      %eq3A_3097 = arith.cmpi eq, %xor3A_3094, %eq3A_3096 : vector<16xi32>
      %select_n3A_3098 = arith.select %eq3A_3097, %select_n3A_3048, %gather3A_3068 : vector<16xi1>, vector<16xf32>
      %select_n3A_3099 = arith.select %eq3A_3097, %select_n3A_3049, %gather3A_3078 : vector<16xi1>, vector<16xi32>
      %and3A_3100 = arith.constant 1 : i32
      %and3A_3101 = vector.broadcast %and3A_3100 : i32 to vector<16xi32>
      %and3A_3102 = arith.andi %iota3A, %and3A_3101 : vector<16xi32>
      %eq3A_3103 = arith.constant 0 : i32
      %eq3A_3104 = vector.broadcast %eq3A_3103 : i32 to vector<16xi32>
      %eq3A_3105 = arith.cmpi eq, %and3A_3102, %eq3A_3104 : vector<16xi32>
      %xor3A_3106 = arith.constant 1 : i32
      %xor3A_3107 = vector.broadcast %xor3A_3106 : i32 to vector<16xi32>
      %xor3A_3108 = arith.xori %iota3A, %xor3A_3107 : vector<16xi32>
      %lt3A_3109 = arith.constant 0 : i32
      %lt3A_3110 = vector.broadcast %lt3A_3109 : i32 to vector<16xi32>
      %lt3A_3111 = arith.cmpi slt, %xor3A_3108, %lt3A_3110 : vector<16xi32>
      %add3A_3112 = arith.constant 16 : i32
      %add3A_3113 = vector.broadcast %add3A_3112 : i32 to vector<16xi32>
      %add3A_3114 = arith.addi %xor3A_3108, %add3A_3113 : vector<16xi32>
      %select_n3A_3115 = arith.select %lt3A_3111, %add3A_3114, %xor3A_3108 : vector<16xi1>, vector<16xi32>
      %broadcast_in_dim3A_3116 = vector.shape_cast %select_n3A_3115 : vector<16xi32> to vector<16x1xi32>
      %gather3A_3117 = vector.shape_cast %broadcast_in_dim3A_3116 : vector<16x1xi32> to vector<16xi32>
      %gather3A_3118 = tpu.dynamic_gather %select_n3A_3098[%gather3A_3117] in [0] : vector<16xf32>, vector<16xi32> -> vector<16xf32>
      %lt3A_3119 = arith.constant 0 : i32
      %lt3A_3120 = vector.broadcast %lt3A_3119 : i32 to vector<16xi32>
      %lt3A_3121 = arith.cmpi slt, %xor3A_3108, %lt3A_3120 : vector<16xi32>
      %add3A_3122 = arith.constant 16 : i32
      %add3A_3123 = vector.broadcast %add3A_3122 : i32 to vector<16xi32>
      %add3A_3124 = arith.addi %xor3A_3108, %add3A_3123 : vector<16xi32>
      %select_n3A_3125 = arith.select %lt3A_3121, %add3A_3124, %xor3A_3108 : vector<16xi1>, vector<16xi32>
      %broadcast_in_dim3A_3126 = vector.shape_cast %select_n3A_3125 : vector<16xi32> to vector<16x1xi32>
      %gather3A_3127 = vector.shape_cast %broadcast_in_dim3A_3126 : vector<16x1xi32> to vector<16xi32>
      %gather3A_3128 = tpu.dynamic_gather %select_n3A_3099[%gather3A_3127] in [0] : vector<16xi32>, vector<16xi32> -> vector<16xi32>
      %gt3A_3129 = arith.cmpf ogt, %select_n3A_3098, %gather3A_3118 : vector<16xf32>
      %eq3A_3130 = arith.cmpf oeq, %select_n3A_3098, %gather3A_3118 : vector<16xf32>
      %lt3A_3131 = arith.cmpi slt, %select_n3A_3099, %gather3A_3128 : vector<16xi32>
      %and3A_3132 = arith.andi %eq3A_3130, %lt3A_3131 : vector<16xi1>
      %or3A_3133 = arith.ori %gt3A_3129, %and3A_3132 : vector<16xi1>
      %jit3A_3134 = arith.constant 1 : i32
      %jit3A_3135 = arith.constant 0 : i32
      %broadcast_in_dim3A_3136 = vector.broadcast %jit3A_3134 : i32 to vector<16xi32>
      %broadcast_in_dim3A_3137 = vector.broadcast %jit3A_3135 : i32 to vector<16xi32>
      %select_n3A_3138 = arith.select %or3A_3133, %broadcast_in_dim3A_3136, %broadcast_in_dim3A_3137 : vector<16xi1>, vector<16xi32>
      %jit3A_3139 = arith.constant 1 : i32
      %jit3A_3140 = arith.constant 0 : i32
      %broadcast_in_dim3A_3141 = vector.broadcast %jit3A_3139 : i32 to vector<16xi32>
      %broadcast_in_dim3A_3142 = vector.broadcast %jit3A_3140 : i32 to vector<16xi32>
      %select_n3A_3143 = arith.select %eq3A_3105, %broadcast_in_dim3A_3141, %broadcast_in_dim3A_3142 : vector<16xi1>, vector<16xi32>
      %xor3A_3144 = arith.xori %select_n3A_3138, %select_n3A_3143 : vector<16xi32>
      %eq3A_3145 = arith.constant 0 : i32
      %eq3A_3146 = vector.broadcast %eq3A_3145 : i32 to vector<16xi32>
      %eq3A_3147 = arith.cmpi eq, %xor3A_3144, %eq3A_3146 : vector<16xi32>
      %select_n3A_3148 = arith.select %eq3A_3147, %select_n3A_3098, %gather3A_3118 : vector<16xi1>, vector<16xf32>
      %select_n3A_3149 = arith.select %eq3A_3147, %select_n3A_3099, %gather3A_3128 : vector<16xi1>, vector<16xi32>
      %xor3A_3150 = arith.constant 8 : i32
      %xor3A_3151 = vector.broadcast %xor3A_3150 : i32 to vector<16xi32>
      %xor3A_3152 = arith.xori %iota3A, %xor3A_3151 : vector<16xi32>
      %lt3A_3153 = arith.constant 0 : i32
      %lt3A_3154 = vector.broadcast %lt3A_3153 : i32 to vector<16xi32>
      %lt3A_3155 = arith.cmpi slt, %xor3A_3152, %lt3A_3154 : vector<16xi32>
      %add3A_3156 = arith.constant 16 : i32
      %add3A_3157 = vector.broadcast %add3A_3156 : i32 to vector<16xi32>
      %add3A_3158 = arith.addi %xor3A_3152, %add3A_3157 : vector<16xi32>
      %select_n3A_3159 = arith.select %lt3A_3155, %add3A_3158, %xor3A_3152 : vector<16xi1>, vector<16xi32>
      %broadcast_in_dim3A_3160 = vector.shape_cast %select_n3A_3159 : vector<16xi32> to vector<16x1xi32>
      %gather3A_3161 = vector.shape_cast %broadcast_in_dim3A_3160 : vector<16x1xi32> to vector<16xi32>
      %gather3A_3162 = tpu.dynamic_gather %select_n3A_2949[%gather3A_3161] in [0] : vector<16xf32>, vector<16xi32> -> vector<16xf32>
      %max3A = arith.maximumf %select_n3A_2949, %gather3A_3162 : vector<16xf32>
      %xor3A_3163 = arith.constant 4 : i32
      %xor3A_3164 = vector.broadcast %xor3A_3163 : i32 to vector<16xi32>
      %xor3A_3165 = arith.xori %iota3A, %xor3A_3164 : vector<16xi32>
      %lt3A_3166 = arith.constant 0 : i32
      %lt3A_3167 = vector.broadcast %lt3A_3166 : i32 to vector<16xi32>
      %lt3A_3168 = arith.cmpi slt, %xor3A_3165, %lt3A_3167 : vector<16xi32>
      %add3A_3169 = arith.constant 16 : i32
      %add3A_3170 = vector.broadcast %add3A_3169 : i32 to vector<16xi32>
      %add3A_3171 = arith.addi %xor3A_3165, %add3A_3170 : vector<16xi32>
      %select_n3A_3172 = arith.select %lt3A_3168, %add3A_3171, %xor3A_3165 : vector<16xi1>, vector<16xi32>
      %broadcast_in_dim3A_3173 = vector.shape_cast %select_n3A_3172 : vector<16xi32> to vector<16x1xi32>
      %gather3A_3174 = vector.shape_cast %broadcast_in_dim3A_3173 : vector<16x1xi32> to vector<16xi32>
      %gather3A_3175 = tpu.dynamic_gather %max3A[%gather3A_3174] in [0] : vector<16xf32>, vector<16xi32> -> vector<16xf32>
      %max3A_3176 = arith.maximumf %max3A, %gather3A_3175 : vector<16xf32>
      %xor3A_3177 = arith.constant 2 : i32
      %xor3A_3178 = vector.broadcast %xor3A_3177 : i32 to vector<16xi32>
      %xor3A_3179 = arith.xori %iota3A, %xor3A_3178 : vector<16xi32>
      %lt3A_3180 = arith.constant 0 : i32
      %lt3A_3181 = vector.broadcast %lt3A_3180 : i32 to vector<16xi32>
      %lt3A_3182 = arith.cmpi slt, %xor3A_3179, %lt3A_3181 : vector<16xi32>
      %add3A_3183 = arith.constant 16 : i32
      %add3A_3184 = vector.broadcast %add3A_3183 : i32 to vector<16xi32>
      %add3A_3185 = arith.addi %xor3A_3179, %add3A_3184 : vector<16xi32>
      %select_n3A_3186 = arith.select %lt3A_3182, %add3A_3185, %xor3A_3179 : vector<16xi1>, vector<16xi32>
      %broadcast_in_dim3A_3187 = vector.shape_cast %select_n3A_3186 : vector<16xi32> to vector<16x1xi32>
      %gather3A_3188 = vector.shape_cast %broadcast_in_dim3A_3187 : vector<16x1xi32> to vector<16xi32>
      %gather3A_3189 = tpu.dynamic_gather %max3A_3176[%gather3A_3188] in [0] : vector<16xf32>, vector<16xi32> -> vector<16xf32>
      %max3A_3190 = arith.maximumf %max3A_3176, %gather3A_3189 : vector<16xf32>
      %xor3A_3191 = arith.constant 1 : i32
      %xor3A_3192 = vector.broadcast %xor3A_3191 : i32 to vector<16xi32>
      %xor3A_3193 = arith.xori %iota3A, %xor3A_3192 : vector<16xi32>
      %lt3A_3194 = arith.constant 0 : i32
      %lt3A_3195 = vector.broadcast %lt3A_3194 : i32 to vector<16xi32>
      %lt3A_3196 = arith.cmpi slt, %xor3A_3193, %lt3A_3195 : vector<16xi32>
      %add3A_3197 = arith.constant 16 : i32
      %add3A_3198 = vector.broadcast %add3A_3197 : i32 to vector<16xi32>
      %add3A_3199 = arith.addi %xor3A_3193, %add3A_3198 : vector<16xi32>
      %select_n3A_3200 = arith.select %lt3A_3196, %add3A_3199, %xor3A_3193 : vector<16xi1>, vector<16xi32>
      %broadcast_in_dim3A_3201 = vector.shape_cast %select_n3A_3200 : vector<16xi32> to vector<16x1xi32>
      %gather3A_3202 = vector.shape_cast %broadcast_in_dim3A_3201 : vector<16x1xi32> to vector<16xi32>
      %gather3A_3203 = tpu.dynamic_gather %max3A_3190[%gather3A_3202] in [0] : vector<16xf32>, vector<16xi32> -> vector<16xf32>
      %max3A_3204 = arith.maximumf %max3A_3190, %gather3A_3203 : vector<16xf32>
      %xor3A_3205 = arith.constant 15 : i32
      %xor3A_3206 = vector.broadcast %xor3A_3205 : i32 to vector<16xi32>
      %xor3A_3207 = arith.xori %iota3A, %xor3A_3206 : vector<16xi32>
      %lt3A_3208 = arith.constant 0 : i32
      %lt3A_3209 = vector.broadcast %lt3A_3208 : i32 to vector<16xi32>
      %lt3A_3210 = arith.cmpi slt, %xor3A_3207, %lt3A_3209 : vector<16xi32>
      %add3A_3211 = arith.constant 16 : i32
      %add3A_3212 = vector.broadcast %add3A_3211 : i32 to vector<16xi32>
      %add3A_3213 = arith.addi %xor3A_3207, %add3A_3212 : vector<16xi32>
      %select_n3A_3214 = arith.select %lt3A_3210, %add3A_3213, %xor3A_3207 : vector<16xi1>, vector<16xi32>
      %broadcast_in_dim3A_3215 = vector.shape_cast %select_n3A_3214 : vector<16xi32> to vector<16x1xi32>
      %gather3A_3216 = vector.shape_cast %broadcast_in_dim3A_3215 : vector<16x1xi32> to vector<16xi32>
      %gather3A_3217 = tpu.dynamic_gather %select_n3A_2337[%gather3A_3216] in [0] : vector<16xf32>, vector<16xi32> -> vector<16xf32>
      %lt3A_3218 = arith.constant 0 : i32
      %lt3A_3219 = vector.broadcast %lt3A_3218 : i32 to vector<16xi32>
      %lt3A_3220 = arith.cmpi slt, %xor3A_3207, %lt3A_3219 : vector<16xi32>
      %add3A_3221 = arith.constant 16 : i32
      %add3A_3222 = vector.broadcast %add3A_3221 : i32 to vector<16xi32>
      %add3A_3223 = arith.addi %xor3A_3207, %add3A_3222 : vector<16xi32>
      %select_n3A_3224 = arith.select %lt3A_3220, %add3A_3223, %xor3A_3207 : vector<16xi1>, vector<16xi32>
      %broadcast_in_dim3A_3225 = vector.shape_cast %select_n3A_3224 : vector<16xi32> to vector<16x1xi32>
      %gather3A_3226 = vector.shape_cast %broadcast_in_dim3A_3225 : vector<16x1xi32> to vector<16xi32>
      %gather3A_3227 = tpu.dynamic_gather %select_n3A_2338[%gather3A_3226] in [0] : vector<16xi32>, vector<16xi32> -> vector<16xi32>
      %gt3A_3228 = arith.cmpf ogt, %select_n3A_1757, %gather3A_3217 : vector<16xf32>
      %eq3A_3229 = arith.cmpf oeq, %select_n3A_1757, %gather3A_3217 : vector<16xf32>
      %lt3A_3230 = arith.cmpi slt, %select_n3A_1758, %gather3A_3227 : vector<16xi32>
      %and3A_3231 = arith.andi %eq3A_3229, %lt3A_3230 : vector<16xi1>
      %or3A_3232 = arith.ori %gt3A_3228, %and3A_3231 : vector<16xi1>
      %select_n3A_3233 = arith.select %or3A_3232, %select_n3A_1757, %gather3A_3217 : vector<16xi1>, vector<16xf32>
      %select_n3A_3234 = arith.select %or3A_3232, %select_n3A_1758, %gather3A_3227 : vector<16xi1>, vector<16xi32>
      %select_n3A_3235 = arith.select %or3A_3232, %gather3A_3217, %select_n3A_1757 : vector<16xi1>, vector<16xf32>
      %and3A_3236 = arith.constant 8 : i32
      %and3A_3237 = vector.broadcast %and3A_3236 : i32 to vector<16xi32>
      %and3A_3238 = arith.andi %iota3A, %and3A_3237 : vector<16xi32>
      %eq3A_3239 = arith.constant 0 : i32
      %eq3A_3240 = vector.broadcast %eq3A_3239 : i32 to vector<16xi32>
      %eq3A_3241 = arith.cmpi eq, %and3A_3238, %eq3A_3240 : vector<16xi32>
      %xor3A_3242 = arith.constant 8 : i32
      %xor3A_3243 = vector.broadcast %xor3A_3242 : i32 to vector<16xi32>
      %xor3A_3244 = arith.xori %iota3A, %xor3A_3243 : vector<16xi32>
      %lt3A_3245 = arith.constant 0 : i32
      %lt3A_3246 = vector.broadcast %lt3A_3245 : i32 to vector<16xi32>
      %lt3A_3247 = arith.cmpi slt, %xor3A_3244, %lt3A_3246 : vector<16xi32>
      %add3A_3248 = arith.constant 16 : i32
      %add3A_3249 = vector.broadcast %add3A_3248 : i32 to vector<16xi32>
      %add3A_3250 = arith.addi %xor3A_3244, %add3A_3249 : vector<16xi32>
      %select_n3A_3251 = arith.select %lt3A_3247, %add3A_3250, %xor3A_3244 : vector<16xi1>, vector<16xi32>
      %broadcast_in_dim3A_3252 = vector.shape_cast %select_n3A_3251 : vector<16xi32> to vector<16x1xi32>
      %gather3A_3253 = vector.shape_cast %broadcast_in_dim3A_3252 : vector<16x1xi32> to vector<16xi32>
      %gather3A_3254 = tpu.dynamic_gather %select_n3A_3233[%gather3A_3253] in [0] : vector<16xf32>, vector<16xi32> -> vector<16xf32>
      %lt3A_3255 = arith.constant 0 : i32
      %lt3A_3256 = vector.broadcast %lt3A_3255 : i32 to vector<16xi32>
      %lt3A_3257 = arith.cmpi slt, %xor3A_3244, %lt3A_3256 : vector<16xi32>
      %add3A_3258 = arith.constant 16 : i32
      %add3A_3259 = vector.broadcast %add3A_3258 : i32 to vector<16xi32>
      %add3A_3260 = arith.addi %xor3A_3244, %add3A_3259 : vector<16xi32>
      %select_n3A_3261 = arith.select %lt3A_3257, %add3A_3260, %xor3A_3244 : vector<16xi1>, vector<16xi32>
      %broadcast_in_dim3A_3262 = vector.shape_cast %select_n3A_3261 : vector<16xi32> to vector<16x1xi32>
      %gather3A_3263 = vector.shape_cast %broadcast_in_dim3A_3262 : vector<16x1xi32> to vector<16xi32>
      %gather3A_3264 = tpu.dynamic_gather %select_n3A_3234[%gather3A_3263] in [0] : vector<16xi32>, vector<16xi32> -> vector<16xi32>
      %gt3A_3265 = arith.cmpf ogt, %select_n3A_3233, %gather3A_3254 : vector<16xf32>
      %eq3A_3266 = arith.cmpf oeq, %select_n3A_3233, %gather3A_3254 : vector<16xf32>
      %lt3A_3267 = arith.cmpi slt, %select_n3A_3234, %gather3A_3264 : vector<16xi32>
      %and3A_3268 = arith.andi %eq3A_3266, %lt3A_3267 : vector<16xi1>
      %or3A_3269 = arith.ori %gt3A_3265, %and3A_3268 : vector<16xi1>
      %jit3A_3270 = arith.constant 1 : i32
      %jit3A_3271 = arith.constant 0 : i32
      %broadcast_in_dim3A_3272 = vector.broadcast %jit3A_3270 : i32 to vector<16xi32>
      %broadcast_in_dim3A_3273 = vector.broadcast %jit3A_3271 : i32 to vector<16xi32>
      %select_n3A_3274 = arith.select %or3A_3269, %broadcast_in_dim3A_3272, %broadcast_in_dim3A_3273 : vector<16xi1>, vector<16xi32>
      %jit3A_3275 = arith.constant 1 : i32
      %jit3A_3276 = arith.constant 0 : i32
      %broadcast_in_dim3A_3277 = vector.broadcast %jit3A_3275 : i32 to vector<16xi32>
      %broadcast_in_dim3A_3278 = vector.broadcast %jit3A_3276 : i32 to vector<16xi32>
      %select_n3A_3279 = arith.select %eq3A_3241, %broadcast_in_dim3A_3277, %broadcast_in_dim3A_3278 : vector<16xi1>, vector<16xi32>
      %xor3A_3280 = arith.xori %select_n3A_3274, %select_n3A_3279 : vector<16xi32>
      %eq3A_3281 = arith.constant 0 : i32
      %eq3A_3282 = vector.broadcast %eq3A_3281 : i32 to vector<16xi32>
      %eq3A_3283 = arith.cmpi eq, %xor3A_3280, %eq3A_3282 : vector<16xi32>
      %select_n3A_3284 = arith.select %eq3A_3283, %select_n3A_3233, %gather3A_3254 : vector<16xi1>, vector<16xf32>
      %select_n3A_3285 = arith.select %eq3A_3283, %select_n3A_3234, %gather3A_3264 : vector<16xi1>, vector<16xi32>
      %and3A_3286 = arith.constant 4 : i32
      %and3A_3287 = vector.broadcast %and3A_3286 : i32 to vector<16xi32>
      %and3A_3288 = arith.andi %iota3A, %and3A_3287 : vector<16xi32>
      %eq3A_3289 = arith.constant 0 : i32
      %eq3A_3290 = vector.broadcast %eq3A_3289 : i32 to vector<16xi32>
      %eq3A_3291 = arith.cmpi eq, %and3A_3288, %eq3A_3290 : vector<16xi32>
      %xor3A_3292 = arith.constant 4 : i32
      %xor3A_3293 = vector.broadcast %xor3A_3292 : i32 to vector<16xi32>
      %xor3A_3294 = arith.xori %iota3A, %xor3A_3293 : vector<16xi32>
      %lt3A_3295 = arith.constant 0 : i32
      %lt3A_3296 = vector.broadcast %lt3A_3295 : i32 to vector<16xi32>
      %lt3A_3297 = arith.cmpi slt, %xor3A_3294, %lt3A_3296 : vector<16xi32>
      %add3A_3298 = arith.constant 16 : i32
      %add3A_3299 = vector.broadcast %add3A_3298 : i32 to vector<16xi32>
      %add3A_3300 = arith.addi %xor3A_3294, %add3A_3299 : vector<16xi32>
      %select_n3A_3301 = arith.select %lt3A_3297, %add3A_3300, %xor3A_3294 : vector<16xi1>, vector<16xi32>
      %broadcast_in_dim3A_3302 = vector.shape_cast %select_n3A_3301 : vector<16xi32> to vector<16x1xi32>
      %gather3A_3303 = vector.shape_cast %broadcast_in_dim3A_3302 : vector<16x1xi32> to vector<16xi32>
      %gather3A_3304 = tpu.dynamic_gather %select_n3A_3284[%gather3A_3303] in [0] : vector<16xf32>, vector<16xi32> -> vector<16xf32>
      %lt3A_3305 = arith.constant 0 : i32
      %lt3A_3306 = vector.broadcast %lt3A_3305 : i32 to vector<16xi32>
      %lt3A_3307 = arith.cmpi slt, %xor3A_3294, %lt3A_3306 : vector<16xi32>
      %add3A_3308 = arith.constant 16 : i32
      %add3A_3309 = vector.broadcast %add3A_3308 : i32 to vector<16xi32>
      %add3A_3310 = arith.addi %xor3A_3294, %add3A_3309 : vector<16xi32>
      %select_n3A_3311 = arith.select %lt3A_3307, %add3A_3310, %xor3A_3294 : vector<16xi1>, vector<16xi32>
      %broadcast_in_dim3A_3312 = vector.shape_cast %select_n3A_3311 : vector<16xi32> to vector<16x1xi32>
      %gather3A_3313 = vector.shape_cast %broadcast_in_dim3A_3312 : vector<16x1xi32> to vector<16xi32>
      %gather3A_3314 = tpu.dynamic_gather %select_n3A_3285[%gather3A_3313] in [0] : vector<16xi32>, vector<16xi32> -> vector<16xi32>
      %gt3A_3315 = arith.cmpf ogt, %select_n3A_3284, %gather3A_3304 : vector<16xf32>
      %eq3A_3316 = arith.cmpf oeq, %select_n3A_3284, %gather3A_3304 : vector<16xf32>
      %lt3A_3317 = arith.cmpi slt, %select_n3A_3285, %gather3A_3314 : vector<16xi32>
      %and3A_3318 = arith.andi %eq3A_3316, %lt3A_3317 : vector<16xi1>
      %or3A_3319 = arith.ori %gt3A_3315, %and3A_3318 : vector<16xi1>
      %jit3A_3320 = arith.constant 1 : i32
      %jit3A_3321 = arith.constant 0 : i32
      %broadcast_in_dim3A_3322 = vector.broadcast %jit3A_3320 : i32 to vector<16xi32>
      %broadcast_in_dim3A_3323 = vector.broadcast %jit3A_3321 : i32 to vector<16xi32>
      %select_n3A_3324 = arith.select %or3A_3319, %broadcast_in_dim3A_3322, %broadcast_in_dim3A_3323 : vector<16xi1>, vector<16xi32>
      %jit3A_3325 = arith.constant 1 : i32
      %jit3A_3326 = arith.constant 0 : i32
      %broadcast_in_dim3A_3327 = vector.broadcast %jit3A_3325 : i32 to vector<16xi32>
      %broadcast_in_dim3A_3328 = vector.broadcast %jit3A_3326 : i32 to vector<16xi32>
      %select_n3A_3329 = arith.select %eq3A_3291, %broadcast_in_dim3A_3327, %broadcast_in_dim3A_3328 : vector<16xi1>, vector<16xi32>
      %xor3A_3330 = arith.xori %select_n3A_3324, %select_n3A_3329 : vector<16xi32>
      %eq3A_3331 = arith.constant 0 : i32
      %eq3A_3332 = vector.broadcast %eq3A_3331 : i32 to vector<16xi32>
      %eq3A_3333 = arith.cmpi eq, %xor3A_3330, %eq3A_3332 : vector<16xi32>
      %select_n3A_3334 = arith.select %eq3A_3333, %select_n3A_3284, %gather3A_3304 : vector<16xi1>, vector<16xf32>
      %select_n3A_3335 = arith.select %eq3A_3333, %select_n3A_3285, %gather3A_3314 : vector<16xi1>, vector<16xi32>
      %and3A_3336 = arith.constant 2 : i32
      %and3A_3337 = vector.broadcast %and3A_3336 : i32 to vector<16xi32>
      %and3A_3338 = arith.andi %iota3A, %and3A_3337 : vector<16xi32>
      %eq3A_3339 = arith.constant 0 : i32
      %eq3A_3340 = vector.broadcast %eq3A_3339 : i32 to vector<16xi32>
      %eq3A_3341 = arith.cmpi eq, %and3A_3338, %eq3A_3340 : vector<16xi32>
      %xor3A_3342 = arith.constant 2 : i32
      %xor3A_3343 = vector.broadcast %xor3A_3342 : i32 to vector<16xi32>
      %xor3A_3344 = arith.xori %iota3A, %xor3A_3343 : vector<16xi32>
      %lt3A_3345 = arith.constant 0 : i32
      %lt3A_3346 = vector.broadcast %lt3A_3345 : i32 to vector<16xi32>
      %lt3A_3347 = arith.cmpi slt, %xor3A_3344, %lt3A_3346 : vector<16xi32>
      %add3A_3348 = arith.constant 16 : i32
      %add3A_3349 = vector.broadcast %add3A_3348 : i32 to vector<16xi32>
      %add3A_3350 = arith.addi %xor3A_3344, %add3A_3349 : vector<16xi32>
      %select_n3A_3351 = arith.select %lt3A_3347, %add3A_3350, %xor3A_3344 : vector<16xi1>, vector<16xi32>
      %broadcast_in_dim3A_3352 = vector.shape_cast %select_n3A_3351 : vector<16xi32> to vector<16x1xi32>
      %gather3A_3353 = vector.shape_cast %broadcast_in_dim3A_3352 : vector<16x1xi32> to vector<16xi32>
      %gather3A_3354 = tpu.dynamic_gather %select_n3A_3334[%gather3A_3353] in [0] : vector<16xf32>, vector<16xi32> -> vector<16xf32>
      %lt3A_3355 = arith.constant 0 : i32
      %lt3A_3356 = vector.broadcast %lt3A_3355 : i32 to vector<16xi32>
      %lt3A_3357 = arith.cmpi slt, %xor3A_3344, %lt3A_3356 : vector<16xi32>
      %add3A_3358 = arith.constant 16 : i32
      %add3A_3359 = vector.broadcast %add3A_3358 : i32 to vector<16xi32>
      %add3A_3360 = arith.addi %xor3A_3344, %add3A_3359 : vector<16xi32>
      %select_n3A_3361 = arith.select %lt3A_3357, %add3A_3360, %xor3A_3344 : vector<16xi1>, vector<16xi32>
      %broadcast_in_dim3A_3362 = vector.shape_cast %select_n3A_3361 : vector<16xi32> to vector<16x1xi32>
      %gather3A_3363 = vector.shape_cast %broadcast_in_dim3A_3362 : vector<16x1xi32> to vector<16xi32>
      %gather3A_3364 = tpu.dynamic_gather %select_n3A_3335[%gather3A_3363] in [0] : vector<16xi32>, vector<16xi32> -> vector<16xi32>
      %gt3A_3365 = arith.cmpf ogt, %select_n3A_3334, %gather3A_3354 : vector<16xf32>
      %eq3A_3366 = arith.cmpf oeq, %select_n3A_3334, %gather3A_3354 : vector<16xf32>
      %lt3A_3367 = arith.cmpi slt, %select_n3A_3335, %gather3A_3364 : vector<16xi32>
      %and3A_3368 = arith.andi %eq3A_3366, %lt3A_3367 : vector<16xi1>
      %or3A_3369 = arith.ori %gt3A_3365, %and3A_3368 : vector<16xi1>
      %jit3A_3370 = arith.constant 1 : i32
      %jit3A_3371 = arith.constant 0 : i32
      %broadcast_in_dim3A_3372 = vector.broadcast %jit3A_3370 : i32 to vector<16xi32>
      %broadcast_in_dim3A_3373 = vector.broadcast %jit3A_3371 : i32 to vector<16xi32>
      %select_n3A_3374 = arith.select %or3A_3369, %broadcast_in_dim3A_3372, %broadcast_in_dim3A_3373 : vector<16xi1>, vector<16xi32>
      %jit3A_3375 = arith.constant 1 : i32
      %jit3A_3376 = arith.constant 0 : i32
      %broadcast_in_dim3A_3377 = vector.broadcast %jit3A_3375 : i32 to vector<16xi32>
      %broadcast_in_dim3A_3378 = vector.broadcast %jit3A_3376 : i32 to vector<16xi32>
      %select_n3A_3379 = arith.select %eq3A_3341, %broadcast_in_dim3A_3377, %broadcast_in_dim3A_3378 : vector<16xi1>, vector<16xi32>
      %xor3A_3380 = arith.xori %select_n3A_3374, %select_n3A_3379 : vector<16xi32>
      %eq3A_3381 = arith.constant 0 : i32
      %eq3A_3382 = vector.broadcast %eq3A_3381 : i32 to vector<16xi32>
      %eq3A_3383 = arith.cmpi eq, %xor3A_3380, %eq3A_3382 : vector<16xi32>
      %select_n3A_3384 = arith.select %eq3A_3383, %select_n3A_3334, %gather3A_3354 : vector<16xi1>, vector<16xf32>
      %select_n3A_3385 = arith.select %eq3A_3383, %select_n3A_3335, %gather3A_3364 : vector<16xi1>, vector<16xi32>
      %and3A_3386 = arith.constant 1 : i32
      %and3A_3387 = vector.broadcast %and3A_3386 : i32 to vector<16xi32>
      %and3A_3388 = arith.andi %iota3A, %and3A_3387 : vector<16xi32>
      %eq3A_3389 = arith.constant 0 : i32
      %eq3A_3390 = vector.broadcast %eq3A_3389 : i32 to vector<16xi32>
      %eq3A_3391 = arith.cmpi eq, %and3A_3388, %eq3A_3390 : vector<16xi32>
      %xor3A_3392 = arith.constant 1 : i32
      %xor3A_3393 = vector.broadcast %xor3A_3392 : i32 to vector<16xi32>
      %xor3A_3394 = arith.xori %iota3A, %xor3A_3393 : vector<16xi32>
      %lt3A_3395 = arith.constant 0 : i32
      %lt3A_3396 = vector.broadcast %lt3A_3395 : i32 to vector<16xi32>
      %lt3A_3397 = arith.cmpi slt, %xor3A_3394, %lt3A_3396 : vector<16xi32>
      %add3A_3398 = arith.constant 16 : i32
      %add3A_3399 = vector.broadcast %add3A_3398 : i32 to vector<16xi32>
      %add3A_3400 = arith.addi %xor3A_3394, %add3A_3399 : vector<16xi32>
      %select_n3A_3401 = arith.select %lt3A_3397, %add3A_3400, %xor3A_3394 : vector<16xi1>, vector<16xi32>
      %broadcast_in_dim3A_3402 = vector.shape_cast %select_n3A_3401 : vector<16xi32> to vector<16x1xi32>
      %gather3A_3403 = vector.shape_cast %broadcast_in_dim3A_3402 : vector<16x1xi32> to vector<16xi32>
      %gather3A_3404 = tpu.dynamic_gather %select_n3A_3384[%gather3A_3403] in [0] : vector<16xf32>, vector<16xi32> -> vector<16xf32>
      %lt3A_3405 = arith.constant 0 : i32
      %lt3A_3406 = vector.broadcast %lt3A_3405 : i32 to vector<16xi32>
      %lt3A_3407 = arith.cmpi slt, %xor3A_3394, %lt3A_3406 : vector<16xi32>
      %add3A_3408 = arith.constant 16 : i32
      %add3A_3409 = vector.broadcast %add3A_3408 : i32 to vector<16xi32>
      %add3A_3410 = arith.addi %xor3A_3394, %add3A_3409 : vector<16xi32>
      %select_n3A_3411 = arith.select %lt3A_3407, %add3A_3410, %xor3A_3394 : vector<16xi1>, vector<16xi32>
      %broadcast_in_dim3A_3412 = vector.shape_cast %select_n3A_3411 : vector<16xi32> to vector<16x1xi32>
      %gather3A_3413 = vector.shape_cast %broadcast_in_dim3A_3412 : vector<16x1xi32> to vector<16xi32>
      %gather3A_3414 = tpu.dynamic_gather %select_n3A_3385[%gather3A_3413] in [0] : vector<16xi32>, vector<16xi32> -> vector<16xi32>
      %gt3A_3415 = arith.cmpf ogt, %select_n3A_3384, %gather3A_3404 : vector<16xf32>
      %eq3A_3416 = arith.cmpf oeq, %select_n3A_3384, %gather3A_3404 : vector<16xf32>
      %lt3A_3417 = arith.cmpi slt, %select_n3A_3385, %gather3A_3414 : vector<16xi32>
      %and3A_3418 = arith.andi %eq3A_3416, %lt3A_3417 : vector<16xi1>
      %or3A_3419 = arith.ori %gt3A_3415, %and3A_3418 : vector<16xi1>
      %jit3A_3420 = arith.constant 1 : i32
      %jit3A_3421 = arith.constant 0 : i32
      %broadcast_in_dim3A_3422 = vector.broadcast %jit3A_3420 : i32 to vector<16xi32>
      %broadcast_in_dim3A_3423 = vector.broadcast %jit3A_3421 : i32 to vector<16xi32>
      %select_n3A_3424 = arith.select %or3A_3419, %broadcast_in_dim3A_3422, %broadcast_in_dim3A_3423 : vector<16xi1>, vector<16xi32>
      %jit3A_3425 = arith.constant 1 : i32
      %jit3A_3426 = arith.constant 0 : i32
      %broadcast_in_dim3A_3427 = vector.broadcast %jit3A_3425 : i32 to vector<16xi32>
      %broadcast_in_dim3A_3428 = vector.broadcast %jit3A_3426 : i32 to vector<16xi32>
      %select_n3A_3429 = arith.select %eq3A_3391, %broadcast_in_dim3A_3427, %broadcast_in_dim3A_3428 : vector<16xi1>, vector<16xi32>
      %xor3A_3430 = arith.xori %select_n3A_3424, %select_n3A_3429 : vector<16xi32>
      %eq3A_3431 = arith.constant 0 : i32
      %eq3A_3432 = vector.broadcast %eq3A_3431 : i32 to vector<16xi32>
      %eq3A_3433 = arith.cmpi eq, %xor3A_3430, %eq3A_3432 : vector<16xi32>
      %select_n3A_3434 = arith.select %eq3A_3433, %select_n3A_3384, %gather3A_3404 : vector<16xi1>, vector<16xf32>
      %select_n3A_3435 = arith.select %eq3A_3433, %select_n3A_3385, %gather3A_3414 : vector<16xi1>, vector<16xi32>
      %xor3A_3436 = arith.constant 8 : i32
      %xor3A_3437 = vector.broadcast %xor3A_3436 : i32 to vector<16xi32>
      %xor3A_3438 = arith.xori %iota3A, %xor3A_3437 : vector<16xi32>
      %lt3A_3439 = arith.constant 0 : i32
      %lt3A_3440 = vector.broadcast %lt3A_3439 : i32 to vector<16xi32>
      %lt3A_3441 = arith.cmpi slt, %xor3A_3438, %lt3A_3440 : vector<16xi32>
      %add3A_3442 = arith.constant 16 : i32
      %add3A_3443 = vector.broadcast %add3A_3442 : i32 to vector<16xi32>
      %add3A_3444 = arith.addi %xor3A_3438, %add3A_3443 : vector<16xi32>
      %select_n3A_3445 = arith.select %lt3A_3441, %add3A_3444, %xor3A_3438 : vector<16xi1>, vector<16xi32>
      %broadcast_in_dim3A_3446 = vector.shape_cast %select_n3A_3445 : vector<16xi32> to vector<16x1xi32>
      %gather3A_3447 = vector.shape_cast %broadcast_in_dim3A_3446 : vector<16x1xi32> to vector<16xi32>
      %gather3A_3448 = tpu.dynamic_gather %select_n3A_3235[%gather3A_3447] in [0] : vector<16xf32>, vector<16xi32> -> vector<16xf32>
      %max3A_3449 = arith.maximumf %select_n3A_3235, %gather3A_3448 : vector<16xf32>
      %xor3A_3450 = arith.constant 4 : i32
      %xor3A_3451 = vector.broadcast %xor3A_3450 : i32 to vector<16xi32>
      %xor3A_3452 = arith.xori %iota3A, %xor3A_3451 : vector<16xi32>
      %lt3A_3453 = arith.constant 0 : i32
      %lt3A_3454 = vector.broadcast %lt3A_3453 : i32 to vector<16xi32>
      %lt3A_3455 = arith.cmpi slt, %xor3A_3452, %lt3A_3454 : vector<16xi32>
      %add3A_3456 = arith.constant 16 : i32
      %add3A_3457 = vector.broadcast %add3A_3456 : i32 to vector<16xi32>
      %add3A_3458 = arith.addi %xor3A_3452, %add3A_3457 : vector<16xi32>
      %select_n3A_3459 = arith.select %lt3A_3455, %add3A_3458, %xor3A_3452 : vector<16xi1>, vector<16xi32>
      %broadcast_in_dim3A_3460 = vector.shape_cast %select_n3A_3459 : vector<16xi32> to vector<16x1xi32>
      %gather3A_3461 = vector.shape_cast %broadcast_in_dim3A_3460 : vector<16x1xi32> to vector<16xi32>
      %gather3A_3462 = tpu.dynamic_gather %max3A_3449[%gather3A_3461] in [0] : vector<16xf32>, vector<16xi32> -> vector<16xf32>
      %max3A_3463 = arith.maximumf %max3A_3449, %gather3A_3462 : vector<16xf32>
      %xor3A_3464 = arith.constant 2 : i32
      %xor3A_3465 = vector.broadcast %xor3A_3464 : i32 to vector<16xi32>
      %xor3A_3466 = arith.xori %iota3A, %xor3A_3465 : vector<16xi32>
      %lt3A_3467 = arith.constant 0 : i32
      %lt3A_3468 = vector.broadcast %lt3A_3467 : i32 to vector<16xi32>
      %lt3A_3469 = arith.cmpi slt, %xor3A_3466, %lt3A_3468 : vector<16xi32>
      %add3A_3470 = arith.constant 16 : i32
      %add3A_3471 = vector.broadcast %add3A_3470 : i32 to vector<16xi32>
      %add3A_3472 = arith.addi %xor3A_3466, %add3A_3471 : vector<16xi32>
      %select_n3A_3473 = arith.select %lt3A_3469, %add3A_3472, %xor3A_3466 : vector<16xi1>, vector<16xi32>
      %broadcast_in_dim3A_3474 = vector.shape_cast %select_n3A_3473 : vector<16xi32> to vector<16x1xi32>
      %gather3A_3475 = vector.shape_cast %broadcast_in_dim3A_3474 : vector<16x1xi32> to vector<16xi32>
      %gather3A_3476 = tpu.dynamic_gather %max3A_3463[%gather3A_3475] in [0] : vector<16xf32>, vector<16xi32> -> vector<16xf32>
      %max3A_3477 = arith.maximumf %max3A_3463, %gather3A_3476 : vector<16xf32>
      %xor3A_3478 = arith.constant 1 : i32
      %xor3A_3479 = vector.broadcast %xor3A_3478 : i32 to vector<16xi32>
      %xor3A_3480 = arith.xori %iota3A, %xor3A_3479 : vector<16xi32>
      %lt3A_3481 = arith.constant 0 : i32
      %lt3A_3482 = vector.broadcast %lt3A_3481 : i32 to vector<16xi32>
      %lt3A_3483 = arith.cmpi slt, %xor3A_3480, %lt3A_3482 : vector<16xi32>
      %add3A_3484 = arith.constant 16 : i32
      %add3A_3485 = vector.broadcast %add3A_3484 : i32 to vector<16xi32>
      %add3A_3486 = arith.addi %xor3A_3480, %add3A_3485 : vector<16xi32>
      %select_n3A_3487 = arith.select %lt3A_3483, %add3A_3486, %xor3A_3480 : vector<16xi1>, vector<16xi32>
      %broadcast_in_dim3A_3488 = vector.shape_cast %select_n3A_3487 : vector<16xi32> to vector<16x1xi32>
      %gather3A_3489 = vector.shape_cast %broadcast_in_dim3A_3488 : vector<16x1xi32> to vector<16xi32>
      %gather3A_3490 = tpu.dynamic_gather %max3A_3477[%gather3A_3489] in [0] : vector<16xf32>, vector<16xi32> -> vector<16xf32>
      %max3A_3491 = arith.maximumf %max3A_3477, %gather3A_3490 : vector<16xf32>
      %xor3A_3492 = arith.constant 15 : i32
      %xor3A_3493 = vector.broadcast %xor3A_3492 : i32 to vector<16xi32>
      %xor3A_3494 = arith.xori %iota3A, %xor3A_3493 : vector<16xi32>
      %lt3A_3495 = arith.constant 0 : i32
      %lt3A_3496 = vector.broadcast %lt3A_3495 : i32 to vector<16xi32>
      %lt3A_3497 = arith.cmpi slt, %xor3A_3494, %lt3A_3496 : vector<16xi32>
      %add3A_3498 = arith.constant 16 : i32
      %add3A_3499 = vector.broadcast %add3A_3498 : i32 to vector<16xi32>
      %add3A_3500 = arith.addi %xor3A_3494, %add3A_3499 : vector<16xi32>
      %select_n3A_3501 = arith.select %lt3A_3497, %add3A_3500, %xor3A_3494 : vector<16xi1>, vector<16xi32>
      %broadcast_in_dim3A_3502 = vector.shape_cast %select_n3A_3501 : vector<16xi32> to vector<16x1xi32>
      %gather3A_3503 = vector.shape_cast %broadcast_in_dim3A_3502 : vector<16x1xi32> to vector<16xi32>
      %gather3A_3504 = tpu.dynamic_gather %select_n3A_3434[%gather3A_3503] in [0] : vector<16xf32>, vector<16xi32> -> vector<16xf32>
      %lt3A_3505 = arith.constant 0 : i32
      %lt3A_3506 = vector.broadcast %lt3A_3505 : i32 to vector<16xi32>
      %lt3A_3507 = arith.cmpi slt, %xor3A_3494, %lt3A_3506 : vector<16xi32>
      %add3A_3508 = arith.constant 16 : i32
      %add3A_3509 = vector.broadcast %add3A_3508 : i32 to vector<16xi32>
      %add3A_3510 = arith.addi %xor3A_3494, %add3A_3509 : vector<16xi32>
      %select_n3A_3511 = arith.select %lt3A_3507, %add3A_3510, %xor3A_3494 : vector<16xi1>, vector<16xi32>
      %broadcast_in_dim3A_3512 = vector.shape_cast %select_n3A_3511 : vector<16xi32> to vector<16x1xi32>
      %gather3A_3513 = vector.shape_cast %broadcast_in_dim3A_3512 : vector<16x1xi32> to vector<16xi32>
      %gather3A_3514 = tpu.dynamic_gather %select_n3A_3435[%gather3A_3513] in [0] : vector<16xi32>, vector<16xi32> -> vector<16xi32>
      %gt3A_3515 = arith.cmpf ogt, %select_n3A_3148, %gather3A_3504 : vector<16xf32>
      %eq3A_3516 = arith.cmpf oeq, %select_n3A_3148, %gather3A_3504 : vector<16xf32>
      %lt3A_3517 = arith.cmpi slt, %select_n3A_3149, %gather3A_3514 : vector<16xi32>
      %and3A_3518 = arith.andi %eq3A_3516, %lt3A_3517 : vector<16xi1>
      %or3A_3519 = arith.ori %gt3A_3515, %and3A_3518 : vector<16xi1>
      %select_n3A_3520 = arith.select %or3A_3519, %select_n3A_3148, %gather3A_3504 : vector<16xi1>, vector<16xf32>
      %select_n3A_3521 = arith.select %or3A_3519, %select_n3A_3149, %gather3A_3514 : vector<16xi1>, vector<16xi32>
      %select_n3A_3522 = arith.select %or3A_3519, %gather3A_3504, %select_n3A_3148 : vector<16xi1>, vector<16xf32>
      %and3A_3523 = arith.constant 8 : i32
      %and3A_3524 = vector.broadcast %and3A_3523 : i32 to vector<16xi32>
      %and3A_3525 = arith.andi %iota3A, %and3A_3524 : vector<16xi32>
      %eq3A_3526 = arith.constant 0 : i32
      %eq3A_3527 = vector.broadcast %eq3A_3526 : i32 to vector<16xi32>
      %eq3A_3528 = arith.cmpi eq, %and3A_3525, %eq3A_3527 : vector<16xi32>
      %xor3A_3529 = arith.constant 8 : i32
      %xor3A_3530 = vector.broadcast %xor3A_3529 : i32 to vector<16xi32>
      %xor3A_3531 = arith.xori %iota3A, %xor3A_3530 : vector<16xi32>
      %lt3A_3532 = arith.constant 0 : i32
      %lt3A_3533 = vector.broadcast %lt3A_3532 : i32 to vector<16xi32>
      %lt3A_3534 = arith.cmpi slt, %xor3A_3531, %lt3A_3533 : vector<16xi32>
      %add3A_3535 = arith.constant 16 : i32
      %add3A_3536 = vector.broadcast %add3A_3535 : i32 to vector<16xi32>
      %add3A_3537 = arith.addi %xor3A_3531, %add3A_3536 : vector<16xi32>
      %select_n3A_3538 = arith.select %lt3A_3534, %add3A_3537, %xor3A_3531 : vector<16xi1>, vector<16xi32>
      %broadcast_in_dim3A_3539 = vector.shape_cast %select_n3A_3538 : vector<16xi32> to vector<16x1xi32>
      %gather3A_3540 = vector.shape_cast %broadcast_in_dim3A_3539 : vector<16x1xi32> to vector<16xi32>
      %gather3A_3541 = tpu.dynamic_gather %select_n3A_3520[%gather3A_3540] in [0] : vector<16xf32>, vector<16xi32> -> vector<16xf32>
      %lt3A_3542 = arith.constant 0 : i32
      %lt3A_3543 = vector.broadcast %lt3A_3542 : i32 to vector<16xi32>
      %lt3A_3544 = arith.cmpi slt, %xor3A_3531, %lt3A_3543 : vector<16xi32>
      %add3A_3545 = arith.constant 16 : i32
      %add3A_3546 = vector.broadcast %add3A_3545 : i32 to vector<16xi32>
      %add3A_3547 = arith.addi %xor3A_3531, %add3A_3546 : vector<16xi32>
      %select_n3A_3548 = arith.select %lt3A_3544, %add3A_3547, %xor3A_3531 : vector<16xi1>, vector<16xi32>
      %broadcast_in_dim3A_3549 = vector.shape_cast %select_n3A_3548 : vector<16xi32> to vector<16x1xi32>
      %gather3A_3550 = vector.shape_cast %broadcast_in_dim3A_3549 : vector<16x1xi32> to vector<16xi32>
      %gather3A_3551 = tpu.dynamic_gather %select_n3A_3521[%gather3A_3550] in [0] : vector<16xi32>, vector<16xi32> -> vector<16xi32>
      %gt3A_3552 = arith.cmpf ogt, %select_n3A_3520, %gather3A_3541 : vector<16xf32>
      %eq3A_3553 = arith.cmpf oeq, %select_n3A_3520, %gather3A_3541 : vector<16xf32>
      %lt3A_3554 = arith.cmpi slt, %select_n3A_3521, %gather3A_3551 : vector<16xi32>
      %and3A_3555 = arith.andi %eq3A_3553, %lt3A_3554 : vector<16xi1>
      %or3A_3556 = arith.ori %gt3A_3552, %and3A_3555 : vector<16xi1>
      %jit3A_3557 = arith.constant 1 : i32
      %jit3A_3558 = arith.constant 0 : i32
      %broadcast_in_dim3A_3559 = vector.broadcast %jit3A_3557 : i32 to vector<16xi32>
      %broadcast_in_dim3A_3560 = vector.broadcast %jit3A_3558 : i32 to vector<16xi32>
      %select_n3A_3561 = arith.select %or3A_3556, %broadcast_in_dim3A_3559, %broadcast_in_dim3A_3560 : vector<16xi1>, vector<16xi32>
      %jit3A_3562 = arith.constant 1 : i32
      %jit3A_3563 = arith.constant 0 : i32
      %broadcast_in_dim3A_3564 = vector.broadcast %jit3A_3562 : i32 to vector<16xi32>
      %broadcast_in_dim3A_3565 = vector.broadcast %jit3A_3563 : i32 to vector<16xi32>
      %select_n3A_3566 = arith.select %eq3A_3528, %broadcast_in_dim3A_3564, %broadcast_in_dim3A_3565 : vector<16xi1>, vector<16xi32>
      %xor3A_3567 = arith.xori %select_n3A_3561, %select_n3A_3566 : vector<16xi32>
      %eq3A_3568 = arith.constant 0 : i32
      %eq3A_3569 = vector.broadcast %eq3A_3568 : i32 to vector<16xi32>
      %eq3A_3570 = arith.cmpi eq, %xor3A_3567, %eq3A_3569 : vector<16xi32>
      %select_n3A_3571 = arith.select %eq3A_3570, %select_n3A_3520, %gather3A_3541 : vector<16xi1>, vector<16xf32>
      %select_n3A_3572 = arith.select %eq3A_3570, %select_n3A_3521, %gather3A_3551 : vector<16xi1>, vector<16xi32>
      %and3A_3573 = arith.constant 4 : i32
      %and3A_3574 = vector.broadcast %and3A_3573 : i32 to vector<16xi32>
      %and3A_3575 = arith.andi %iota3A, %and3A_3574 : vector<16xi32>
      %eq3A_3576 = arith.constant 0 : i32
      %eq3A_3577 = vector.broadcast %eq3A_3576 : i32 to vector<16xi32>
      %eq3A_3578 = arith.cmpi eq, %and3A_3575, %eq3A_3577 : vector<16xi32>
      %xor3A_3579 = arith.constant 4 : i32
      %xor3A_3580 = vector.broadcast %xor3A_3579 : i32 to vector<16xi32>
      %xor3A_3581 = arith.xori %iota3A, %xor3A_3580 : vector<16xi32>
      %lt3A_3582 = arith.constant 0 : i32
      %lt3A_3583 = vector.broadcast %lt3A_3582 : i32 to vector<16xi32>
      %lt3A_3584 = arith.cmpi slt, %xor3A_3581, %lt3A_3583 : vector<16xi32>
      %add3A_3585 = arith.constant 16 : i32
      %add3A_3586 = vector.broadcast %add3A_3585 : i32 to vector<16xi32>
      %add3A_3587 = arith.addi %xor3A_3581, %add3A_3586 : vector<16xi32>
      %select_n3A_3588 = arith.select %lt3A_3584, %add3A_3587, %xor3A_3581 : vector<16xi1>, vector<16xi32>
      %broadcast_in_dim3A_3589 = vector.shape_cast %select_n3A_3588 : vector<16xi32> to vector<16x1xi32>
      %gather3A_3590 = vector.shape_cast %broadcast_in_dim3A_3589 : vector<16x1xi32> to vector<16xi32>
      %gather3A_3591 = tpu.dynamic_gather %select_n3A_3571[%gather3A_3590] in [0] : vector<16xf32>, vector<16xi32> -> vector<16xf32>
      %lt3A_3592 = arith.constant 0 : i32
      %lt3A_3593 = vector.broadcast %lt3A_3592 : i32 to vector<16xi32>
      %lt3A_3594 = arith.cmpi slt, %xor3A_3581, %lt3A_3593 : vector<16xi32>
      %add3A_3595 = arith.constant 16 : i32
      %add3A_3596 = vector.broadcast %add3A_3595 : i32 to vector<16xi32>
      %add3A_3597 = arith.addi %xor3A_3581, %add3A_3596 : vector<16xi32>
      %select_n3A_3598 = arith.select %lt3A_3594, %add3A_3597, %xor3A_3581 : vector<16xi1>, vector<16xi32>
      %broadcast_in_dim3A_3599 = vector.shape_cast %select_n3A_3598 : vector<16xi32> to vector<16x1xi32>
      %gather3A_3600 = vector.shape_cast %broadcast_in_dim3A_3599 : vector<16x1xi32> to vector<16xi32>
      %gather3A_3601 = tpu.dynamic_gather %select_n3A_3572[%gather3A_3600] in [0] : vector<16xi32>, vector<16xi32> -> vector<16xi32>
      %gt3A_3602 = arith.cmpf ogt, %select_n3A_3571, %gather3A_3591 : vector<16xf32>
      %eq3A_3603 = arith.cmpf oeq, %select_n3A_3571, %gather3A_3591 : vector<16xf32>
      %lt3A_3604 = arith.cmpi slt, %select_n3A_3572, %gather3A_3601 : vector<16xi32>
      %and3A_3605 = arith.andi %eq3A_3603, %lt3A_3604 : vector<16xi1>
      %or3A_3606 = arith.ori %gt3A_3602, %and3A_3605 : vector<16xi1>
      %jit3A_3607 = arith.constant 1 : i32
      %jit3A_3608 = arith.constant 0 : i32
      %broadcast_in_dim3A_3609 = vector.broadcast %jit3A_3607 : i32 to vector<16xi32>
      %broadcast_in_dim3A_3610 = vector.broadcast %jit3A_3608 : i32 to vector<16xi32>
      %select_n3A_3611 = arith.select %or3A_3606, %broadcast_in_dim3A_3609, %broadcast_in_dim3A_3610 : vector<16xi1>, vector<16xi32>
      %jit3A_3612 = arith.constant 1 : i32
      %jit3A_3613 = arith.constant 0 : i32
      %broadcast_in_dim3A_3614 = vector.broadcast %jit3A_3612 : i32 to vector<16xi32>
      %broadcast_in_dim3A_3615 = vector.broadcast %jit3A_3613 : i32 to vector<16xi32>
      %select_n3A_3616 = arith.select %eq3A_3578, %broadcast_in_dim3A_3614, %broadcast_in_dim3A_3615 : vector<16xi1>, vector<16xi32>
      %xor3A_3617 = arith.xori %select_n3A_3611, %select_n3A_3616 : vector<16xi32>
      %eq3A_3618 = arith.constant 0 : i32
      %eq3A_3619 = vector.broadcast %eq3A_3618 : i32 to vector<16xi32>
      %eq3A_3620 = arith.cmpi eq, %xor3A_3617, %eq3A_3619 : vector<16xi32>
      %select_n3A_3621 = arith.select %eq3A_3620, %select_n3A_3571, %gather3A_3591 : vector<16xi1>, vector<16xf32>
      %select_n3A_3622 = arith.select %eq3A_3620, %select_n3A_3572, %gather3A_3601 : vector<16xi1>, vector<16xi32>
      %and3A_3623 = arith.constant 2 : i32
      %and3A_3624 = vector.broadcast %and3A_3623 : i32 to vector<16xi32>
      %and3A_3625 = arith.andi %iota3A, %and3A_3624 : vector<16xi32>
      %eq3A_3626 = arith.constant 0 : i32
      %eq3A_3627 = vector.broadcast %eq3A_3626 : i32 to vector<16xi32>
      %eq3A_3628 = arith.cmpi eq, %and3A_3625, %eq3A_3627 : vector<16xi32>
      %xor3A_3629 = arith.constant 2 : i32
      %xor3A_3630 = vector.broadcast %xor3A_3629 : i32 to vector<16xi32>
      %xor3A_3631 = arith.xori %iota3A, %xor3A_3630 : vector<16xi32>
      %lt3A_3632 = arith.constant 0 : i32
      %lt3A_3633 = vector.broadcast %lt3A_3632 : i32 to vector<16xi32>
      %lt3A_3634 = arith.cmpi slt, %xor3A_3631, %lt3A_3633 : vector<16xi32>
      %add3A_3635 = arith.constant 16 : i32
      %add3A_3636 = vector.broadcast %add3A_3635 : i32 to vector<16xi32>
      %add3A_3637 = arith.addi %xor3A_3631, %add3A_3636 : vector<16xi32>
      %select_n3A_3638 = arith.select %lt3A_3634, %add3A_3637, %xor3A_3631 : vector<16xi1>, vector<16xi32>
      %broadcast_in_dim3A_3639 = vector.shape_cast %select_n3A_3638 : vector<16xi32> to vector<16x1xi32>
      %gather3A_3640 = vector.shape_cast %broadcast_in_dim3A_3639 : vector<16x1xi32> to vector<16xi32>
      %gather3A_3641 = tpu.dynamic_gather %select_n3A_3621[%gather3A_3640] in [0] : vector<16xf32>, vector<16xi32> -> vector<16xf32>
      %lt3A_3642 = arith.constant 0 : i32
      %lt3A_3643 = vector.broadcast %lt3A_3642 : i32 to vector<16xi32>
      %lt3A_3644 = arith.cmpi slt, %xor3A_3631, %lt3A_3643 : vector<16xi32>
      %add3A_3645 = arith.constant 16 : i32
      %add3A_3646 = vector.broadcast %add3A_3645 : i32 to vector<16xi32>
      %add3A_3647 = arith.addi %xor3A_3631, %add3A_3646 : vector<16xi32>
      %select_n3A_3648 = arith.select %lt3A_3644, %add3A_3647, %xor3A_3631 : vector<16xi1>, vector<16xi32>
      %broadcast_in_dim3A_3649 = vector.shape_cast %select_n3A_3648 : vector<16xi32> to vector<16x1xi32>
      %gather3A_3650 = vector.shape_cast %broadcast_in_dim3A_3649 : vector<16x1xi32> to vector<16xi32>
      %gather3A_3651 = tpu.dynamic_gather %select_n3A_3622[%gather3A_3650] in [0] : vector<16xi32>, vector<16xi32> -> vector<16xi32>
      %gt3A_3652 = arith.cmpf ogt, %select_n3A_3621, %gather3A_3641 : vector<16xf32>
      %eq3A_3653 = arith.cmpf oeq, %select_n3A_3621, %gather3A_3641 : vector<16xf32>
      %lt3A_3654 = arith.cmpi slt, %select_n3A_3622, %gather3A_3651 : vector<16xi32>
      %and3A_3655 = arith.andi %eq3A_3653, %lt3A_3654 : vector<16xi1>
      %or3A_3656 = arith.ori %gt3A_3652, %and3A_3655 : vector<16xi1>
      %jit3A_3657 = arith.constant 1 : i32
      %jit3A_3658 = arith.constant 0 : i32
      %broadcast_in_dim3A_3659 = vector.broadcast %jit3A_3657 : i32 to vector<16xi32>
      %broadcast_in_dim3A_3660 = vector.broadcast %jit3A_3658 : i32 to vector<16xi32>
      %select_n3A_3661 = arith.select %or3A_3656, %broadcast_in_dim3A_3659, %broadcast_in_dim3A_3660 : vector<16xi1>, vector<16xi32>
      %jit3A_3662 = arith.constant 1 : i32
      %jit3A_3663 = arith.constant 0 : i32
      %broadcast_in_dim3A_3664 = vector.broadcast %jit3A_3662 : i32 to vector<16xi32>
      %broadcast_in_dim3A_3665 = vector.broadcast %jit3A_3663 : i32 to vector<16xi32>
      %select_n3A_3666 = arith.select %eq3A_3628, %broadcast_in_dim3A_3664, %broadcast_in_dim3A_3665 : vector<16xi1>, vector<16xi32>
      %xor3A_3667 = arith.xori %select_n3A_3661, %select_n3A_3666 : vector<16xi32>
      %eq3A_3668 = arith.constant 0 : i32
      %eq3A_3669 = vector.broadcast %eq3A_3668 : i32 to vector<16xi32>
      %eq3A_3670 = arith.cmpi eq, %xor3A_3667, %eq3A_3669 : vector<16xi32>
      %select_n3A_3671 = arith.select %eq3A_3670, %select_n3A_3621, %gather3A_3641 : vector<16xi1>, vector<16xf32>
      %select_n3A_3672 = arith.select %eq3A_3670, %select_n3A_3622, %gather3A_3651 : vector<16xi1>, vector<16xi32>
      %and3A_3673 = arith.constant 1 : i32
      %and3A_3674 = vector.broadcast %and3A_3673 : i32 to vector<16xi32>
      %and3A_3675 = arith.andi %iota3A, %and3A_3674 : vector<16xi32>
      %eq3A_3676 = arith.constant 0 : i32
      %eq3A_3677 = vector.broadcast %eq3A_3676 : i32 to vector<16xi32>
      %eq3A_3678 = arith.cmpi eq, %and3A_3675, %eq3A_3677 : vector<16xi32>
      %xor3A_3679 = arith.constant 1 : i32
      %xor3A_3680 = vector.broadcast %xor3A_3679 : i32 to vector<16xi32>
      %xor3A_3681 = arith.xori %iota3A, %xor3A_3680 : vector<16xi32>
      %lt3A_3682 = arith.constant 0 : i32
      %lt3A_3683 = vector.broadcast %lt3A_3682 : i32 to vector<16xi32>
      %lt3A_3684 = arith.cmpi slt, %xor3A_3681, %lt3A_3683 : vector<16xi32>
      %add3A_3685 = arith.constant 16 : i32
      %add3A_3686 = vector.broadcast %add3A_3685 : i32 to vector<16xi32>
      %add3A_3687 = arith.addi %xor3A_3681, %add3A_3686 : vector<16xi32>
      %select_n3A_3688 = arith.select %lt3A_3684, %add3A_3687, %xor3A_3681 : vector<16xi1>, vector<16xi32>
      %broadcast_in_dim3A_3689 = vector.shape_cast %select_n3A_3688 : vector<16xi32> to vector<16x1xi32>
      %gather3A_3690 = vector.shape_cast %broadcast_in_dim3A_3689 : vector<16x1xi32> to vector<16xi32>
      %gather3A_3691 = tpu.dynamic_gather %select_n3A_3671[%gather3A_3690] in [0] : vector<16xf32>, vector<16xi32> -> vector<16xf32>
      %lt3A_3692 = arith.constant 0 : i32
      %lt3A_3693 = vector.broadcast %lt3A_3692 : i32 to vector<16xi32>
      %lt3A_3694 = arith.cmpi slt, %xor3A_3681, %lt3A_3693 : vector<16xi32>
      %add3A_3695 = arith.constant 16 : i32
      %add3A_3696 = vector.broadcast %add3A_3695 : i32 to vector<16xi32>
      %add3A_3697 = arith.addi %xor3A_3681, %add3A_3696 : vector<16xi32>
      %select_n3A_3698 = arith.select %lt3A_3694, %add3A_3697, %xor3A_3681 : vector<16xi1>, vector<16xi32>
      %broadcast_in_dim3A_3699 = vector.shape_cast %select_n3A_3698 : vector<16xi32> to vector<16x1xi32>
      %gather3A_3700 = vector.shape_cast %broadcast_in_dim3A_3699 : vector<16x1xi32> to vector<16xi32>
      %gather3A_3701 = tpu.dynamic_gather %select_n3A_3672[%gather3A_3700] in [0] : vector<16xi32>, vector<16xi32> -> vector<16xi32>
      %gt3A_3702 = arith.cmpf ogt, %select_n3A_3671, %gather3A_3691 : vector<16xf32>
      %eq3A_3703 = arith.cmpf oeq, %select_n3A_3671, %gather3A_3691 : vector<16xf32>
      %lt3A_3704 = arith.cmpi slt, %select_n3A_3672, %gather3A_3701 : vector<16xi32>
      %and3A_3705 = arith.andi %eq3A_3703, %lt3A_3704 : vector<16xi1>
      %or3A_3706 = arith.ori %gt3A_3702, %and3A_3705 : vector<16xi1>
      %jit3A_3707 = arith.constant 1 : i32
      %jit3A_3708 = arith.constant 0 : i32
      %broadcast_in_dim3A_3709 = vector.broadcast %jit3A_3707 : i32 to vector<16xi32>
      %broadcast_in_dim3A_3710 = vector.broadcast %jit3A_3708 : i32 to vector<16xi32>
      %select_n3A_3711 = arith.select %or3A_3706, %broadcast_in_dim3A_3709, %broadcast_in_dim3A_3710 : vector<16xi1>, vector<16xi32>
      %jit3A_3712 = arith.constant 1 : i32
      %jit3A_3713 = arith.constant 0 : i32
      %broadcast_in_dim3A_3714 = vector.broadcast %jit3A_3712 : i32 to vector<16xi32>
      %broadcast_in_dim3A_3715 = vector.broadcast %jit3A_3713 : i32 to vector<16xi32>
      %select_n3A_3716 = arith.select %eq3A_3678, %broadcast_in_dim3A_3714, %broadcast_in_dim3A_3715 : vector<16xi1>, vector<16xi32>
      %xor3A_3717 = arith.xori %select_n3A_3711, %select_n3A_3716 : vector<16xi32>
      %eq3A_3718 = arith.constant 0 : i32
      %eq3A_3719 = vector.broadcast %eq3A_3718 : i32 to vector<16xi32>
      %eq3A_3720 = arith.cmpi eq, %xor3A_3717, %eq3A_3719 : vector<16xi32>
      %select_n3A_3721 = arith.select %eq3A_3720, %select_n3A_3671, %gather3A_3691 : vector<16xi1>, vector<16xf32>
      %select_n3A_3722 = arith.select %eq3A_3720, %select_n3A_3672, %gather3A_3701 : vector<16xi1>, vector<16xi32>
      %xor3A_3723 = arith.constant 8 : i32
      %xor3A_3724 = vector.broadcast %xor3A_3723 : i32 to vector<16xi32>
      %xor3A_3725 = arith.xori %iota3A, %xor3A_3724 : vector<16xi32>
      %lt3A_3726 = arith.constant 0 : i32
      %lt3A_3727 = vector.broadcast %lt3A_3726 : i32 to vector<16xi32>
      %lt3A_3728 = arith.cmpi slt, %xor3A_3725, %lt3A_3727 : vector<16xi32>
      %add3A_3729 = arith.constant 16 : i32
      %add3A_3730 = vector.broadcast %add3A_3729 : i32 to vector<16xi32>
      %add3A_3731 = arith.addi %xor3A_3725, %add3A_3730 : vector<16xi32>
      %select_n3A_3732 = arith.select %lt3A_3728, %add3A_3731, %xor3A_3725 : vector<16xi1>, vector<16xi32>
      %broadcast_in_dim3A_3733 = vector.shape_cast %select_n3A_3732 : vector<16xi32> to vector<16x1xi32>
      %gather3A_3734 = vector.shape_cast %broadcast_in_dim3A_3733 : vector<16x1xi32> to vector<16xi32>
      %gather3A_3735 = tpu.dynamic_gather %select_n3A_3522[%gather3A_3734] in [0] : vector<16xf32>, vector<16xi32> -> vector<16xf32>
      %max3A_3736 = arith.maximumf %select_n3A_3522, %gather3A_3735 : vector<16xf32>
      %xor3A_3737 = arith.constant 4 : i32
      %xor3A_3738 = vector.broadcast %xor3A_3737 : i32 to vector<16xi32>
      %xor3A_3739 = arith.xori %iota3A, %xor3A_3738 : vector<16xi32>
      %lt3A_3740 = arith.constant 0 : i32
      %lt3A_3741 = vector.broadcast %lt3A_3740 : i32 to vector<16xi32>
      %lt3A_3742 = arith.cmpi slt, %xor3A_3739, %lt3A_3741 : vector<16xi32>
      %add3A_3743 = arith.constant 16 : i32
      %add3A_3744 = vector.broadcast %add3A_3743 : i32 to vector<16xi32>
      %add3A_3745 = arith.addi %xor3A_3739, %add3A_3744 : vector<16xi32>
      %select_n3A_3746 = arith.select %lt3A_3742, %add3A_3745, %xor3A_3739 : vector<16xi1>, vector<16xi32>
      %broadcast_in_dim3A_3747 = vector.shape_cast %select_n3A_3746 : vector<16xi32> to vector<16x1xi32>
      %gather3A_3748 = vector.shape_cast %broadcast_in_dim3A_3747 : vector<16x1xi32> to vector<16xi32>
      %gather3A_3749 = tpu.dynamic_gather %max3A_3736[%gather3A_3748] in [0] : vector<16xf32>, vector<16xi32> -> vector<16xf32>
      %max3A_3750 = arith.maximumf %max3A_3736, %gather3A_3749 : vector<16xf32>
      %xor3A_3751 = arith.constant 2 : i32
      %xor3A_3752 = vector.broadcast %xor3A_3751 : i32 to vector<16xi32>
      %xor3A_3753 = arith.xori %iota3A, %xor3A_3752 : vector<16xi32>
      %lt3A_3754 = arith.constant 0 : i32
      %lt3A_3755 = vector.broadcast %lt3A_3754 : i32 to vector<16xi32>
      %lt3A_3756 = arith.cmpi slt, %xor3A_3753, %lt3A_3755 : vector<16xi32>
      %add3A_3757 = arith.constant 16 : i32
      %add3A_3758 = vector.broadcast %add3A_3757 : i32 to vector<16xi32>
      %add3A_3759 = arith.addi %xor3A_3753, %add3A_3758 : vector<16xi32>
      %select_n3A_3760 = arith.select %lt3A_3756, %add3A_3759, %xor3A_3753 : vector<16xi1>, vector<16xi32>
      %broadcast_in_dim3A_3761 = vector.shape_cast %select_n3A_3760 : vector<16xi32> to vector<16x1xi32>
      %gather3A_3762 = vector.shape_cast %broadcast_in_dim3A_3761 : vector<16x1xi32> to vector<16xi32>
      %gather3A_3763 = tpu.dynamic_gather %max3A_3750[%gather3A_3762] in [0] : vector<16xf32>, vector<16xi32> -> vector<16xf32>
      %max3A_3764 = arith.maximumf %max3A_3750, %gather3A_3763 : vector<16xf32>
      %xor3A_3765 = arith.constant 1 : i32
      %xor3A_3766 = vector.broadcast %xor3A_3765 : i32 to vector<16xi32>
      %xor3A_3767 = arith.xori %iota3A, %xor3A_3766 : vector<16xi32>
      %lt3A_3768 = arith.constant 0 : i32
      %lt3A_3769 = vector.broadcast %lt3A_3768 : i32 to vector<16xi32>
      %lt3A_3770 = arith.cmpi slt, %xor3A_3767, %lt3A_3769 : vector<16xi32>
      %add3A_3771 = arith.constant 16 : i32
      %add3A_3772 = vector.broadcast %add3A_3771 : i32 to vector<16xi32>
      %add3A_3773 = arith.addi %xor3A_3767, %add3A_3772 : vector<16xi32>
      %select_n3A_3774 = arith.select %lt3A_3770, %add3A_3773, %xor3A_3767 : vector<16xi1>, vector<16xi32>
      %broadcast_in_dim3A_3775 = vector.shape_cast %select_n3A_3774 : vector<16xi32> to vector<16x1xi32>
      %gather3A_3776 = vector.shape_cast %broadcast_in_dim3A_3775 : vector<16x1xi32> to vector<16xi32>
      %gather3A_3777 = tpu.dynamic_gather %max3A_3764[%gather3A_3776] in [0] : vector<16xf32>, vector<16xi32> -> vector<16xf32>
      %max3A_3778 = arith.maximumf %max3A_3764, %gather3A_3777 : vector<16xf32>
      %xor3A_3779 = arith.constant 15 : i32
      %xor3A_3780 = vector.broadcast %xor3A_3779 : i32 to vector<16xi32>
      %xor3A_3781 = arith.xori %iota3A, %xor3A_3780 : vector<16xi32>
      %lt3A_3782 = arith.constant 0 : i32
      %lt3A_3783 = vector.broadcast %lt3A_3782 : i32 to vector<16xi32>
      %lt3A_3784 = arith.cmpi slt, %xor3A_3781, %lt3A_3783 : vector<16xi32>
      %add3A_3785 = arith.constant 16 : i32
      %add3A_3786 = vector.broadcast %add3A_3785 : i32 to vector<16xi32>
      %add3A_3787 = arith.addi %xor3A_3781, %add3A_3786 : vector<16xi32>
      %select_n3A_3788 = arith.select %lt3A_3784, %add3A_3787, %xor3A_3781 : vector<16xi1>, vector<16xi32>
      %broadcast_in_dim3A_3789 = vector.shape_cast %select_n3A_3788 : vector<16xi32> to vector<16x1xi32>
      %gather3A_3790 = vector.shape_cast %broadcast_in_dim3A_3789 : vector<16x1xi32> to vector<16xi32>
      %gather3A_3791 = tpu.dynamic_gather %select_n3A_2917[%gather3A_3790] in [0] : vector<16xf32>, vector<16xi32> -> vector<16xf32>
      %lt3A_3792 = arith.constant 0 : i32
      %lt3A_3793 = vector.broadcast %lt3A_3792 : i32 to vector<16xi32>
      %lt3A_3794 = arith.cmpi slt, %xor3A_3781, %lt3A_3793 : vector<16xi32>
      %add3A_3795 = arith.constant 16 : i32
      %add3A_3796 = vector.broadcast %add3A_3795 : i32 to vector<16xi32>
      %add3A_3797 = arith.addi %xor3A_3781, %add3A_3796 : vector<16xi32>
      %select_n3A_3798 = arith.select %lt3A_3794, %add3A_3797, %xor3A_3781 : vector<16xi1>, vector<16xi32>
      %broadcast_in_dim3A_3799 = vector.shape_cast %select_n3A_3798 : vector<16xi32> to vector<16x1xi32>
      %gather3A_3800 = vector.shape_cast %broadcast_in_dim3A_3799 : vector<16x1xi32> to vector<16xi32>
      %gather3A_3801 = tpu.dynamic_gather %select_n3A_2918[%gather3A_3800] in [0] : vector<16xi32>, vector<16xi32> -> vector<16xi32>
      %gt3A_3802 = arith.cmpf ogt, %select_n3A_3721, %gather3A_3791 : vector<16xf32>
      %eq3A_3803 = arith.cmpf oeq, %select_n3A_3721, %gather3A_3791 : vector<16xf32>
      %lt3A_3804 = arith.cmpi slt, %select_n3A_3722, %gather3A_3801 : vector<16xi32>
      %and3A_3805 = arith.andi %eq3A_3803, %lt3A_3804 : vector<16xi1>
      %or3A_3806 = arith.ori %gt3A_3802, %and3A_3805 : vector<16xi1>
      %select_n3A_3807 = arith.select %or3A_3806, %select_n3A_3721, %gather3A_3791 : vector<16xi1>, vector<16xf32>
      %select_n3A_3808 = arith.select %or3A_3806, %select_n3A_3722, %gather3A_3801 : vector<16xi1>, vector<16xi32>
      %select_n3A_3809 = arith.select %or3A_3806, %gather3A_3791, %select_n3A_3721 : vector<16xi1>, vector<16xf32>
      %and3A_3810 = arith.constant 8 : i32
      %and3A_3811 = vector.broadcast %and3A_3810 : i32 to vector<16xi32>
      %and3A_3812 = arith.andi %iota3A, %and3A_3811 : vector<16xi32>
      %eq3A_3813 = arith.constant 0 : i32
      %eq3A_3814 = vector.broadcast %eq3A_3813 : i32 to vector<16xi32>
      %eq3A_3815 = arith.cmpi eq, %and3A_3812, %eq3A_3814 : vector<16xi32>
      %xor3A_3816 = arith.constant 8 : i32
      %xor3A_3817 = vector.broadcast %xor3A_3816 : i32 to vector<16xi32>
      %xor3A_3818 = arith.xori %iota3A, %xor3A_3817 : vector<16xi32>
      %lt3A_3819 = arith.constant 0 : i32
      %lt3A_3820 = vector.broadcast %lt3A_3819 : i32 to vector<16xi32>
      %lt3A_3821 = arith.cmpi slt, %xor3A_3818, %lt3A_3820 : vector<16xi32>
      %add3A_3822 = arith.constant 16 : i32
      %add3A_3823 = vector.broadcast %add3A_3822 : i32 to vector<16xi32>
      %add3A_3824 = arith.addi %xor3A_3818, %add3A_3823 : vector<16xi32>
      %select_n3A_3825 = arith.select %lt3A_3821, %add3A_3824, %xor3A_3818 : vector<16xi1>, vector<16xi32>
      %broadcast_in_dim3A_3826 = vector.shape_cast %select_n3A_3825 : vector<16xi32> to vector<16x1xi32>
      %gather3A_3827 = vector.shape_cast %broadcast_in_dim3A_3826 : vector<16x1xi32> to vector<16xi32>
      %gather3A_3828 = tpu.dynamic_gather %select_n3A_3807[%gather3A_3827] in [0] : vector<16xf32>, vector<16xi32> -> vector<16xf32>
      %lt3A_3829 = arith.constant 0 : i32
      %lt3A_3830 = vector.broadcast %lt3A_3829 : i32 to vector<16xi32>
      %lt3A_3831 = arith.cmpi slt, %xor3A_3818, %lt3A_3830 : vector<16xi32>
      %add3A_3832 = arith.constant 16 : i32
      %add3A_3833 = vector.broadcast %add3A_3832 : i32 to vector<16xi32>
      %add3A_3834 = arith.addi %xor3A_3818, %add3A_3833 : vector<16xi32>
      %select_n3A_3835 = arith.select %lt3A_3831, %add3A_3834, %xor3A_3818 : vector<16xi1>, vector<16xi32>
      %broadcast_in_dim3A_3836 = vector.shape_cast %select_n3A_3835 : vector<16xi32> to vector<16x1xi32>
      %gather3A_3837 = vector.shape_cast %broadcast_in_dim3A_3836 : vector<16x1xi32> to vector<16xi32>
      %gather3A_3838 = tpu.dynamic_gather %select_n3A_3808[%gather3A_3837] in [0] : vector<16xi32>, vector<16xi32> -> vector<16xi32>
      %gt3A_3839 = arith.cmpf ogt, %select_n3A_3807, %gather3A_3828 : vector<16xf32>
      %eq3A_3840 = arith.cmpf oeq, %select_n3A_3807, %gather3A_3828 : vector<16xf32>
      %lt3A_3841 = arith.cmpi slt, %select_n3A_3808, %gather3A_3838 : vector<16xi32>
      %and3A_3842 = arith.andi %eq3A_3840, %lt3A_3841 : vector<16xi1>
      %or3A_3843 = arith.ori %gt3A_3839, %and3A_3842 : vector<16xi1>
      %jit3A_3844 = arith.constant 1 : i32
      %jit3A_3845 = arith.constant 0 : i32
      %broadcast_in_dim3A_3846 = vector.broadcast %jit3A_3844 : i32 to vector<16xi32>
      %broadcast_in_dim3A_3847 = vector.broadcast %jit3A_3845 : i32 to vector<16xi32>
      %select_n3A_3848 = arith.select %or3A_3843, %broadcast_in_dim3A_3846, %broadcast_in_dim3A_3847 : vector<16xi1>, vector<16xi32>
      %jit3A_3849 = arith.constant 1 : i32
      %jit3A_3850 = arith.constant 0 : i32
      %broadcast_in_dim3A_3851 = vector.broadcast %jit3A_3849 : i32 to vector<16xi32>
      %broadcast_in_dim3A_3852 = vector.broadcast %jit3A_3850 : i32 to vector<16xi32>
      %select_n3A_3853 = arith.select %eq3A_3815, %broadcast_in_dim3A_3851, %broadcast_in_dim3A_3852 : vector<16xi1>, vector<16xi32>
      %xor3A_3854 = arith.xori %select_n3A_3848, %select_n3A_3853 : vector<16xi32>
      %eq3A_3855 = arith.constant 0 : i32
      %eq3A_3856 = vector.broadcast %eq3A_3855 : i32 to vector<16xi32>
      %eq3A_3857 = arith.cmpi eq, %xor3A_3854, %eq3A_3856 : vector<16xi32>
      %select_n3A_3858 = arith.select %eq3A_3857, %select_n3A_3807, %gather3A_3828 : vector<16xi1>, vector<16xf32>
      %select_n3A_3859 = arith.select %eq3A_3857, %select_n3A_3808, %gather3A_3838 : vector<16xi1>, vector<16xi32>
      %and3A_3860 = arith.constant 4 : i32
      %and3A_3861 = vector.broadcast %and3A_3860 : i32 to vector<16xi32>
      %and3A_3862 = arith.andi %iota3A, %and3A_3861 : vector<16xi32>
      %eq3A_3863 = arith.constant 0 : i32
      %eq3A_3864 = vector.broadcast %eq3A_3863 : i32 to vector<16xi32>
      %eq3A_3865 = arith.cmpi eq, %and3A_3862, %eq3A_3864 : vector<16xi32>
      %xor3A_3866 = arith.constant 4 : i32
      %xor3A_3867 = vector.broadcast %xor3A_3866 : i32 to vector<16xi32>
      %xor3A_3868 = arith.xori %iota3A, %xor3A_3867 : vector<16xi32>
      %lt3A_3869 = arith.constant 0 : i32
      %lt3A_3870 = vector.broadcast %lt3A_3869 : i32 to vector<16xi32>
      %lt3A_3871 = arith.cmpi slt, %xor3A_3868, %lt3A_3870 : vector<16xi32>
      %add3A_3872 = arith.constant 16 : i32
      %add3A_3873 = vector.broadcast %add3A_3872 : i32 to vector<16xi32>
      %add3A_3874 = arith.addi %xor3A_3868, %add3A_3873 : vector<16xi32>
      %select_n3A_3875 = arith.select %lt3A_3871, %add3A_3874, %xor3A_3868 : vector<16xi1>, vector<16xi32>
      %broadcast_in_dim3A_3876 = vector.shape_cast %select_n3A_3875 : vector<16xi32> to vector<16x1xi32>
      %gather3A_3877 = vector.shape_cast %broadcast_in_dim3A_3876 : vector<16x1xi32> to vector<16xi32>
      %gather3A_3878 = tpu.dynamic_gather %select_n3A_3858[%gather3A_3877] in [0] : vector<16xf32>, vector<16xi32> -> vector<16xf32>
      %lt3A_3879 = arith.constant 0 : i32
      %lt3A_3880 = vector.broadcast %lt3A_3879 : i32 to vector<16xi32>
      %lt3A_3881 = arith.cmpi slt, %xor3A_3868, %lt3A_3880 : vector<16xi32>
      %add3A_3882 = arith.constant 16 : i32
      %add3A_3883 = vector.broadcast %add3A_3882 : i32 to vector<16xi32>
      %add3A_3884 = arith.addi %xor3A_3868, %add3A_3883 : vector<16xi32>
      %select_n3A_3885 = arith.select %lt3A_3881, %add3A_3884, %xor3A_3868 : vector<16xi1>, vector<16xi32>
      %broadcast_in_dim3A_3886 = vector.shape_cast %select_n3A_3885 : vector<16xi32> to vector<16x1xi32>
      %gather3A_3887 = vector.shape_cast %broadcast_in_dim3A_3886 : vector<16x1xi32> to vector<16xi32>
      %gather3A_3888 = tpu.dynamic_gather %select_n3A_3859[%gather3A_3887] in [0] : vector<16xi32>, vector<16xi32> -> vector<16xi32>
      %gt3A_3889 = arith.cmpf ogt, %select_n3A_3858, %gather3A_3878 : vector<16xf32>
      %eq3A_3890 = arith.cmpf oeq, %select_n3A_3858, %gather3A_3878 : vector<16xf32>
      %lt3A_3891 = arith.cmpi slt, %select_n3A_3859, %gather3A_3888 : vector<16xi32>
      %and3A_3892 = arith.andi %eq3A_3890, %lt3A_3891 : vector<16xi1>
      %or3A_3893 = arith.ori %gt3A_3889, %and3A_3892 : vector<16xi1>
      %jit3A_3894 = arith.constant 1 : i32
      %jit3A_3895 = arith.constant 0 : i32
      %broadcast_in_dim3A_3896 = vector.broadcast %jit3A_3894 : i32 to vector<16xi32>
      %broadcast_in_dim3A_3897 = vector.broadcast %jit3A_3895 : i32 to vector<16xi32>
      %select_n3A_3898 = arith.select %or3A_3893, %broadcast_in_dim3A_3896, %broadcast_in_dim3A_3897 : vector<16xi1>, vector<16xi32>
      %jit3A_3899 = arith.constant 1 : i32
      %jit3A_3900 = arith.constant 0 : i32
      %broadcast_in_dim3A_3901 = vector.broadcast %jit3A_3899 : i32 to vector<16xi32>
      %broadcast_in_dim3A_3902 = vector.broadcast %jit3A_3900 : i32 to vector<16xi32>
      %select_n3A_3903 = arith.select %eq3A_3865, %broadcast_in_dim3A_3901, %broadcast_in_dim3A_3902 : vector<16xi1>, vector<16xi32>
      %xor3A_3904 = arith.xori %select_n3A_3898, %select_n3A_3903 : vector<16xi32>
      %eq3A_3905 = arith.constant 0 : i32
      %eq3A_3906 = vector.broadcast %eq3A_3905 : i32 to vector<16xi32>
      %eq3A_3907 = arith.cmpi eq, %xor3A_3904, %eq3A_3906 : vector<16xi32>
      %select_n3A_3908 = arith.select %eq3A_3907, %select_n3A_3858, %gather3A_3878 : vector<16xi1>, vector<16xf32>
      %select_n3A_3909 = arith.select %eq3A_3907, %select_n3A_3859, %gather3A_3888 : vector<16xi1>, vector<16xi32>
      %and3A_3910 = arith.constant 2 : i32
      %and3A_3911 = vector.broadcast %and3A_3910 : i32 to vector<16xi32>
      %and3A_3912 = arith.andi %iota3A, %and3A_3911 : vector<16xi32>
      %eq3A_3913 = arith.constant 0 : i32
      %eq3A_3914 = vector.broadcast %eq3A_3913 : i32 to vector<16xi32>
      %eq3A_3915 = arith.cmpi eq, %and3A_3912, %eq3A_3914 : vector<16xi32>
      %xor3A_3916 = arith.constant 2 : i32
      %xor3A_3917 = vector.broadcast %xor3A_3916 : i32 to vector<16xi32>
      %xor3A_3918 = arith.xori %iota3A, %xor3A_3917 : vector<16xi32>
      %lt3A_3919 = arith.constant 0 : i32
      %lt3A_3920 = vector.broadcast %lt3A_3919 : i32 to vector<16xi32>
      %lt3A_3921 = arith.cmpi slt, %xor3A_3918, %lt3A_3920 : vector<16xi32>
      %add3A_3922 = arith.constant 16 : i32
      %add3A_3923 = vector.broadcast %add3A_3922 : i32 to vector<16xi32>
      %add3A_3924 = arith.addi %xor3A_3918, %add3A_3923 : vector<16xi32>
      %select_n3A_3925 = arith.select %lt3A_3921, %add3A_3924, %xor3A_3918 : vector<16xi1>, vector<16xi32>
      %broadcast_in_dim3A_3926 = vector.shape_cast %select_n3A_3925 : vector<16xi32> to vector<16x1xi32>
      %gather3A_3927 = vector.shape_cast %broadcast_in_dim3A_3926 : vector<16x1xi32> to vector<16xi32>
      %gather3A_3928 = tpu.dynamic_gather %select_n3A_3908[%gather3A_3927] in [0] : vector<16xf32>, vector<16xi32> -> vector<16xf32>
      %lt3A_3929 = arith.constant 0 : i32
      %lt3A_3930 = vector.broadcast %lt3A_3929 : i32 to vector<16xi32>
      %lt3A_3931 = arith.cmpi slt, %xor3A_3918, %lt3A_3930 : vector<16xi32>
      %add3A_3932 = arith.constant 16 : i32
      %add3A_3933 = vector.broadcast %add3A_3932 : i32 to vector<16xi32>
      %add3A_3934 = arith.addi %xor3A_3918, %add3A_3933 : vector<16xi32>
      %select_n3A_3935 = arith.select %lt3A_3931, %add3A_3934, %xor3A_3918 : vector<16xi1>, vector<16xi32>
      %broadcast_in_dim3A_3936 = vector.shape_cast %select_n3A_3935 : vector<16xi32> to vector<16x1xi32>
      %gather3A_3937 = vector.shape_cast %broadcast_in_dim3A_3936 : vector<16x1xi32> to vector<16xi32>
      %gather3A_3938 = tpu.dynamic_gather %select_n3A_3909[%gather3A_3937] in [0] : vector<16xi32>, vector<16xi32> -> vector<16xi32>
      %gt3A_3939 = arith.cmpf ogt, %select_n3A_3908, %gather3A_3928 : vector<16xf32>
      %eq3A_3940 = arith.cmpf oeq, %select_n3A_3908, %gather3A_3928 : vector<16xf32>
      %lt3A_3941 = arith.cmpi slt, %select_n3A_3909, %gather3A_3938 : vector<16xi32>
      %and3A_3942 = arith.andi %eq3A_3940, %lt3A_3941 : vector<16xi1>
      %or3A_3943 = arith.ori %gt3A_3939, %and3A_3942 : vector<16xi1>
      %jit3A_3944 = arith.constant 1 : i32
      %jit3A_3945 = arith.constant 0 : i32
      %broadcast_in_dim3A_3946 = vector.broadcast %jit3A_3944 : i32 to vector<16xi32>
      %broadcast_in_dim3A_3947 = vector.broadcast %jit3A_3945 : i32 to vector<16xi32>
      %select_n3A_3948 = arith.select %or3A_3943, %broadcast_in_dim3A_3946, %broadcast_in_dim3A_3947 : vector<16xi1>, vector<16xi32>
      %jit3A_3949 = arith.constant 1 : i32
      %jit3A_3950 = arith.constant 0 : i32
      %broadcast_in_dim3A_3951 = vector.broadcast %jit3A_3949 : i32 to vector<16xi32>
      %broadcast_in_dim3A_3952 = vector.broadcast %jit3A_3950 : i32 to vector<16xi32>
      %select_n3A_3953 = arith.select %eq3A_3915, %broadcast_in_dim3A_3951, %broadcast_in_dim3A_3952 : vector<16xi1>, vector<16xi32>
      %xor3A_3954 = arith.xori %select_n3A_3948, %select_n3A_3953 : vector<16xi32>
      %eq3A_3955 = arith.constant 0 : i32
      %eq3A_3956 = vector.broadcast %eq3A_3955 : i32 to vector<16xi32>
      %eq3A_3957 = arith.cmpi eq, %xor3A_3954, %eq3A_3956 : vector<16xi32>
      %select_n3A_3958 = arith.select %eq3A_3957, %select_n3A_3908, %gather3A_3928 : vector<16xi1>, vector<16xf32>
      %select_n3A_3959 = arith.select %eq3A_3957, %select_n3A_3909, %gather3A_3938 : vector<16xi1>, vector<16xi32>
      %and3A_3960 = arith.constant 1 : i32
      %and3A_3961 = vector.broadcast %and3A_3960 : i32 to vector<16xi32>
      %and3A_3962 = arith.andi %iota3A, %and3A_3961 : vector<16xi32>
      %eq3A_3963 = arith.constant 0 : i32
      %eq3A_3964 = vector.broadcast %eq3A_3963 : i32 to vector<16xi32>
      %eq3A_3965 = arith.cmpi eq, %and3A_3962, %eq3A_3964 : vector<16xi32>
      %xor3A_3966 = arith.constant 1 : i32
      %xor3A_3967 = vector.broadcast %xor3A_3966 : i32 to vector<16xi32>
      %xor3A_3968 = arith.xori %iota3A, %xor3A_3967 : vector<16xi32>
      %lt3A_3969 = arith.constant 0 : i32
      %lt3A_3970 = vector.broadcast %lt3A_3969 : i32 to vector<16xi32>
      %lt3A_3971 = arith.cmpi slt, %xor3A_3968, %lt3A_3970 : vector<16xi32>
      %add3A_3972 = arith.constant 16 : i32
      %add3A_3973 = vector.broadcast %add3A_3972 : i32 to vector<16xi32>
      %add3A_3974 = arith.addi %xor3A_3968, %add3A_3973 : vector<16xi32>
      %select_n3A_3975 = arith.select %lt3A_3971, %add3A_3974, %xor3A_3968 : vector<16xi1>, vector<16xi32>
      %broadcast_in_dim3A_3976 = vector.shape_cast %select_n3A_3975 : vector<16xi32> to vector<16x1xi32>
      %gather3A_3977 = vector.shape_cast %broadcast_in_dim3A_3976 : vector<16x1xi32> to vector<16xi32>
      %gather3A_3978 = tpu.dynamic_gather %select_n3A_3958[%gather3A_3977] in [0] : vector<16xf32>, vector<16xi32> -> vector<16xf32>
      %lt3A_3979 = arith.constant 0 : i32
      %lt3A_3980 = vector.broadcast %lt3A_3979 : i32 to vector<16xi32>
      %lt3A_3981 = arith.cmpi slt, %xor3A_3968, %lt3A_3980 : vector<16xi32>
      %add3A_3982 = arith.constant 16 : i32
      %add3A_3983 = vector.broadcast %add3A_3982 : i32 to vector<16xi32>
      %add3A_3984 = arith.addi %xor3A_3968, %add3A_3983 : vector<16xi32>
      %select_n3A_3985 = arith.select %lt3A_3981, %add3A_3984, %xor3A_3968 : vector<16xi1>, vector<16xi32>
      %broadcast_in_dim3A_3986 = vector.shape_cast %select_n3A_3985 : vector<16xi32> to vector<16x1xi32>
      %gather3A_3987 = vector.shape_cast %broadcast_in_dim3A_3986 : vector<16x1xi32> to vector<16xi32>
      %gather3A_3988 = tpu.dynamic_gather %select_n3A_3959[%gather3A_3987] in [0] : vector<16xi32>, vector<16xi32> -> vector<16xi32>
      %gt3A_3989 = arith.cmpf ogt, %select_n3A_3958, %gather3A_3978 : vector<16xf32>
      %eq3A_3990 = arith.cmpf oeq, %select_n3A_3958, %gather3A_3978 : vector<16xf32>
      %lt3A_3991 = arith.cmpi slt, %select_n3A_3959, %gather3A_3988 : vector<16xi32>
      %and3A_3992 = arith.andi %eq3A_3990, %lt3A_3991 : vector<16xi1>
      %or3A_3993 = arith.ori %gt3A_3989, %and3A_3992 : vector<16xi1>
      %jit3A_3994 = arith.constant 1 : i32
      %jit3A_3995 = arith.constant 0 : i32
      %broadcast_in_dim3A_3996 = vector.broadcast %jit3A_3994 : i32 to vector<16xi32>
      %broadcast_in_dim3A_3997 = vector.broadcast %jit3A_3995 : i32 to vector<16xi32>
      %select_n3A_3998 = arith.select %or3A_3993, %broadcast_in_dim3A_3996, %broadcast_in_dim3A_3997 : vector<16xi1>, vector<16xi32>
      %jit3A_3999 = arith.constant 1 : i32
      %jit3A_4000 = arith.constant 0 : i32
      %broadcast_in_dim3A_4001 = vector.broadcast %jit3A_3999 : i32 to vector<16xi32>
      %broadcast_in_dim3A_4002 = vector.broadcast %jit3A_4000 : i32 to vector<16xi32>
      %select_n3A_4003 = arith.select %eq3A_3965, %broadcast_in_dim3A_4001, %broadcast_in_dim3A_4002 : vector<16xi1>, vector<16xi32>
      %xor3A_4004 = arith.xori %select_n3A_3998, %select_n3A_4003 : vector<16xi32>
      %eq3A_4005 = arith.constant 0 : i32
      %eq3A_4006 = vector.broadcast %eq3A_4005 : i32 to vector<16xi32>
      %eq3A_4007 = arith.cmpi eq, %xor3A_4004, %eq3A_4006 : vector<16xi32>
      %select_n3A_4008 = arith.select %eq3A_4007, %select_n3A_3958, %gather3A_3978 : vector<16xi1>, vector<16xf32>
      %select_n3A_4009 = arith.select %eq3A_4007, %select_n3A_3959, %gather3A_3988 : vector<16xi1>, vector<16xi32>
      %xor3A_4010 = arith.constant 8 : i32
      %xor3A_4011 = vector.broadcast %xor3A_4010 : i32 to vector<16xi32>
      %xor3A_4012 = arith.xori %iota3A, %xor3A_4011 : vector<16xi32>
      %lt3A_4013 = arith.constant 0 : i32
      %lt3A_4014 = vector.broadcast %lt3A_4013 : i32 to vector<16xi32>
      %lt3A_4015 = arith.cmpi slt, %xor3A_4012, %lt3A_4014 : vector<16xi32>
      %add3A_4016 = arith.constant 16 : i32
      %add3A_4017 = vector.broadcast %add3A_4016 : i32 to vector<16xi32>
      %add3A_4018 = arith.addi %xor3A_4012, %add3A_4017 : vector<16xi32>
      %select_n3A_4019 = arith.select %lt3A_4015, %add3A_4018, %xor3A_4012 : vector<16xi1>, vector<16xi32>
      %broadcast_in_dim3A_4020 = vector.shape_cast %select_n3A_4019 : vector<16xi32> to vector<16x1xi32>
      %gather3A_4021 = vector.shape_cast %broadcast_in_dim3A_4020 : vector<16x1xi32> to vector<16xi32>
      %gather3A_4022 = tpu.dynamic_gather %select_n3A_3809[%gather3A_4021] in [0] : vector<16xf32>, vector<16xi32> -> vector<16xf32>
      %max3A_4023 = arith.maximumf %select_n3A_3809, %gather3A_4022 : vector<16xf32>
      %xor3A_4024 = arith.constant 4 : i32
      %xor3A_4025 = vector.broadcast %xor3A_4024 : i32 to vector<16xi32>
      %xor3A_4026 = arith.xori %iota3A, %xor3A_4025 : vector<16xi32>
      %lt3A_4027 = arith.constant 0 : i32
      %lt3A_4028 = vector.broadcast %lt3A_4027 : i32 to vector<16xi32>
      %lt3A_4029 = arith.cmpi slt, %xor3A_4026, %lt3A_4028 : vector<16xi32>
      %add3A_4030 = arith.constant 16 : i32
      %add3A_4031 = vector.broadcast %add3A_4030 : i32 to vector<16xi32>
      %add3A_4032 = arith.addi %xor3A_4026, %add3A_4031 : vector<16xi32>
      %select_n3A_4033 = arith.select %lt3A_4029, %add3A_4032, %xor3A_4026 : vector<16xi1>, vector<16xi32>
      %broadcast_in_dim3A_4034 = vector.shape_cast %select_n3A_4033 : vector<16xi32> to vector<16x1xi32>
      %gather3A_4035 = vector.shape_cast %broadcast_in_dim3A_4034 : vector<16x1xi32> to vector<16xi32>
      %gather3A_4036 = tpu.dynamic_gather %max3A_4023[%gather3A_4035] in [0] : vector<16xf32>, vector<16xi32> -> vector<16xf32>
      %max3A_4037 = arith.maximumf %max3A_4023, %gather3A_4036 : vector<16xf32>
      %xor3A_4038 = arith.constant 2 : i32
      %xor3A_4039 = vector.broadcast %xor3A_4038 : i32 to vector<16xi32>
      %xor3A_4040 = arith.xori %iota3A, %xor3A_4039 : vector<16xi32>
      %lt3A_4041 = arith.constant 0 : i32
      %lt3A_4042 = vector.broadcast %lt3A_4041 : i32 to vector<16xi32>
      %lt3A_4043 = arith.cmpi slt, %xor3A_4040, %lt3A_4042 : vector<16xi32>
      %add3A_4044 = arith.constant 16 : i32
      %add3A_4045 = vector.broadcast %add3A_4044 : i32 to vector<16xi32>
      %add3A_4046 = arith.addi %xor3A_4040, %add3A_4045 : vector<16xi32>
      %select_n3A_4047 = arith.select %lt3A_4043, %add3A_4046, %xor3A_4040 : vector<16xi1>, vector<16xi32>
      %broadcast_in_dim3A_4048 = vector.shape_cast %select_n3A_4047 : vector<16xi32> to vector<16x1xi32>
      %gather3A_4049 = vector.shape_cast %broadcast_in_dim3A_4048 : vector<16x1xi32> to vector<16xi32>
      %gather3A_4050 = tpu.dynamic_gather %max3A_4037[%gather3A_4049] in [0] : vector<16xf32>, vector<16xi32> -> vector<16xf32>
      %max3A_4051 = arith.maximumf %max3A_4037, %gather3A_4050 : vector<16xf32>
      %xor3A_4052 = arith.constant 1 : i32
      %xor3A_4053 = vector.broadcast %xor3A_4052 : i32 to vector<16xi32>
      %xor3A_4054 = arith.xori %iota3A, %xor3A_4053 : vector<16xi32>
      %lt3A_4055 = arith.constant 0 : i32
      %lt3A_4056 = vector.broadcast %lt3A_4055 : i32 to vector<16xi32>
      %lt3A_4057 = arith.cmpi slt, %xor3A_4054, %lt3A_4056 : vector<16xi32>
      %add3A_4058 = arith.constant 16 : i32
      %add3A_4059 = vector.broadcast %add3A_4058 : i32 to vector<16xi32>
      %add3A_4060 = arith.addi %xor3A_4054, %add3A_4059 : vector<16xi32>
      %select_n3A_4061 = arith.select %lt3A_4057, %add3A_4060, %xor3A_4054 : vector<16xi1>, vector<16xi32>
      %broadcast_in_dim3A_4062 = vector.shape_cast %select_n3A_4061 : vector<16xi32> to vector<16x1xi32>
      %gather3A_4063 = vector.shape_cast %broadcast_in_dim3A_4062 : vector<16x1xi32> to vector<16xi32>
      %gather3A_4064 = tpu.dynamic_gather %max3A_4051[%gather3A_4063] in [0] : vector<16xf32>, vector<16xi32> -> vector<16xf32>
      %max3A_4065 = arith.maximumf %max3A_4051, %gather3A_4064 : vector<16xf32>
      %max3A_4066 = arith.maximumf %max3A_3204, %max3A_3491 : vector<16xf32>
      %max3A_4067 = arith.maximumf %max3A_3778, %max3A_4065 : vector<16xf32>
      %max3A_4068 = arith.maximumf %max3A_4066, %max3A_4067 : vector<16xf32>
      %max3A_4069 = arith.maximumf %scan3A_27, %max3A_4068 : vector<16xf32>
      %add3A_4070 = arith.addi %mul3A_2, %mul3A_29 : i32
      %sub3A = vector.broadcast %add3A_4070 : i32 to vector<16xi32>
      %sub3A_4071 = arith.subi %select_n3A_4009, %sub3A : vector<16xi32>
      %shift_right_arithmetic3A_4072 = arith.constant 4 : i32
      %shift_right_arithmetic3A_4073 = vector.broadcast %shift_right_arithmetic3A_4072 : i32 to vector<16xi32>
      %shift_right_arithmetic3A_4074 = arith.shrsi %sub3A_4071, %shift_right_arithmetic3A_4073 : vector<16xi32>
      %shift_left3A = arith.constant 4 : i32
      %shift_left3A_4075 = vector.broadcast %shift_left3A : i32 to vector<16xi32>
      %shift_left3A_4076 = arith.shli %shift_right_arithmetic3A_4074, %shift_left3A_4075 : vector<16xi32>
      %sub3A_4077 = arith.subi %sub3A_4071, %shift_left3A_4076 : vector<16xi32>
      %broadcast_in_dim3A_4078 = arith.constant 0.000000e+00 : f32
      %broadcast_in_dim3A_4079 = vector.broadcast %broadcast_in_dim3A_4078 : f32 to vector<16xf32>
      %add3A_4080 = arith.constant 0 : i32
      %add3A_4081 = arith.addi %mul3A_29, %add3A_4080 : i32
      %get3A_4082 = arith.index_cast %add3A_4081 : i32 to index
      %get3A_4083 = tpu.vector_load %arg15[%get3A_4082] {strides = array<i32>} : memref<640xf32, #tpu.memory_space<vmem>>, vector<16xf32>,
      %get3A_4084 = vector.shape_cast %get3A_4083 : vector<16xf32> to vector<16xf32>
      %eq3A_4085 = arith.constant 0 : i32
      %eq3A_4086 = vector.broadcast %eq3A_4085 : i32 to vector<16xi32>
      %eq3A_4087 = arith.cmpi eq, %shift_right_arithmetic3A_4074, %eq3A_4086 : vector<16xi32>
      %lt3A_4088 = arith.constant 0 : i32
      %lt3A_4089 = vector.broadcast %lt3A_4088 : i32 to vector<16xi32>
      %lt3A_4090 = arith.cmpi slt, %sub3A_4077, %lt3A_4089 : vector<16xi32>
      %add3A_4091 = arith.constant 16 : i32
      %add3A_4092 = vector.broadcast %add3A_4091 : i32 to vector<16xi32>
      %add3A_4093 = arith.addi %sub3A_4077, %add3A_4092 : vector<16xi32>
      %select_n3A_4094 = arith.select %lt3A_4090, %add3A_4093, %sub3A_4077 : vector<16xi1>, vector<16xi32>
      %broadcast_in_dim3A_4095 = vector.shape_cast %select_n3A_4094 : vector<16xi32> to vector<16x1xi32>
      %gather3A_4096 = vector.shape_cast %broadcast_in_dim3A_4095 : vector<16x1xi32> to vector<16xi32>
      %gather3A_4097 = tpu.dynamic_gather %get3A_4084[%gather3A_4096] in [0] : vector<16xf32>, vector<16xi32> -> vector<16xf32>
      %select_n3A_4098 = arith.select %eq3A_4087, %gather3A_4097, %broadcast_in_dim3A_4079 : vector<16xi1>, vector<16xf32>
      %add3A_4099 = arith.constant 16 : i32
      %add3A_4100 = arith.addi %mul3A_29, %add3A_4099 : i32
      %get3A_4101 = arith.index_cast %add3A_4100 : i32 to index
      %get3A_4102 = tpu.vector_load %arg15[%get3A_4101] {strides = array<i32>} : memref<640xf32, #tpu.memory_space<vmem>>, vector<16xf32>,
      %get3A_4103 = vector.shape_cast %get3A_4102 : vector<16xf32> to vector<16xf32>
      %eq3A_4104 = arith.constant 1 : i32
      %eq3A_4105 = vector.broadcast %eq3A_4104 : i32 to vector<16xi32>
      %eq3A_4106 = arith.cmpi eq, %shift_right_arithmetic3A_4074, %eq3A_4105 : vector<16xi32>
      %lt3A_4107 = arith.constant 0 : i32
      %lt3A_4108 = vector.broadcast %lt3A_4107 : i32 to vector<16xi32>
      %lt3A_4109 = arith.cmpi slt, %sub3A_4077, %lt3A_4108 : vector<16xi32>
      %add3A_4110 = arith.constant 16 : i32
      %add3A_4111 = vector.broadcast %add3A_4110 : i32 to vector<16xi32>
      %add3A_4112 = arith.addi %sub3A_4077, %add3A_4111 : vector<16xi32>
      %select_n3A_4113 = arith.select %lt3A_4109, %add3A_4112, %sub3A_4077 : vector<16xi1>, vector<16xi32>
      %broadcast_in_dim3A_4114 = vector.shape_cast %select_n3A_4113 : vector<16xi32> to vector<16x1xi32>
      %gather3A_4115 = vector.shape_cast %broadcast_in_dim3A_4114 : vector<16x1xi32> to vector<16xi32>
      %gather3A_4116 = tpu.dynamic_gather %get3A_4103[%gather3A_4115] in [0] : vector<16xf32>, vector<16xi32> -> vector<16xf32>
      %select_n3A_4117 = arith.select %eq3A_4106, %gather3A_4116, %select_n3A_4098 : vector<16xi1>, vector<16xf32>
      %add3A_4118 = arith.constant 32 : i32
      %add3A_4119 = arith.addi %mul3A_29, %add3A_4118 : i32
      %get3A_4120 = arith.index_cast %add3A_4119 : i32 to index
      %get3A_4121 = tpu.vector_load %arg15[%get3A_4120] {strides = array<i32>} : memref<640xf32, #tpu.memory_space<vmem>>, vector<16xf32>,
      %get3A_4122 = vector.shape_cast %get3A_4121 : vector<16xf32> to vector<16xf32>
      %eq3A_4123 = arith.constant 2 : i32
      %eq3A_4124 = vector.broadcast %eq3A_4123 : i32 to vector<16xi32>
      %eq3A_4125 = arith.cmpi eq, %shift_right_arithmetic3A_4074, %eq3A_4124 : vector<16xi32>
      %lt3A_4126 = arith.constant 0 : i32
      %lt3A_4127 = vector.broadcast %lt3A_4126 : i32 to vector<16xi32>
      %lt3A_4128 = arith.cmpi slt, %sub3A_4077, %lt3A_4127 : vector<16xi32>
      %add3A_4129 = arith.constant 16 : i32
      %add3A_4130 = vector.broadcast %add3A_4129 : i32 to vector<16xi32>
      %add3A_4131 = arith.addi %sub3A_4077, %add3A_4130 : vector<16xi32>
      %select_n3A_4132 = arith.select %lt3A_4128, %add3A_4131, %sub3A_4077 : vector<16xi1>, vector<16xi32>
      %broadcast_in_dim3A_4133 = vector.shape_cast %select_n3A_4132 : vector<16xi32> to vector<16x1xi32>
      %gather3A_4134 = vector.shape_cast %broadcast_in_dim3A_4133 : vector<16x1xi32> to vector<16xi32>
      %gather3A_4135 = tpu.dynamic_gather %get3A_4122[%gather3A_4134] in [0] : vector<16xf32>, vector<16xi32> -> vector<16xf32>
      %select_n3A_4136 = arith.select %eq3A_4125, %gather3A_4135, %select_n3A_4117 : vector<16xi1>, vector<16xf32>
      %add3A_4137 = arith.constant 48 : i32
      %add3A_4138 = arith.addi %mul3A_29, %add3A_4137 : i32
      %get3A_4139 = arith.index_cast %add3A_4138 : i32 to index
      %get3A_4140 = tpu.vector_load %arg15[%get3A_4139] {strides = array<i32>} : memref<640xf32, #tpu.memory_space<vmem>>, vector<16xf32>,
      %get3A_4141 = vector.shape_cast %get3A_4140 : vector<16xf32> to vector<16xf32>
      %eq3A_4142 = arith.constant 3 : i32
      %eq3A_4143 = vector.broadcast %eq3A_4142 : i32 to vector<16xi32>
      %eq3A_4144 = arith.cmpi eq, %shift_right_arithmetic3A_4074, %eq3A_4143 : vector<16xi32>
      %lt3A_4145 = arith.constant 0 : i32
      %lt3A_4146 = vector.broadcast %lt3A_4145 : i32 to vector<16xi32>
      %lt3A_4147 = arith.cmpi slt, %sub3A_4077, %lt3A_4146 : vector<16xi32>
      %add3A_4148 = arith.constant 16 : i32
      %add3A_4149 = vector.broadcast %add3A_4148 : i32 to vector<16xi32>
      %add3A_4150 = arith.addi %sub3A_4077, %add3A_4149 : vector<16xi32>
      %select_n3A_4151 = arith.select %lt3A_4147, %add3A_4150, %sub3A_4077 : vector<16xi1>, vector<16xi32>
      %broadcast_in_dim3A_4152 = vector.shape_cast %select_n3A_4151 : vector<16xi32> to vector<16x1xi32>
      %gather3A_4153 = vector.shape_cast %broadcast_in_dim3A_4152 : vector<16x1xi32> to vector<16xi32>
      %gather3A_4154 = tpu.dynamic_gather %get3A_4141[%gather3A_4153] in [0] : vector<16xf32>, vector<16xi32> -> vector<16xf32>
      %select_n3A_4155 = arith.select %eq3A_4144, %gather3A_4154, %select_n3A_4136 : vector<16xi1>, vector<16xf32>
      %add3A_4156 = arith.constant 64 : i32
      %add3A_4157 = arith.addi %mul3A_29, %add3A_4156 : i32
      %get3A_4158 = arith.index_cast %add3A_4157 : i32 to index
      %get3A_4159 = tpu.vector_load %arg15[%get3A_4158] {strides = array<i32>} : memref<640xf32, #tpu.memory_space<vmem>>, vector<16xf32>,
      %get3A_4160 = vector.shape_cast %get3A_4159 : vector<16xf32> to vector<16xf32>
      %eq3A_4161 = arith.constant 4 : i32
      %eq3A_4162 = vector.broadcast %eq3A_4161 : i32 to vector<16xi32>
      %eq3A_4163 = arith.cmpi eq, %shift_right_arithmetic3A_4074, %eq3A_4162 : vector<16xi32>
      %lt3A_4164 = arith.constant 0 : i32
      %lt3A_4165 = vector.broadcast %lt3A_4164 : i32 to vector<16xi32>
      %lt3A_4166 = arith.cmpi slt, %sub3A_4077, %lt3A_4165 : vector<16xi32>
      %add3A_4167 = arith.constant 16 : i32
      %add3A_4168 = vector.broadcast %add3A_4167 : i32 to vector<16xi32>
      %add3A_4169 = arith.addi %sub3A_4077, %add3A_4168 : vector<16xi32>
      %select_n3A_4170 = arith.select %lt3A_4166, %add3A_4169, %sub3A_4077 : vector<16xi1>, vector<16xi32>
      %broadcast_in_dim3A_4171 = vector.shape_cast %select_n3A_4170 : vector<16xi32> to vector<16x1xi32>
      %gather3A_4172 = vector.shape_cast %broadcast_in_dim3A_4171 : vector<16x1xi32> to vector<16xi32>
      %gather3A_4173 = tpu.dynamic_gather %get3A_4160[%gather3A_4172] in [0] : vector<16xf32>, vector<16xi32> -> vector<16xf32>
      %select_n3A_4174 = arith.select %eq3A_4163, %gather3A_4173, %select_n3A_4155 : vector<16xi1>, vector<16xf32>
      %broadcast_in_dim3A_4175 = arith.constant 0.000000e+00 : f32
      %broadcast_in_dim3A_4176 = vector.broadcast %broadcast_in_dim3A_4175 : f32 to vector<16xf32>
      %add3A_4177 = arith.constant 0 : i32
      %add3A_4178 = arith.addi %mul3A_29, %add3A_4177 : i32
      %get3A_4179 = arith.index_cast %add3A_4178 : i32 to index
      %get3A_4180 = tpu.vector_load %arg16[%get3A_4179] {strides = array<i32>} : memref<640xf32, #tpu.memory_space<vmem>>, vector<16xf32>,
      %get3A_4181 = vector.shape_cast %get3A_4180 : vector<16xf32> to vector<16xf32>
      %eq3A_4182 = arith.constant 0 : i32
      %eq3A_4183 = vector.broadcast %eq3A_4182 : i32 to vector<16xi32>
      %eq3A_4184 = arith.cmpi eq, %shift_right_arithmetic3A_4074, %eq3A_4183 : vector<16xi32>
      %lt3A_4185 = arith.constant 0 : i32
      %lt3A_4186 = vector.broadcast %lt3A_4185 : i32 to vector<16xi32>
      %lt3A_4187 = arith.cmpi slt, %sub3A_4077, %lt3A_4186 : vector<16xi32>
      %add3A_4188 = arith.constant 16 : i32
      %add3A_4189 = vector.broadcast %add3A_4188 : i32 to vector<16xi32>
      %add3A_4190 = arith.addi %sub3A_4077, %add3A_4189 : vector<16xi32>
      %select_n3A_4191 = arith.select %lt3A_4187, %add3A_4190, %sub3A_4077 : vector<16xi1>, vector<16xi32>
      %broadcast_in_dim3A_4192 = vector.shape_cast %select_n3A_4191 : vector<16xi32> to vector<16x1xi32>
      %gather3A_4193 = vector.shape_cast %broadcast_in_dim3A_4192 : vector<16x1xi32> to vector<16xi32>
      %gather3A_4194 = tpu.dynamic_gather %get3A_4181[%gather3A_4193] in [0] : vector<16xf32>, vector<16xi32> -> vector<16xf32>
      %select_n3A_4195 = arith.select %eq3A_4184, %gather3A_4194, %broadcast_in_dim3A_4176 : vector<16xi1>, vector<16xf32>
      %add3A_4196 = arith.constant 16 : i32
      %add3A_4197 = arith.addi %mul3A_29, %add3A_4196 : i32
      %get3A_4198 = arith.index_cast %add3A_4197 : i32 to index
      %get3A_4199 = tpu.vector_load %arg16[%get3A_4198] {strides = array<i32>} : memref<640xf32, #tpu.memory_space<vmem>>, vector<16xf32>,
      %get3A_4200 = vector.shape_cast %get3A_4199 : vector<16xf32> to vector<16xf32>
      %eq3A_4201 = arith.constant 1 : i32
      %eq3A_4202 = vector.broadcast %eq3A_4201 : i32 to vector<16xi32>
      %eq3A_4203 = arith.cmpi eq, %shift_right_arithmetic3A_4074, %eq3A_4202 : vector<16xi32>
      %lt3A_4204 = arith.constant 0 : i32
      %lt3A_4205 = vector.broadcast %lt3A_4204 : i32 to vector<16xi32>
      %lt3A_4206 = arith.cmpi slt, %sub3A_4077, %lt3A_4205 : vector<16xi32>
      %add3A_4207 = arith.constant 16 : i32
      %add3A_4208 = vector.broadcast %add3A_4207 : i32 to vector<16xi32>
      %add3A_4209 = arith.addi %sub3A_4077, %add3A_4208 : vector<16xi32>
      %select_n3A_4210 = arith.select %lt3A_4206, %add3A_4209, %sub3A_4077 : vector<16xi1>, vector<16xi32>
      %broadcast_in_dim3A_4211 = vector.shape_cast %select_n3A_4210 : vector<16xi32> to vector<16x1xi32>
      %gather3A_4212 = vector.shape_cast %broadcast_in_dim3A_4211 : vector<16x1xi32> to vector<16xi32>
      %gather3A_4213 = tpu.dynamic_gather %get3A_4200[%gather3A_4212] in [0] : vector<16xf32>, vector<16xi32> -> vector<16xf32>
      %select_n3A_4214 = arith.select %eq3A_4203, %gather3A_4213, %select_n3A_4195 : vector<16xi1>, vector<16xf32>
      %add3A_4215 = arith.constant 32 : i32
      %add3A_4216 = arith.addi %mul3A_29, %add3A_4215 : i32
      %get3A_4217 = arith.index_cast %add3A_4216 : i32 to index
      %get3A_4218 = tpu.vector_load %arg16[%get3A_4217] {strides = array<i32>} : memref<640xf32, #tpu.memory_space<vmem>>, vector<16xf32>,
      %get3A_4219 = vector.shape_cast %get3A_4218 : vector<16xf32> to vector<16xf32>
      %eq3A_4220 = arith.constant 2 : i32
      %eq3A_4221 = vector.broadcast %eq3A_4220 : i32 to vector<16xi32>
      %eq3A_4222 = arith.cmpi eq, %shift_right_arithmetic3A_4074, %eq3A_4221 : vector<16xi32>
      %lt3A_4223 = arith.constant 0 : i32
      %lt3A_4224 = vector.broadcast %lt3A_4223 : i32 to vector<16xi32>
      %lt3A_4225 = arith.cmpi slt, %sub3A_4077, %lt3A_4224 : vector<16xi32>
      %add3A_4226 = arith.constant 16 : i32
      %add3A_4227 = vector.broadcast %add3A_4226 : i32 to vector<16xi32>
      %add3A_4228 = arith.addi %sub3A_4077, %add3A_4227 : vector<16xi32>
      %select_n3A_4229 = arith.select %lt3A_4225, %add3A_4228, %sub3A_4077 : vector<16xi1>, vector<16xi32>
      %broadcast_in_dim3A_4230 = vector.shape_cast %select_n3A_4229 : vector<16xi32> to vector<16x1xi32>
      %gather3A_4231 = vector.shape_cast %broadcast_in_dim3A_4230 : vector<16x1xi32> to vector<16xi32>
      %gather3A_4232 = tpu.dynamic_gather %get3A_4219[%gather3A_4231] in [0] : vector<16xf32>, vector<16xi32> -> vector<16xf32>
      %select_n3A_4233 = arith.select %eq3A_4222, %gather3A_4232, %select_n3A_4214 : vector<16xi1>, vector<16xf32>
      %add3A_4234 = arith.constant 48 : i32
      %add3A_4235 = arith.addi %mul3A_29, %add3A_4234 : i32
      %get3A_4236 = arith.index_cast %add3A_4235 : i32 to index
      %get3A_4237 = tpu.vector_load %arg16[%get3A_4236] {strides = array<i32>} : memref<640xf32, #tpu.memory_space<vmem>>, vector<16xf32>,
      %get3A_4238 = vector.shape_cast %get3A_4237 : vector<16xf32> to vector<16xf32>
      %eq3A_4239 = arith.constant 3 : i32
      %eq3A_4240 = vector.broadcast %eq3A_4239 : i32 to vector<16xi32>
      %eq3A_4241 = arith.cmpi eq, %shift_right_arithmetic3A_4074, %eq3A_4240 : vector<16xi32>
      %lt3A_4242 = arith.constant 0 : i32
      %lt3A_4243 = vector.broadcast %lt3A_4242 : i32 to vector<16xi32>
      %lt3A_4244 = arith.cmpi slt, %sub3A_4077, %lt3A_4243 : vector<16xi32>
      %add3A_4245 = arith.constant 16 : i32
      %add3A_4246 = vector.broadcast %add3A_4245 : i32 to vector<16xi32>
      %add3A_4247 = arith.addi %sub3A_4077, %add3A_4246 : vector<16xi32>
      %select_n3A_4248 = arith.select %lt3A_4244, %add3A_4247, %sub3A_4077 : vector<16xi1>, vector<16xi32>
      %broadcast_in_dim3A_4249 = vector.shape_cast %select_n3A_4248 : vector<16xi32> to vector<16x1xi32>
      %gather3A_4250 = vector.shape_cast %broadcast_in_dim3A_4249 : vector<16x1xi32> to vector<16xi32>
      %gather3A_4251 = tpu.dynamic_gather %get3A_4238[%gather3A_4250] in [0] : vector<16xf32>, vector<16xi32> -> vector<16xf32>
      %select_n3A_4252 = arith.select %eq3A_4241, %gather3A_4251, %select_n3A_4233 : vector<16xi1>, vector<16xf32>
      %add3A_4253 = arith.constant 64 : i32
      %add3A_4254 = arith.addi %mul3A_29, %add3A_4253 : i32
      %get3A_4255 = arith.index_cast %add3A_4254 : i32 to index
      %get3A_4256 = tpu.vector_load %arg16[%get3A_4255] {strides = array<i32>} : memref<640xf32, #tpu.memory_space<vmem>>, vector<16xf32>,
      %get3A_4257 = vector.shape_cast %get3A_4256 : vector<16xf32> to vector<16xf32>
      %eq3A_4258 = arith.constant 4 : i32
      %eq3A_4259 = vector.broadcast %eq3A_4258 : i32 to vector<16xi32>
      %eq3A_4260 = arith.cmpi eq, %shift_right_arithmetic3A_4074, %eq3A_4259 : vector<16xi32>
      %lt3A_4261 = arith.constant 0 : i32
      %lt3A_4262 = vector.broadcast %lt3A_4261 : i32 to vector<16xi32>
      %lt3A_4263 = arith.cmpi slt, %sub3A_4077, %lt3A_4262 : vector<16xi32>
      %add3A_4264 = arith.constant 16 : i32
      %add3A_4265 = vector.broadcast %add3A_4264 : i32 to vector<16xi32>
      %add3A_4266 = arith.addi %sub3A_4077, %add3A_4265 : vector<16xi32>
      %select_n3A_4267 = arith.select %lt3A_4263, %add3A_4266, %sub3A_4077 : vector<16xi1>, vector<16xi32>
      %broadcast_in_dim3A_4268 = vector.shape_cast %select_n3A_4267 : vector<16xi32> to vector<16x1xi32>
      %gather3A_4269 = vector.shape_cast %broadcast_in_dim3A_4268 : vector<16x1xi32> to vector<16xi32>
      %gather3A_4270 = tpu.dynamic_gather %get3A_4257[%gather3A_4269] in [0] : vector<16xf32>, vector<16xi32> -> vector<16xf32>
      %select_n3A_4271 = arith.select %eq3A_4260, %gather3A_4270, %select_n3A_4252 : vector<16xi1>, vector<16xf32>
      %broadcast_in_dim3A_4272 = arith.constant 0.000000e+00 : f32
      %broadcast_in_dim3A_4273 = vector.broadcast %broadcast_in_dim3A_4272 : f32 to vector<16xf32>
      %add3A_4274 = arith.constant 0 : i32
      %add3A_4275 = arith.addi %mul3A_29, %add3A_4274 : i32
      %get3A_4276 = arith.index_cast %add3A_4275 : i32 to index
      %get3A_4277 = tpu.vector_load %arg17[%get3A_4276] {strides = array<i32>} : memref<640xf32, #tpu.memory_space<vmem>>, vector<16xf32>,
      %get3A_4278 = vector.shape_cast %get3A_4277 : vector<16xf32> to vector<16xf32>
      %eq3A_4279 = arith.constant 0 : i32
      %eq3A_4280 = vector.broadcast %eq3A_4279 : i32 to vector<16xi32>
      %eq3A_4281 = arith.cmpi eq, %shift_right_arithmetic3A_4074, %eq3A_4280 : vector<16xi32>
      %lt3A_4282 = arith.constant 0 : i32
      %lt3A_4283 = vector.broadcast %lt3A_4282 : i32 to vector<16xi32>
      %lt3A_4284 = arith.cmpi slt, %sub3A_4077, %lt3A_4283 : vector<16xi32>
      %add3A_4285 = arith.constant 16 : i32
      %add3A_4286 = vector.broadcast %add3A_4285 : i32 to vector<16xi32>
      %add3A_4287 = arith.addi %sub3A_4077, %add3A_4286 : vector<16xi32>
      %select_n3A_4288 = arith.select %lt3A_4284, %add3A_4287, %sub3A_4077 : vector<16xi1>, vector<16xi32>
      %broadcast_in_dim3A_4289 = vector.shape_cast %select_n3A_4288 : vector<16xi32> to vector<16x1xi32>
      %gather3A_4290 = vector.shape_cast %broadcast_in_dim3A_4289 : vector<16x1xi32> to vector<16xi32>
      %gather3A_4291 = tpu.dynamic_gather %get3A_4278[%gather3A_4290] in [0] : vector<16xf32>, vector<16xi32> -> vector<16xf32>
      %select_n3A_4292 = arith.select %eq3A_4281, %gather3A_4291, %broadcast_in_dim3A_4273 : vector<16xi1>, vector<16xf32>
      %add3A_4293 = arith.constant 16 : i32
      %add3A_4294 = arith.addi %mul3A_29, %add3A_4293 : i32
      %get3A_4295 = arith.index_cast %add3A_4294 : i32 to index
      %get3A_4296 = tpu.vector_load %arg17[%get3A_4295] {strides = array<i32>} : memref<640xf32, #tpu.memory_space<vmem>>, vector<16xf32>,
      %get3A_4297 = vector.shape_cast %get3A_4296 : vector<16xf32> to vector<16xf32>
      %eq3A_4298 = arith.constant 1 : i32
      %eq3A_4299 = vector.broadcast %eq3A_4298 : i32 to vector<16xi32>
      %eq3A_4300 = arith.cmpi eq, %shift_right_arithmetic3A_4074, %eq3A_4299 : vector<16xi32>
      %lt3A_4301 = arith.constant 0 : i32
      %lt3A_4302 = vector.broadcast %lt3A_4301 : i32 to vector<16xi32>
      %lt3A_4303 = arith.cmpi slt, %sub3A_4077, %lt3A_4302 : vector<16xi32>
      %add3A_4304 = arith.constant 16 : i32
      %add3A_4305 = vector.broadcast %add3A_4304 : i32 to vector<16xi32>
      %add3A_4306 = arith.addi %sub3A_4077, %add3A_4305 : vector<16xi32>
      %select_n3A_4307 = arith.select %lt3A_4303, %add3A_4306, %sub3A_4077 : vector<16xi1>, vector<16xi32>
      %broadcast_in_dim3A_4308 = vector.shape_cast %select_n3A_4307 : vector<16xi32> to vector<16x1xi32>
      %gather3A_4309 = vector.shape_cast %broadcast_in_dim3A_4308 : vector<16x1xi32> to vector<16xi32>
      %gather3A_4310 = tpu.dynamic_gather %get3A_4297[%gather3A_4309] in [0] : vector<16xf32>, vector<16xi32> -> vector<16xf32>
      %select_n3A_4311 = arith.select %eq3A_4300, %gather3A_4310, %select_n3A_4292 : vector<16xi1>, vector<16xf32>
      %add3A_4312 = arith.constant 32 : i32
      %add3A_4313 = arith.addi %mul3A_29, %add3A_4312 : i32
      %get3A_4314 = arith.index_cast %add3A_4313 : i32 to index
      %get3A_4315 = tpu.vector_load %arg17[%get3A_4314] {strides = array<i32>} : memref<640xf32, #tpu.memory_space<vmem>>, vector<16xf32>,
      %get3A_4316 = vector.shape_cast %get3A_4315 : vector<16xf32> to vector<16xf32>
      %eq3A_4317 = arith.constant 2 : i32
      %eq3A_4318 = vector.broadcast %eq3A_4317 : i32 to vector<16xi32>
      %eq3A_4319 = arith.cmpi eq, %shift_right_arithmetic3A_4074, %eq3A_4318 : vector<16xi32>
      %lt3A_4320 = arith.constant 0 : i32
      %lt3A_4321 = vector.broadcast %lt3A_4320 : i32 to vector<16xi32>
      %lt3A_4322 = arith.cmpi slt, %sub3A_4077, %lt3A_4321 : vector<16xi32>
      %add3A_4323 = arith.constant 16 : i32
      %add3A_4324 = vector.broadcast %add3A_4323 : i32 to vector<16xi32>
      %add3A_4325 = arith.addi %sub3A_4077, %add3A_4324 : vector<16xi32>
      %select_n3A_4326 = arith.select %lt3A_4322, %add3A_4325, %sub3A_4077 : vector<16xi1>, vector<16xi32>
      %broadcast_in_dim3A_4327 = vector.shape_cast %select_n3A_4326 : vector<16xi32> to vector<16x1xi32>
      %gather3A_4328 = vector.shape_cast %broadcast_in_dim3A_4327 : vector<16x1xi32> to vector<16xi32>
      %gather3A_4329 = tpu.dynamic_gather %get3A_4316[%gather3A_4328] in [0] : vector<16xf32>, vector<16xi32> -> vector<16xf32>
      %select_n3A_4330 = arith.select %eq3A_4319, %gather3A_4329, %select_n3A_4311 : vector<16xi1>, vector<16xf32>
      %add3A_4331 = arith.constant 48 : i32
      %add3A_4332 = arith.addi %mul3A_29, %add3A_4331 : i32
      %get3A_4333 = arith.index_cast %add3A_4332 : i32 to index
      %get3A_4334 = tpu.vector_load %arg17[%get3A_4333] {strides = array<i32>} : memref<640xf32, #tpu.memory_space<vmem>>, vector<16xf32>,
      %get3A_4335 = vector.shape_cast %get3A_4334 : vector<16xf32> to vector<16xf32>
      %eq3A_4336 = arith.constant 3 : i32
      %eq3A_4337 = vector.broadcast %eq3A_4336 : i32 to vector<16xi32>
      %eq3A_4338 = arith.cmpi eq, %shift_right_arithmetic3A_4074, %eq3A_4337 : vector<16xi32>
      %lt3A_4339 = arith.constant 0 : i32
      %lt3A_4340 = vector.broadcast %lt3A_4339 : i32 to vector<16xi32>
      %lt3A_4341 = arith.cmpi slt, %sub3A_4077, %lt3A_4340 : vector<16xi32>
      %add3A_4342 = arith.constant 16 : i32
      %add3A_4343 = vector.broadcast %add3A_4342 : i32 to vector<16xi32>
      %add3A_4344 = arith.addi %sub3A_4077, %add3A_4343 : vector<16xi32>
      %select_n3A_4345 = arith.select %lt3A_4341, %add3A_4344, %sub3A_4077 : vector<16xi1>, vector<16xi32>
      %broadcast_in_dim3A_4346 = vector.shape_cast %select_n3A_4345 : vector<16xi32> to vector<16x1xi32>
      %gather3A_4347 = vector.shape_cast %broadcast_in_dim3A_4346 : vector<16x1xi32> to vector<16xi32>
      %gather3A_4348 = tpu.dynamic_gather %get3A_4335[%gather3A_4347] in [0] : vector<16xf32>, vector<16xi32> -> vector<16xf32>
      %select_n3A_4349 = arith.select %eq3A_4338, %gather3A_4348, %select_n3A_4330 : vector<16xi1>, vector<16xf32>
      %add3A_4350 = arith.constant 64 : i32
      %add3A_4351 = arith.addi %mul3A_29, %add3A_4350 : i32
      %get3A_4352 = arith.index_cast %add3A_4351 : i32 to index
      %get3A_4353 = tpu.vector_load %arg17[%get3A_4352] {strides = array<i32>} : memref<640xf32, #tpu.memory_space<vmem>>, vector<16xf32>,
      %get3A_4354 = vector.shape_cast %get3A_4353 : vector<16xf32> to vector<16xf32>
      %eq3A_4355 = arith.constant 4 : i32
      %eq3A_4356 = vector.broadcast %eq3A_4355 : i32 to vector<16xi32>
      %eq3A_4357 = arith.cmpi eq, %shift_right_arithmetic3A_4074, %eq3A_4356 : vector<16xi32>
      %lt3A_4358 = arith.constant 0 : i32
      %lt3A_4359 = vector.broadcast %lt3A_4358 : i32 to vector<16xi32>
      %lt3A_4360 = arith.cmpi slt, %sub3A_4077, %lt3A_4359 : vector<16xi32>
      %add3A_4361 = arith.constant 16 : i32
      %add3A_4362 = vector.broadcast %add3A_4361 : i32 to vector<16xi32>
      %add3A_4363 = arith.addi %sub3A_4077, %add3A_4362 : vector<16xi32>
      %select_n3A_4364 = arith.select %lt3A_4360, %add3A_4363, %sub3A_4077 : vector<16xi1>, vector<16xi32>
      %broadcast_in_dim3A_4365 = vector.shape_cast %select_n3A_4364 : vector<16xi32> to vector<16x1xi32>
      %gather3A_4366 = vector.shape_cast %broadcast_in_dim3A_4365 : vector<16x1xi32> to vector<16xi32>
      %gather3A_4367 = tpu.dynamic_gather %get3A_4354[%gather3A_4366] in [0] : vector<16xf32>, vector<16xi32> -> vector<16xf32>
      %select_n3A_4368 = arith.select %eq3A_4357, %gather3A_4367, %select_n3A_4349 : vector<16xi1>, vector<16xf32>
      %broadcast_in_dim3A_4369 = arith.constant 0.000000e+00 : f32
      %broadcast_in_dim3A_4370 = vector.broadcast %broadcast_in_dim3A_4369 : f32 to vector<16xf32>
      %add3A_4371 = arith.constant 0 : i32
      %add3A_4372 = arith.addi %mul3A_29, %add3A_4371 : i32
      %get3A_4373 = arith.index_cast %add3A_4372 : i32 to index
      %get3A_4374 = tpu.vector_load %arg18[%get3A_4373] {strides = array<i32>} : memref<640xf32, #tpu.memory_space<vmem>>, vector<16xf32>,
      %get3A_4375 = vector.shape_cast %get3A_4374 : vector<16xf32> to vector<16xf32>
      %eq3A_4376 = arith.constant 0 : i32
      %eq3A_4377 = vector.broadcast %eq3A_4376 : i32 to vector<16xi32>
      %eq3A_4378 = arith.cmpi eq, %shift_right_arithmetic3A_4074, %eq3A_4377 : vector<16xi32>
      %lt3A_4379 = arith.constant 0 : i32
      %lt3A_4380 = vector.broadcast %lt3A_4379 : i32 to vector<16xi32>
      %lt3A_4381 = arith.cmpi slt, %sub3A_4077, %lt3A_4380 : vector<16xi32>
      %add3A_4382 = arith.constant 16 : i32
      %add3A_4383 = vector.broadcast %add3A_4382 : i32 to vector<16xi32>
      %add3A_4384 = arith.addi %sub3A_4077, %add3A_4383 : vector<16xi32>
      %select_n3A_4385 = arith.select %lt3A_4381, %add3A_4384, %sub3A_4077 : vector<16xi1>, vector<16xi32>
      %broadcast_in_dim3A_4386 = vector.shape_cast %select_n3A_4385 : vector<16xi32> to vector<16x1xi32>
      %gather3A_4387 = vector.shape_cast %broadcast_in_dim3A_4386 : vector<16x1xi32> to vector<16xi32>
      %gather3A_4388 = tpu.dynamic_gather %get3A_4375[%gather3A_4387] in [0] : vector<16xf32>, vector<16xi32> -> vector<16xf32>
      %select_n3A_4389 = arith.select %eq3A_4378, %gather3A_4388, %broadcast_in_dim3A_4370 : vector<16xi1>, vector<16xf32>
      %add3A_4390 = arith.constant 16 : i32
      %add3A_4391 = arith.addi %mul3A_29, %add3A_4390 : i32
      %get3A_4392 = arith.index_cast %add3A_4391 : i32 to index
      %get3A_4393 = tpu.vector_load %arg18[%get3A_4392] {strides = array<i32>} : memref<640xf32, #tpu.memory_space<vmem>>, vector<16xf32>,
      %get3A_4394 = vector.shape_cast %get3A_4393 : vector<16xf32> to vector<16xf32>
      %eq3A_4395 = arith.constant 1 : i32
      %eq3A_4396 = vector.broadcast %eq3A_4395 : i32 to vector<16xi32>
      %eq3A_4397 = arith.cmpi eq, %shift_right_arithmetic3A_4074, %eq3A_4396 : vector<16xi32>
      %lt3A_4398 = arith.constant 0 : i32
      %lt3A_4399 = vector.broadcast %lt3A_4398 : i32 to vector<16xi32>
      %lt3A_4400 = arith.cmpi slt, %sub3A_4077, %lt3A_4399 : vector<16xi32>
      %add3A_4401 = arith.constant 16 : i32
      %add3A_4402 = vector.broadcast %add3A_4401 : i32 to vector<16xi32>
      %add3A_4403 = arith.addi %sub3A_4077, %add3A_4402 : vector<16xi32>
      %select_n3A_4404 = arith.select %lt3A_4400, %add3A_4403, %sub3A_4077 : vector<16xi1>, vector<16xi32>
      %broadcast_in_dim3A_4405 = vector.shape_cast %select_n3A_4404 : vector<16xi32> to vector<16x1xi32>
      %gather3A_4406 = vector.shape_cast %broadcast_in_dim3A_4405 : vector<16x1xi32> to vector<16xi32>
      %gather3A_4407 = tpu.dynamic_gather %get3A_4394[%gather3A_4406] in [0] : vector<16xf32>, vector<16xi32> -> vector<16xf32>
      %select_n3A_4408 = arith.select %eq3A_4397, %gather3A_4407, %select_n3A_4389 : vector<16xi1>, vector<16xf32>
      %add3A_4409 = arith.constant 32 : i32
      %add3A_4410 = arith.addi %mul3A_29, %add3A_4409 : i32
      %get3A_4411 = arith.index_cast %add3A_4410 : i32 to index
      %get3A_4412 = tpu.vector_load %arg18[%get3A_4411] {strides = array<i32>} : memref<640xf32, #tpu.memory_space<vmem>>, vector<16xf32>,
      %get3A_4413 = vector.shape_cast %get3A_4412 : vector<16xf32> to vector<16xf32>
      %eq3A_4414 = arith.constant 2 : i32
      %eq3A_4415 = vector.broadcast %eq3A_4414 : i32 to vector<16xi32>
      %eq3A_4416 = arith.cmpi eq, %shift_right_arithmetic3A_4074, %eq3A_4415 : vector<16xi32>
      %lt3A_4417 = arith.constant 0 : i32
      %lt3A_4418 = vector.broadcast %lt3A_4417 : i32 to vector<16xi32>
      %lt3A_4419 = arith.cmpi slt, %sub3A_4077, %lt3A_4418 : vector<16xi32>
      %add3A_4420 = arith.constant 16 : i32
      %add3A_4421 = vector.broadcast %add3A_4420 : i32 to vector<16xi32>
      %add3A_4422 = arith.addi %sub3A_4077, %add3A_4421 : vector<16xi32>
      %select_n3A_4423 = arith.select %lt3A_4419, %add3A_4422, %sub3A_4077 : vector<16xi1>, vector<16xi32>
      %broadcast_in_dim3A_4424 = vector.shape_cast %select_n3A_4423 : vector<16xi32> to vector<16x1xi32>
      %gather3A_4425 = vector.shape_cast %broadcast_in_dim3A_4424 : vector<16x1xi32> to vector<16xi32>
      %gather3A_4426 = tpu.dynamic_gather %get3A_4413[%gather3A_4425] in [0] : vector<16xf32>, vector<16xi32> -> vector<16xf32>
      %select_n3A_4427 = arith.select %eq3A_4416, %gather3A_4426, %select_n3A_4408 : vector<16xi1>, vector<16xf32>
      %add3A_4428 = arith.constant 48 : i32
      %add3A_4429 = arith.addi %mul3A_29, %add3A_4428 : i32
      %get3A_4430 = arith.index_cast %add3A_4429 : i32 to index
      %get3A_4431 = tpu.vector_load %arg18[%get3A_4430] {strides = array<i32>} : memref<640xf32, #tpu.memory_space<vmem>>, vector<16xf32>,
      %get3A_4432 = vector.shape_cast %get3A_4431 : vector<16xf32> to vector<16xf32>
      %eq3A_4433 = arith.constant 3 : i32
      %eq3A_4434 = vector.broadcast %eq3A_4433 : i32 to vector<16xi32>
      %eq3A_4435 = arith.cmpi eq, %shift_right_arithmetic3A_4074, %eq3A_4434 : vector<16xi32>
      %lt3A_4436 = arith.constant 0 : i32
      %lt3A_4437 = vector.broadcast %lt3A_4436 : i32 to vector<16xi32>
      %lt3A_4438 = arith.cmpi slt, %sub3A_4077, %lt3A_4437 : vector<16xi32>
      %add3A_4439 = arith.constant 16 : i32
      %add3A_4440 = vector.broadcast %add3A_4439 : i32 to vector<16xi32>
      %add3A_4441 = arith.addi %sub3A_4077, %add3A_4440 : vector<16xi32>
      %select_n3A_4442 = arith.select %lt3A_4438, %add3A_4441, %sub3A_4077 : vector<16xi1>, vector<16xi32>
      %broadcast_in_dim3A_4443 = vector.shape_cast %select_n3A_4442 : vector<16xi32> to vector<16x1xi32>
      %gather3A_4444 = vector.shape_cast %broadcast_in_dim3A_4443 : vector<16x1xi32> to vector<16xi32>
      %gather3A_4445 = tpu.dynamic_gather %get3A_4432[%gather3A_4444] in [0] : vector<16xf32>, vector<16xi32> -> vector<16xf32>
      %select_n3A_4446 = arith.select %eq3A_4435, %gather3A_4445, %select_n3A_4427 : vector<16xi1>, vector<16xf32>
      %add3A_4447 = arith.constant 64 : i32
      %add3A_4448 = arith.addi %mul3A_29, %add3A_4447 : i32
      %get3A_4449 = arith.index_cast %add3A_4448 : i32 to index
      %get3A_4450 = tpu.vector_load %arg18[%get3A_4449] {strides = array<i32>} : memref<640xf32, #tpu.memory_space<vmem>>, vector<16xf32>,
      %get3A_4451 = vector.shape_cast %get3A_4450 : vector<16xf32> to vector<16xf32>
      %eq3A_4452 = arith.constant 4 : i32
      %eq3A_4453 = vector.broadcast %eq3A_4452 : i32 to vector<16xi32>
      %eq3A_4454 = arith.cmpi eq, %shift_right_arithmetic3A_4074, %eq3A_4453 : vector<16xi32>
      %lt3A_4455 = arith.constant 0 : i32
      %lt3A_4456 = vector.broadcast %lt3A_4455 : i32 to vector<16xi32>
      %lt3A_4457 = arith.cmpi slt, %sub3A_4077, %lt3A_4456 : vector<16xi32>
      %add3A_4458 = arith.constant 16 : i32
      %add3A_4459 = vector.broadcast %add3A_4458 : i32 to vector<16xi32>
      %add3A_4460 = arith.addi %sub3A_4077, %add3A_4459 : vector<16xi32>
      %select_n3A_4461 = arith.select %lt3A_4457, %add3A_4460, %sub3A_4077 : vector<16xi1>, vector<16xi32>
      %broadcast_in_dim3A_4462 = vector.shape_cast %select_n3A_4461 : vector<16xi32> to vector<16x1xi32>
      %gather3A_4463 = vector.shape_cast %broadcast_in_dim3A_4462 : vector<16x1xi32> to vector<16xi32>
      %gather3A_4464 = tpu.dynamic_gather %get3A_4451[%gather3A_4463] in [0] : vector<16xf32>, vector<16xi32> -> vector<16xf32>
      %select_n3A_4465 = arith.select %eq3A_4454, %gather3A_4464, %select_n3A_4446 : vector<16xi1>, vector<16xf32>
      %mul3A_4466 = arith.constant 16 : i32
      %mul3A_4467 = arith.muli %scan3A_26, %mul3A_4466 : i32
      %swap3A_4468 = arith.index_cast %mul3A_4467 : i32 to index
      %swap3A_4469 = tpu.vector_load %arg19[%swap3A_4468] {strides = array<i32>} : memref<128xf32, #tpu.memory_space<vmem>>, vector<16xf32>,
      %swap3A_4470 = vector.shape_cast %swap3A_4469 : vector<16xf32> to vector<16xf32>
      %swap3A_4471 = vector.shape_cast %select_n3A_4008 : vector<16xf32> to vector<16xf32>
      tpu.vector_store %arg19[%swap3A_4468], %swap3A_4471 {strides = array<i32>} : memref<128xf32, #tpu.memory_space<vmem>>, vector<16xf32>,
      %mul3A_4472 = arith.constant 16 : i32
      %mul3A_4473 = arith.muli %scan3A_26, %mul3A_4472 : i32
      %swap3A_4474 = arith.index_cast %mul3A_4473 : i32 to index
      %swap3A_4475 = tpu.vector_load %arg20[%swap3A_4474] {strides = array<i32>} : memref<128xi32, #tpu.memory_space<vmem>>, vector<16xi32>,
      %swap3A_4476 = vector.shape_cast %swap3A_4475 : vector<16xi32> to vector<16xi32>
      %swap3A_4477 = vector.shape_cast %select_n3A_4009 : vector<16xi32> to vector<16xi32>
      tpu.vector_store %arg20[%swap3A_4474], %swap3A_4477 {strides = array<i32>} : memref<128xi32, #tpu.memory_space<vmem>>, vector<16xi32>,
      %mul3A_4478 = arith.constant 16 : i32
      %mul3A_4479 = arith.muli %scan3A_26, %mul3A_4478 : i32
      %swap3A_4480 = arith.index_cast %mul3A_4479 : i32 to index
      %swap3A_4481 = tpu.vector_load %arg21[%swap3A_4480] {strides = array<i32>} : memref<128xf32, #tpu.memory_space<vmem>>, vector<16xf32>,
      %swap3A_4482 = vector.shape_cast %swap3A_4481 : vector<16xf32> to vector<16xf32>
      %swap3A_4483 = vector.shape_cast %select_n3A_4174 : vector<16xf32> to vector<16xf32>
      tpu.vector_store %arg21[%swap3A_4480], %swap3A_4483 {strides = array<i32>} : memref<128xf32, #tpu.memory_space<vmem>>, vector<16xf32>,
      %mul3A_4484 = arith.constant 16 : i32
      %mul3A_4485 = arith.muli %scan3A_26, %mul3A_4484 : i32
      %swap3A_4486 = arith.index_cast %mul3A_4485 : i32 to index
      %swap3A_4487 = tpu.vector_load %arg22[%swap3A_4486] {strides = array<i32>} : memref<128xf32, #tpu.memory_space<vmem>>, vector<16xf32>,
      %swap3A_4488 = vector.shape_cast %swap3A_4487 : vector<16xf32> to vector<16xf32>
      %swap3A_4489 = vector.shape_cast %select_n3A_4271 : vector<16xf32> to vector<16xf32>
      tpu.vector_store %arg22[%swap3A_4486], %swap3A_4489 {strides = array<i32>} : memref<128xf32, #tpu.memory_space<vmem>>, vector<16xf32>,
      %mul3A_4490 = arith.constant 16 : i32
      %mul3A_4491 = arith.muli %scan3A_26, %mul3A_4490 : i32
      %swap3A_4492 = arith.index_cast %mul3A_4491 : i32 to index
      %swap3A_4493 = tpu.vector_load %arg23[%swap3A_4492] {strides = array<i32>} : memref<128xf32, #tpu.memory_space<vmem>>, vector<16xf32>,
      %swap3A_4494 = vector.shape_cast %swap3A_4493 : vector<16xf32> to vector<16xf32>
      %swap3A_4495 = vector.shape_cast %select_n3A_4368 : vector<16xf32> to vector<16xf32>
      tpu.vector_store %arg23[%swap3A_4492], %swap3A_4495 {strides = array<i32>} : memref<128xf32, #tpu.memory_space<vmem>>, vector<16xf32>,
      %mul3A_4496 = arith.constant 16 : i32
      %mul3A_4497 = arith.muli %scan3A_26, %mul3A_4496 : i32
      %swap3A_4498 = arith.index_cast %mul3A_4497 : i32 to index
      %swap3A_4499 = tpu.vector_load %arg24[%swap3A_4498] {strides = array<i32>} : memref<128xf32, #tpu.memory_space<vmem>>, vector<16xf32>,
      %swap3A_4500 = vector.shape_cast %swap3A_4499 : vector<16xf32> to vector<16xf32>
      %swap3A_4501 = vector.shape_cast %select_n3A_4465 : vector<16xf32> to vector<16xf32>
      tpu.vector_store %arg24[%swap3A_4498], %swap3A_4501 {strides = array<i32>} : memref<128xf32, #tpu.memory_space<vmem>>, vector<16xf32>,
      scf.yield %max3A_4069 : vector<16xf32>
    }
    %scan3A_8 = arith.constant 8 : i32
    %swap3A = arith.constant 0 : index
    %swap3A_9 = tpu.vector_load %arg25[%swap3A] {strides = array<i32>} : memref<16xf32, #tpu.memory_space<vmem>>, vector<16xf32>,
    %swap3A_10 = vector.shape_cast %swap3A_9 : vector<16xf32> to vector<16xf32>
    %swap3A_11 = vector.shape_cast %scan3A_7 : vector<16xf32> to vector<16xf32>
    tpu.vector_store %arg25[%swap3A], %swap3A_11 {strides = array<i32>} : memref<16xf32, #tpu.memory_space<vmem>>, vector<16xf32>,
    %mul3A_12 = arith.constant 128 : i32
    %mul3A_13 = arith.muli %add3A, %mul3A_12 : i32
    "tpu.region"() ({
      %run_scoped3A = tpu.sem_alloc : memref<!tpu.dma_semaphore, #tpu.memory_space<semaphore_mem>>
      %dma_start3A = tpu.memref_slice %arg7[%mul3A_13] : memref<4096xf32, #tpu.memory_space<hbm>> -> memref<128xf32, #tpu.memory_space<hbm>>
      %dma_start3A_26 = tpu.memref_slice %arg7[%mul3A_13] : memref<4096xf32, #tpu.memory_space<hbm>> -> memref<128xf32, #tpu.memory_space<hbm>>
      tpu.enqueue_dma source(%arg19 : memref<128xf32, #tpu.memory_space<vmem>>) target(%dma_start3A_26 : memref<128xf32, #tpu.memory_space<hbm>>) target_semaphore(%run_scoped3A : memref<!tpu.dma_semaphore, #tpu.memory_space<semaphore_mem>>)
      %dma_wait3A = tpu.memref_slice %arg7[%mul3A_13] : memref<4096xf32, #tpu.memory_space<hbm>> -> memref<128xf32, #tpu.memory_space<hbm>>
      %dma_wait3A_27 = tpu.memref_slice %arg7[%mul3A_13] : memref<4096xf32, #tpu.memory_space<hbm>> -> memref<128xf32, #tpu.memory_space<hbm>>
      tpu.wait_dma2 semaphore(%run_scoped3A : memref<!tpu.dma_semaphore, #tpu.memory_space<semaphore_mem>>) src(%arg19 : memref<128xf32, #tpu.memory_space<vmem>>) dst(%dma_wait3A_27 : memref<128xf32, #tpu.memory_space<hbm>>)
      tpu.yield
    }) : () -> ()
    %mul3A_14 = arith.constant 128 : i32
    %mul3A_15 = arith.muli %add3A, %mul3A_14 : i32
    "tpu.region"() ({
      %run_scoped3A = tpu.sem_alloc : memref<!tpu.dma_semaphore, #tpu.memory_space<semaphore_mem>>
      %dma_start3A = tpu.memref_slice %arg8[%mul3A_15] : memref<4096xi32, #tpu.memory_space<hbm>> -> memref<128xi32, #tpu.memory_space<hbm>>
      %dma_start3A_26 = tpu.memref_slice %arg8[%mul3A_15] : memref<4096xi32, #tpu.memory_space<hbm>> -> memref<128xi32, #tpu.memory_space<hbm>>
      tpu.enqueue_dma source(%arg20 : memref<128xi32, #tpu.memory_space<vmem>>) target(%dma_start3A_26 : memref<128xi32, #tpu.memory_space<hbm>>) target_semaphore(%run_scoped3A : memref<!tpu.dma_semaphore, #tpu.memory_space<semaphore_mem>>)
      %dma_wait3A = tpu.memref_slice %arg8[%mul3A_15] : memref<4096xi32, #tpu.memory_space<hbm>> -> memref<128xi32, #tpu.memory_space<hbm>>
      %dma_wait3A_27 = tpu.memref_slice %arg8[%mul3A_15] : memref<4096xi32, #tpu.memory_space<hbm>> -> memref<128xi32, #tpu.memory_space<hbm>>
      tpu.wait_dma2 semaphore(%run_scoped3A : memref<!tpu.dma_semaphore, #tpu.memory_space<semaphore_mem>>) src(%arg20 : memref<128xi32, #tpu.memory_space<vmem>>) dst(%dma_wait3A_27 : memref<128xi32, #tpu.memory_space<hbm>>)
      tpu.yield
    }) : () -> ()
    %mul3A_16 = arith.constant 128 : i32
    %mul3A_17 = arith.muli %add3A, %mul3A_16 : i32
    "tpu.region"() ({
      %run_scoped3A = tpu.sem_alloc : memref<!tpu.dma_semaphore, #tpu.memory_space<semaphore_mem>>
      %dma_start3A = tpu.memref_slice %arg9[%mul3A_17] : memref<4096xf32, #tpu.memory_space<hbm>> -> memref<128xf32, #tpu.memory_space<hbm>>
      %dma_start3A_26 = tpu.memref_slice %arg9[%mul3A_17] : memref<4096xf32, #tpu.memory_space<hbm>> -> memref<128xf32, #tpu.memory_space<hbm>>
      tpu.enqueue_dma source(%arg21 : memref<128xf32, #tpu.memory_space<vmem>>) target(%dma_start3A_26 : memref<128xf32, #tpu.memory_space<hbm>>) target_semaphore(%run_scoped3A : memref<!tpu.dma_semaphore, #tpu.memory_space<semaphore_mem>>)
      %dma_wait3A = tpu.memref_slice %arg9[%mul3A_17] : memref<4096xf32, #tpu.memory_space<hbm>> -> memref<128xf32, #tpu.memory_space<hbm>>
      %dma_wait3A_27 = tpu.memref_slice %arg9[%mul3A_17] : memref<4096xf32, #tpu.memory_space<hbm>> -> memref<128xf32, #tpu.memory_space<hbm>>
      tpu.wait_dma2 semaphore(%run_scoped3A : memref<!tpu.dma_semaphore, #tpu.memory_space<semaphore_mem>>) src(%arg21 : memref<128xf32, #tpu.memory_space<vmem>>) dst(%dma_wait3A_27 : memref<128xf32, #tpu.memory_space<hbm>>)
      tpu.yield
    }) : () -> ()
    %mul3A_18 = arith.constant 128 : i32
    %mul3A_19 = arith.muli %add3A, %mul3A_18 : i32
    "tpu.region"() ({
      %run_scoped3A = tpu.sem_alloc : memref<!tpu.dma_semaphore, #tpu.memory_space<semaphore_mem>>
      %dma_start3A = tpu.memref_slice %arg10[%mul3A_19] : memref<4096xf32, #tpu.memory_space<hbm>> -> memref<128xf32, #tpu.memory_space<hbm>>
      %dma_start3A_26 = tpu.memref_slice %arg10[%mul3A_19] : memref<4096xf32, #tpu.memory_space<hbm>> -> memref<128xf32, #tpu.memory_space<hbm>>
      tpu.enqueue_dma source(%arg22 : memref<128xf32, #tpu.memory_space<vmem>>) target(%dma_start3A_26 : memref<128xf32, #tpu.memory_space<hbm>>) target_semaphore(%run_scoped3A : memref<!tpu.dma_semaphore, #tpu.memory_space<semaphore_mem>>)
      %dma_wait3A = tpu.memref_slice %arg10[%mul3A_19] : memref<4096xf32, #tpu.memory_space<hbm>> -> memref<128xf32, #tpu.memory_space<hbm>>
      %dma_wait3A_27 = tpu.memref_slice %arg10[%mul3A_19] : memref<4096xf32, #tpu.memory_space<hbm>> -> memref<128xf32, #tpu.memory_space<hbm>>
      tpu.wait_dma2 semaphore(%run_scoped3A : memref<!tpu.dma_semaphore, #tpu.memory_space<semaphore_mem>>) src(%arg22 : memref<128xf32, #tpu.memory_space<vmem>>) dst(%dma_wait3A_27 : memref<128xf32, #tpu.memory_space<hbm>>)
      tpu.yield
    }) : () -> ()
    %mul3A_20 = arith.constant 128 : i32
    %mul3A_21 = arith.muli %add3A, %mul3A_20 : i32
    "tpu.region"() ({
      %run_scoped3A = tpu.sem_alloc : memref<!tpu.dma_semaphore, #tpu.memory_space<semaphore_mem>>
      %dma_start3A = tpu.memref_slice %arg11[%mul3A_21] : memref<4096xf32, #tpu.memory_space<hbm>> -> memref<128xf32, #tpu.memory_space<hbm>>
      %dma_start3A_26 = tpu.memref_slice %arg11[%mul3A_21] : memref<4096xf32, #tpu.memory_space<hbm>> -> memref<128xf32, #tpu.memory_space<hbm>>
      tpu.enqueue_dma source(%arg23 : memref<128xf32, #tpu.memory_space<vmem>>) target(%dma_start3A_26 : memref<128xf32, #tpu.memory_space<hbm>>) target_semaphore(%run_scoped3A : memref<!tpu.dma_semaphore, #tpu.memory_space<semaphore_mem>>)
      %dma_wait3A = tpu.memref_slice %arg11[%mul3A_21] : memref<4096xf32, #tpu.memory_space<hbm>> -> memref<128xf32, #tpu.memory_space<hbm>>
      %dma_wait3A_27 = tpu.memref_slice %arg11[%mul3A_21] : memref<4096xf32, #tpu.memory_space<hbm>> -> memref<128xf32, #tpu.memory_space<hbm>>
      tpu.wait_dma2 semaphore(%run_scoped3A : memref<!tpu.dma_semaphore, #tpu.memory_space<semaphore_mem>>) src(%arg23 : memref<128xf32, #tpu.memory_space<vmem>>) dst(%dma_wait3A_27 : memref<128xf32, #tpu.memory_space<hbm>>)
      tpu.yield
    }) : () -> ()
    %mul3A_22 = arith.constant 128 : i32
    %mul3A_23 = arith.muli %add3A, %mul3A_22 : i32
    "tpu.region"() ({
      %run_scoped3A = tpu.sem_alloc : memref<!tpu.dma_semaphore, #tpu.memory_space<semaphore_mem>>
      %dma_start3A = tpu.memref_slice %arg12[%mul3A_23] : memref<4096xf32, #tpu.memory_space<hbm>> -> memref<128xf32, #tpu.memory_space<hbm>>
      %dma_start3A_26 = tpu.memref_slice %arg12[%mul3A_23] : memref<4096xf32, #tpu.memory_space<hbm>> -> memref<128xf32, #tpu.memory_space<hbm>>
      tpu.enqueue_dma source(%arg24 : memref<128xf32, #tpu.memory_space<vmem>>) target(%dma_start3A_26 : memref<128xf32, #tpu.memory_space<hbm>>) target_semaphore(%run_scoped3A : memref<!tpu.dma_semaphore, #tpu.memory_space<semaphore_mem>>)
      %dma_wait3A = tpu.memref_slice %arg12[%mul3A_23] : memref<4096xf32, #tpu.memory_space<hbm>> -> memref<128xf32, #tpu.memory_space<hbm>>
      %dma_wait3A_27 = tpu.memref_slice %arg12[%mul3A_23] : memref<4096xf32, #tpu.memory_space<hbm>> -> memref<128xf32, #tpu.memory_space<hbm>>
      tpu.wait_dma2 semaphore(%run_scoped3A : memref<!tpu.dma_semaphore, #tpu.memory_space<semaphore_mem>>) src(%arg24 : memref<128xf32, #tpu.memory_space<vmem>>) dst(%dma_wait3A_27 : memref<128xf32, #tpu.memory_space<hbm>>)
      tpu.yield
    }) : () -> ()
    %mul3A_24 = arith.constant 16 : i32
    %mul3A_25 = arith.muli %add3A, %mul3A_24 : i32
    "tpu.region"() ({
      %run_scoped3A = tpu.sem_alloc : memref<!tpu.dma_semaphore, #tpu.memory_space<semaphore_mem>>
      %dma_start3A = tpu.memref_slice %arg13[%mul3A_25] : memref<512xf32, #tpu.memory_space<hbm>> -> memref<16xf32, #tpu.memory_space<hbm>>
      %dma_start3A_26 = tpu.memref_slice %arg13[%mul3A_25] : memref<512xf32, #tpu.memory_space<hbm>> -> memref<16xf32, #tpu.memory_space<hbm>>
      tpu.enqueue_dma source(%arg25 : memref<16xf32, #tpu.memory_space<vmem>>) target(%dma_start3A_26 : memref<16xf32, #tpu.memory_space<hbm>>) target_semaphore(%run_scoped3A : memref<!tpu.dma_semaphore, #tpu.memory_space<semaphore_mem>>)
      %dma_wait3A = tpu.memref_slice %arg13[%mul3A_25] : memref<512xf32, #tpu.memory_space<hbm>> -> memref<16xf32, #tpu.memory_space<hbm>>
      %dma_wait3A_27 = tpu.memref_slice %arg13[%mul3A_25] : memref<512xf32, #tpu.memory_space<hbm>> -> memref<16xf32, #tpu.memory_space<hbm>>
      tpu.wait_dma2 semaphore(%run_scoped3A : memref<!tpu.dma_semaphore, #tpu.memory_space<semaphore_mem>>) src(%arg25 : memref<16xf32, #tpu.memory_space<vmem>>) dst(%dma_wait3A_27 : memref<16xf32, #tpu.memory_space<hbm>>)
      tpu.yield
    }) : () -> ()
    return
  }
}

module attributes {stable_mosaic.version = 14 : i64} {
  func.func @_nms_cand_body(%arg0: memref<1xi32, #tpu.memory_space<smem>>, %arg1: memref<4xf32, #tpu.memory_space<smem>>, %arg2: memref<8x64xf32, #tpu.memory_space<vmem>>, %arg3: memref<8x512xf32, #tpu.memory_space<vmem>>, %arg4: memref<8x512xf32, #tpu.memory_space<vmem>>, %arg5: memref<8x512xf32, #tpu.memory_space<vmem>>, %arg6: memref<8x512xf32, #tpu.memory_space<vmem>>, %arg7: memref<8x512xf32, #tpu.memory_space<vmem>>, %arg8: memref<8x512xf32, #tpu.memory_space<vmem>>, %arg9: memref<1008x4xf32, #tpu.memory_space<vmem>>, %arg10: memref<1xi32, #tpu.memory_space<smem>>, %arg11: memref<8x512xf32, #tpu.memory_space<vmem>>, %arg12: memref<8x512xf32, #tpu.memory_space<vmem>>, %arg13: memref<1xi32, #tpu.memory_space<smem>>) attributes {dimension_semantics = [], scalar_prefetch = 0 : i64, scratch_operands = 3 : i64, tpu.core_type = #tpu.core_type<tc>} {
    %get3A = arith.constant 0 : index
    %get3A_0 = arith.constant 0 : index
    %get3A_1 = vector.load %arg3[%get3A, %get3A_0] : memref<8x512xf32, #tpu.memory_space<vmem>>, vector<8x512xf32>
    %swap3A = arith.constant 0 : index
    %swap3A_2 = arith.constant 0 : index
    %swap3A_3 = vector.load %arg11[%swap3A, %swap3A_2] : memref<8x512xf32, #tpu.memory_space<vmem>>, vector<8x512xf32>
    tpu.vector_store %arg11[%swap3A, %swap3A_2], %get3A_1 {strides = array<i32>} : memref<8x512xf32, #tpu.memory_space<vmem>>, vector<8x512xf32>,
    %get3A_4 = arith.constant 0 : index
    %get3A_5 = arith.constant 0 : index
    %get3A_6 = vector.load %arg7[%get3A_4, %get3A_5] : memref<8x512xf32, #tpu.memory_space<vmem>>, vector<8x512xf32>
    %get3A_7 = arith.constant 0 : index
    %get3A_8 = arith.constant 0 : index
    %get3A_9 = vector.load %arg5[%get3A_7, %get3A_8] : memref<8x512xf32, #tpu.memory_space<vmem>>, vector<8x512xf32>
    %sub3A = arith.subf %get3A_6, %get3A_9 : vector<8x512xf32>
    %max3A = arith.constant 0.000000e+00 : f32
    %max3A_10 = vector.broadcast %max3A : f32 to vector<8x512xf32>
    %max3A_11 = arith.maximumf %sub3A, %max3A_10 : vector<8x512xf32>
    %get3A_12 = arith.constant 0 : index
    %get3A_13 = arith.constant 0 : index
    %get3A_14 = vector.load %arg8[%get3A_12, %get3A_13] : memref<8x512xf32, #tpu.memory_space<vmem>>, vector<8x512xf32>
    %get3A_15 = arith.constant 0 : index
    %get3A_16 = arith.constant 0 : index
    %get3A_17 = vector.load %arg6[%get3A_15, %get3A_16] : memref<8x512xf32, #tpu.memory_space<vmem>>, vector<8x512xf32>
    %sub3A_18 = arith.subf %get3A_14, %get3A_17 : vector<8x512xf32>
    %max3A_19 = arith.constant 0.000000e+00 : f32
    %max3A_20 = vector.broadcast %max3A_19 : f32 to vector<8x512xf32>
    %max3A_21 = arith.maximumf %sub3A_18, %max3A_20 : vector<8x512xf32>
    %mul3A = arith.mulf %max3A_11, %max3A_21 : vector<8x512xf32>
    %swap3A_22 = arith.constant 0 : index
    %swap3A_23 = arith.constant 0 : index
    %swap3A_24 = vector.load %arg12[%swap3A_22, %swap3A_23] : memref<8x512xf32, #tpu.memory_space<vmem>>, vector<8x512xf32>
    tpu.vector_store %arg12[%swap3A_22, %swap3A_23], %mul3A {strides = array<i32>} : memref<8x512xf32, #tpu.memory_space<vmem>>, vector<8x512xf32>,
    %get3A_25 = arith.constant 0 : index
    %get3A_26 = memref.load %arg0[%get3A_25] : memref<1xi32, #tpu.memory_space<smem>>
    %ne3A = arith.constant 1000 : i32
    %ne3A_27 = arith.cmpi ne, %get3A_26, %ne3A : i32
    %convert_element_type3A = arith.extui %ne3A_27 : i1 to i32
    %swap3A_28 = arith.constant 0 : index
    %swap3A_29 = memref.load %arg10[%swap3A_28] : memref<1xi32, #tpu.memory_space<smem>>
    memref.store %convert_element_type3A, %arg10[%swap3A_28] : memref<1xi32, #tpu.memory_space<smem>>
    %get3A_30 = arith.constant 0 : index
    %get3A_31 = arith.constant 0 : index
    %get3A_32 = vector.load %arg2[%get3A_30, %get3A_31] : memref<8x64xf32, #tpu.memory_space<vmem>>, vector<8x64xf32>
    %reduce_max3A = vector.shape_cast %get3A_32 : vector<8x64xf32> to vector<1x8x64xf32>
    %reduce_max3A_33 = arith.constant dense<0xFF800000> : vector<1xf32>
    %reduce_max3A_34 = vector.multi_reduction <maximumf>, %reduce_max3A, %reduce_max3A_33 [1, 2] : vector<1x8x64xf32> to vector<1xf32>
    %reduce_max3A_35 = vector.shape_cast %reduce_max3A_34 : vector<1xf32> to vector<1x1x1xf32>
    %reduce_max3A_36 = vector.extract %reduce_max3A_35[0, 0, 0] : f32 from vector<1x1x1xf32>
    %get3A_37 = arith.constant 0 : index
    %get3A_38 = memref.load %arg1[%get3A_37] : memref<4xf32, #tpu.memory_space<smem>>
    %get3A_39 = arith.constant 1 : index
    %get3A_40 = memref.load %arg1[%get3A_39] : memref<4xf32, #tpu.memory_space<smem>>
    %get3A_41 = arith.constant 2 : index
    %get3A_42 = memref.load %arg1[%get3A_41] : memref<4xf32, #tpu.memory_space<smem>>
    %get3A_43 = arith.constant 3 : index
    %get3A_44 = memref.load %arg1[%get3A_43] : memref<4xf32, #tpu.memory_space<smem>>
    %broadcast_in_dim3A = vector.broadcast %get3A_38 : f32 to vector<1008x1xf32>
    %swap3A_45 = arith.constant 0 : index
    %swap3A_46 = arith.constant 0 : index
    %swap3A_47 = vector.load %arg9[%swap3A_45, %swap3A_46] : memref<1008x4xf32, #tpu.memory_space<vmem>>, vector<1008x1xf32>
    tpu.vector_store %arg9[%swap3A_45, %swap3A_46], %broadcast_in_dim3A {strides = array<i32>} : memref<1008x4xf32, #tpu.memory_space<vmem>>, vector<1008x1xf32>,
    %broadcast_in_dim3A_48 = vector.broadcast %get3A_40 : f32 to vector<1008x1xf32>
    %swap3A_49 = arith.constant 0 : index
    %swap3A_50 = arith.constant 1 : index
    %swap3A_51 = vector.load %arg9[%swap3A_49, %swap3A_50] : memref<1008x4xf32, #tpu.memory_space<vmem>>, vector<1008x1xf32>
    tpu.vector_store %arg9[%swap3A_49, %swap3A_50], %broadcast_in_dim3A_48 {strides = array<i32>} : memref<1008x4xf32, #tpu.memory_space<vmem>>, vector<1008x1xf32>,
    %broadcast_in_dim3A_52 = vector.broadcast %get3A_42 : f32 to vector<1008x1xf32>
    %swap3A_53 = arith.constant 0 : index
    %swap3A_54 = arith.constant 2 : index
    %swap3A_55 = vector.load %arg9[%swap3A_53, %swap3A_54] : memref<1008x4xf32, #tpu.memory_space<vmem>>, vector<1008x1xf32>
    tpu.vector_store %arg9[%swap3A_53, %swap3A_54], %broadcast_in_dim3A_52 {strides = array<i32>} : memref<1008x4xf32, #tpu.memory_space<vmem>>, vector<1008x1xf32>,
    %broadcast_in_dim3A_56 = vector.broadcast %get3A_44 : f32 to vector<1008x1xf32>
    %swap3A_57 = arith.constant 0 : index
    %swap3A_58 = arith.constant 3 : index
    %swap3A_59 = vector.load %arg9[%swap3A_57, %swap3A_58] : memref<1008x4xf32, #tpu.memory_space<vmem>>, vector<1008x1xf32>
    tpu.vector_store %arg9[%swap3A_57, %swap3A_58], %broadcast_in_dim3A_56 {strides = array<i32>} : memref<1008x4xf32, #tpu.memory_space<vmem>>, vector<1008x1xf32>,
    %iota3A = tpu.iota {dimensions = array<i32: 0>} : vector<8x4xi32>
    %iota3A_60 = tpu.iota {dimensions = array<i32: 1>} : vector<8x4xi32>
    %scan3A = arith.constant -1.000000e+30 : f32
    %scan3A_61 = arith.constant 2.048000e+04 : f32
    %scan3A_62 = arith.constant 0 : i32
    %scan3A_63 = arith.constant 0 : i32
    %scan3A_64 = arith.constant 224 : i32
    %scan3A_65 = arith.addi %scan3A_63, %scan3A_64 : i32
    %scan3A_66 = arith.constant 1 : i32
    %scan3A_67 = scf.for %scan3A_73 = %scan3A_63 to %scan3A_65 step %scan3A_66 iter_args(%scan3A_74 = %scan3A_62) -> (i32)  : i32 {
      %swap3A_75 = arith.constant 0 : i32
      %swap3A_76 = arith.constant 0 : index
      %swap3A_77 = memref.load %arg13[%swap3A_76] : memref<1xi32, #tpu.memory_space<smem>>
      memref.store %swap3A_75, %arg13[%swap3A_76] : memref<1xi32, #tpu.memory_space<smem>>
      %lt3A_78 = arith.cmpi slt, %scan3A_74, %get3A_26 : i32
      %convert_element_type3A_79 = arith.extui %lt3A_78 : i1 to i32
      %cond3A = arith.constant 0 : i32
      %cond3A_80 = arith.cmpi ne, %convert_element_type3A_79, %cond3A : i32
      scf.if %cond3A_80 {
        %get3A_83 = arith.constant 0 : index
        %get3A_84 = arith.constant 0 : index
        %get3A_85 = vector.load %arg11[%get3A_83, %get3A_84] : memref<8x512xf32, #tpu.memory_space<vmem>>, vector<8x512xf32>
        %get3A_86 = arith.constant 0 : index
        %get3A_87 = arith.constant 0 : index
        %get3A_88 = vector.load %arg4[%get3A_86, %get3A_87] : memref<8x512xf32, #tpu.memory_space<vmem>>, vector<8x512xf32>
        %get3A_89 = arith.constant 0 : index
        %get3A_90 = arith.constant 0 : index
        %get3A_91 = vector.load %arg5[%get3A_89, %get3A_90] : memref<8x512xf32, #tpu.memory_space<vmem>>, vector<8x512xf32>
        %get3A_92 = arith.constant 0 : index
        %get3A_93 = arith.constant 0 : index
        %get3A_94 = vector.load %arg6[%get3A_92, %get3A_93] : memref<8x512xf32, #tpu.memory_space<vmem>>, vector<8x512xf32>
        %get3A_95 = arith.constant 0 : index
        %get3A_96 = arith.constant 0 : index
        %get3A_97 = vector.load %arg7[%get3A_95, %get3A_96] : memref<8x512xf32, #tpu.memory_space<vmem>>, vector<8x512xf32>
        %get3A_98 = arith.constant 0 : index
        %get3A_99 = arith.constant 0 : index
        %get3A_100 = vector.load %arg8[%get3A_98, %get3A_99] : memref<8x512xf32, #tpu.memory_space<vmem>>, vector<8x512xf32>
        %get3A_101 = arith.constant 0 : index
        %get3A_102 = arith.constant 0 : index
        %get3A_103 = vector.load %arg12[%get3A_101, %get3A_102] : memref<8x512xf32, #tpu.memory_space<vmem>>, vector<8x512xf32>
        %reduce_max3A_104 = vector.shape_cast %get3A_85 : vector<8x512xf32> to vector<1x8x512xf32>
        %reduce_max3A_105 = arith.constant dense<0xFF800000> : vector<1xf32>
        %reduce_max3A_106 = vector.multi_reduction <maximumf>, %reduce_max3A_104, %reduce_max3A_105 [1, 2] : vector<1x8x512xf32> to vector<1xf32>
        %reduce_max3A_107 = vector.shape_cast %reduce_max3A_106 : vector<1xf32> to vector<1x1x1xf32>
        %reduce_max3A_108 = vector.extract %reduce_max3A_107[0, 0, 0] : f32 from vector<1x1x1xf32>
        %eq3A = vector.broadcast %reduce_max3A_108 : f32 to vector<8x512xf32>
        %eq3A_109 = arith.cmpf oeq, %get3A_85, %eq3A : vector<8x512xf32>
        %broadcast_in_dim3A_110 = vector.broadcast %scan3A : f32 to vector<8x512xf32>
        %select_n3A = arith.select %eq3A_109, %broadcast_in_dim3A_110, %get3A_85 : vector<8x512xi1>, vector<8x512xf32>
        %reduce_max3A_111 = vector.shape_cast %select_n3A : vector<8x512xf32> to vector<1x8x512xf32>
        %reduce_max3A_112 = arith.constant dense<0xFF800000> : vector<1xf32>
        %reduce_max3A_113 = vector.multi_reduction <maximumf>, %reduce_max3A_111, %reduce_max3A_112 [1, 2] : vector<1x8x512xf32> to vector<1xf32>
        %reduce_max3A_114 = vector.shape_cast %reduce_max3A_113 : vector<1xf32> to vector<1x1x1xf32>
        %reduce_max3A_115 = vector.extract %reduce_max3A_114[0, 0, 0] : f32 from vector<1x1x1xf32>
        %eq3A_116 = vector.broadcast %reduce_max3A_115 : f32 to vector<8x512xf32>
        %eq3A_117 = arith.cmpf oeq, %select_n3A, %eq3A_116 : vector<8x512xf32>
        %broadcast_in_dim3A_118 = vector.broadcast %scan3A : f32 to vector<8x512xf32>
        %select_n3A_119 = arith.select %eq3A_117, %broadcast_in_dim3A_118, %select_n3A : vector<8x512xi1>, vector<8x512xf32>
        %reduce_max3A_120 = vector.shape_cast %select_n3A_119 : vector<8x512xf32> to vector<1x8x512xf32>
        %reduce_max3A_121 = arith.constant dense<0xFF800000> : vector<1xf32>
        %reduce_max3A_122 = vector.multi_reduction <maximumf>, %reduce_max3A_120, %reduce_max3A_121 [1, 2] : vector<1x8x512xf32> to vector<1xf32>
        %reduce_max3A_123 = vector.shape_cast %reduce_max3A_122 : vector<1xf32> to vector<1x1x1xf32>
        %reduce_max3A_124 = vector.extract %reduce_max3A_123[0, 0, 0] : f32 from vector<1x1x1xf32>
        %eq3A_125 = vector.broadcast %reduce_max3A_124 : f32 to vector<8x512xf32>
        %eq3A_126 = arith.cmpf oeq, %select_n3A_119, %eq3A_125 : vector<8x512xf32>
        %broadcast_in_dim3A_127 = vector.broadcast %scan3A : f32 to vector<8x512xf32>
        %select_n3A_128 = arith.select %eq3A_126, %broadcast_in_dim3A_127, %select_n3A_119 : vector<8x512xi1>, vector<8x512xf32>
        %reduce_max3A_129 = vector.shape_cast %select_n3A_128 : vector<8x512xf32> to vector<1x8x512xf32>
        %reduce_max3A_130 = arith.constant dense<0xFF800000> : vector<1xf32>
        %reduce_max3A_131 = vector.multi_reduction <maximumf>, %reduce_max3A_129, %reduce_max3A_130 [1, 2] : vector<1x8x512xf32> to vector<1xf32>
        %reduce_max3A_132 = vector.shape_cast %reduce_max3A_131 : vector<1xf32> to vector<1x1x1xf32>
        %reduce_max3A_133 = vector.extract %reduce_max3A_132[0, 0, 0] : f32 from vector<1x1x1xf32>
        %eq3A_134 = vector.broadcast %reduce_max3A_133 : f32 to vector<8x512xf32>
        %eq3A_135 = arith.cmpf oeq, %select_n3A_128, %eq3A_134 : vector<8x512xf32>
        %broadcast_in_dim3A_136 = vector.broadcast %scan3A : f32 to vector<8x512xf32>
        %select_n3A_137 = arith.select %eq3A_135, %broadcast_in_dim3A_136, %select_n3A_128 : vector<8x512xi1>, vector<8x512xf32>
        %reduce_max3A_138 = vector.shape_cast %select_n3A_137 : vector<8x512xf32> to vector<1x8x512xf32>
        %reduce_max3A_139 = arith.constant dense<0xFF800000> : vector<1xf32>
        %reduce_max3A_140 = vector.multi_reduction <maximumf>, %reduce_max3A_138, %reduce_max3A_139 [1, 2] : vector<1x8x512xf32> to vector<1xf32>
        %reduce_max3A_141 = vector.shape_cast %reduce_max3A_140 : vector<1xf32> to vector<1x1x1xf32>
        %reduce_max3A_142 = vector.extract %reduce_max3A_141[0, 0, 0] : f32 from vector<1x1x1xf32>
        %eq3A_143 = vector.broadcast %reduce_max3A_142 : f32 to vector<8x512xf32>
        %eq3A_144 = arith.cmpf oeq, %select_n3A_137, %eq3A_143 : vector<8x512xf32>
        %broadcast_in_dim3A_145 = vector.broadcast %scan3A : f32 to vector<8x512xf32>
        %select_n3A_146 = arith.select %eq3A_144, %broadcast_in_dim3A_145, %select_n3A_137 : vector<8x512xi1>, vector<8x512xf32>
        %reduce_max3A_147 = vector.shape_cast %select_n3A_146 : vector<8x512xf32> to vector<1x8x512xf32>
        %reduce_max3A_148 = arith.constant dense<0xFF800000> : vector<1xf32>
        %reduce_max3A_149 = vector.multi_reduction <maximumf>, %reduce_max3A_147, %reduce_max3A_148 [1, 2] : vector<1x8x512xf32> to vector<1xf32>
        %reduce_max3A_150 = vector.shape_cast %reduce_max3A_149 : vector<1xf32> to vector<1x1x1xf32>
        %reduce_max3A_151 = vector.extract %reduce_max3A_150[0, 0, 0] : f32 from vector<1x1x1xf32>
        %eq3A_152 = vector.broadcast %reduce_max3A_151 : f32 to vector<8x512xf32>
        %eq3A_153 = arith.cmpf oeq, %select_n3A_146, %eq3A_152 : vector<8x512xf32>
        %broadcast_in_dim3A_154 = vector.broadcast %scan3A_61 : f32 to vector<8x512xf32>
        %select_n3A_155 = arith.select %eq3A_109, %get3A_88, %broadcast_in_dim3A_154 : vector<8x512xi1>, vector<8x512xf32>
        %reduce_min3A = vector.shape_cast %select_n3A_155 : vector<8x512xf32> to vector<1x8x512xf32>
        %reduce_min3A_156 = arith.constant dense<0x7F800000> : vector<1xf32>
        %reduce_min3A_157 = vector.multi_reduction <minimumf>, %reduce_min3A, %reduce_min3A_156 [1, 2] : vector<1x8x512xf32> to vector<1xf32>
        %reduce_min3A_158 = vector.shape_cast %reduce_min3A_157 : vector<1xf32> to vector<1x1x1xf32>
        %reduce_min3A_159 = vector.extract %reduce_min3A_158[0, 0, 0] : f32 from vector<1x1x1xf32>
        %eq3A_160 = vector.broadcast %reduce_min3A_159 : f32 to vector<8x512xf32>
        %eq3A_161 = arith.cmpf oeq, %get3A_88, %eq3A_160 : vector<8x512xf32>
        %jit3A = arith.constant 1.000000e+00 : f32
        %jit3A_162 = arith.constant 0.000000e+00 : f32
        %broadcast_in_dim3A_163 = vector.broadcast %jit3A : f32 to vector<8x512xf32>
        %broadcast_in_dim3A_164 = vector.broadcast %jit3A_162 : f32 to vector<8x512xf32>
        %select_n3A_165 = arith.select %eq3A_109, %broadcast_in_dim3A_163, %broadcast_in_dim3A_164 : vector<8x512xi1>, vector<8x512xf32>
        %reduce_sum3A = vector.shape_cast %select_n3A_165 : vector<8x512xf32> to vector<1x8x512xf32>
        %reduce_sum3A_166 = arith.constant dense<0.000000e+00> : vector<1xf32>
        %reduce_sum3A_167 = vector.multi_reduction <add>, %reduce_sum3A, %reduce_sum3A_166 [1, 2] : vector<1x8x512xf32> to vector<1xf32>
        %reduce_sum3A_168 = vector.shape_cast %reduce_sum3A_167 : vector<1xf32> to vector<1x1x1xf32>
        %reduce_sum3A_169 = vector.extract %reduce_sum3A_168[0, 0, 0] : f32 from vector<1x1x1xf32>
        %jit3A_170 = arith.constant 1.000000e+00 : f32
        %jit3A_171 = arith.constant 0.000000e+00 : f32
        %broadcast_in_dim3A_172 = vector.broadcast %jit3A_170 : f32 to vector<8x512xf32>
        %broadcast_in_dim3A_173 = vector.broadcast %jit3A_171 : f32 to vector<8x512xf32>
        %select_n3A_174 = arith.select %eq3A_117, %broadcast_in_dim3A_172, %broadcast_in_dim3A_173 : vector<8x512xi1>, vector<8x512xf32>
        %reduce_sum3A_175 = vector.shape_cast %select_n3A_174 : vector<8x512xf32> to vector<1x8x512xf32>
        %reduce_sum3A_176 = arith.constant dense<0.000000e+00> : vector<1xf32>
        %reduce_sum3A_177 = vector.multi_reduction <add>, %reduce_sum3A_175, %reduce_sum3A_176 [1, 2] : vector<1x8x512xf32> to vector<1xf32>
        %reduce_sum3A_178 = vector.shape_cast %reduce_sum3A_177 : vector<1xf32> to vector<1x1x1xf32>
        %reduce_sum3A_179 = vector.extract %reduce_sum3A_178[0, 0, 0] : f32 from vector<1x1x1xf32>
        %jit3A_180 = arith.constant 1.000000e+00 : f32
        %jit3A_181 = arith.constant 0.000000e+00 : f32
        %broadcast_in_dim3A_182 = vector.broadcast %jit3A_180 : f32 to vector<8x512xf32>
        %broadcast_in_dim3A_183 = vector.broadcast %jit3A_181 : f32 to vector<8x512xf32>
        %select_n3A_184 = arith.select %eq3A_126, %broadcast_in_dim3A_182, %broadcast_in_dim3A_183 : vector<8x512xi1>, vector<8x512xf32>
        %reduce_sum3A_185 = vector.shape_cast %select_n3A_184 : vector<8x512xf32> to vector<1x8x512xf32>
        %reduce_sum3A_186 = arith.constant dense<0.000000e+00> : vector<1xf32>
        %reduce_sum3A_187 = vector.multi_reduction <add>, %reduce_sum3A_185, %reduce_sum3A_186 [1, 2] : vector<1x8x512xf32> to vector<1xf32>
        %reduce_sum3A_188 = vector.shape_cast %reduce_sum3A_187 : vector<1xf32> to vector<1x1x1xf32>
        %reduce_sum3A_189 = vector.extract %reduce_sum3A_188[0, 0, 0] : f32 from vector<1x1x1xf32>
        %jit3A_190 = arith.constant 1.000000e+00 : f32
        %jit3A_191 = arith.constant 0.000000e+00 : f32
        %broadcast_in_dim3A_192 = vector.broadcast %jit3A_190 : f32 to vector<8x512xf32>
        %broadcast_in_dim3A_193 = vector.broadcast %jit3A_191 : f32 to vector<8x512xf32>
        %select_n3A_194 = arith.select %eq3A_135, %broadcast_in_dim3A_192, %broadcast_in_dim3A_193 : vector<8x512xi1>, vector<8x512xf32>
        %reduce_sum3A_195 = vector.shape_cast %select_n3A_194 : vector<8x512xf32> to vector<1x8x512xf32>
        %reduce_sum3A_196 = arith.constant dense<0.000000e+00> : vector<1xf32>
        %reduce_sum3A_197 = vector.multi_reduction <add>, %reduce_sum3A_195, %reduce_sum3A_196 [1, 2] : vector<1x8x512xf32> to vector<1xf32>
        %reduce_sum3A_198 = vector.shape_cast %reduce_sum3A_197 : vector<1xf32> to vector<1x1x1xf32>
        %reduce_sum3A_199 = vector.extract %reduce_sum3A_198[0, 0, 0] : f32 from vector<1x1x1xf32>
        %jit3A_200 = arith.constant 1.000000e+00 : f32
        %jit3A_201 = arith.constant 0.000000e+00 : f32
        %broadcast_in_dim3A_202 = vector.broadcast %jit3A_200 : f32 to vector<8x512xf32>
        %broadcast_in_dim3A_203 = vector.broadcast %jit3A_201 : f32 to vector<8x512xf32>
        %select_n3A_204 = arith.select %eq3A_144, %broadcast_in_dim3A_202, %broadcast_in_dim3A_203 : vector<8x512xi1>, vector<8x512xf32>
        %reduce_sum3A_205 = vector.shape_cast %select_n3A_204 : vector<8x512xf32> to vector<1x8x512xf32>
        %reduce_sum3A_206 = arith.constant dense<0.000000e+00> : vector<1xf32>
        %reduce_sum3A_207 = vector.multi_reduction <add>, %reduce_sum3A_205, %reduce_sum3A_206 [1, 2] : vector<1x8x512xf32> to vector<1xf32>
        %reduce_sum3A_208 = vector.shape_cast %reduce_sum3A_207 : vector<1xf32> to vector<1x1x1xf32>
        %reduce_sum3A_209 = vector.extract %reduce_sum3A_208[0, 0, 0] : f32 from vector<1x1x1xf32>
        %jit3A_210 = arith.constant 1.000000e+00 : f32
        %jit3A_211 = arith.constant 0.000000e+00 : f32
        %broadcast_in_dim3A_212 = vector.broadcast %jit3A_210 : f32 to vector<8x512xf32>
        %broadcast_in_dim3A_213 = vector.broadcast %jit3A_211 : f32 to vector<8x512xf32>
        %select_n3A_214 = arith.select %eq3A_153, %broadcast_in_dim3A_212, %broadcast_in_dim3A_213 : vector<8x512xi1>, vector<8x512xf32>
        %reduce_sum3A_215 = vector.shape_cast %select_n3A_214 : vector<8x512xf32> to vector<1x8x512xf32>
        %reduce_sum3A_216 = arith.constant dense<0.000000e+00> : vector<1xf32>
        %reduce_sum3A_217 = vector.multi_reduction <add>, %reduce_sum3A_215, %reduce_sum3A_216 [1, 2] : vector<1x8x512xf32> to vector<1xf32>
        %reduce_sum3A_218 = vector.shape_cast %reduce_sum3A_217 : vector<1xf32> to vector<1x1x1xf32>
        %reduce_sum3A_219 = vector.extract %reduce_sum3A_218[0, 0, 0] : f32 from vector<1x1x1xf32>
        %broadcast_in_dim3A_220 = vector.broadcast %scan3A : f32 to vector<8x512xf32>
        %select_n3A_221 = arith.select %eq3A_161, %get3A_91, %broadcast_in_dim3A_220 : vector<8x512xi1>, vector<8x512xf32>
        %reduce_max3A_222 = vector.shape_cast %select_n3A_221 : vector<8x512xf32> to vector<1x8x512xf32>
        %reduce_max3A_223 = arith.constant dense<0xFF800000> : vector<1xf32>
        %reduce_max3A_224 = vector.multi_reduction <maximumf>, %reduce_max3A_222, %reduce_max3A_223 [1, 2] : vector<1x8x512xf32> to vector<1xf32>
        %reduce_max3A_225 = vector.shape_cast %reduce_max3A_224 : vector<1xf32> to vector<1x1x1xf32>
        %reduce_max3A_226 = vector.extract %reduce_max3A_225[0, 0, 0] : f32 from vector<1x1x1xf32>
        %broadcast_in_dim3A_227 = vector.broadcast %scan3A : f32 to vector<8x512xf32>
        %select_n3A_228 = arith.select %eq3A_161, %get3A_94, %broadcast_in_dim3A_227 : vector<8x512xi1>, vector<8x512xf32>
        %reduce_max3A_229 = vector.shape_cast %select_n3A_228 : vector<8x512xf32> to vector<1x8x512xf32>
        %reduce_max3A_230 = arith.constant dense<0xFF800000> : vector<1xf32>
        %reduce_max3A_231 = vector.multi_reduction <maximumf>, %reduce_max3A_229, %reduce_max3A_230 [1, 2] : vector<1x8x512xf32> to vector<1xf32>
        %reduce_max3A_232 = vector.shape_cast %reduce_max3A_231 : vector<1xf32> to vector<1x1x1xf32>
        %reduce_max3A_233 = vector.extract %reduce_max3A_232[0, 0, 0] : f32 from vector<1x1x1xf32>
        %broadcast_in_dim3A_234 = vector.broadcast %scan3A : f32 to vector<8x512xf32>
        %select_n3A_235 = arith.select %eq3A_161, %get3A_97, %broadcast_in_dim3A_234 : vector<8x512xi1>, vector<8x512xf32>
        %reduce_max3A_236 = vector.shape_cast %select_n3A_235 : vector<8x512xf32> to vector<1x8x512xf32>
        %reduce_max3A_237 = arith.constant dense<0xFF800000> : vector<1xf32>
        %reduce_max3A_238 = vector.multi_reduction <maximumf>, %reduce_max3A_236, %reduce_max3A_237 [1, 2] : vector<1x8x512xf32> to vector<1xf32>
        %reduce_max3A_239 = vector.shape_cast %reduce_max3A_238 : vector<1xf32> to vector<1x1x1xf32>
        %reduce_max3A_240 = vector.extract %reduce_max3A_239[0, 0, 0] : f32 from vector<1x1x1xf32>
        %broadcast_in_dim3A_241 = vector.broadcast %scan3A : f32 to vector<8x512xf32>
        %select_n3A_242 = arith.select %eq3A_161, %get3A_100, %broadcast_in_dim3A_241 : vector<8x512xi1>, vector<8x512xf32>
        %reduce_max3A_243 = vector.shape_cast %select_n3A_242 : vector<8x512xf32> to vector<1x8x512xf32>
        %reduce_max3A_244 = arith.constant dense<0xFF800000> : vector<1xf32>
        %reduce_max3A_245 = vector.multi_reduction <maximumf>, %reduce_max3A_243, %reduce_max3A_244 [1, 2] : vector<1x8x512xf32> to vector<1xf32>
        %reduce_max3A_246 = vector.shape_cast %reduce_max3A_245 : vector<1xf32> to vector<1x1x1xf32>
        %reduce_max3A_247 = vector.extract %reduce_max3A_246[0, 0, 0] : f32 from vector<1x1x1xf32>
        %sub3A_248 = arith.subf %reduce_max3A_240, %reduce_max3A_226 : f32
        %max3A_249 = arith.constant 0.000000e+00 : f32
        %max3A_250 = arith.maximumf %sub3A_248, %max3A_249 : f32
        %sub3A_251 = arith.subf %reduce_max3A_247, %reduce_max3A_233 : f32
        %max3A_252 = arith.constant 0.000000e+00 : f32
        %max3A_253 = arith.maximumf %sub3A_251, %max3A_252 : f32
        %mul3A_254 = arith.mulf %max3A_250, %max3A_253 : f32
        %broadcast_in_dim3A_255 = vector.broadcast %scan3A : f32 to vector<8x512xf32>
        %select_n3A_256 = arith.select %eq3A_117, %get3A_91, %broadcast_in_dim3A_255 : vector<8x512xi1>, vector<8x512xf32>
        %reduce_max3A_257 = vector.shape_cast %select_n3A_256 : vector<8x512xf32> to vector<1x8x512xf32>
        %reduce_max3A_258 = arith.constant dense<0xFF800000> : vector<1xf32>
        %reduce_max3A_259 = vector.multi_reduction <maximumf>, %reduce_max3A_257, %reduce_max3A_258 [1, 2] : vector<1x8x512xf32> to vector<1xf32>
        %reduce_max3A_260 = vector.shape_cast %reduce_max3A_259 : vector<1xf32> to vector<1x1x1xf32>
        %reduce_max3A_261 = vector.extract %reduce_max3A_260[0, 0, 0] : f32 from vector<1x1x1xf32>
        %broadcast_in_dim3A_262 = vector.broadcast %scan3A : f32 to vector<8x512xf32>
        %select_n3A_263 = arith.select %eq3A_117, %get3A_94, %broadcast_in_dim3A_262 : vector<8x512xi1>, vector<8x512xf32>
        %reduce_max3A_264 = vector.shape_cast %select_n3A_263 : vector<8x512xf32> to vector<1x8x512xf32>
        %reduce_max3A_265 = arith.constant dense<0xFF800000> : vector<1xf32>
        %reduce_max3A_266 = vector.multi_reduction <maximumf>, %reduce_max3A_264, %reduce_max3A_265 [1, 2] : vector<1x8x512xf32> to vector<1xf32>
        %reduce_max3A_267 = vector.shape_cast %reduce_max3A_266 : vector<1xf32> to vector<1x1x1xf32>
        %reduce_max3A_268 = vector.extract %reduce_max3A_267[0, 0, 0] : f32 from vector<1x1x1xf32>
        %broadcast_in_dim3A_269 = vector.broadcast %scan3A : f32 to vector<8x512xf32>
        %select_n3A_270 = arith.select %eq3A_117, %get3A_97, %broadcast_in_dim3A_269 : vector<8x512xi1>, vector<8x512xf32>
        %reduce_max3A_271 = vector.shape_cast %select_n3A_270 : vector<8x512xf32> to vector<1x8x512xf32>
        %reduce_max3A_272 = arith.constant dense<0xFF800000> : vector<1xf32>
        %reduce_max3A_273 = vector.multi_reduction <maximumf>, %reduce_max3A_271, %reduce_max3A_272 [1, 2] : vector<1x8x512xf32> to vector<1xf32>
        %reduce_max3A_274 = vector.shape_cast %reduce_max3A_273 : vector<1xf32> to vector<1x1x1xf32>
        %reduce_max3A_275 = vector.extract %reduce_max3A_274[0, 0, 0] : f32 from vector<1x1x1xf32>
        %broadcast_in_dim3A_276 = vector.broadcast %scan3A : f32 to vector<8x512xf32>
        %select_n3A_277 = arith.select %eq3A_117, %get3A_100, %broadcast_in_dim3A_276 : vector<8x512xi1>, vector<8x512xf32>
        %reduce_max3A_278 = vector.shape_cast %select_n3A_277 : vector<8x512xf32> to vector<1x8x512xf32>
        %reduce_max3A_279 = arith.constant dense<0xFF800000> : vector<1xf32>
        %reduce_max3A_280 = vector.multi_reduction <maximumf>, %reduce_max3A_278, %reduce_max3A_279 [1, 2] : vector<1x8x512xf32> to vector<1xf32>
        %reduce_max3A_281 = vector.shape_cast %reduce_max3A_280 : vector<1xf32> to vector<1x1x1xf32>
        %reduce_max3A_282 = vector.extract %reduce_max3A_281[0, 0, 0] : f32 from vector<1x1x1xf32>
        %sub3A_283 = arith.subf %reduce_max3A_275, %reduce_max3A_261 : f32
        %max3A_284 = arith.constant 0.000000e+00 : f32
        %max3A_285 = arith.maximumf %sub3A_283, %max3A_284 : f32
        %sub3A_286 = arith.subf %reduce_max3A_282, %reduce_max3A_268 : f32
        %max3A_287 = arith.constant 0.000000e+00 : f32
        %max3A_288 = arith.maximumf %sub3A_286, %max3A_287 : f32
        %mul3A_289 = arith.mulf %max3A_285, %max3A_288 : f32
        %broadcast_in_dim3A_290 = vector.broadcast %scan3A : f32 to vector<8x512xf32>
        %select_n3A_291 = arith.select %eq3A_126, %get3A_91, %broadcast_in_dim3A_290 : vector<8x512xi1>, vector<8x512xf32>
        %reduce_max3A_292 = vector.shape_cast %select_n3A_291 : vector<8x512xf32> to vector<1x8x512xf32>
        %reduce_max3A_293 = arith.constant dense<0xFF800000> : vector<1xf32>
        %reduce_max3A_294 = vector.multi_reduction <maximumf>, %reduce_max3A_292, %reduce_max3A_293 [1, 2] : vector<1x8x512xf32> to vector<1xf32>
        %reduce_max3A_295 = vector.shape_cast %reduce_max3A_294 : vector<1xf32> to vector<1x1x1xf32>
        %reduce_max3A_296 = vector.extract %reduce_max3A_295[0, 0, 0] : f32 from vector<1x1x1xf32>
        %broadcast_in_dim3A_297 = vector.broadcast %scan3A : f32 to vector<8x512xf32>
        %select_n3A_298 = arith.select %eq3A_126, %get3A_94, %broadcast_in_dim3A_297 : vector<8x512xi1>, vector<8x512xf32>
        %reduce_max3A_299 = vector.shape_cast %select_n3A_298 : vector<8x512xf32> to vector<1x8x512xf32>
        %reduce_max3A_300 = arith.constant dense<0xFF800000> : vector<1xf32>
        %reduce_max3A_301 = vector.multi_reduction <maximumf>, %reduce_max3A_299, %reduce_max3A_300 [1, 2] : vector<1x8x512xf32> to vector<1xf32>
        %reduce_max3A_302 = vector.shape_cast %reduce_max3A_301 : vector<1xf32> to vector<1x1x1xf32>
        %reduce_max3A_303 = vector.extract %reduce_max3A_302[0, 0, 0] : f32 from vector<1x1x1xf32>
        %broadcast_in_dim3A_304 = vector.broadcast %scan3A : f32 to vector<8x512xf32>
        %select_n3A_305 = arith.select %eq3A_126, %get3A_97, %broadcast_in_dim3A_304 : vector<8x512xi1>, vector<8x512xf32>
        %reduce_max3A_306 = vector.shape_cast %select_n3A_305 : vector<8x512xf32> to vector<1x8x512xf32>
        %reduce_max3A_307 = arith.constant dense<0xFF800000> : vector<1xf32>
        %reduce_max3A_308 = vector.multi_reduction <maximumf>, %reduce_max3A_306, %reduce_max3A_307 [1, 2] : vector<1x8x512xf32> to vector<1xf32>
        %reduce_max3A_309 = vector.shape_cast %reduce_max3A_308 : vector<1xf32> to vector<1x1x1xf32>
        %reduce_max3A_310 = vector.extract %reduce_max3A_309[0, 0, 0] : f32 from vector<1x1x1xf32>
        %broadcast_in_dim3A_311 = vector.broadcast %scan3A : f32 to vector<8x512xf32>
        %select_n3A_312 = arith.select %eq3A_126, %get3A_100, %broadcast_in_dim3A_311 : vector<8x512xi1>, vector<8x512xf32>
        %reduce_max3A_313 = vector.shape_cast %select_n3A_312 : vector<8x512xf32> to vector<1x8x512xf32>
        %reduce_max3A_314 = arith.constant dense<0xFF800000> : vector<1xf32>
        %reduce_max3A_315 = vector.multi_reduction <maximumf>, %reduce_max3A_313, %reduce_max3A_314 [1, 2] : vector<1x8x512xf32> to vector<1xf32>
        %reduce_max3A_316 = vector.shape_cast %reduce_max3A_315 : vector<1xf32> to vector<1x1x1xf32>
        %reduce_max3A_317 = vector.extract %reduce_max3A_316[0, 0, 0] : f32 from vector<1x1x1xf32>
        %sub3A_318 = arith.subf %reduce_max3A_310, %reduce_max3A_296 : f32
        %max3A_319 = arith.constant 0.000000e+00 : f32
        %max3A_320 = arith.maximumf %sub3A_318, %max3A_319 : f32
        %sub3A_321 = arith.subf %reduce_max3A_317, %reduce_max3A_303 : f32
        %max3A_322 = arith.constant 0.000000e+00 : f32
        %max3A_323 = arith.maximumf %sub3A_321, %max3A_322 : f32
        %mul3A_324 = arith.mulf %max3A_320, %max3A_323 : f32
        %broadcast_in_dim3A_325 = vector.broadcast %scan3A : f32 to vector<8x512xf32>
        %select_n3A_326 = arith.select %eq3A_135, %get3A_91, %broadcast_in_dim3A_325 : vector<8x512xi1>, vector<8x512xf32>
        %reduce_max3A_327 = vector.shape_cast %select_n3A_326 : vector<8x512xf32> to vector<1x8x512xf32>
        %reduce_max3A_328 = arith.constant dense<0xFF800000> : vector<1xf32>
        %reduce_max3A_329 = vector.multi_reduction <maximumf>, %reduce_max3A_327, %reduce_max3A_328 [1, 2] : vector<1x8x512xf32> to vector<1xf32>
        %reduce_max3A_330 = vector.shape_cast %reduce_max3A_329 : vector<1xf32> to vector<1x1x1xf32>
        %reduce_max3A_331 = vector.extract %reduce_max3A_330[0, 0, 0] : f32 from vector<1x1x1xf32>
        %broadcast_in_dim3A_332 = vector.broadcast %scan3A : f32 to vector<8x512xf32>
        %select_n3A_333 = arith.select %eq3A_135, %get3A_94, %broadcast_in_dim3A_332 : vector<8x512xi1>, vector<8x512xf32>
        %reduce_max3A_334 = vector.shape_cast %select_n3A_333 : vector<8x512xf32> to vector<1x8x512xf32>
        %reduce_max3A_335 = arith.constant dense<0xFF800000> : vector<1xf32>
        %reduce_max3A_336 = vector.multi_reduction <maximumf>, %reduce_max3A_334, %reduce_max3A_335 [1, 2] : vector<1x8x512xf32> to vector<1xf32>
        %reduce_max3A_337 = vector.shape_cast %reduce_max3A_336 : vector<1xf32> to vector<1x1x1xf32>
        %reduce_max3A_338 = vector.extract %reduce_max3A_337[0, 0, 0] : f32 from vector<1x1x1xf32>
        %broadcast_in_dim3A_339 = vector.broadcast %scan3A : f32 to vector<8x512xf32>
        %select_n3A_340 = arith.select %eq3A_135, %get3A_97, %broadcast_in_dim3A_339 : vector<8x512xi1>, vector<8x512xf32>
        %reduce_max3A_341 = vector.shape_cast %select_n3A_340 : vector<8x512xf32> to vector<1x8x512xf32>
        %reduce_max3A_342 = arith.constant dense<0xFF800000> : vector<1xf32>
        %reduce_max3A_343 = vector.multi_reduction <maximumf>, %reduce_max3A_341, %reduce_max3A_342 [1, 2] : vector<1x8x512xf32> to vector<1xf32>
        %reduce_max3A_344 = vector.shape_cast %reduce_max3A_343 : vector<1xf32> to vector<1x1x1xf32>
        %reduce_max3A_345 = vector.extract %reduce_max3A_344[0, 0, 0] : f32 from vector<1x1x1xf32>
        %broadcast_in_dim3A_346 = vector.broadcast %scan3A : f32 to vector<8x512xf32>
        %select_n3A_347 = arith.select %eq3A_135, %get3A_100, %broadcast_in_dim3A_346 : vector<8x512xi1>, vector<8x512xf32>
        %reduce_max3A_348 = vector.shape_cast %select_n3A_347 : vector<8x512xf32> to vector<1x8x512xf32>
        %reduce_max3A_349 = arith.constant dense<0xFF800000> : vector<1xf32>
        %reduce_max3A_350 = vector.multi_reduction <maximumf>, %reduce_max3A_348, %reduce_max3A_349 [1, 2] : vector<1x8x512xf32> to vector<1xf32>
        %reduce_max3A_351 = vector.shape_cast %reduce_max3A_350 : vector<1xf32> to vector<1x1x1xf32>
        %reduce_max3A_352 = vector.extract %reduce_max3A_351[0, 0, 0] : f32 from vector<1x1x1xf32>
        %sub3A_353 = arith.subf %reduce_max3A_345, %reduce_max3A_331 : f32
        %max3A_354 = arith.constant 0.000000e+00 : f32
        %max3A_355 = arith.maximumf %sub3A_353, %max3A_354 : f32
        %sub3A_356 = arith.subf %reduce_max3A_352, %reduce_max3A_338 : f32
        %max3A_357 = arith.constant 0.000000e+00 : f32
        %max3A_358 = arith.maximumf %sub3A_356, %max3A_357 : f32
        %mul3A_359 = arith.mulf %max3A_355, %max3A_358 : f32
        %broadcast_in_dim3A_360 = vector.broadcast %scan3A : f32 to vector<8x512xf32>
        %select_n3A_361 = arith.select %eq3A_144, %get3A_91, %broadcast_in_dim3A_360 : vector<8x512xi1>, vector<8x512xf32>
        %reduce_max3A_362 = vector.shape_cast %select_n3A_361 : vector<8x512xf32> to vector<1x8x512xf32>
        %reduce_max3A_363 = arith.constant dense<0xFF800000> : vector<1xf32>
        %reduce_max3A_364 = vector.multi_reduction <maximumf>, %reduce_max3A_362, %reduce_max3A_363 [1, 2] : vector<1x8x512xf32> to vector<1xf32>
        %reduce_max3A_365 = vector.shape_cast %reduce_max3A_364 : vector<1xf32> to vector<1x1x1xf32>
        %reduce_max3A_366 = vector.extract %reduce_max3A_365[0, 0, 0] : f32 from vector<1x1x1xf32>
        %broadcast_in_dim3A_367 = vector.broadcast %scan3A : f32 to vector<8x512xf32>
        %select_n3A_368 = arith.select %eq3A_144, %get3A_94, %broadcast_in_dim3A_367 : vector<8x512xi1>, vector<8x512xf32>
        %reduce_max3A_369 = vector.shape_cast %select_n3A_368 : vector<8x512xf32> to vector<1x8x512xf32>
        %reduce_max3A_370 = arith.constant dense<0xFF800000> : vector<1xf32>
        %reduce_max3A_371 = vector.multi_reduction <maximumf>, %reduce_max3A_369, %reduce_max3A_370 [1, 2] : vector<1x8x512xf32> to vector<1xf32>
        %reduce_max3A_372 = vector.shape_cast %reduce_max3A_371 : vector<1xf32> to vector<1x1x1xf32>
        %reduce_max3A_373 = vector.extract %reduce_max3A_372[0, 0, 0] : f32 from vector<1x1x1xf32>
        %broadcast_in_dim3A_374 = vector.broadcast %scan3A : f32 to vector<8x512xf32>
        %select_n3A_375 = arith.select %eq3A_144, %get3A_97, %broadcast_in_dim3A_374 : vector<8x512xi1>, vector<8x512xf32>
        %reduce_max3A_376 = vector.shape_cast %select_n3A_375 : vector<8x512xf32> to vector<1x8x512xf32>
        %reduce_max3A_377 = arith.constant dense<0xFF800000> : vector<1xf32>
        %reduce_max3A_378 = vector.multi_reduction <maximumf>, %reduce_max3A_376, %reduce_max3A_377 [1, 2] : vector<1x8x512xf32> to vector<1xf32>
        %reduce_max3A_379 = vector.shape_cast %reduce_max3A_378 : vector<1xf32> to vector<1x1x1xf32>
        %reduce_max3A_380 = vector.extract %reduce_max3A_379[0, 0, 0] : f32 from vector<1x1x1xf32>
        %broadcast_in_dim3A_381 = vector.broadcast %scan3A : f32 to vector<8x512xf32>
        %select_n3A_382 = arith.select %eq3A_144, %get3A_100, %broadcast_in_dim3A_381 : vector<8x512xi1>, vector<8x512xf32>
        %reduce_max3A_383 = vector.shape_cast %select_n3A_382 : vector<8x512xf32> to vector<1x8x512xf32>
        %reduce_max3A_384 = arith.constant dense<0xFF800000> : vector<1xf32>
        %reduce_max3A_385 = vector.multi_reduction <maximumf>, %reduce_max3A_383, %reduce_max3A_384 [1, 2] : vector<1x8x512xf32> to vector<1xf32>
        %reduce_max3A_386 = vector.shape_cast %reduce_max3A_385 : vector<1xf32> to vector<1x1x1xf32>
        %reduce_max3A_387 = vector.extract %reduce_max3A_386[0, 0, 0] : f32 from vector<1x1x1xf32>
        %sub3A_388 = arith.subf %reduce_max3A_380, %reduce_max3A_366 : f32
        %max3A_389 = arith.constant 0.000000e+00 : f32
        %max3A_390 = arith.maximumf %sub3A_388, %max3A_389 : f32
        %sub3A_391 = arith.subf %reduce_max3A_387, %reduce_max3A_373 : f32
        %max3A_392 = arith.constant 0.000000e+00 : f32
        %max3A_393 = arith.maximumf %sub3A_391, %max3A_392 : f32
        %mul3A_394 = arith.mulf %max3A_390, %max3A_393 : f32
        %broadcast_in_dim3A_395 = vector.broadcast %scan3A : f32 to vector<8x512xf32>
        %select_n3A_396 = arith.select %eq3A_153, %get3A_91, %broadcast_in_dim3A_395 : vector<8x512xi1>, vector<8x512xf32>
        %reduce_max3A_397 = vector.shape_cast %select_n3A_396 : vector<8x512xf32> to vector<1x8x512xf32>
        %reduce_max3A_398 = arith.constant dense<0xFF800000> : vector<1xf32>
        %reduce_max3A_399 = vector.multi_reduction <maximumf>, %reduce_max3A_397, %reduce_max3A_398 [1, 2] : vector<1x8x512xf32> to vector<1xf32>
        %reduce_max3A_400 = vector.shape_cast %reduce_max3A_399 : vector<1xf32> to vector<1x1x1xf32>
        %reduce_max3A_401 = vector.extract %reduce_max3A_400[0, 0, 0] : f32 from vector<1x1x1xf32>
        %broadcast_in_dim3A_402 = vector.broadcast %scan3A : f32 to vector<8x512xf32>
        %select_n3A_403 = arith.select %eq3A_153, %get3A_94, %broadcast_in_dim3A_402 : vector<8x512xi1>, vector<8x512xf32>
        %reduce_max3A_404 = vector.shape_cast %select_n3A_403 : vector<8x512xf32> to vector<1x8x512xf32>
        %reduce_max3A_405 = arith.constant dense<0xFF800000> : vector<1xf32>
        %reduce_max3A_406 = vector.multi_reduction <maximumf>, %reduce_max3A_404, %reduce_max3A_405 [1, 2] : vector<1x8x512xf32> to vector<1xf32>
        %reduce_max3A_407 = vector.shape_cast %reduce_max3A_406 : vector<1xf32> to vector<1x1x1xf32>
        %reduce_max3A_408 = vector.extract %reduce_max3A_407[0, 0, 0] : f32 from vector<1x1x1xf32>
        %broadcast_in_dim3A_409 = vector.broadcast %scan3A : f32 to vector<8x512xf32>
        %select_n3A_410 = arith.select %eq3A_153, %get3A_97, %broadcast_in_dim3A_409 : vector<8x512xi1>, vector<8x512xf32>
        %reduce_max3A_411 = vector.shape_cast %select_n3A_410 : vector<8x512xf32> to vector<1x8x512xf32>
        %reduce_max3A_412 = arith.constant dense<0xFF800000> : vector<1xf32>
        %reduce_max3A_413 = vector.multi_reduction <maximumf>, %reduce_max3A_411, %reduce_max3A_412 [1, 2] : vector<1x8x512xf32> to vector<1xf32>
        %reduce_max3A_414 = vector.shape_cast %reduce_max3A_413 : vector<1xf32> to vector<1x1x1xf32>
        %reduce_max3A_415 = vector.extract %reduce_max3A_414[0, 0, 0] : f32 from vector<1x1x1xf32>
        %broadcast_in_dim3A_416 = vector.broadcast %scan3A : f32 to vector<8x512xf32>
        %select_n3A_417 = arith.select %eq3A_153, %get3A_100, %broadcast_in_dim3A_416 : vector<8x512xi1>, vector<8x512xf32>
        %reduce_max3A_418 = vector.shape_cast %select_n3A_417 : vector<8x512xf32> to vector<1x8x512xf32>
        %reduce_max3A_419 = arith.constant dense<0xFF800000> : vector<1xf32>
        %reduce_max3A_420 = vector.multi_reduction <maximumf>, %reduce_max3A_418, %reduce_max3A_419 [1, 2] : vector<1x8x512xf32> to vector<1xf32>
        %reduce_max3A_421 = vector.shape_cast %reduce_max3A_420 : vector<1xf32> to vector<1x1x1xf32>
        %reduce_max3A_422 = vector.extract %reduce_max3A_421[0, 0, 0] : f32 from vector<1x1x1xf32>
        %sub3A_423 = arith.subf %reduce_max3A_415, %reduce_max3A_401 : f32
        %max3A_424 = arith.constant 0.000000e+00 : f32
        %max3A_425 = arith.maximumf %sub3A_423, %max3A_424 : f32
        %sub3A_426 = arith.subf %reduce_max3A_422, %reduce_max3A_408 : f32
        %max3A_427 = arith.constant 0.000000e+00 : f32
        %max3A_428 = arith.maximumf %sub3A_426, %max3A_427 : f32
        %mul3A_429 = arith.mulf %max3A_425, %max3A_428 : f32
        %le3A = arith.constant 1.000000e+00 : f32
        %le3A_430 = arith.cmpf ole, %reduce_sum3A_169, %le3A : f32
        %le3A_431 = arith.constant 1.000000e+00 : f32
        %le3A_432 = arith.cmpf ole, %reduce_sum3A_179, %le3A_431 : f32
        %and3A = arith.andi %le3A_430, %le3A_432 : i1
        %gt3A = arith.constant -5.000000e+29 : f32
        %gt3A_433 = arith.cmpf ogt, %reduce_max3A_115, %gt3A : f32
        %and3A_434 = arith.andi %and3A, %gt3A_433 : i1
        %le3A_435 = arith.constant 1.000000e+00 : f32
        %le3A_436 = arith.cmpf ole, %reduce_sum3A_189, %le3A_435 : f32
        %and3A_437 = arith.andi %and3A_434, %le3A_436 : i1
        %gt3A_438 = arith.constant -5.000000e+29 : f32
        %gt3A_439 = arith.cmpf ogt, %reduce_max3A_124, %gt3A_438 : f32
        %and3A_440 = arith.andi %and3A_437, %gt3A_439 : i1
        %le3A_441 = arith.constant 1.000000e+00 : f32
        %le3A_442 = arith.cmpf ole, %reduce_sum3A_199, %le3A_441 : f32
        %and3A_443 = arith.andi %and3A_440, %le3A_442 : i1
        %gt3A_444 = arith.constant -5.000000e+29 : f32
        %gt3A_445 = arith.cmpf ogt, %reduce_max3A_133, %gt3A_444 : f32
        %and3A_446 = arith.andi %and3A_443, %gt3A_445 : i1
        %le3A_447 = arith.constant 1.000000e+00 : f32
        %le3A_448 = arith.cmpf ole, %reduce_sum3A_209, %le3A_447 : f32
        %and3A_449 = arith.andi %and3A_446, %le3A_448 : i1
        %gt3A_450 = arith.constant -5.000000e+29 : f32
        %gt3A_451 = arith.cmpf ogt, %reduce_max3A_142, %gt3A_450 : f32
        %and3A_452 = arith.andi %and3A_449, %gt3A_451 : i1
        %le3A_453 = arith.constant 1.000000e+00 : f32
        %le3A_454 = arith.cmpf ole, %reduce_sum3A_219, %le3A_453 : f32
        %and3A_455 = arith.andi %and3A_452, %le3A_454 : i1
        %gt3A_456 = arith.constant -5.000000e+29 : f32
        %gt3A_457 = arith.cmpf ogt, %reduce_max3A_151, %gt3A_456 : f32
        %and3A_458 = arith.andi %and3A_455, %gt3A_457 : i1
        %max3A_459 = arith.maximumf %reduce_max3A_226, %reduce_max3A_261 : f32
        %max3A_460 = arith.maximumf %reduce_max3A_233, %reduce_max3A_268 : f32
        %min3A = arith.minimumf %reduce_max3A_240, %reduce_max3A_275 : f32
        %min3A_461 = arith.minimumf %reduce_max3A_247, %reduce_max3A_282 : f32
        %sub3A_462 = arith.subf %min3A, %max3A_459 : f32
        %max3A_463 = arith.constant 0.000000e+00 : f32
        %max3A_464 = arith.maximumf %sub3A_462, %max3A_463 : f32
        %sub3A_465 = arith.subf %min3A_461, %max3A_460 : f32
        %max3A_466 = arith.constant 0.000000e+00 : f32
        %max3A_467 = arith.maximumf %sub3A_465, %max3A_466 : f32
        %mul3A_468 = arith.mulf %max3A_464, %max3A_467 : f32
        %add3A_469 = arith.addf %mul3A_254, %mul3A_289 : f32
        %sub3A_470 = arith.subf %add3A_469, %mul3A_468 : f32
        %gt3A_471 = arith.constant 0.000000e+00 : f32
        %gt3A_472 = arith.cmpf ogt, %sub3A_470, %gt3A_471 : f32
        %div3A = arith.divf %mul3A_468, %sub3A_470 : f32
        %jit3A_473 = arith.constant 0.000000e+00 : f32
        %select_n3A_474 = arith.select %gt3A_472, %div3A, %jit3A_473 : f32
        %ge3A = arith.constant 0.699999988 : f32
        %ge3A_475 = arith.cmpf oge, %select_n3A_474, %ge3A : f32
        %not3A = arith.constant true
        %not3A_476 = arith.xori %ge3A_475, %not3A : i1
        %and3A_477 = arith.andi %and3A_434, %not3A_476 : i1
        %max3A_478 = arith.maximumf %reduce_max3A_261, %reduce_max3A_296 : f32
        %max3A_479 = arith.maximumf %reduce_max3A_268, %reduce_max3A_303 : f32
        %min3A_480 = arith.minimumf %reduce_max3A_275, %reduce_max3A_310 : f32
        %min3A_481 = arith.minimumf %reduce_max3A_282, %reduce_max3A_317 : f32
        %sub3A_482 = arith.subf %min3A_480, %max3A_478 : f32
        %max3A_483 = arith.constant 0.000000e+00 : f32
        %max3A_484 = arith.maximumf %sub3A_482, %max3A_483 : f32
        %sub3A_485 = arith.subf %min3A_481, %max3A_479 : f32
        %max3A_486 = arith.constant 0.000000e+00 : f32
        %max3A_487 = arith.maximumf %sub3A_485, %max3A_486 : f32
        %mul3A_488 = arith.mulf %max3A_484, %max3A_487 : f32
        %add3A_489 = arith.addf %mul3A_289, %mul3A_324 : f32
        %sub3A_490 = arith.subf %add3A_489, %mul3A_488 : f32
        %gt3A_491 = arith.constant 0.000000e+00 : f32
        %gt3A_492 = arith.cmpf ogt, %sub3A_490, %gt3A_491 : f32
        %div3A_493 = arith.divf %mul3A_488, %sub3A_490 : f32
        %jit3A_494 = arith.constant 0.000000e+00 : f32
        %select_n3A_495 = arith.select %gt3A_492, %div3A_493, %jit3A_494 : f32
        %ge3A_496 = arith.constant 0.699999988 : f32
        %ge3A_497 = arith.cmpf oge, %select_n3A_495, %ge3A_496 : f32
        %and3A_498 = arith.andi %and3A_477, %ge3A_497 : i1
        %max3A_499 = arith.maximumf %reduce_max3A_226, %reduce_max3A_296 : f32
        %max3A_500 = arith.maximumf %reduce_max3A_233, %reduce_max3A_303 : f32
        %min3A_501 = arith.minimumf %reduce_max3A_240, %reduce_max3A_310 : f32
        %min3A_502 = arith.minimumf %reduce_max3A_247, %reduce_max3A_317 : f32
        %sub3A_503 = arith.subf %min3A_501, %max3A_499 : f32
        %max3A_504 = arith.constant 0.000000e+00 : f32
        %max3A_505 = arith.maximumf %sub3A_503, %max3A_504 : f32
        %sub3A_506 = arith.subf %min3A_502, %max3A_500 : f32
        %max3A_507 = arith.constant 0.000000e+00 : f32
        %max3A_508 = arith.maximumf %sub3A_506, %max3A_507 : f32
        %mul3A_509 = arith.mulf %max3A_505, %max3A_508 : f32
        %add3A_510 = arith.addf %mul3A_254, %mul3A_324 : f32
        %sub3A_511 = arith.subf %add3A_510, %mul3A_509 : f32
        %gt3A_512 = arith.constant 0.000000e+00 : f32
        %gt3A_513 = arith.cmpf ogt, %sub3A_511, %gt3A_512 : f32
        %div3A_514 = arith.divf %mul3A_509, %sub3A_511 : f32
        %jit3A_515 = arith.constant 0.000000e+00 : f32
        %select_n3A_516 = arith.select %gt3A_513, %div3A_514, %jit3A_515 : f32
        %ge3A_517 = arith.constant 0.699999988 : f32
        %ge3A_518 = arith.cmpf oge, %select_n3A_516, %ge3A_517 : f32
        %or3A_519 = arith.ori %and3A_498, %ge3A_518 : i1
        %not3A_520 = arith.constant true
        %not3A_521 = arith.xori %or3A_519, %not3A_520 : i1
        %and3A_522 = arith.andi %and3A_440, %not3A_521 : i1
        %max3A_523 = arith.maximumf %reduce_max3A_296, %reduce_max3A_331 : f32
        %max3A_524 = arith.maximumf %reduce_max3A_303, %reduce_max3A_338 : f32
        %min3A_525 = arith.minimumf %reduce_max3A_310, %reduce_max3A_345 : f32
        %min3A_526 = arith.minimumf %reduce_max3A_317, %reduce_max3A_352 : f32
        %sub3A_527 = arith.subf %min3A_525, %max3A_523 : f32
        %max3A_528 = arith.constant 0.000000e+00 : f32
        %max3A_529 = arith.maximumf %sub3A_527, %max3A_528 : f32
        %sub3A_530 = arith.subf %min3A_526, %max3A_524 : f32
        %max3A_531 = arith.constant 0.000000e+00 : f32
        %max3A_532 = arith.maximumf %sub3A_530, %max3A_531 : f32
        %mul3A_533 = arith.mulf %max3A_529, %max3A_532 : f32
        %add3A_534 = arith.addf %mul3A_324, %mul3A_359 : f32
        %sub3A_535 = arith.subf %add3A_534, %mul3A_533 : f32
        %gt3A_536 = arith.constant 0.000000e+00 : f32
        %gt3A_537 = arith.cmpf ogt, %sub3A_535, %gt3A_536 : f32
        %div3A_538 = arith.divf %mul3A_533, %sub3A_535 : f32
        %jit3A_539 = arith.constant 0.000000e+00 : f32
        %select_n3A_540 = arith.select %gt3A_537, %div3A_538, %jit3A_539 : f32
        %ge3A_541 = arith.constant 0.699999988 : f32
        %ge3A_542 = arith.cmpf oge, %select_n3A_540, %ge3A_541 : f32
        %and3A_543 = arith.andi %and3A_522, %ge3A_542 : i1
        %max3A_544 = arith.maximumf %reduce_max3A_261, %reduce_max3A_331 : f32
        %max3A_545 = arith.maximumf %reduce_max3A_268, %reduce_max3A_338 : f32
        %min3A_546 = arith.minimumf %reduce_max3A_275, %reduce_max3A_345 : f32
        %min3A_547 = arith.minimumf %reduce_max3A_282, %reduce_max3A_352 : f32
        %sub3A_548 = arith.subf %min3A_546, %max3A_544 : f32
        %max3A_549 = arith.constant 0.000000e+00 : f32
        %max3A_550 = arith.maximumf %sub3A_548, %max3A_549 : f32
        %sub3A_551 = arith.subf %min3A_547, %max3A_545 : f32
        %max3A_552 = arith.constant 0.000000e+00 : f32
        %max3A_553 = arith.maximumf %sub3A_551, %max3A_552 : f32
        %mul3A_554 = arith.mulf %max3A_550, %max3A_553 : f32
        %add3A_555 = arith.addf %mul3A_289, %mul3A_359 : f32
        %sub3A_556 = arith.subf %add3A_555, %mul3A_554 : f32
        %gt3A_557 = arith.constant 0.000000e+00 : f32
        %gt3A_558 = arith.cmpf ogt, %sub3A_556, %gt3A_557 : f32
        %div3A_559 = arith.divf %mul3A_554, %sub3A_556 : f32
        %jit3A_560 = arith.constant 0.000000e+00 : f32
        %select_n3A_561 = arith.select %gt3A_558, %div3A_559, %jit3A_560 : f32
        %ge3A_562 = arith.constant 0.699999988 : f32
        %ge3A_563 = arith.cmpf oge, %select_n3A_561, %ge3A_562 : f32
        %and3A_564 = arith.andi %and3A_477, %ge3A_563 : i1
        %or3A_565 = arith.ori %and3A_543, %and3A_564 : i1
        %max3A_566 = arith.maximumf %reduce_max3A_226, %reduce_max3A_331 : f32
        %max3A_567 = arith.maximumf %reduce_max3A_233, %reduce_max3A_338 : f32
        %min3A_568 = arith.minimumf %reduce_max3A_240, %reduce_max3A_345 : f32
        %min3A_569 = arith.minimumf %reduce_max3A_247, %reduce_max3A_352 : f32
        %sub3A_570 = arith.subf %min3A_568, %max3A_566 : f32
        %max3A_571 = arith.constant 0.000000e+00 : f32
        %max3A_572 = arith.maximumf %sub3A_570, %max3A_571 : f32
        %sub3A_573 = arith.subf %min3A_569, %max3A_567 : f32
        %max3A_574 = arith.constant 0.000000e+00 : f32
        %max3A_575 = arith.maximumf %sub3A_573, %max3A_574 : f32
        %mul3A_576 = arith.mulf %max3A_572, %max3A_575 : f32
        %add3A_577 = arith.addf %mul3A_254, %mul3A_359 : f32
        %sub3A_578 = arith.subf %add3A_577, %mul3A_576 : f32
        %gt3A_579 = arith.constant 0.000000e+00 : f32
        %gt3A_580 = arith.cmpf ogt, %sub3A_578, %gt3A_579 : f32
        %div3A_581 = arith.divf %mul3A_576, %sub3A_578 : f32
        %jit3A_582 = arith.constant 0.000000e+00 : f32
        %select_n3A_583 = arith.select %gt3A_580, %div3A_581, %jit3A_582 : f32
        %ge3A_584 = arith.constant 0.699999988 : f32
        %ge3A_585 = arith.cmpf oge, %select_n3A_583, %ge3A_584 : f32
        %or3A_586 = arith.ori %or3A_565, %ge3A_585 : i1
        %not3A_587 = arith.constant true
        %not3A_588 = arith.xori %or3A_586, %not3A_587 : i1
        %and3A_589 = arith.andi %and3A_446, %not3A_588 : i1
        %max3A_590 = arith.maximumf %reduce_max3A_331, %reduce_max3A_366 : f32
        %max3A_591 = arith.maximumf %reduce_max3A_338, %reduce_max3A_373 : f32
        %min3A_592 = arith.minimumf %reduce_max3A_345, %reduce_max3A_380 : f32
        %min3A_593 = arith.minimumf %reduce_max3A_352, %reduce_max3A_387 : f32
        %sub3A_594 = arith.subf %min3A_592, %max3A_590 : f32
        %max3A_595 = arith.constant 0.000000e+00 : f32
        %max3A_596 = arith.maximumf %sub3A_594, %max3A_595 : f32
        %sub3A_597 = arith.subf %min3A_593, %max3A_591 : f32
        %max3A_598 = arith.constant 0.000000e+00 : f32
        %max3A_599 = arith.maximumf %sub3A_597, %max3A_598 : f32
        %mul3A_600 = arith.mulf %max3A_596, %max3A_599 : f32
        %add3A_601 = arith.addf %mul3A_359, %mul3A_394 : f32
        %sub3A_602 = arith.subf %add3A_601, %mul3A_600 : f32
        %gt3A_603 = arith.constant 0.000000e+00 : f32
        %gt3A_604 = arith.cmpf ogt, %sub3A_602, %gt3A_603 : f32
        %div3A_605 = arith.divf %mul3A_600, %sub3A_602 : f32
        %jit3A_606 = arith.constant 0.000000e+00 : f32
        %select_n3A_607 = arith.select %gt3A_604, %div3A_605, %jit3A_606 : f32
        %ge3A_608 = arith.constant 0.699999988 : f32
        %ge3A_609 = arith.cmpf oge, %select_n3A_607, %ge3A_608 : f32
        %and3A_610 = arith.andi %and3A_589, %ge3A_609 : i1
        %max3A_611 = arith.maximumf %reduce_max3A_296, %reduce_max3A_366 : f32
        %max3A_612 = arith.maximumf %reduce_max3A_303, %reduce_max3A_373 : f32
        %min3A_613 = arith.minimumf %reduce_max3A_310, %reduce_max3A_380 : f32
        %min3A_614 = arith.minimumf %reduce_max3A_317, %reduce_max3A_387 : f32
        %sub3A_615 = arith.subf %min3A_613, %max3A_611 : f32
        %max3A_616 = arith.constant 0.000000e+00 : f32
        %max3A_617 = arith.maximumf %sub3A_615, %max3A_616 : f32
        %sub3A_618 = arith.subf %min3A_614, %max3A_612 : f32
        %max3A_619 = arith.constant 0.000000e+00 : f32
        %max3A_620 = arith.maximumf %sub3A_618, %max3A_619 : f32
        %mul3A_621 = arith.mulf %max3A_617, %max3A_620 : f32
        %add3A_622 = arith.addf %mul3A_324, %mul3A_394 : f32
        %sub3A_623 = arith.subf %add3A_622, %mul3A_621 : f32
        %gt3A_624 = arith.constant 0.000000e+00 : f32
        %gt3A_625 = arith.cmpf ogt, %sub3A_623, %gt3A_624 : f32
        %div3A_626 = arith.divf %mul3A_621, %sub3A_623 : f32
        %jit3A_627 = arith.constant 0.000000e+00 : f32
        %select_n3A_628 = arith.select %gt3A_625, %div3A_626, %jit3A_627 : f32
        %ge3A_629 = arith.constant 0.699999988 : f32
        %ge3A_630 = arith.cmpf oge, %select_n3A_628, %ge3A_629 : f32
        %and3A_631 = arith.andi %and3A_522, %ge3A_630 : i1
        %or3A_632 = arith.ori %and3A_610, %and3A_631 : i1
        %max3A_633 = arith.maximumf %reduce_max3A_261, %reduce_max3A_366 : f32
        %max3A_634 = arith.maximumf %reduce_max3A_268, %reduce_max3A_373 : f32
        %min3A_635 = arith.minimumf %reduce_max3A_275, %reduce_max3A_380 : f32
        %min3A_636 = arith.minimumf %reduce_max3A_282, %reduce_max3A_387 : f32
        %sub3A_637 = arith.subf %min3A_635, %max3A_633 : f32
        %max3A_638 = arith.constant 0.000000e+00 : f32
        %max3A_639 = arith.maximumf %sub3A_637, %max3A_638 : f32
        %sub3A_640 = arith.subf %min3A_636, %max3A_634 : f32
        %max3A_641 = arith.constant 0.000000e+00 : f32
        %max3A_642 = arith.maximumf %sub3A_640, %max3A_641 : f32
        %mul3A_643 = arith.mulf %max3A_639, %max3A_642 : f32
        %add3A_644 = arith.addf %mul3A_289, %mul3A_394 : f32
        %sub3A_645 = arith.subf %add3A_644, %mul3A_643 : f32
        %gt3A_646 = arith.constant 0.000000e+00 : f32
        %gt3A_647 = arith.cmpf ogt, %sub3A_645, %gt3A_646 : f32
        %div3A_648 = arith.divf %mul3A_643, %sub3A_645 : f32
        %jit3A_649 = arith.constant 0.000000e+00 : f32
        %select_n3A_650 = arith.select %gt3A_647, %div3A_648, %jit3A_649 : f32
        %ge3A_651 = arith.constant 0.699999988 : f32
        %ge3A_652 = arith.cmpf oge, %select_n3A_650, %ge3A_651 : f32
        %and3A_653 = arith.andi %and3A_477, %ge3A_652 : i1
        %or3A_654 = arith.ori %or3A_632, %and3A_653 : i1
        %max3A_655 = arith.maximumf %reduce_max3A_226, %reduce_max3A_366 : f32
        %max3A_656 = arith.maximumf %reduce_max3A_233, %reduce_max3A_373 : f32
        %min3A_657 = arith.minimumf %reduce_max3A_240, %reduce_max3A_380 : f32
        %min3A_658 = arith.minimumf %reduce_max3A_247, %reduce_max3A_387 : f32
        %sub3A_659 = arith.subf %min3A_657, %max3A_655 : f32
        %max3A_660 = arith.constant 0.000000e+00 : f32
        %max3A_661 = arith.maximumf %sub3A_659, %max3A_660 : f32
        %sub3A_662 = arith.subf %min3A_658, %max3A_656 : f32
        %max3A_663 = arith.constant 0.000000e+00 : f32
        %max3A_664 = arith.maximumf %sub3A_662, %max3A_663 : f32
        %mul3A_665 = arith.mulf %max3A_661, %max3A_664 : f32
        %add3A_666 = arith.addf %mul3A_254, %mul3A_394 : f32
        %sub3A_667 = arith.subf %add3A_666, %mul3A_665 : f32
        %gt3A_668 = arith.constant 0.000000e+00 : f32
        %gt3A_669 = arith.cmpf ogt, %sub3A_667, %gt3A_668 : f32
        %div3A_670 = arith.divf %mul3A_665, %sub3A_667 : f32
        %jit3A_671 = arith.constant 0.000000e+00 : f32
        %select_n3A_672 = arith.select %gt3A_669, %div3A_670, %jit3A_671 : f32
        %ge3A_673 = arith.constant 0.699999988 : f32
        %ge3A_674 = arith.cmpf oge, %select_n3A_672, %ge3A_673 : f32
        %or3A_675 = arith.ori %or3A_654, %ge3A_674 : i1
        %not3A_676 = arith.constant true
        %not3A_677 = arith.xori %or3A_675, %not3A_676 : i1
        %and3A_678 = arith.andi %and3A_452, %not3A_677 : i1
        %max3A_679 = arith.maximumf %reduce_max3A_366, %reduce_max3A_401 : f32
        %max3A_680 = arith.maximumf %reduce_max3A_373, %reduce_max3A_408 : f32
        %min3A_681 = arith.minimumf %reduce_max3A_380, %reduce_max3A_415 : f32
        %min3A_682 = arith.minimumf %reduce_max3A_387, %reduce_max3A_422 : f32
        %sub3A_683 = arith.subf %min3A_681, %max3A_679 : f32
        %max3A_684 = arith.constant 0.000000e+00 : f32
        %max3A_685 = arith.maximumf %sub3A_683, %max3A_684 : f32
        %sub3A_686 = arith.subf %min3A_682, %max3A_680 : f32
        %max3A_687 = arith.constant 0.000000e+00 : f32
        %max3A_688 = arith.maximumf %sub3A_686, %max3A_687 : f32
        %mul3A_689 = arith.mulf %max3A_685, %max3A_688 : f32
        %add3A_690 = arith.addf %mul3A_394, %mul3A_429 : f32
        %sub3A_691 = arith.subf %add3A_690, %mul3A_689 : f32
        %gt3A_692 = arith.constant 0.000000e+00 : f32
        %gt3A_693 = arith.cmpf ogt, %sub3A_691, %gt3A_692 : f32
        %div3A_694 = arith.divf %mul3A_689, %sub3A_691 : f32
        %jit3A_695 = arith.constant 0.000000e+00 : f32
        %select_n3A_696 = arith.select %gt3A_693, %div3A_694, %jit3A_695 : f32
        %ge3A_697 = arith.constant 0.699999988 : f32
        %ge3A_698 = arith.cmpf oge, %select_n3A_696, %ge3A_697 : f32
        %and3A_699 = arith.andi %and3A_678, %ge3A_698 : i1
        %max3A_700 = arith.maximumf %reduce_max3A_331, %reduce_max3A_401 : f32
        %max3A_701 = arith.maximumf %reduce_max3A_338, %reduce_max3A_408 : f32
        %min3A_702 = arith.minimumf %reduce_max3A_345, %reduce_max3A_415 : f32
        %min3A_703 = arith.minimumf %reduce_max3A_352, %reduce_max3A_422 : f32
        %sub3A_704 = arith.subf %min3A_702, %max3A_700 : f32
        %max3A_705 = arith.constant 0.000000e+00 : f32
        %max3A_706 = arith.maximumf %sub3A_704, %max3A_705 : f32
        %sub3A_707 = arith.subf %min3A_703, %max3A_701 : f32
        %max3A_708 = arith.constant 0.000000e+00 : f32
        %max3A_709 = arith.maximumf %sub3A_707, %max3A_708 : f32
        %mul3A_710 = arith.mulf %max3A_706, %max3A_709 : f32
        %add3A_711 = arith.addf %mul3A_359, %mul3A_429 : f32
        %sub3A_712 = arith.subf %add3A_711, %mul3A_710 : f32
        %gt3A_713 = arith.constant 0.000000e+00 : f32
        %gt3A_714 = arith.cmpf ogt, %sub3A_712, %gt3A_713 : f32
        %div3A_715 = arith.divf %mul3A_710, %sub3A_712 : f32
        %jit3A_716 = arith.constant 0.000000e+00 : f32
        %select_n3A_717 = arith.select %gt3A_714, %div3A_715, %jit3A_716 : f32
        %ge3A_718 = arith.constant 0.699999988 : f32
        %ge3A_719 = arith.cmpf oge, %select_n3A_717, %ge3A_718 : f32
        %and3A_720 = arith.andi %and3A_589, %ge3A_719 : i1
        %or3A_721 = arith.ori %and3A_699, %and3A_720 : i1
        %max3A_722 = arith.maximumf %reduce_max3A_296, %reduce_max3A_401 : f32
        %max3A_723 = arith.maximumf %reduce_max3A_303, %reduce_max3A_408 : f32
        %min3A_724 = arith.minimumf %reduce_max3A_310, %reduce_max3A_415 : f32
        %min3A_725 = arith.minimumf %reduce_max3A_317, %reduce_max3A_422 : f32
        %sub3A_726 = arith.subf %min3A_724, %max3A_722 : f32
        %max3A_727 = arith.constant 0.000000e+00 : f32
        %max3A_728 = arith.maximumf %sub3A_726, %max3A_727 : f32
        %sub3A_729 = arith.subf %min3A_725, %max3A_723 : f32
        %max3A_730 = arith.constant 0.000000e+00 : f32
        %max3A_731 = arith.maximumf %sub3A_729, %max3A_730 : f32
        %mul3A_732 = arith.mulf %max3A_728, %max3A_731 : f32
        %add3A_733 = arith.addf %mul3A_324, %mul3A_429 : f32
        %sub3A_734 = arith.subf %add3A_733, %mul3A_732 : f32
        %gt3A_735 = arith.constant 0.000000e+00 : f32
        %gt3A_736 = arith.cmpf ogt, %sub3A_734, %gt3A_735 : f32
        %div3A_737 = arith.divf %mul3A_732, %sub3A_734 : f32
        %jit3A_738 = arith.constant 0.000000e+00 : f32
        %select_n3A_739 = arith.select %gt3A_736, %div3A_737, %jit3A_738 : f32
        %ge3A_740 = arith.constant 0.699999988 : f32
        %ge3A_741 = arith.cmpf oge, %select_n3A_739, %ge3A_740 : f32
        %and3A_742 = arith.andi %and3A_522, %ge3A_741 : i1
        %or3A_743 = arith.ori %or3A_721, %and3A_742 : i1
        %max3A_744 = arith.maximumf %reduce_max3A_261, %reduce_max3A_401 : f32
        %max3A_745 = arith.maximumf %reduce_max3A_268, %reduce_max3A_408 : f32
        %min3A_746 = arith.minimumf %reduce_max3A_275, %reduce_max3A_415 : f32
        %min3A_747 = arith.minimumf %reduce_max3A_282, %reduce_max3A_422 : f32
        %sub3A_748 = arith.subf %min3A_746, %max3A_744 : f32
        %max3A_749 = arith.constant 0.000000e+00 : f32
        %max3A_750 = arith.maximumf %sub3A_748, %max3A_749 : f32
        %sub3A_751 = arith.subf %min3A_747, %max3A_745 : f32
        %max3A_752 = arith.constant 0.000000e+00 : f32
        %max3A_753 = arith.maximumf %sub3A_751, %max3A_752 : f32
        %mul3A_754 = arith.mulf %max3A_750, %max3A_753 : f32
        %add3A_755 = arith.addf %mul3A_289, %mul3A_429 : f32
        %sub3A_756 = arith.subf %add3A_755, %mul3A_754 : f32
        %gt3A_757 = arith.constant 0.000000e+00 : f32
        %gt3A_758 = arith.cmpf ogt, %sub3A_756, %gt3A_757 : f32
        %div3A_759 = arith.divf %mul3A_754, %sub3A_756 : f32
        %jit3A_760 = arith.constant 0.000000e+00 : f32
        %select_n3A_761 = arith.select %gt3A_758, %div3A_759, %jit3A_760 : f32
        %ge3A_762 = arith.constant 0.699999988 : f32
        %ge3A_763 = arith.cmpf oge, %select_n3A_761, %ge3A_762 : f32
        %and3A_764 = arith.andi %and3A_477, %ge3A_763 : i1
        %or3A_765 = arith.ori %or3A_743, %and3A_764 : i1
        %max3A_766 = arith.maximumf %reduce_max3A_226, %reduce_max3A_401 : f32
        %max3A_767 = arith.maximumf %reduce_max3A_233, %reduce_max3A_408 : f32
        %min3A_768 = arith.minimumf %reduce_max3A_240, %reduce_max3A_415 : f32
        %min3A_769 = arith.minimumf %reduce_max3A_247, %reduce_max3A_422 : f32
        %sub3A_770 = arith.subf %min3A_768, %max3A_766 : f32
        %max3A_771 = arith.constant 0.000000e+00 : f32
        %max3A_772 = arith.maximumf %sub3A_770, %max3A_771 : f32
        %sub3A_773 = arith.subf %min3A_769, %max3A_767 : f32
        %max3A_774 = arith.constant 0.000000e+00 : f32
        %max3A_775 = arith.maximumf %sub3A_773, %max3A_774 : f32
        %mul3A_776 = arith.mulf %max3A_772, %max3A_775 : f32
        %add3A_777 = arith.addf %mul3A_254, %mul3A_429 : f32
        %sub3A_778 = arith.subf %add3A_777, %mul3A_776 : f32
        %gt3A_779 = arith.constant 0.000000e+00 : f32
        %gt3A_780 = arith.cmpf ogt, %sub3A_778, %gt3A_779 : f32
        %div3A_781 = arith.divf %mul3A_776, %sub3A_778 : f32
        %jit3A_782 = arith.constant 0.000000e+00 : f32
        %select_n3A_783 = arith.select %gt3A_780, %div3A_781, %jit3A_782 : f32
        %ge3A_784 = arith.constant 0.699999988 : f32
        %ge3A_785 = arith.cmpf oge, %select_n3A_783, %ge3A_784 : f32
        %or3A_786 = arith.ori %or3A_765, %ge3A_785 : i1
        %not3A_787 = arith.constant true
        %not3A_788 = arith.xori %or3A_786, %not3A_787 : i1
        %and3A_789 = arith.andi %and3A_458, %not3A_788 : i1
        %add3A_790 = arith.constant 1 : i32
        %add3A_791 = arith.addi %scan3A_74, %add3A_790 : i32
        %jit3A_792 = arith.constant 1 : i32
        %jit3A_793 = arith.constant 0 : i32
        %select_n3A_794 = arith.select %and3A_477, %jit3A_792, %jit3A_793 : i32
        %add3A_795 = arith.addi %add3A_791, %select_n3A_794 : i32
        %jit3A_796 = arith.constant 1 : i32
        %jit3A_797 = arith.constant 0 : i32
        %select_n3A_798 = arith.select %and3A_522, %jit3A_796, %jit3A_797 : i32
        %add3A_799 = arith.addi %add3A_795, %select_n3A_798 : i32
        %jit3A_800 = arith.constant 1 : i32
        %jit3A_801 = arith.constant 0 : i32
        %select_n3A_802 = arith.select %and3A_589, %jit3A_800, %jit3A_801 : i32
        %add3A_803 = arith.addi %add3A_799, %select_n3A_802 : i32
        %jit3A_804 = arith.constant 1 : i32
        %jit3A_805 = arith.constant 0 : i32
        %select_n3A_806 = arith.select %and3A_678, %jit3A_804, %jit3A_805 : i32
        %add3A_807 = arith.addi %add3A_803, %select_n3A_806 : i32
        %lt3A_808 = arith.cmpi slt, %scan3A_74, %get3A_26 : i32
        %lt3A_809 = arith.cmpi slt, %add3A_791, %get3A_26 : i32
        %and3A_810 = arith.andi %and3A_477, %lt3A_809 : i1
        %lt3A_811 = arith.cmpi slt, %add3A_795, %get3A_26 : i32
        %and3A_812 = arith.andi %and3A_522, %lt3A_811 : i1
        %lt3A_813 = arith.cmpi slt, %add3A_799, %get3A_26 : i32
        %and3A_814 = arith.andi %and3A_589, %lt3A_813 : i1
        %lt3A_815 = arith.cmpi slt, %add3A_803, %get3A_26 : i32
        %and3A_816 = arith.andi %and3A_678, %lt3A_815 : i1
        %lt3A_817 = arith.cmpi slt, %add3A_807, %get3A_26 : i32
        %and3A_818 = arith.andi %and3A_789, %lt3A_817 : i1
        %select_n3A_819 = arith.select %and3A_810, %reduce_max3A_115, %reduce_max3A_108 : f32
        %select_n3A_820 = arith.select %and3A_812, %reduce_max3A_124, %select_n3A_819 : f32
        %select_n3A_821 = arith.select %and3A_814, %reduce_max3A_133, %select_n3A_820 : f32
        %select_n3A_822 = arith.select %and3A_816, %reduce_max3A_142, %select_n3A_821 : f32
        %select_n3A_823 = arith.select %and3A_818, %reduce_max3A_151, %select_n3A_822 : f32
        %get3A_824 = arith.constant 0 : index
        %get3A_825 = memref.load %arg10[%get3A_824] : memref<1xi32, #tpu.memory_space<smem>>
        %le3A_826 = arith.cmpf ole, %select_n3A_823, %reduce_max3A_36 : f32
        %convert_element_type3A_827 = arith.extui %le3A_826 : i1 to i32
        %or3A_828 = arith.ori %get3A_825, %convert_element_type3A_827 : i32
        %le3A_829 = arith.cmpf ole, %reduce_max3A_108, %reduce_max3A_36 : f32
        %convert_element_type3A_830 = arith.extui %le3A_829 : i1 to i32
        %or3A_831 = arith.ori %or3A_828, %convert_element_type3A_830 : i32
        %swap3A_832 = arith.constant 0 : index
        %swap3A_833 = memref.load %arg10[%swap3A_832] : memref<1xi32, #tpu.memory_space<smem>>
        memref.store %or3A_831, %arg10[%swap3A_832] : memref<1xi32, #tpu.memory_space<smem>>
        %eq3A_834 = arith.constant 0 : i32
        %eq3A_835 = vector.broadcast %eq3A_834 : i32 to vector<8x4xi32>
        %eq3A_836 = arith.cmpi eq, %iota3A_60, %eq3A_835 : vector<8x4xi32>
        %eq3A_837 = arith.constant 1 : i32
        %eq3A_838 = vector.broadcast %eq3A_837 : i32 to vector<8x4xi32>
        %eq3A_839 = arith.cmpi eq, %iota3A_60, %eq3A_838 : vector<8x4xi32>
        %eq3A_840 = arith.constant 2 : i32
        %eq3A_841 = vector.broadcast %eq3A_840 : i32 to vector<8x4xi32>
        %eq3A_842 = arith.cmpi eq, %iota3A_60, %eq3A_841 : vector<8x4xi32>
        %broadcast_in_dim3A_843 = vector.broadcast %get3A_42 : f32 to vector<8x4xf32>
        %broadcast_in_dim3A_844 = vector.broadcast %get3A_44 : f32 to vector<8x4xf32>
        %select_n3A_845 = arith.select %eq3A_842, %broadcast_in_dim3A_843, %broadcast_in_dim3A_844 : vector<8x4xi1>, vector<8x4xf32>
        %broadcast_in_dim3A_846 = vector.broadcast %get3A_40 : f32 to vector<8x4xf32>
        %select_n3A_847 = arith.select %eq3A_839, %broadcast_in_dim3A_846, %select_n3A_845 : vector<8x4xi1>, vector<8x4xf32>
        %broadcast_in_dim3A_848 = vector.broadcast %get3A_38 : f32 to vector<8x4xf32>
        %select_n3A_849 = arith.select %eq3A_836, %broadcast_in_dim3A_848, %select_n3A_847 : vector<8x4xi1>, vector<8x4xf32>
        %sub3A_850 = arith.subi %scan3A_74, %scan3A_74 : i32
        %eq3A_851 = vector.broadcast %sub3A_850 : i32 to vector<8x4xi32>
        %eq3A_852 = arith.cmpi eq, %iota3A, %eq3A_851 : vector<8x4xi32>
        %and3A_853 = vector.broadcast %lt3A_808 : i1 to vector<8x4xi1>
        %and3A_854 = arith.andi %and3A_853, %eq3A_852 : vector<8x4xi1>
        %eq3A_855 = arith.constant 0 : i32
        %eq3A_856 = vector.broadcast %eq3A_855 : i32 to vector<8x4xi32>
        %eq3A_857 = arith.cmpi eq, %iota3A_60, %eq3A_856 : vector<8x4xi32>
        %and3A_858 = arith.andi %and3A_854, %eq3A_857 : vector<8x4xi1>
        %eq3A_859 = arith.constant 1 : i32
        %eq3A_860 = vector.broadcast %eq3A_859 : i32 to vector<8x4xi32>
        %eq3A_861 = arith.cmpi eq, %iota3A_60, %eq3A_860 : vector<8x4xi32>
        %and3A_862 = arith.andi %and3A_854, %eq3A_861 : vector<8x4xi1>
        %eq3A_863 = arith.constant 2 : i32
        %eq3A_864 = vector.broadcast %eq3A_863 : i32 to vector<8x4xi32>
        %eq3A_865 = arith.cmpi eq, %iota3A_60, %eq3A_864 : vector<8x4xi32>
        %and3A_866 = arith.andi %and3A_854, %eq3A_865 : vector<8x4xi1>
        %eq3A_867 = arith.constant 3 : i32
        %eq3A_868 = vector.broadcast %eq3A_867 : i32 to vector<8x4xi32>
        %eq3A_869 = arith.cmpi eq, %iota3A_60, %eq3A_868 : vector<8x4xi32>
        %and3A_870 = arith.andi %and3A_854, %eq3A_869 : vector<8x4xi1>
        %broadcast_in_dim3A_871 = vector.broadcast %reduce_max3A_247 : f32 to vector<8x4xf32>
        %select_n3A_872 = arith.select %and3A_870, %broadcast_in_dim3A_871, %select_n3A_849 : vector<8x4xi1>, vector<8x4xf32>
        %broadcast_in_dim3A_873 = vector.broadcast %reduce_max3A_240 : f32 to vector<8x4xf32>
        %select_n3A_874 = arith.select %and3A_866, %broadcast_in_dim3A_873, %select_n3A_872 : vector<8x4xi1>, vector<8x4xf32>
        %broadcast_in_dim3A_875 = vector.broadcast %reduce_max3A_233 : f32 to vector<8x4xf32>
        %select_n3A_876 = arith.select %and3A_862, %broadcast_in_dim3A_875, %select_n3A_874 : vector<8x4xi1>, vector<8x4xf32>
        %broadcast_in_dim3A_877 = vector.broadcast %reduce_max3A_226 : f32 to vector<8x4xf32>
        %select_n3A_878 = arith.select %and3A_858, %broadcast_in_dim3A_877, %select_n3A_876 : vector<8x4xi1>, vector<8x4xf32>
        %sub3A_879 = arith.subi %add3A_791, %scan3A_74 : i32
        %eq3A_880 = vector.broadcast %sub3A_879 : i32 to vector<8x4xi32>
        %eq3A_881 = arith.cmpi eq, %iota3A, %eq3A_880 : vector<8x4xi32>
        %and3A_882 = vector.broadcast %and3A_810 : i1 to vector<8x4xi1>
        %and3A_883 = arith.andi %and3A_882, %eq3A_881 : vector<8x4xi1>
        %eq3A_884 = arith.constant 0 : i32
        %eq3A_885 = vector.broadcast %eq3A_884 : i32 to vector<8x4xi32>
        %eq3A_886 = arith.cmpi eq, %iota3A_60, %eq3A_885 : vector<8x4xi32>
        %and3A_887 = arith.andi %and3A_883, %eq3A_886 : vector<8x4xi1>
        %eq3A_888 = arith.constant 1 : i32
        %eq3A_889 = vector.broadcast %eq3A_888 : i32 to vector<8x4xi32>
        %eq3A_890 = arith.cmpi eq, %iota3A_60, %eq3A_889 : vector<8x4xi32>
        %and3A_891 = arith.andi %and3A_883, %eq3A_890 : vector<8x4xi1>
        %eq3A_892 = arith.constant 2 : i32
        %eq3A_893 = vector.broadcast %eq3A_892 : i32 to vector<8x4xi32>
        %eq3A_894 = arith.cmpi eq, %iota3A_60, %eq3A_893 : vector<8x4xi32>
        %and3A_895 = arith.andi %and3A_883, %eq3A_894 : vector<8x4xi1>
        %eq3A_896 = arith.constant 3 : i32
        %eq3A_897 = vector.broadcast %eq3A_896 : i32 to vector<8x4xi32>
        %eq3A_898 = arith.cmpi eq, %iota3A_60, %eq3A_897 : vector<8x4xi32>
        %and3A_899 = arith.andi %and3A_883, %eq3A_898 : vector<8x4xi1>
        %broadcast_in_dim3A_900 = vector.broadcast %reduce_max3A_282 : f32 to vector<8x4xf32>
        %select_n3A_901 = arith.select %and3A_899, %broadcast_in_dim3A_900, %select_n3A_878 : vector<8x4xi1>, vector<8x4xf32>
        %broadcast_in_dim3A_902 = vector.broadcast %reduce_max3A_275 : f32 to vector<8x4xf32>
        %select_n3A_903 = arith.select %and3A_895, %broadcast_in_dim3A_902, %select_n3A_901 : vector<8x4xi1>, vector<8x4xf32>
        %broadcast_in_dim3A_904 = vector.broadcast %reduce_max3A_268 : f32 to vector<8x4xf32>
        %select_n3A_905 = arith.select %and3A_891, %broadcast_in_dim3A_904, %select_n3A_903 : vector<8x4xi1>, vector<8x4xf32>
        %broadcast_in_dim3A_906 = vector.broadcast %reduce_max3A_261 : f32 to vector<8x4xf32>
        %select_n3A_907 = arith.select %and3A_887, %broadcast_in_dim3A_906, %select_n3A_905 : vector<8x4xi1>, vector<8x4xf32>
        %sub3A_908 = arith.subi %add3A_795, %scan3A_74 : i32
        %eq3A_909 = vector.broadcast %sub3A_908 : i32 to vector<8x4xi32>
        %eq3A_910 = arith.cmpi eq, %iota3A, %eq3A_909 : vector<8x4xi32>
        %and3A_911 = vector.broadcast %and3A_812 : i1 to vector<8x4xi1>
        %and3A_912 = arith.andi %and3A_911, %eq3A_910 : vector<8x4xi1>
        %eq3A_913 = arith.constant 0 : i32
        %eq3A_914 = vector.broadcast %eq3A_913 : i32 to vector<8x4xi32>
        %eq3A_915 = arith.cmpi eq, %iota3A_60, %eq3A_914 : vector<8x4xi32>
        %and3A_916 = arith.andi %and3A_912, %eq3A_915 : vector<8x4xi1>
        %eq3A_917 = arith.constant 1 : i32
        %eq3A_918 = vector.broadcast %eq3A_917 : i32 to vector<8x4xi32>
        %eq3A_919 = arith.cmpi eq, %iota3A_60, %eq3A_918 : vector<8x4xi32>
        %and3A_920 = arith.andi %and3A_912, %eq3A_919 : vector<8x4xi1>
        %eq3A_921 = arith.constant 2 : i32
        %eq3A_922 = vector.broadcast %eq3A_921 : i32 to vector<8x4xi32>
        %eq3A_923 = arith.cmpi eq, %iota3A_60, %eq3A_922 : vector<8x4xi32>
        %and3A_924 = arith.andi %and3A_912, %eq3A_923 : vector<8x4xi1>
        %eq3A_925 = arith.constant 3 : i32
        %eq3A_926 = vector.broadcast %eq3A_925 : i32 to vector<8x4xi32>
        %eq3A_927 = arith.cmpi eq, %iota3A_60, %eq3A_926 : vector<8x4xi32>
        %and3A_928 = arith.andi %and3A_912, %eq3A_927 : vector<8x4xi1>
        %broadcast_in_dim3A_929 = vector.broadcast %reduce_max3A_317 : f32 to vector<8x4xf32>
        %select_n3A_930 = arith.select %and3A_928, %broadcast_in_dim3A_929, %select_n3A_907 : vector<8x4xi1>, vector<8x4xf32>
        %broadcast_in_dim3A_931 = vector.broadcast %reduce_max3A_310 : f32 to vector<8x4xf32>
        %select_n3A_932 = arith.select %and3A_924, %broadcast_in_dim3A_931, %select_n3A_930 : vector<8x4xi1>, vector<8x4xf32>
        %broadcast_in_dim3A_933 = vector.broadcast %reduce_max3A_303 : f32 to vector<8x4xf32>
        %select_n3A_934 = arith.select %and3A_920, %broadcast_in_dim3A_933, %select_n3A_932 : vector<8x4xi1>, vector<8x4xf32>
        %broadcast_in_dim3A_935 = vector.broadcast %reduce_max3A_296 : f32 to vector<8x4xf32>
        %select_n3A_936 = arith.select %and3A_916, %broadcast_in_dim3A_935, %select_n3A_934 : vector<8x4xi1>, vector<8x4xf32>
        %sub3A_937 = arith.subi %add3A_799, %scan3A_74 : i32
        %eq3A_938 = vector.broadcast %sub3A_937 : i32 to vector<8x4xi32>
        %eq3A_939 = arith.cmpi eq, %iota3A, %eq3A_938 : vector<8x4xi32>
        %and3A_940 = vector.broadcast %and3A_814 : i1 to vector<8x4xi1>
        %and3A_941 = arith.andi %and3A_940, %eq3A_939 : vector<8x4xi1>
        %eq3A_942 = arith.constant 0 : i32
        %eq3A_943 = vector.broadcast %eq3A_942 : i32 to vector<8x4xi32>
        %eq3A_944 = arith.cmpi eq, %iota3A_60, %eq3A_943 : vector<8x4xi32>
        %and3A_945 = arith.andi %and3A_941, %eq3A_944 : vector<8x4xi1>
        %eq3A_946 = arith.constant 1 : i32
        %eq3A_947 = vector.broadcast %eq3A_946 : i32 to vector<8x4xi32>
        %eq3A_948 = arith.cmpi eq, %iota3A_60, %eq3A_947 : vector<8x4xi32>
        %and3A_949 = arith.andi %and3A_941, %eq3A_948 : vector<8x4xi1>
        %eq3A_950 = arith.constant 2 : i32
        %eq3A_951 = vector.broadcast %eq3A_950 : i32 to vector<8x4xi32>
        %eq3A_952 = arith.cmpi eq, %iota3A_60, %eq3A_951 : vector<8x4xi32>
        %and3A_953 = arith.andi %and3A_941, %eq3A_952 : vector<8x4xi1>
        %eq3A_954 = arith.constant 3 : i32
        %eq3A_955 = vector.broadcast %eq3A_954 : i32 to vector<8x4xi32>
        %eq3A_956 = arith.cmpi eq, %iota3A_60, %eq3A_955 : vector<8x4xi32>
        %and3A_957 = arith.andi %and3A_941, %eq3A_956 : vector<8x4xi1>
        %broadcast_in_dim3A_958 = vector.broadcast %reduce_max3A_352 : f32 to vector<8x4xf32>
        %select_n3A_959 = arith.select %and3A_957, %broadcast_in_dim3A_958, %select_n3A_936 : vector<8x4xi1>, vector<8x4xf32>
        %broadcast_in_dim3A_960 = vector.broadcast %reduce_max3A_345 : f32 to vector<8x4xf32>
        %select_n3A_961 = arith.select %and3A_953, %broadcast_in_dim3A_960, %select_n3A_959 : vector<8x4xi1>, vector<8x4xf32>
        %broadcast_in_dim3A_962 = vector.broadcast %reduce_max3A_338 : f32 to vector<8x4xf32>
        %select_n3A_963 = arith.select %and3A_949, %broadcast_in_dim3A_962, %select_n3A_961 : vector<8x4xi1>, vector<8x4xf32>
        %broadcast_in_dim3A_964 = vector.broadcast %reduce_max3A_331 : f32 to vector<8x4xf32>
        %select_n3A_965 = arith.select %and3A_945, %broadcast_in_dim3A_964, %select_n3A_963 : vector<8x4xi1>, vector<8x4xf32>
        %sub3A_966 = arith.subi %add3A_803, %scan3A_74 : i32
        %eq3A_967 = vector.broadcast %sub3A_966 : i32 to vector<8x4xi32>
        %eq3A_968 = arith.cmpi eq, %iota3A, %eq3A_967 : vector<8x4xi32>
        %and3A_969 = vector.broadcast %and3A_816 : i1 to vector<8x4xi1>
        %and3A_970 = arith.andi %and3A_969, %eq3A_968 : vector<8x4xi1>
        %eq3A_971 = arith.constant 0 : i32
        %eq3A_972 = vector.broadcast %eq3A_971 : i32 to vector<8x4xi32>
        %eq3A_973 = arith.cmpi eq, %iota3A_60, %eq3A_972 : vector<8x4xi32>
        %and3A_974 = arith.andi %and3A_970, %eq3A_973 : vector<8x4xi1>
        %eq3A_975 = arith.constant 1 : i32
        %eq3A_976 = vector.broadcast %eq3A_975 : i32 to vector<8x4xi32>
        %eq3A_977 = arith.cmpi eq, %iota3A_60, %eq3A_976 : vector<8x4xi32>
        %and3A_978 = arith.andi %and3A_970, %eq3A_977 : vector<8x4xi1>
        %eq3A_979 = arith.constant 2 : i32
        %eq3A_980 = vector.broadcast %eq3A_979 : i32 to vector<8x4xi32>
        %eq3A_981 = arith.cmpi eq, %iota3A_60, %eq3A_980 : vector<8x4xi32>
        %and3A_982 = arith.andi %and3A_970, %eq3A_981 : vector<8x4xi1>
        %eq3A_983 = arith.constant 3 : i32
        %eq3A_984 = vector.broadcast %eq3A_983 : i32 to vector<8x4xi32>
        %eq3A_985 = arith.cmpi eq, %iota3A_60, %eq3A_984 : vector<8x4xi32>
        %and3A_986 = arith.andi %and3A_970, %eq3A_985 : vector<8x4xi1>
        %broadcast_in_dim3A_987 = vector.broadcast %reduce_max3A_387 : f32 to vector<8x4xf32>
        %select_n3A_988 = arith.select %and3A_986, %broadcast_in_dim3A_987, %select_n3A_965 : vector<8x4xi1>, vector<8x4xf32>
        %broadcast_in_dim3A_989 = vector.broadcast %reduce_max3A_380 : f32 to vector<8x4xf32>
        %select_n3A_990 = arith.select %and3A_982, %broadcast_in_dim3A_989, %select_n3A_988 : vector<8x4xi1>, vector<8x4xf32>
        %broadcast_in_dim3A_991 = vector.broadcast %reduce_max3A_373 : f32 to vector<8x4xf32>
        %select_n3A_992 = arith.select %and3A_978, %broadcast_in_dim3A_991, %select_n3A_990 : vector<8x4xi1>, vector<8x4xf32>
        %broadcast_in_dim3A_993 = vector.broadcast %reduce_max3A_366 : f32 to vector<8x4xf32>
        %select_n3A_994 = arith.select %and3A_974, %broadcast_in_dim3A_993, %select_n3A_992 : vector<8x4xi1>, vector<8x4xf32>
        %sub3A_995 = arith.subi %add3A_807, %scan3A_74 : i32
        %eq3A_996 = vector.broadcast %sub3A_995 : i32 to vector<8x4xi32>
        %eq3A_997 = arith.cmpi eq, %iota3A, %eq3A_996 : vector<8x4xi32>
        %and3A_998 = vector.broadcast %and3A_818 : i1 to vector<8x4xi1>
        %and3A_999 = arith.andi %and3A_998, %eq3A_997 : vector<8x4xi1>
        %eq3A_1000 = arith.constant 0 : i32
        %eq3A_1001 = vector.broadcast %eq3A_1000 : i32 to vector<8x4xi32>
        %eq3A_1002 = arith.cmpi eq, %iota3A_60, %eq3A_1001 : vector<8x4xi32>
        %and3A_1003 = arith.andi %and3A_999, %eq3A_1002 : vector<8x4xi1>
        %eq3A_1004 = arith.constant 1 : i32
        %eq3A_1005 = vector.broadcast %eq3A_1004 : i32 to vector<8x4xi32>
        %eq3A_1006 = arith.cmpi eq, %iota3A_60, %eq3A_1005 : vector<8x4xi32>
        %and3A_1007 = arith.andi %and3A_999, %eq3A_1006 : vector<8x4xi1>
        %eq3A_1008 = arith.constant 2 : i32
        %eq3A_1009 = vector.broadcast %eq3A_1008 : i32 to vector<8x4xi32>
        %eq3A_1010 = arith.cmpi eq, %iota3A_60, %eq3A_1009 : vector<8x4xi32>
        %and3A_1011 = arith.andi %and3A_999, %eq3A_1010 : vector<8x4xi1>
        %eq3A_1012 = arith.constant 3 : i32
        %eq3A_1013 = vector.broadcast %eq3A_1012 : i32 to vector<8x4xi32>
        %eq3A_1014 = arith.cmpi eq, %iota3A_60, %eq3A_1013 : vector<8x4xi32>
        %and3A_1015 = arith.andi %and3A_999, %eq3A_1014 : vector<8x4xi1>
        %broadcast_in_dim3A_1016 = vector.broadcast %reduce_max3A_422 : f32 to vector<8x4xf32>
        %select_n3A_1017 = arith.select %and3A_1015, %broadcast_in_dim3A_1016, %select_n3A_994 : vector<8x4xi1>, vector<8x4xf32>
        %broadcast_in_dim3A_1018 = vector.broadcast %reduce_max3A_415 : f32 to vector<8x4xf32>
        %select_n3A_1019 = arith.select %and3A_1011, %broadcast_in_dim3A_1018, %select_n3A_1017 : vector<8x4xi1>, vector<8x4xf32>
        %broadcast_in_dim3A_1020 = vector.broadcast %reduce_max3A_408 : f32 to vector<8x4xf32>
        %select_n3A_1021 = arith.select %and3A_1007, %broadcast_in_dim3A_1020, %select_n3A_1019 : vector<8x4xi1>, vector<8x4xf32>
        %broadcast_in_dim3A_1022 = vector.broadcast %reduce_max3A_401 : f32 to vector<8x4xf32>
        %select_n3A_1023 = arith.select %and3A_1003, %broadcast_in_dim3A_1022, %select_n3A_1021 : vector<8x4xi1>, vector<8x4xf32>
        %swap3A_1024 = arith.index_cast %scan3A_74 : i32 to index
        %swap3A_1025 = arith.constant 0 : index
        %swap3A_1026 = vector.load %arg9[%swap3A_1024, %swap3A_1025] : memref<1008x4xf32, #tpu.memory_space<vmem>>, vector<8x4xf32>
        tpu.vector_store %arg9[%swap3A_1024, %swap3A_1025], %select_n3A_1023 {strides = array<i32>} : memref<1008x4xf32, #tpu.memory_space<vmem>>, vector<8x4xf32>,
        %max3A_1027 = vector.broadcast %reduce_max3A_226 : f32 to vector<8x512xf32>
        %max3A_1028 = arith.maximumf %max3A_1027, %get3A_91 : vector<8x512xf32>
        %max3A_1029 = vector.broadcast %reduce_max3A_233 : f32 to vector<8x512xf32>
        %max3A_1030 = arith.maximumf %max3A_1029, %get3A_94 : vector<8x512xf32>
        %min3A_1031 = vector.broadcast %reduce_max3A_240 : f32 to vector<8x512xf32>
        %min3A_1032 = arith.minimumf %min3A_1031, %get3A_97 : vector<8x512xf32>
        %min3A_1033 = vector.broadcast %reduce_max3A_247 : f32 to vector<8x512xf32>
        %min3A_1034 = arith.minimumf %min3A_1033, %get3A_100 : vector<8x512xf32>
        %sub3A_1035 = arith.subf %min3A_1032, %max3A_1028 : vector<8x512xf32>
        %max3A_1036 = arith.constant 0.000000e+00 : f32
        %max3A_1037 = vector.broadcast %max3A_1036 : f32 to vector<8x512xf32>
        %max3A_1038 = arith.maximumf %sub3A_1035, %max3A_1037 : vector<8x512xf32>
        %sub3A_1039 = arith.subf %min3A_1034, %max3A_1030 : vector<8x512xf32>
        %max3A_1040 = arith.constant 0.000000e+00 : f32
        %max3A_1041 = vector.broadcast %max3A_1040 : f32 to vector<8x512xf32>
        %max3A_1042 = arith.maximumf %sub3A_1039, %max3A_1041 : vector<8x512xf32>
        %mul3A_1043 = arith.mulf %max3A_1038, %max3A_1042 : vector<8x512xf32>
        %add3A_1044 = vector.broadcast %mul3A_254 : f32 to vector<8x512xf32>
        %add3A_1045 = arith.addf %add3A_1044, %get3A_103 : vector<8x512xf32>
        %sub3A_1046 = arith.subf %add3A_1045, %mul3A_1043 : vector<8x512xf32>
        %gt3A_1047 = arith.constant 0.000000e+00 : f32
        %gt3A_1048 = vector.broadcast %gt3A_1047 : f32 to vector<8x512xf32>
        %gt3A_1049 = arith.cmpf ogt, %sub3A_1046, %gt3A_1048 : vector<8x512xf32>
        %div3A_1050 = arith.divf %mul3A_1043, %sub3A_1046 : vector<8x512xf32>
        %jit3A_1051 = arith.constant 0.000000e+00 : f32
        %broadcast_in_dim3A_1052 = vector.broadcast %jit3A_1051 : f32 to vector<8x512xf32>
        %select_n3A_1053 = arith.select %gt3A_1049, %div3A_1050, %broadcast_in_dim3A_1052 : vector<8x512xi1>, vector<8x512xf32>
        %ge3A_1054 = arith.constant 0.699999988 : f32
        %ge3A_1055 = vector.broadcast %ge3A_1054 : f32 to vector<8x512xf32>
        %ge3A_1056 = arith.cmpf oge, %select_n3A_1053, %ge3A_1055 : vector<8x512xf32>
        %or3A_1057 = arith.ori %ge3A_1056, %eq3A_161 : vector<8x512xi1>
        %max3A_1058 = vector.broadcast %reduce_max3A_261 : f32 to vector<8x512xf32>
        %max3A_1059 = arith.maximumf %max3A_1058, %get3A_91 : vector<8x512xf32>
        %max3A_1060 = vector.broadcast %reduce_max3A_268 : f32 to vector<8x512xf32>
        %max3A_1061 = arith.maximumf %max3A_1060, %get3A_94 : vector<8x512xf32>
        %min3A_1062 = vector.broadcast %reduce_max3A_275 : f32 to vector<8x512xf32>
        %min3A_1063 = arith.minimumf %min3A_1062, %get3A_97 : vector<8x512xf32>
        %min3A_1064 = vector.broadcast %reduce_max3A_282 : f32 to vector<8x512xf32>
        %min3A_1065 = arith.minimumf %min3A_1064, %get3A_100 : vector<8x512xf32>
        %sub3A_1066 = arith.subf %min3A_1063, %max3A_1059 : vector<8x512xf32>
        %max3A_1067 = arith.constant 0.000000e+00 : f32
        %max3A_1068 = vector.broadcast %max3A_1067 : f32 to vector<8x512xf32>
        %max3A_1069 = arith.maximumf %sub3A_1066, %max3A_1068 : vector<8x512xf32>
        %sub3A_1070 = arith.subf %min3A_1065, %max3A_1061 : vector<8x512xf32>
        %max3A_1071 = arith.constant 0.000000e+00 : f32
        %max3A_1072 = vector.broadcast %max3A_1071 : f32 to vector<8x512xf32>
        %max3A_1073 = arith.maximumf %sub3A_1070, %max3A_1072 : vector<8x512xf32>
        %mul3A_1074 = arith.mulf %max3A_1069, %max3A_1073 : vector<8x512xf32>
        %add3A_1075 = vector.broadcast %mul3A_289 : f32 to vector<8x512xf32>
        %add3A_1076 = arith.addf %add3A_1075, %get3A_103 : vector<8x512xf32>
        %sub3A_1077 = arith.subf %add3A_1076, %mul3A_1074 : vector<8x512xf32>
        %gt3A_1078 = arith.constant 0.000000e+00 : f32
        %gt3A_1079 = vector.broadcast %gt3A_1078 : f32 to vector<8x512xf32>
        %gt3A_1080 = arith.cmpf ogt, %sub3A_1077, %gt3A_1079 : vector<8x512xf32>
        %div3A_1081 = arith.divf %mul3A_1074, %sub3A_1077 : vector<8x512xf32>
        %jit3A_1082 = arith.constant 0.000000e+00 : f32
        %broadcast_in_dim3A_1083 = vector.broadcast %jit3A_1082 : f32 to vector<8x512xf32>
        %select_n3A_1084 = arith.select %gt3A_1080, %div3A_1081, %broadcast_in_dim3A_1083 : vector<8x512xi1>, vector<8x512xf32>
        %ge3A_1085 = arith.constant 0.699999988 : f32
        %ge3A_1086 = vector.broadcast %ge3A_1085 : f32 to vector<8x512xf32>
        %ge3A_1087 = arith.cmpf oge, %select_n3A_1084, %ge3A_1086 : vector<8x512xf32>
        %or3A_1088 = arith.ori %ge3A_1087, %eq3A_117 : vector<8x512xi1>
        %and3A_1089 = vector.broadcast %and3A_810 : i1 to vector<8x512xi1>
        %and3A_1090 = arith.andi %and3A_1089, %or3A_1088 : vector<8x512xi1>
        %or3A_1091 = arith.ori %or3A_1057, %and3A_1090 : vector<8x512xi1>
        %max3A_1092 = vector.broadcast %reduce_max3A_296 : f32 to vector<8x512xf32>
        %max3A_1093 = arith.maximumf %max3A_1092, %get3A_91 : vector<8x512xf32>
        %max3A_1094 = vector.broadcast %reduce_max3A_303 : f32 to vector<8x512xf32>
        %max3A_1095 = arith.maximumf %max3A_1094, %get3A_94 : vector<8x512xf32>
        %min3A_1096 = vector.broadcast %reduce_max3A_310 : f32 to vector<8x512xf32>
        %min3A_1097 = arith.minimumf %min3A_1096, %get3A_97 : vector<8x512xf32>
        %min3A_1098 = vector.broadcast %reduce_max3A_317 : f32 to vector<8x512xf32>
        %min3A_1099 = arith.minimumf %min3A_1098, %get3A_100 : vector<8x512xf32>
        %sub3A_1100 = arith.subf %min3A_1097, %max3A_1093 : vector<8x512xf32>
        %max3A_1101 = arith.constant 0.000000e+00 : f32
        %max3A_1102 = vector.broadcast %max3A_1101 : f32 to vector<8x512xf32>
        %max3A_1103 = arith.maximumf %sub3A_1100, %max3A_1102 : vector<8x512xf32>
        %sub3A_1104 = arith.subf %min3A_1099, %max3A_1095 : vector<8x512xf32>
        %max3A_1105 = arith.constant 0.000000e+00 : f32
        %max3A_1106 = vector.broadcast %max3A_1105 : f32 to vector<8x512xf32>
        %max3A_1107 = arith.maximumf %sub3A_1104, %max3A_1106 : vector<8x512xf32>
        %mul3A_1108 = arith.mulf %max3A_1103, %max3A_1107 : vector<8x512xf32>
        %add3A_1109 = vector.broadcast %mul3A_324 : f32 to vector<8x512xf32>
        %add3A_1110 = arith.addf %add3A_1109, %get3A_103 : vector<8x512xf32>
        %sub3A_1111 = arith.subf %add3A_1110, %mul3A_1108 : vector<8x512xf32>
        %gt3A_1112 = arith.constant 0.000000e+00 : f32
        %gt3A_1113 = vector.broadcast %gt3A_1112 : f32 to vector<8x512xf32>
        %gt3A_1114 = arith.cmpf ogt, %sub3A_1111, %gt3A_1113 : vector<8x512xf32>
        %div3A_1115 = arith.divf %mul3A_1108, %sub3A_1111 : vector<8x512xf32>
        %jit3A_1116 = arith.constant 0.000000e+00 : f32
        %broadcast_in_dim3A_1117 = vector.broadcast %jit3A_1116 : f32 to vector<8x512xf32>
        %select_n3A_1118 = arith.select %gt3A_1114, %div3A_1115, %broadcast_in_dim3A_1117 : vector<8x512xi1>, vector<8x512xf32>
        %ge3A_1119 = arith.constant 0.699999988 : f32
        %ge3A_1120 = vector.broadcast %ge3A_1119 : f32 to vector<8x512xf32>
        %ge3A_1121 = arith.cmpf oge, %select_n3A_1118, %ge3A_1120 : vector<8x512xf32>
        %or3A_1122 = arith.ori %ge3A_1121, %eq3A_126 : vector<8x512xi1>
        %and3A_1123 = vector.broadcast %and3A_812 : i1 to vector<8x512xi1>
        %and3A_1124 = arith.andi %and3A_1123, %or3A_1122 : vector<8x512xi1>
        %or3A_1125 = arith.ori %or3A_1091, %and3A_1124 : vector<8x512xi1>
        %max3A_1126 = vector.broadcast %reduce_max3A_331 : f32 to vector<8x512xf32>
        %max3A_1127 = arith.maximumf %max3A_1126, %get3A_91 : vector<8x512xf32>
        %max3A_1128 = vector.broadcast %reduce_max3A_338 : f32 to vector<8x512xf32>
        %max3A_1129 = arith.maximumf %max3A_1128, %get3A_94 : vector<8x512xf32>
        %min3A_1130 = vector.broadcast %reduce_max3A_345 : f32 to vector<8x512xf32>
        %min3A_1131 = arith.minimumf %min3A_1130, %get3A_97 : vector<8x512xf32>
        %min3A_1132 = vector.broadcast %reduce_max3A_352 : f32 to vector<8x512xf32>
        %min3A_1133 = arith.minimumf %min3A_1132, %get3A_100 : vector<8x512xf32>
        %sub3A_1134 = arith.subf %min3A_1131, %max3A_1127 : vector<8x512xf32>
        %max3A_1135 = arith.constant 0.000000e+00 : f32
        %max3A_1136 = vector.broadcast %max3A_1135 : f32 to vector<8x512xf32>
        %max3A_1137 = arith.maximumf %sub3A_1134, %max3A_1136 : vector<8x512xf32>
        %sub3A_1138 = arith.subf %min3A_1133, %max3A_1129 : vector<8x512xf32>
        %max3A_1139 = arith.constant 0.000000e+00 : f32
        %max3A_1140 = vector.broadcast %max3A_1139 : f32 to vector<8x512xf32>
        %max3A_1141 = arith.maximumf %sub3A_1138, %max3A_1140 : vector<8x512xf32>
        %mul3A_1142 = arith.mulf %max3A_1137, %max3A_1141 : vector<8x512xf32>
        %add3A_1143 = vector.broadcast %mul3A_359 : f32 to vector<8x512xf32>
        %add3A_1144 = arith.addf %add3A_1143, %get3A_103 : vector<8x512xf32>
        %sub3A_1145 = arith.subf %add3A_1144, %mul3A_1142 : vector<8x512xf32>
        %gt3A_1146 = arith.constant 0.000000e+00 : f32
        %gt3A_1147 = vector.broadcast %gt3A_1146 : f32 to vector<8x512xf32>
        %gt3A_1148 = arith.cmpf ogt, %sub3A_1145, %gt3A_1147 : vector<8x512xf32>
        %div3A_1149 = arith.divf %mul3A_1142, %sub3A_1145 : vector<8x512xf32>
        %jit3A_1150 = arith.constant 0.000000e+00 : f32
        %broadcast_in_dim3A_1151 = vector.broadcast %jit3A_1150 : f32 to vector<8x512xf32>
        %select_n3A_1152 = arith.select %gt3A_1148, %div3A_1149, %broadcast_in_dim3A_1151 : vector<8x512xi1>, vector<8x512xf32>
        %ge3A_1153 = arith.constant 0.699999988 : f32
        %ge3A_1154 = vector.broadcast %ge3A_1153 : f32 to vector<8x512xf32>
        %ge3A_1155 = arith.cmpf oge, %select_n3A_1152, %ge3A_1154 : vector<8x512xf32>
        %or3A_1156 = arith.ori %ge3A_1155, %eq3A_135 : vector<8x512xi1>
        %and3A_1157 = vector.broadcast %and3A_814 : i1 to vector<8x512xi1>
        %and3A_1158 = arith.andi %and3A_1157, %or3A_1156 : vector<8x512xi1>
        %or3A_1159 = arith.ori %or3A_1125, %and3A_1158 : vector<8x512xi1>
        %max3A_1160 = vector.broadcast %reduce_max3A_366 : f32 to vector<8x512xf32>
        %max3A_1161 = arith.maximumf %max3A_1160, %get3A_91 : vector<8x512xf32>
        %max3A_1162 = vector.broadcast %reduce_max3A_373 : f32 to vector<8x512xf32>
        %max3A_1163 = arith.maximumf %max3A_1162, %get3A_94 : vector<8x512xf32>
        %min3A_1164 = vector.broadcast %reduce_max3A_380 : f32 to vector<8x512xf32>
        %min3A_1165 = arith.minimumf %min3A_1164, %get3A_97 : vector<8x512xf32>
        %min3A_1166 = vector.broadcast %reduce_max3A_387 : f32 to vector<8x512xf32>
        %min3A_1167 = arith.minimumf %min3A_1166, %get3A_100 : vector<8x512xf32>
        %sub3A_1168 = arith.subf %min3A_1165, %max3A_1161 : vector<8x512xf32>
        %max3A_1169 = arith.constant 0.000000e+00 : f32
        %max3A_1170 = vector.broadcast %max3A_1169 : f32 to vector<8x512xf32>
        %max3A_1171 = arith.maximumf %sub3A_1168, %max3A_1170 : vector<8x512xf32>
        %sub3A_1172 = arith.subf %min3A_1167, %max3A_1163 : vector<8x512xf32>
        %max3A_1173 = arith.constant 0.000000e+00 : f32
        %max3A_1174 = vector.broadcast %max3A_1173 : f32 to vector<8x512xf32>
        %max3A_1175 = arith.maximumf %sub3A_1172, %max3A_1174 : vector<8x512xf32>
        %mul3A_1176 = arith.mulf %max3A_1171, %max3A_1175 : vector<8x512xf32>
        %add3A_1177 = vector.broadcast %mul3A_394 : f32 to vector<8x512xf32>
        %add3A_1178 = arith.addf %add3A_1177, %get3A_103 : vector<8x512xf32>
        %sub3A_1179 = arith.subf %add3A_1178, %mul3A_1176 : vector<8x512xf32>
        %gt3A_1180 = arith.constant 0.000000e+00 : f32
        %gt3A_1181 = vector.broadcast %gt3A_1180 : f32 to vector<8x512xf32>
        %gt3A_1182 = arith.cmpf ogt, %sub3A_1179, %gt3A_1181 : vector<8x512xf32>
        %div3A_1183 = arith.divf %mul3A_1176, %sub3A_1179 : vector<8x512xf32>
        %jit3A_1184 = arith.constant 0.000000e+00 : f32
        %broadcast_in_dim3A_1185 = vector.broadcast %jit3A_1184 : f32 to vector<8x512xf32>
        %select_n3A_1186 = arith.select %gt3A_1182, %div3A_1183, %broadcast_in_dim3A_1185 : vector<8x512xi1>, vector<8x512xf32>
        %ge3A_1187 = arith.constant 0.699999988 : f32
        %ge3A_1188 = vector.broadcast %ge3A_1187 : f32 to vector<8x512xf32>
        %ge3A_1189 = arith.cmpf oge, %select_n3A_1186, %ge3A_1188 : vector<8x512xf32>
        %or3A_1190 = arith.ori %ge3A_1189, %eq3A_144 : vector<8x512xi1>
        %and3A_1191 = vector.broadcast %and3A_816 : i1 to vector<8x512xi1>
        %and3A_1192 = arith.andi %and3A_1191, %or3A_1190 : vector<8x512xi1>
        %or3A_1193 = arith.ori %or3A_1159, %and3A_1192 : vector<8x512xi1>
        %max3A_1194 = vector.broadcast %reduce_max3A_401 : f32 to vector<8x512xf32>
        %max3A_1195 = arith.maximumf %max3A_1194, %get3A_91 : vector<8x512xf32>
        %max3A_1196 = vector.broadcast %reduce_max3A_408 : f32 to vector<8x512xf32>
        %max3A_1197 = arith.maximumf %max3A_1196, %get3A_94 : vector<8x512xf32>
        %min3A_1198 = vector.broadcast %reduce_max3A_415 : f32 to vector<8x512xf32>
        %min3A_1199 = arith.minimumf %min3A_1198, %get3A_97 : vector<8x512xf32>
        %min3A_1200 = vector.broadcast %reduce_max3A_422 : f32 to vector<8x512xf32>
        %min3A_1201 = arith.minimumf %min3A_1200, %get3A_100 : vector<8x512xf32>
        %sub3A_1202 = arith.subf %min3A_1199, %max3A_1195 : vector<8x512xf32>
        %max3A_1203 = arith.constant 0.000000e+00 : f32
        %max3A_1204 = vector.broadcast %max3A_1203 : f32 to vector<8x512xf32>
        %max3A_1205 = arith.maximumf %sub3A_1202, %max3A_1204 : vector<8x512xf32>
        %sub3A_1206 = arith.subf %min3A_1201, %max3A_1197 : vector<8x512xf32>
        %max3A_1207 = arith.constant 0.000000e+00 : f32
        %max3A_1208 = vector.broadcast %max3A_1207 : f32 to vector<8x512xf32>
        %max3A_1209 = arith.maximumf %sub3A_1206, %max3A_1208 : vector<8x512xf32>
        %mul3A_1210 = arith.mulf %max3A_1205, %max3A_1209 : vector<8x512xf32>
        %add3A_1211 = vector.broadcast %mul3A_429 : f32 to vector<8x512xf32>
        %add3A_1212 = arith.addf %add3A_1211, %get3A_103 : vector<8x512xf32>
        %sub3A_1213 = arith.subf %add3A_1212, %mul3A_1210 : vector<8x512xf32>
        %gt3A_1214 = arith.constant 0.000000e+00 : f32
        %gt3A_1215 = vector.broadcast %gt3A_1214 : f32 to vector<8x512xf32>
        %gt3A_1216 = arith.cmpf ogt, %sub3A_1213, %gt3A_1215 : vector<8x512xf32>
        %div3A_1217 = arith.divf %mul3A_1210, %sub3A_1213 : vector<8x512xf32>
        %jit3A_1218 = arith.constant 0.000000e+00 : f32
        %broadcast_in_dim3A_1219 = vector.broadcast %jit3A_1218 : f32 to vector<8x512xf32>
        %select_n3A_1220 = arith.select %gt3A_1216, %div3A_1217, %broadcast_in_dim3A_1219 : vector<8x512xi1>, vector<8x512xf32>
        %ge3A_1221 = arith.constant 0.699999988 : f32
        %ge3A_1222 = vector.broadcast %ge3A_1221 : f32 to vector<8x512xf32>
        %ge3A_1223 = arith.cmpf oge, %select_n3A_1220, %ge3A_1222 : vector<8x512xf32>
        %or3A_1224 = arith.ori %ge3A_1223, %eq3A_153 : vector<8x512xi1>
        %and3A_1225 = vector.broadcast %and3A_818 : i1 to vector<8x512xi1>
        %and3A_1226 = arith.andi %and3A_1225, %or3A_1224 : vector<8x512xi1>
        %or3A_1227 = arith.ori %or3A_1193, %and3A_1226 : vector<8x512xi1>
        %broadcast_in_dim3A_1228 = vector.broadcast %scan3A : f32 to vector<8x512xf32>
        %select_n3A_1229 = arith.select %or3A_1227, %broadcast_in_dim3A_1228, %get3A_85 : vector<8x512xi1>, vector<8x512xf32>
        %swap3A_1230 = arith.constant 0 : index
        %swap3A_1231 = arith.constant 0 : index
        %swap3A_1232 = vector.load %arg11[%swap3A_1230, %swap3A_1231] : memref<8x512xf32, #tpu.memory_space<vmem>>, vector<8x512xf32>
        tpu.vector_store %arg11[%swap3A_1230, %swap3A_1231], %select_n3A_1229 {strides = array<i32>} : memref<8x512xf32, #tpu.memory_space<vmem>>, vector<8x512xf32>,
        %jit3A_1233 = arith.constant 1 : i32
        %jit3A_1234 = arith.constant 0 : i32
        %select_n3A_1235 = arith.select %lt3A_808, %jit3A_1233, %jit3A_1234 : i32
        %jit3A_1236 = arith.constant 1 : i32
        %jit3A_1237 = arith.constant 0 : i32
        %select_n3A_1238 = arith.select %and3A_810, %jit3A_1236, %jit3A_1237 : i32
        %add3A_1239 = arith.addi %select_n3A_1235, %select_n3A_1238 : i32
        %jit3A_1240 = arith.constant 1 : i32
        %jit3A_1241 = arith.constant 0 : i32
        %select_n3A_1242 = arith.select %and3A_812, %jit3A_1240, %jit3A_1241 : i32
        %add3A_1243 = arith.addi %add3A_1239, %select_n3A_1242 : i32
        %jit3A_1244 = arith.constant 1 : i32
        %jit3A_1245 = arith.constant 0 : i32
        %select_n3A_1246 = arith.select %and3A_814, %jit3A_1244, %jit3A_1245 : i32
        %add3A_1247 = arith.addi %add3A_1243, %select_n3A_1246 : i32
        %jit3A_1248 = arith.constant 1 : i32
        %jit3A_1249 = arith.constant 0 : i32
        %select_n3A_1250 = arith.select %and3A_816, %jit3A_1248, %jit3A_1249 : i32
        %add3A_1251 = arith.addi %add3A_1247, %select_n3A_1250 : i32
        %jit3A_1252 = arith.constant 1 : i32
        %jit3A_1253 = arith.constant 0 : i32
        %select_n3A_1254 = arith.select %and3A_818, %jit3A_1252, %jit3A_1253 : i32
        %add3A_1255 = arith.addi %add3A_1251, %select_n3A_1254 : i32
        %swap3A_1256 = arith.constant 0 : index
        %swap3A_1257 = memref.load %arg13[%swap3A_1256] : memref<1xi32, #tpu.memory_space<smem>>
        memref.store %add3A_1255, %arg13[%swap3A_1256] : memref<1xi32, #tpu.memory_space<smem>>
      } else {
      }
      %get3A_81 = arith.constant 0 : index
      %get3A_82 = memref.load %arg13[%get3A_81] : memref<1xi32, #tpu.memory_space<smem>>
      %add3A = arith.addi %scan3A_74, %get3A_82 : i32
      scf.yield %add3A : i32
    }
    %get3A_68 = arith.constant 0 : index
    %get3A_69 = memref.load %arg10[%get3A_68] : memref<1xi32, #tpu.memory_space<smem>>
    %lt3A = arith.cmpi slt, %scan3A_67, %get3A_26 : i32
    %convert_element_type3A_70 = arith.extui %lt3A : i1 to i32
    %or3A = arith.ori %get3A_69, %convert_element_type3A_70 : i32
    %swap3A_71 = arith.constant 0 : index
    %swap3A_72 = memref.load %arg10[%swap3A_71] : memref<1xi32, #tpu.memory_space<smem>>
    memref.store %or3A, %arg10[%swap3A_71] : memref<1xi32, #tpu.memory_space<smem>>
    return
  }
}

module attributes {stable_mosaic.version = 14 : i64} {
  func.func @_nms_full_body(%arg0: memref<1xi32, #tpu.memory_space<smem>>, %arg1: memref<8x2560xf32, #tpu.memory_space<vmem>>, %arg2: memref<8x2560xf32, #tpu.memory_space<vmem>>, %arg3: memref<8x2560xf32, #tpu.memory_space<vmem>>, %arg4: memref<8x2560xf32, #tpu.memory_space<vmem>>, %arg5: memref<8x2560xf32, #tpu.memory_space<vmem>>, %arg6: memref<1000x4xf32, #tpu.memory_space<vmem>>, %arg7: memref<8x2560xf32, #tpu.memory_space<vmem>>, %arg8: memref<8x2560xf32, #tpu.memory_space<vmem>>) attributes {dimension_semantics = [], scalar_prefetch = 0 : i64, scratch_operands = 2 : i64, tpu.core_type = #tpu.core_type<tc>} {
    %get3A = arith.constant 0 : index
    %get3A_0 = arith.constant 0 : index
    %get3A_1 = vector.load %arg1[%get3A, %get3A_0] : memref<8x2560xf32, #tpu.memory_space<vmem>>, vector<8x2560xf32>
    %swap3A = arith.constant 0 : index
    %swap3A_2 = arith.constant 0 : index
    %swap3A_3 = vector.load %arg7[%swap3A, %swap3A_2] : memref<8x2560xf32, #tpu.memory_space<vmem>>, vector<8x2560xf32>
    tpu.vector_store %arg7[%swap3A, %swap3A_2], %get3A_1 {strides = array<i32>} : memref<8x2560xf32, #tpu.memory_space<vmem>>, vector<8x2560xf32>,
    %get3A_4 = arith.constant 0 : index
    %get3A_5 = arith.constant 0 : index
    %get3A_6 = vector.load %arg4[%get3A_4, %get3A_5] : memref<8x2560xf32, #tpu.memory_space<vmem>>, vector<8x2560xf32>
    %get3A_7 = arith.constant 0 : index
    %get3A_8 = arith.constant 0 : index
    %get3A_9 = vector.load %arg2[%get3A_7, %get3A_8] : memref<8x2560xf32, #tpu.memory_space<vmem>>, vector<8x2560xf32>
    %sub3A = arith.subf %get3A_6, %get3A_9 : vector<8x2560xf32>
    %max3A = arith.constant 0.000000e+00 : f32
    %max3A_10 = vector.broadcast %max3A : f32 to vector<8x2560xf32>
    %max3A_11 = arith.maximumf %sub3A, %max3A_10 : vector<8x2560xf32>
    %get3A_12 = arith.constant 0 : index
    %get3A_13 = arith.constant 0 : index
    %get3A_14 = vector.load %arg5[%get3A_12, %get3A_13] : memref<8x2560xf32, #tpu.memory_space<vmem>>, vector<8x2560xf32>
    %get3A_15 = arith.constant 0 : index
    %get3A_16 = arith.constant 0 : index
    %get3A_17 = vector.load %arg3[%get3A_15, %get3A_16] : memref<8x2560xf32, #tpu.memory_space<vmem>>, vector<8x2560xf32>
    %sub3A_18 = arith.subf %get3A_14, %get3A_17 : vector<8x2560xf32>
    %max3A_19 = arith.constant 0.000000e+00 : f32
    %max3A_20 = vector.broadcast %max3A_19 : f32 to vector<8x2560xf32>
    %max3A_21 = arith.maximumf %sub3A_18, %max3A_20 : vector<8x2560xf32>
    %mul3A = arith.mulf %max3A_11, %max3A_21 : vector<8x2560xf32>
    %swap3A_22 = arith.constant 0 : index
    %swap3A_23 = arith.constant 0 : index
    %swap3A_24 = vector.load %arg8[%swap3A_22, %swap3A_23] : memref<8x2560xf32, #tpu.memory_space<vmem>>, vector<8x2560xf32>
    tpu.vector_store %arg8[%swap3A_22, %swap3A_23], %mul3A {strides = array<i32>} : memref<8x2560xf32, #tpu.memory_space<vmem>>, vector<8x2560xf32>,
    %get3A_25 = arith.constant 0 : index
    %get3A_26 = memref.load %arg0[%get3A_25] : memref<1xi32, #tpu.memory_space<smem>>
    %iota3A = tpu.iota {dimensions = array<i32: 0>} : vector<8x2560xi32>
    %iota3A_27 = tpu.iota {dimensions = array<i32: 1>} : vector<8x2560xi32>
    %mul3A_28 = arith.constant 2560 : i32
    %mul3A_29 = vector.broadcast %mul3A_28 : i32 to vector<8x2560xi32>
    %mul3A_30 = arith.muli %iota3A, %mul3A_29 : vector<8x2560xi32>
    %add3A = arith.addi %mul3A_30, %iota3A_27 : vector<8x2560xi32>
    %convert_element_type3A = arith.sitofp %add3A : vector<8x2560xi32> to vector<8x2560xf32>
    %get3A_31 = arith.constant 0 : index
    %get3A_32 = arith.constant 0 : index
    %get3A_33 = vector.load %arg2[%get3A_31, %get3A_32] : memref<8x2560xf32, #tpu.memory_space<vmem>>, vector<1x1xf32>
    %get3A_34 = vector.extract %get3A_33[0, 0] : f32 from vector<1x1xf32>
    %get3A_35 = arith.constant 0 : index
    %get3A_36 = arith.constant 0 : index
    %get3A_37 = vector.load %arg3[%get3A_35, %get3A_36] : memref<8x2560xf32, #tpu.memory_space<vmem>>, vector<1x1xf32>
    %get3A_38 = vector.extract %get3A_37[0, 0] : f32 from vector<1x1xf32>
    %get3A_39 = arith.constant 0 : index
    %get3A_40 = arith.constant 0 : index
    %get3A_41 = vector.load %arg4[%get3A_39, %get3A_40] : memref<8x2560xf32, #tpu.memory_space<vmem>>, vector<1x1xf32>
    %get3A_42 = vector.extract %get3A_41[0, 0] : f32 from vector<1x1xf32>
    %get3A_43 = arith.constant 0 : index
    %get3A_44 = arith.constant 0 : index
    %get3A_45 = vector.load %arg5[%get3A_43, %get3A_44] : memref<8x2560xf32, #tpu.memory_space<vmem>>, vector<1x1xf32>
    %get3A_46 = vector.extract %get3A_45[0, 0] : f32 from vector<1x1xf32>
    %scan3A = arith.constant 0 : i32
    %scan3A_47 = arith.constant 1000 : i32
    %scan3A_48 = arith.addi %scan3A, %scan3A_47 : i32
    %scan3A_49 = arith.constant 1 : i32
    scf.for %scan3A_51 = %scan3A to %scan3A_48 step %scan3A_49  : i32 {
      %get3A_52 = arith.constant 0 : index
      %get3A_53 = arith.constant 0 : index
      %get3A_54 = vector.load %arg7[%get3A_52, %get3A_53] : memref<8x2560xf32, #tpu.memory_space<vmem>>, vector<8x2560xf32>
      %reduce_max3A = vector.shape_cast %get3A_54 : vector<8x2560xf32> to vector<1x8x2560xf32>
      %reduce_max3A_55 = arith.constant dense<0xFF800000> : vector<1xf32>
      %reduce_max3A_56 = vector.multi_reduction <maximumf>, %reduce_max3A, %reduce_max3A_55 [1, 2] : vector<1x8x2560xf32> to vector<1xf32>
      %reduce_max3A_57 = vector.shape_cast %reduce_max3A_56 : vector<1xf32> to vector<1x1x1xf32>
      %reduce_max3A_58 = vector.extract %reduce_max3A_57[0, 0, 0] : f32 from vector<1x1x1xf32>
      %eq3A = vector.broadcast %reduce_max3A_58 : f32 to vector<8x2560xf32>
      %eq3A_59 = arith.cmpf oeq, %get3A_54, %eq3A : vector<8x2560xf32>
      %jit3A = arith.constant 2.048000e+04 : f32
      %broadcast_in_dim3A = vector.broadcast %jit3A : f32 to vector<8x2560xf32>
      %select_n3A = arith.select %eq3A_59, %convert_element_type3A, %broadcast_in_dim3A : vector<8x2560xi1>, vector<8x2560xf32>
      %reduce_min3A = vector.shape_cast %select_n3A : vector<8x2560xf32> to vector<1x8x2560xf32>
      %reduce_min3A_60 = arith.constant dense<0x7F800000> : vector<1xf32>
      %reduce_min3A_61 = vector.multi_reduction <minimumf>, %reduce_min3A, %reduce_min3A_60 [1, 2] : vector<1x8x2560xf32> to vector<1xf32>
      %reduce_min3A_62 = vector.shape_cast %reduce_min3A_61 : vector<1xf32> to vector<1x1x1xf32>
      %reduce_min3A_63 = vector.extract %reduce_min3A_62[0, 0, 0] : f32 from vector<1x1x1xf32>
      %gt3A = arith.constant -5.000000e+29 : f32
      %gt3A_64 = arith.cmpf ogt, %reduce_max3A_58, %gt3A : f32
      %lt3A = arith.cmpi slt, %scan3A_51, %get3A_26 : i32
      %and3A = arith.andi %gt3A_64, %lt3A : i1
      %eq3A_65 = vector.broadcast %reduce_min3A_63 : f32 to vector<8x2560xf32>
      %eq3A_66 = arith.cmpf oeq, %convert_element_type3A, %eq3A_65 : vector<8x2560xf32>
      %get3A_67 = arith.constant 0 : index
      %get3A_68 = arith.constant 0 : index
      %get3A_69 = vector.load %arg2[%get3A_67, %get3A_68] : memref<8x2560xf32, #tpu.memory_space<vmem>>, vector<8x2560xf32>
      %jit3A_70 = arith.constant -1.000000e+30 : f32
      %broadcast_in_dim3A_71 = vector.broadcast %jit3A_70 : f32 to vector<8x2560xf32>
      %select_n3A_72 = arith.select %eq3A_66, %get3A_69, %broadcast_in_dim3A_71 : vector<8x2560xi1>, vector<8x2560xf32>
      %reduce_max3A_73 = vector.shape_cast %select_n3A_72 : vector<8x2560xf32> to vector<1x8x2560xf32>
      %reduce_max3A_74 = arith.constant dense<0xFF800000> : vector<1xf32>
      %reduce_max3A_75 = vector.multi_reduction <maximumf>, %reduce_max3A_73, %reduce_max3A_74 [1, 2] : vector<1x8x2560xf32> to vector<1xf32>
      %reduce_max3A_76 = vector.shape_cast %reduce_max3A_75 : vector<1xf32> to vector<1x1x1xf32>
      %reduce_max3A_77 = vector.extract %reduce_max3A_76[0, 0, 0] : f32 from vector<1x1x1xf32>
      %get3A_78 = arith.constant 0 : index
      %get3A_79 = arith.constant 0 : index
      %get3A_80 = vector.load %arg3[%get3A_78, %get3A_79] : memref<8x2560xf32, #tpu.memory_space<vmem>>, vector<8x2560xf32>
      %jit3A_81 = arith.constant -1.000000e+30 : f32
      %broadcast_in_dim3A_82 = vector.broadcast %jit3A_81 : f32 to vector<8x2560xf32>
      %select_n3A_83 = arith.select %eq3A_66, %get3A_80, %broadcast_in_dim3A_82 : vector<8x2560xi1>, vector<8x2560xf32>
      %reduce_max3A_84 = vector.shape_cast %select_n3A_83 : vector<8x2560xf32> to vector<1x8x2560xf32>
      %reduce_max3A_85 = arith.constant dense<0xFF800000> : vector<1xf32>
      %reduce_max3A_86 = vector.multi_reduction <maximumf>, %reduce_max3A_84, %reduce_max3A_85 [1, 2] : vector<1x8x2560xf32> to vector<1xf32>
      %reduce_max3A_87 = vector.shape_cast %reduce_max3A_86 : vector<1xf32> to vector<1x1x1xf32>
      %reduce_max3A_88 = vector.extract %reduce_max3A_87[0, 0, 0] : f32 from vector<1x1x1xf32>
      %get3A_89 = arith.constant 0 : index
      %get3A_90 = arith.constant 0 : index
      %get3A_91 = vector.load %arg4[%get3A_89, %get3A_90] : memref<8x2560xf32, #tpu.memory_space<vmem>>, vector<8x2560xf32>
      %jit3A_92 = arith.constant -1.000000e+30 : f32
      %broadcast_in_dim3A_93 = vector.broadcast %jit3A_92 : f32 to vector<8x2560xf32>
      %select_n3A_94 = arith.select %eq3A_66, %get3A_91, %broadcast_in_dim3A_93 : vector<8x2560xi1>, vector<8x2560xf32>
      %reduce_max3A_95 = vector.shape_cast %select_n3A_94 : vector<8x2560xf32> to vector<1x8x2560xf32>
      %reduce_max3A_96 = arith.constant dense<0xFF800000> : vector<1xf32>
      %reduce_max3A_97 = vector.multi_reduction <maximumf>, %reduce_max3A_95, %reduce_max3A_96 [1, 2] : vector<1x8x2560xf32> to vector<1xf32>
      %reduce_max3A_98 = vector.shape_cast %reduce_max3A_97 : vector<1xf32> to vector<1x1x1xf32>
      %reduce_max3A_99 = vector.extract %reduce_max3A_98[0, 0, 0] : f32 from vector<1x1x1xf32>
      %get3A_100 = arith.constant 0 : index
      %get3A_101 = arith.constant 0 : index
      %get3A_102 = vector.load %arg5[%get3A_100, %get3A_101] : memref<8x2560xf32, #tpu.memory_space<vmem>>, vector<8x2560xf32>
      %jit3A_103 = arith.constant -1.000000e+30 : f32
      %broadcast_in_dim3A_104 = vector.broadcast %jit3A_103 : f32 to vector<8x2560xf32>
      %select_n3A_105 = arith.select %eq3A_66, %get3A_102, %broadcast_in_dim3A_104 : vector<8x2560xi1>, vector<8x2560xf32>
      %reduce_max3A_106 = vector.shape_cast %select_n3A_105 : vector<8x2560xf32> to vector<1x8x2560xf32>
      %reduce_max3A_107 = arith.constant dense<0xFF800000> : vector<1xf32>
      %reduce_max3A_108 = vector.multi_reduction <maximumf>, %reduce_max3A_106, %reduce_max3A_107 [1, 2] : vector<1x8x2560xf32> to vector<1xf32>
      %reduce_max3A_109 = vector.shape_cast %reduce_max3A_108 : vector<1xf32> to vector<1x1x1xf32>
      %reduce_max3A_110 = vector.extract %reduce_max3A_109[0, 0, 0] : f32 from vector<1x1x1xf32>
      %get3A_111 = arith.constant 0 : index
      %get3A_112 = arith.constant 0 : index
      %get3A_113 = vector.load %arg8[%get3A_111, %get3A_112] : memref<8x2560xf32, #tpu.memory_space<vmem>>, vector<8x2560xf32>
      %jit3A_114 = arith.constant -1.000000e+30 : f32
      %broadcast_in_dim3A_115 = vector.broadcast %jit3A_114 : f32 to vector<8x2560xf32>
      %select_n3A_116 = arith.select %eq3A_66, %get3A_113, %broadcast_in_dim3A_115 : vector<8x2560xi1>, vector<8x2560xf32>
      %reduce_max3A_117 = vector.shape_cast %select_n3A_116 : vector<8x2560xf32> to vector<1x8x2560xf32>
      %reduce_max3A_118 = arith.constant dense<0xFF800000> : vector<1xf32>
      %reduce_max3A_119 = vector.multi_reduction <maximumf>, %reduce_max3A_117, %reduce_max3A_118 [1, 2] : vector<1x8x2560xf32> to vector<1xf32>
      %reduce_max3A_120 = vector.shape_cast %reduce_max3A_119 : vector<1xf32> to vector<1x1x1xf32>
      %reduce_max3A_121 = vector.extract %reduce_max3A_120[0, 0, 0] : f32 from vector<1x1x1xf32>
      %get3A_122 = arith.constant 0 : index
      %get3A_123 = arith.constant 0 : index
      %get3A_124 = vector.load %arg2[%get3A_122, %get3A_123] : memref<8x2560xf32, #tpu.memory_space<vmem>>, vector<8x2560xf32>
      %max3A_125 = vector.broadcast %reduce_max3A_77 : f32 to vector<8x2560xf32>
      %max3A_126 = arith.maximumf %max3A_125, %get3A_124 : vector<8x2560xf32>
      %get3A_127 = arith.constant 0 : index
      %get3A_128 = arith.constant 0 : index
      %get3A_129 = vector.load %arg3[%get3A_127, %get3A_128] : memref<8x2560xf32, #tpu.memory_space<vmem>>, vector<8x2560xf32>
      %max3A_130 = vector.broadcast %reduce_max3A_88 : f32 to vector<8x2560xf32>
      %max3A_131 = arith.maximumf %max3A_130, %get3A_129 : vector<8x2560xf32>
      %get3A_132 = arith.constant 0 : index
      %get3A_133 = arith.constant 0 : index
      %get3A_134 = vector.load %arg4[%get3A_132, %get3A_133] : memref<8x2560xf32, #tpu.memory_space<vmem>>, vector<8x2560xf32>
      %min3A = vector.broadcast %reduce_max3A_99 : f32 to vector<8x2560xf32>
      %min3A_135 = arith.minimumf %min3A, %get3A_134 : vector<8x2560xf32>
      %get3A_136 = arith.constant 0 : index
      %get3A_137 = arith.constant 0 : index
      %get3A_138 = vector.load %arg5[%get3A_136, %get3A_137] : memref<8x2560xf32, #tpu.memory_space<vmem>>, vector<8x2560xf32>
      %min3A_139 = vector.broadcast %reduce_max3A_110 : f32 to vector<8x2560xf32>
      %min3A_140 = arith.minimumf %min3A_139, %get3A_138 : vector<8x2560xf32>
      %sub3A_141 = arith.subf %min3A_135, %max3A_126 : vector<8x2560xf32>
      %max3A_142 = arith.constant 0.000000e+00 : f32
      %max3A_143 = vector.broadcast %max3A_142 : f32 to vector<8x2560xf32>
      %max3A_144 = arith.maximumf %sub3A_141, %max3A_143 : vector<8x2560xf32>
      %sub3A_145 = arith.subf %min3A_140, %max3A_131 : vector<8x2560xf32>
      %max3A_146 = arith.constant 0.000000e+00 : f32
      %max3A_147 = vector.broadcast %max3A_146 : f32 to vector<8x2560xf32>
      %max3A_148 = arith.maximumf %sub3A_145, %max3A_147 : vector<8x2560xf32>
      %mul3A_149 = arith.mulf %max3A_144, %max3A_148 : vector<8x2560xf32>
      %get3A_150 = arith.constant 0 : index
      %get3A_151 = arith.constant 0 : index
      %get3A_152 = vector.load %arg8[%get3A_150, %get3A_151] : memref<8x2560xf32, #tpu.memory_space<vmem>>, vector<8x2560xf32>
      %add3A_153 = vector.broadcast %reduce_max3A_121 : f32 to vector<8x2560xf32>
      %add3A_154 = arith.addf %add3A_153, %get3A_152 : vector<8x2560xf32>
      %sub3A_155 = arith.subf %add3A_154, %mul3A_149 : vector<8x2560xf32>
      %gt3A_156 = arith.constant 0.000000e+00 : f32
      %gt3A_157 = vector.broadcast %gt3A_156 : f32 to vector<8x2560xf32>
      %gt3A_158 = arith.cmpf ogt, %sub3A_155, %gt3A_157 : vector<8x2560xf32>
      %div3A = arith.divf %mul3A_149, %sub3A_155 : vector<8x2560xf32>
      %jit3A_159 = arith.constant 0.000000e+00 : f32
      %broadcast_in_dim3A_160 = vector.broadcast %jit3A_159 : f32 to vector<8x2560xf32>
      %select_n3A_161 = arith.select %gt3A_158, %div3A, %broadcast_in_dim3A_160 : vector<8x2560xi1>, vector<8x2560xf32>
      %ge3A = arith.constant 0.699999988 : f32
      %ge3A_162 = vector.broadcast %ge3A : f32 to vector<8x2560xf32>
      %ge3A_163 = arith.cmpf oge, %select_n3A_161, %ge3A_162 : vector<8x2560xf32>
      %or3A = arith.ori %ge3A_163, %eq3A_66 : vector<8x2560xi1>
      %jit3A_164 = arith.constant -1.000000e+30 : f32
      %broadcast_in_dim3A_165 = vector.broadcast %jit3A_164 : f32 to vector<8x2560xf32>
      %select_n3A_166 = arith.select %or3A, %broadcast_in_dim3A_165, %get3A_54 : vector<8x2560xi1>, vector<8x2560xf32>
      %swap3A_167 = arith.constant 0 : index
      %swap3A_168 = arith.constant 0 : index
      %swap3A_169 = vector.load %arg7[%swap3A_167, %swap3A_168] : memref<8x2560xf32, #tpu.memory_space<vmem>>, vector<8x2560xf32>
      tpu.vector_store %arg7[%swap3A_167, %swap3A_168], %select_n3A_166 {strides = array<i32>} : memref<8x2560xf32, #tpu.memory_space<vmem>>, vector<8x2560xf32>,
      %select_n3A_170 = arith.select %and3A, %reduce_max3A_77, %get3A_34 : f32
      %select_n3A_171 = arith.select %and3A, %reduce_max3A_88, %get3A_38 : f32
      %select_n3A_172 = arith.select %and3A, %reduce_max3A_99, %get3A_42 : f32
      %select_n3A_173 = arith.select %and3A, %reduce_max3A_110, %get3A_46 : f32
      %broadcast_in_dim3A_174 = vector.broadcast %select_n3A_170 : f32 to vector<1x1xf32>
      %swap3A_175 = arith.index_cast %scan3A_51 : i32 to index
      %swap3A_176 = arith.constant 0 : index
      %swap3A_177 = vector.load %arg6[%swap3A_175, %swap3A_176] : memref<1000x4xf32, #tpu.memory_space<vmem>>, vector<1x1xf32>
      tpu.vector_store %arg6[%swap3A_175, %swap3A_176], %broadcast_in_dim3A_174 {strides = array<i32>} : memref<1000x4xf32, #tpu.memory_space<vmem>>, vector<1x1xf32>,
      %broadcast_in_dim3A_178 = vector.broadcast %select_n3A_171 : f32 to vector<1x1xf32>
      %swap3A_179 = arith.index_cast %scan3A_51 : i32 to index
      %swap3A_180 = arith.constant 1 : index
      %swap3A_181 = vector.load %arg6[%swap3A_179, %swap3A_180] : memref<1000x4xf32, #tpu.memory_space<vmem>>, vector<1x1xf32>
      tpu.vector_store %arg6[%swap3A_179, %swap3A_180], %broadcast_in_dim3A_178 {strides = array<i32>} : memref<1000x4xf32, #tpu.memory_space<vmem>>, vector<1x1xf32>,
      %broadcast_in_dim3A_182 = vector.broadcast %select_n3A_172 : f32 to vector<1x1xf32>
      %swap3A_183 = arith.index_cast %scan3A_51 : i32 to index
      %swap3A_184 = arith.constant 2 : index
      %swap3A_185 = vector.load %arg6[%swap3A_183, %swap3A_184] : memref<1000x4xf32, #tpu.memory_space<vmem>>, vector<1x1xf32>
      tpu.vector_store %arg6[%swap3A_183, %swap3A_184], %broadcast_in_dim3A_182 {strides = array<i32>} : memref<1000x4xf32, #tpu.memory_space<vmem>>, vector<1x1xf32>,
      %broadcast_in_dim3A_186 = vector.broadcast %select_n3A_173 : f32 to vector<1x1xf32>
      %swap3A_187 = arith.index_cast %scan3A_51 : i32 to index
      %swap3A_188 = arith.constant 3 : index
      %swap3A_189 = vector.load %arg6[%swap3A_187, %swap3A_188] : memref<1000x4xf32, #tpu.memory_space<vmem>>, vector<1x1xf32>
      tpu.vector_store %arg6[%swap3A_187, %swap3A_188], %broadcast_in_dim3A_186 {strides = array<i32>} : memref<1000x4xf32, #tpu.memory_space<vmem>>, vector<1x1xf32>,
    }
    %scan3A_50 = arith.constant 1000 : i32
    return
  }
}

</mosaic_0001>

<sc_bundles>
// kernel: kernel.4.cloned.1.call-start
scs
__scs_entry_jumppad:
0x0: {  	(pc) =	sbr.rel $0x88, $3  }
0x1: {  	(tag) =	ssettag $0x0;
	lr =	simm.s32 $0x1  }
0x2: {  	[smem:$0x3F9E] =	sst lr;
	_ =	strace $0xD0000000  }
0x3: {  	_ = 	snop  }
0x4: {  	_ = 	snop  }
0x5: {  	_ = 	snop  }
0x6: {  	_ = 	snop  }
0x7: {  	_ = 	snop  }
__scs_overlays_trampoline_lowered:
0x8: {  	[smem:$0x3FAD] =	sst s0  }
0x9: {  	[smem:$0x3FAE] =	sst s1  }
0xa: {  	[smem:$0x3FAF] =	sst s2  }
0xb: {  	[smem:$0x3FB0] =	sst s3  }
0xc: {  	[smem:$0x3FB1] =	sst s4  }
0xd: {  	[smem:$0x3FB2] =	sst s5  }
0xe: {  	[smem:$0x3FB3] =	sst s6  }
0xf: {  	[smem:$0x3FB4] =	sst s7  }
0x10: {  	[smem:$0x3FB5] =	sst s8  }
0x11: {  	[smem:$0x3FB6] =	sst s9;
	s0 =	simm.s32 @!p0 $0x0  }
0x12: {  	s1 =	sld [smem:$0x3F9C];
	s0 =	simm.s32 @p0 $0x1  }
0x13: {  	[smem:$0x3FB7] =	sst s0;
	s0 =	simm.s32 @!p1 $0x0  }
0x14: {  	s2 =	sld [smem:$0x3F9B];
	s0 =	simm.s32 @p1 $0x1  }
0x15: {  	[smem:$0x3FB8] =	sst s0;
	s0 =	simm.s32 @!p2 $0x0  }
0x16: {  	s3 =	sld [smem:$0x3FDB];
	s0 =	simm.s32 @p2 $0x1  }
0x17: {  	s4 =	simm.s32 $0x1BF5;
	[smem:$0x3FBA] =	sst s0  }
0x18: {  	s0 =	sld [smem:$0x3F9D];
	_ =	swait.ge [sflag:s4], $0x0  }
0x19: {  	s7 =	sld [smem:$0x3F9E]  }
0x1a: {  	s8 =	sadd.s32 $0xFFFFE003, lr  }
0x1b: {  	s9 =	sadd.s32 $0xFFFFFEF7, lr;
	s5 =	simm.s32 $0xFFFFFFFF;
	p2 =	slt.u32 s8, $0xFFFFF086  }
0x1c: {  	p1 =	slt.u32 s9, $0xF7A;
	s5 =	simm.s32 @!p2 $0x0  }
0x1d: {  	s5 =	simm.s32 @p1 $0x1;
	p0 =	seq.s32 s7, s2  }
0x1e: {  	s7 =	smul.u32 @!p0 $0xF7A, s2;
	p2 =	seq.s32 @!p0 s5, $0x0  }
0x1f: {  	s9 =	smul.u32 $0xF7A, s1;
	s8 =	simm.s32 @!p0 $0x1BF5;
	p2 =	por !p2, p0  }
0x20: {  	[sflag:s8] =	ssyncset.s32 @!p0 $0xFFFFF086;
	s6 =	sadd.s32 @!p0 s3, s7;
	s7 =	simm.s32 @!p0 $0x108  }
0x21: {  	s3 =	sadd.s32 s3, s9;
	s6 =	sadd.s32 @!p0 $0x88, s6;
	s7 =	simm.s32 @p2 $0x1082  }
0x22: {  	[simem:s7], [sflag:s8] =	dma.local @!p0 [hbm:s6], $0xF7A  }
0x23: {  	s9 =	sor.u32 $0xD0000000, s2;
	s6 =	simm.s32 $0x108;
	_ =	swait.ge @!p0 [sflag:s8], $0x0  }
0x24: {  	s3 =	sadd.s32 $0x88, s3;
	s6 =	simm.s32 @!p1 $0x1082;
	[sflag:s4] =	ssyncset.s32 $0xFFFFF086  }
0x25: {  	[simem:s6], [sflag:s4] =	dma.local [hbm:s3], $0xF7A  }
0x26: {  	[smem:$0x3F9E] =	sst s1;
	(tag) =	ssettag s2;
	_ =	strace s9  }
0x27: {  	s1 =	sld [smem:$0x3FAE]  }
0x28: {  	s2 =	sld [smem:$0x3FAF]  }
0x29: {  	s4 =	sld [smem:$0x3FB1]  }
0x2a: {  	p0 =	seq.s32 s5, $0x0;
	s5 =	sld [smem:$0x3FB2]  }
0x2b: {  	s6 =	sld [smem:$0x3FB3]  }
0x2c: {  	s7 =	sld [smem:$0x3FB4]  }
0x2d: {  	s3 =	simm.s32 $0x108;
	s8 =	sld [smem:$0x3FB5]  }
0x2e: {  	s3 =	simm.s32 @!p0 $0x1082;
	s9 =	sld [smem:$0x3FB6]  }
0x2f: {  	lr =	sadd.s32 s0, s3;
	s0 =	sld [smem:$0x3FAD]  }
0x30: {  	s3 =	sld [smem:$0x3FB0]  }
0x31: {  	[smem:$0x3FB9] =	sst s10  }
0x32: {  	s10 =	sld [smem:$0x3FB7];
	_ =	sdelay $0x3  }
0x33: {  	p0 =	seq.s32 s10, $0x1;
	s10 =	sld [smem:$0x3FB9];
	_ =	sdelay $0x3  }
0x34: {  	[smem:$0x3FB9] =	sst s10  }
0x35: {  	s10 =	sld [smem:$0x3FB8];
	_ =	sdelay $0x3  }
0x36: {  	p1 =	seq.s32 s10, $0x1;
	s10 =	sld [smem:$0x3FB9];
	_ =	sdelay $0x3  }
0x37: {  	[smem:$0x3FB9] =	sst s10  }
0x38: {  	s10 =	sld [smem:$0x3FBA]  }
0x39: {  	_ = 	snop;
	(pc) =	sbr.ind lr, $3  }
0x3a: {  	_ = 	snop  }
0x3b: {  	_ = 	snop  }
0x3c: {  	p2 =	seq.s32 s10, $0x1;
	s10 =	sld [smem:$0x3FB9]  }
0x3d: {  	_ =	shalt  }
0x3e: {  	_ =	shalt  }
0x3f: {  	_ =	shalt  }
0x40: {  	_ =	shalt  }
0x41: {  	_ =	shalt  }
0x42: {  	_ =	shalt  }
0x43: {  	_ =	shalt  }
0x44: {  	_ =	shalt  }
0x45: {  	_ =	shalt  }
0x46: {  	_ =	shalt  }
0x47: {  	_ =	shalt  }
0x48: {  	_ =	shalt  }
0x49: {  	_ =	shalt  }
0x4a: {  	_ =	shalt  }
0x4b: {  	_ =	shalt  }
0x4c: {  	_ =	shalt  }
0x4d: {  	_ =	shalt  }
0x4e: {  	_ =	shalt  }
0x4f: {  	_ =	shalt  }
0x50: {  	_ =	shalt  }
0x51: {  	_ =	shalt  }
0x52: {  	_ =	shalt  }
0x53: {  	_ =	shalt  }
0x54: {  	_ =	shalt  }
0x55: {  	_ =	shalt  }
0x56: {  	_ =	shalt  }
0x57: {  	_ =	shalt  }
0x58: {  	_ =	shalt  }
0x59: {  	_ =	shalt  }
0x5a: {  	_ =	shalt  }
0x5b: {  	_ =	shalt  }
0x5c: {  	_ =	shalt  }
0x5d: {  	_ =	shalt  }
0x5e: {  	_ =	shalt  }
0x5f: {  	_ =	shalt  }
0x60: {  	_ =	shalt  }
0x61: {  	_ =	shalt  }
0x62: {  	_ =	shalt  }
0x63: {  	_ =	shalt  }
0x64: {  	_ =	shalt  }
0x65: {  	_ =	shalt  }
0x66: {  	_ =	shalt  }
0x67: {  	_ =	shalt  }
0x68: {  	_ =	shalt  }
0x69: {  	_ =	shalt  }
0x6a: {  	_ =	shalt  }
0x6b: {  	_ =	shalt  }
0x6c: {  	_ =	shalt  }
0x6d: {  	_ =	shalt  }
0x6e: {  	_ =	shalt  }
0x6f: {  	_ =	shalt  }
0x70: {  	_ =	shalt  }
0x71: {  	_ =	shalt  }
0x72: {  	_ =	shalt  }
0x73: {  	_ =	shalt  }
0x74: {  	_ =	shalt  }
0x75: {  	_ =	shalt  }
0x76: {  	_ =	shalt  }
0x77: {  	_ =	shalt  }
0x78: {  	_ =	shalt  }
0x79: {  	_ =	shalt  }
0x7a: {  	_ =	shalt  }
0x7b: {  	_ =	shalt  }
0x7c: {  	_ =	shalt  }
0x7d: {  	_ =	shalt  }
0x7e: {  	_ =	shalt  }
0x7f: {  	_ =	shalt  }
0x80: {  	_ =	shalt  }
0x81: {  	_ =	shalt  }
0x82: {  	_ =	shalt  }
0x83: {  	_ =	shalt  }
0x84: {  	_ =	shalt  }
0x85: {  	_ =	shalt  }
0x86: {  	_ =	shalt  }
0x87: {  	_ =	shalt  }
.Lfunc_end0:
.L_simem_size_0:
called_computation_lowered:
.L_overlay_start_0:
0x88: {  	s2 =	sld [smem:$0x3FD9]  }
0x89: {  	s3 =	sld [smem:$0x3FFE];
	_ =	sdelay $0x1  }
0x8a: {  	s1 =	srdreg.scid  }
0x8b: {  	s0 =	sand.u32 $0x1, s1  }
0x8c: {  	s17 =	sshll.u32 s0, $0xA;
	s2 =	sadd.s32 s3, s2  }
0x8d: {  	s2 =	sadd.s32 s2, s17  }
0x8e: {  	[smem:$0x3FC5] =	sst s2  }
0x8f: {  	_ = 	snop  }
0x90: {  	s2 =	sld [smem:$0x3FD0];
	(tm) =	ssettm $0x1  }
0x91: {  	s18 =	sld [smem:$0x3FFB];
	_ =	sdelay $0x3  }
0x92: {  	_ =	strace s18  }
0x93: {  	s3 =	sld [smem:$0x3FFC];
	_ =	sdelay $0x3  }
0x94: {  	_ =	strace s3  }
0x95: {  	s3 =	sld [smem:$0x3FFD];
	_ =	sdelay $0x3  }
0x96: {  	_ =	strace s3  }
0x97: {  	_ =	strace $0x8FFFFFFF  }
0x98: {  	s19 =	sld [smem:$0x3FDB];
	_ =	sdelay $0x1  }
0x99: {  	s4 =	simm.s32 $_scs_section_size  }
0x9a: {  	s5 =	simm.s32 $_size__tile_overlayer_lowered;
	s6 =	simm.s32 $_tile_overlayer_lowered  }
0x9b: {  	s22 =	simm.s32 $0x1BFF;
	s21 =	sshll.u32 s6, $0x1;
	s3 =	sadd.s32 s4, s19  }
0x9c: {  	s7 =	simm.s32 $0x0;
	s20 =	sshll.u32 s5, $0x1;
	s5 =	sadd.s32 s21, s3  }
0x9d: {  	[timem:s7], [sflag:s22] =	dma.local [hbm:s5], s20  }
0x9e: {  	_ =	swait.ge [sflag:s22], s20  }
0x9f: {  	s4 =	ssub.s32 $0x0, s20;
	[sflag:s22] =	ssyncset.done $0x0  }
0xa0: {  	[sflag:s22] =	ssyncadd.s32 s4;
	_ =	sdelay $0x1  }
0xa1: {  	s23 =	simm.s32 $0x1B8B  }
0xa2: {  	_ =	swait.ge [sflag:s23], $0x1  }
0xa3: {  	[sflag:s23] =	ssyncset.done $0x0  }
0xa4: {  	s25 =	simm.s32 $0x1B8E;
	s24 =	sld [smem:$0x3FFE];
	[sflag:s23] =	ssyncadd.s32 $0xFFFFFFFF  }
0xa5: {  	s26 =	simm.s32 $execute0_lowered;
	[smem:$0x3FD2] =	sst s25  }
0xa6: {  	s5 =	sshll.u32 s26, $0x1;
	_ =	strace $0x80000046;
	[dreg:$0x1] =	wrdreg $0xFFFFFFFF  }
0xa7: {  	s28 =	simm.s32 $_size_execute0_lowered;
	s3 =	sadd.s32 s3, s5;
	[dreg:$0x0] =	wrdreg $0x0  }
0xa8: {  	s5 =	sshll.u32 s28, $0x1;
	[dreg:$0x2] =	wrdreg s3  }
0xa9: {  	[dreg:$0x3] =	wrdreg s5  }
0xaa: {  	[dreg:$0x4] =	wrdreg $0xC0  }
0xab: {  	_ =	task [dreg:s7], $0x5FFFF  }
0xac: {  	[dreg:$0x1] =	wrdreg $0xFFFFFFFF  }
0xad: {  	[dreg:$0x0] =	wrdreg $0x60  }
0xae: {  	[dreg:$0x2] =	wrdreg s24  }
0xaf: {  	[dreg:$0x3] =	wrdreg s2  }
0xb0: {  	[dreg:$0x4] =	wrdreg $0x9  }
0xb1: {  	_ =	task.clear_ibuf [dreg:s7], $0x5FFFF;
	_ =	strace $0x90000046  }
0xb2: {  	s29 =	simm.s32 $0x9;
	_ =	strace $0x80000048  }
0xb3: {  	_ =	swait.ge [sflag:s29], $0x1  }
0xb4: {  	[sflag:s29] =	ssyncadd.s32 $0xFFFFFFFF  }
0xb5: {  	_ =	strace $0x90000048  }
0xb6: {  	_ =	sfence  }
0xb7: {  	s30 =	sld [smem:$0x0];
	_ =	sdelay $0x2  }
0xb8: {  	s31 =	sshll.u32 s1, $0xD;
	s1 =	sshrl.u32 s1, $0x2  }
0xb9: {  	s3 =	sand.u32 $0x4000, s31;
	s1 =	sadd.s32 s1, s30  }
0xba: {  	s0 =	sor.u32 s3, s0;
	s1 =	sshll.u32 s1, $0x11  }
0xbb: {  	s0 =	sor.u32 s1, s0  }
0xbc: {  	s0 =	sadd.s32 $0x8F2B, s0  }
0xbd: {  	[sflag:s0] =	ssyncadd.remote.s32 $0x1  }
0xbe: {  	_ =	sfence.sel $0xFFFF  }
0xbf: {  	[dreg:$0x0] =	wrdreg $0xFFFFFFFF;
	(pc) =	sbr.abs _section_cstart, $3  }
0xc0: {  	[dreg:$0x1] =	wrdreg $0xFFFFFFFF  }
0xc1: {  	_ =	task.clear_ibuf [dreg:s7], $0x2FFFF;
	_ =	strace $0x9FFFFFFF  }
0xc2: {  	(tm) =	ssettm $0x7FFFFFFF  }
0xc3: {  	_ =	shalt  }
tec
execute0_lowered:
.L_overlay_start_1:
0x0: {  	(tag) =	ssettag $0x1  }
0x1: {  	v0 =	vimm.s32 $0xEFCDAB89  }
0x2: {  	v1 =	vimm.s32 $0x67452301;
	vm0 =	vcmask $0x1B14;
	v2 =	vimm.s32 $0xDCFE98BA  }
0x3: {  	v3 =	vimm.s32 $0x54761032;
	vm1 =	vcmask $0xB04;
	v4 =	vimm.s32 $0x32107654  }
0x4: {  	vm3 =	vcmask $0x704;
	vm2 =	vcmask $0x3728;
	vm4 =	vcmask $0x1B18  }
0x5: {  	vm5 =	vcmask $0x1708;
	vm7 =	vcmask $0x2724;
	vm6 =	vcmask $0x332C  }
0x6: {  	vm9 =	vcmask $0x2718;
	v5 =	vimm.s32 $0x76543210;
	vm10 =	vcmask $0x3730  }
0x7: {  	vm11 =	vcmask $0x1F1C;
	vm15 =	vcmask $0x3F20;
	v6 =	vimm.s32 $0x0  }
0x8: {  	v0 =	vunpack.c.l.s4.s8 v0;
	v1 =	vunpack.c.l.s4.s8 v1;
	v2 =	vunpack.c.l.s4.s8 v2  }
0x9: {  	v3 =	vunpack.c.l.s4.s8 v3;
	vm0 =	vmor vm1, vm0;
	vm1 =	vcmask $0x2B24  }
0xa: {  	v4 =	vunpack.c.l.s4.s8 v4;
	v5 =	vunpack.c.l.s4.s8 v5;
	vm0 =	vmor vm0, vm1  }
0xb: {  	vm1 =	vcmask $0x3B34;
	v0 =	vunpack.c.0.s8.s32 v0;
	v1 =	vunpack.c.0.s8.s32 v1  }
0xc: {  	v2 =	vunpack.c.0.s8.s32 v2;
	v3 =	vunpack.c.0.s8.s32 v3;
	vm13 =	vmor vm0, vm1  }
0xd: {  	vm1 =	vcmask $0x130C;
	v4 =	vunpack.c.0.s8.s32 v4;
	v5 =	vunpack.c.0.s8.s32 v5  }
0xe: {  	vm0 =	vcmask $0x2F10;
	vm1 =	vmor vm3, vm1;
	v6 =	vsel vm13, $0xFFFFFFFF, v6  }
0xf: {  	v1 =	vcombine.low v1, v0;
	v2 =	vcombine.low v3, v2;
	v3 =	vimm.s32 $0xBA98FEDC  }
0x10: {  	v0 =	vlaneseq.u32;
	vm1 =	vmor vm1, vm4;
	v3 =	vunpack.c.l.s4.s8 v3  }
0x11: {  	vm4 =	vmor vm1, vm7;
	vm1 =	vmor vm5, vm2;
	vm5 =	vcmask $0xF0C  }
0x12: {  	s0 =	srdreg.scid;
	s3 =	rddreg [dreg:$0x0];
	v1 =	vand.u32 $0xF, v1;
	v2 =	vand.u32 $0xF, v2;
	vm2 =	vmor vm4, vm6  }
0x13: {  	s10 =	stileid.u32;
	s8 =	rddreg [dreg:$0x1];
	s2 =	simm.s32 $0x0;
	vm4 =	vcmask $0x3B38;
	vm3 =	vmor vm3, vm5;
	vm5 =	vcmask $0x1714  }
0x14: {  	s17 =	simm.s32 $0x1;
	s24 =	simm.s32 $0xD80;
	s25 =	simm.s32 $0xE00;
	vm6 =	vcmask $0xF08;
	v3 =	vunpack.c.0.s8.s32 v3;
	vm2 =	vmor vm2, vm4  }
0x15: {  	s26 =	simm.s32 $0xE80;
	s28 =	simm.s32 $0xF00;
	s29 =	simm.s32 $0xF80;
	vm12 =	vmor vm3, vm5;
	vm3 =	vcmask $0x231C;
	vm5 =	vmor vm6, vm9  }
0x16: {  	s30 =	simm.s32 $0x0;
	s0 =	sand.u32 $0x1, s0;
	s1 =	sshll.u32 s10, $0x1;
	vm9 =	vcmask $0x2B28;
	vm3 =	vmor vm12, vm3;
	v3 =	vcombine.low v4, v3  }
0x17: {  	[smem:$0x7FF] =	sst s2;
	s16 =	smul.u32 $0x500, s10;
	s1 =	sor.u32 s0, s1;
	v4 =	vimm.s32 $0xFEDCBA98;
	vm3 =	vmor vm3, vm9;
	vm9 =	vcmask $0x3330  }
0x18: {  	_ =	strace $0x80000047;
	s31 =	ssub.s32 $0x2, s0;
	s0 =	smul.u32 $0x280, s0;
	v4 =	vunpack.c.l.s4.s8 v4;
	vm9 =	vmor vm3, vm9;
	vm3 =	vmor vm5, vm10  }
0x19: {  	s4 =	smul.u32 $0x280, s1;
	s9 =	sshll.u32 s1, $0x4;
	s1 =	sshll.u32 s1, $0x1;
	vm5 =	vcmask $0x3F30;
	vm4 =	vmor vm9, vm4;
	vm9 =	vcmask $0x1F10  }
0x1a: {  	s5 =	sshrl.u32 s31, $0x1;
	s13 =	sadd.s32 s9, s3;
	s1 =	sadd.s32 s1, s3;
	vm10 =	vcmask $0x2F28;
	v4 =	vunpack.c.0.s8.s32 v4;
	vm8 =	vmor vm9, vm5  }
0x1b: {  	s15 =	ssub.s32 s31, s5;
	s8 =	sadd.s32 s8, s9;
	s0 =	sadd.s32 s0, s16;
	vm9 =	vcmask $0x1F18;
	vm5 =	vmor vm12, vm11;
	vm11 =	vcmask $0x3734  }
0x1c: {  	s4 =	sshrl.u32 s4, $0x3;
	s9 =	sadd.s32 $0x3600, s13;
	s10 =	sadd.s32 $0x3800, s13;
	vm9 =	vmor vm6, vm9;
	vm7 =	vmor vm5, vm7;
	vm5 =	vcmask $0x2F2C  }
0x1d: {  	s11 =	sadd.s32 $0x3A00, s13;
	s12 =	sadd.s32 $0x3C00, s13;
	s13 =	sadd.s32 $0x3E00, s13;
	v4 =	vand.u32 $0xF, v4;
	vm9 =	vmor vm9, vm10;
	vm10 =	vcmask $0x3F38  }
0x1e: {  	s14 =	sadd.s32 $0x3400, s1;
	s15 =	smax.u32 s15, $0x1;
	s7 =	sadd.s32 s4, s3;
	vm5 =	vmor vm7, vm5;
	v4 =	vcombine.low v4, v5;
	v5 =	vmul.u32 $0xFFFFFFFF, v0  }
0x1f: {  	s20 =	sor.u32 $0x40, s0;
	s3 =	sadd.s32 $0x2A00, s7;
	s4 =	sadd.s32 $0x2000, s7;
	vm7 =	vmor vm9, vm10;
	vm9 =	vmor vm5, vm11;
	vm10 =	vcmask $0x3F3C  }
0x20: {  	[tilespmem:$0x1FFF0] =	vst v6;
	s5 =	sadd.s32 $0x1600, s7;
	s6 =	sadd.s32 $0xC00, s7;
	s7 =	sadd.s32 $0x200, s7;
	v3 =	vand.u32 $0xF, v3;
	vm9 =	vmor vm9, vm10;
	v5 =	vadd.s32 $0xF, v5  }
.LBB2_1:
0x21: {  	[tilespmem:s2], [sflag:$0x1] =	stream.linear.gather [hbm4b:s3+s2], $0x280, $0x38;
	[tilespmem:$0x1000] =	vst v63  }
0x22: {  	_ =	swait.ge [sflag:s17], $0x280  }
0x23: {  	[sflag:s17] =	ssyncset.done $0x0  }
0x24: {  	s0 =	simm.s32 $0x280;
	[sflag:s17] =	ssyncadd.s32 $0xFFFFFD80  }
0x25: {  	[tilespmem:s0], [sflag:$0x1] =	stream.linear.gather [hbm4b:s4+s2], $0x280, $0x38;
	[tilespmem:$0x1000] =	vst v63  }
0x26: {  	_ =	swait.ge [sflag:s17], $0x280  }
0x27: {  	[sflag:s17] =	ssyncset.done $0x0  }
0x28: {  	s21 =	simm.s32 $0x500;
	[sflag:s17] =	ssyncadd.s32 $0xFFFFFD80  }
0x29: {  	[tilespmem:s21], [sflag:$0x1] =	stream.linear.gather [hbm4b:s5+s2], $0x280, $0x38;
	[tilespmem:$0x1000] =	vst v63  }
0x2a: {  	_ =	swait.ge [sflag:s17], $0x280  }
0x2b: {  	[sflag:s17] =	ssyncset.done $0x0  }
0x2c: {  	s22 =	simm.s32 $0x780;
	[sflag:s17] =	ssyncadd.s32 $0xFFFFFD80  }
0x2d: {  	[tilespmem:s22], [sflag:$0x1] =	stream.linear.gather [hbm4b:s6+s2], $0x280, $0x38;
	[tilespmem:$0x1000] =	vst v63  }
0x2e: {  	_ =	swait.ge [sflag:s17], $0x280  }
0x2f: {  	[sflag:s17] =	ssyncset.done $0x0  }
0x30: {  	s23 =	simm.s32 $0xA00;
	s31 =	simm.s32 $0x20;
	[sflag:s17] =	ssyncadd.s32 $0xFFFFFD80  }
0x31: {  	[tilespmem:s23], [sflag:$0x1] =	stream.linear.gather [hbm4b:s7+s2], $0x280, $0x38;
	[tilespmem:$0x1000] =	vst v63  }
0x32: {  	s1 =	simm.s32 $0x2A0;
	s18 =	simm.s32 $0x7A0;
	_ =	swait.ge [sflag:s17], $0x280  }
0x33: {  	s19 =	simm.s32 $0xA20;
	s16 =	smov.u32 s20;
	[sflag:s17] =	ssyncset.done $0x0  }
0x34: {  	v6 =	vimm.f32 $-1.000000020e+30;
	s0 =	simm.s32 $0x520;
	s21 =	simm.s32 $0x0;
	[sflag:s17] =	ssyncadd.s32 $0xFFFFFD80  }
.LBB2_2:
0x35: {  	v7 =	vld [tilespmem:s31+$0xFFFFFFE0];
	_ =	sdelay $0x2  }
0x36: {  	s22 =	sadd.s32 $0xFFFFFFC0, s16  }
0x37: {  	v8 =	vor.u32 s22, v0  }
0x38: {  	v10 =	vperm.xlane v8, v1;
	v9 =	vperm.xlane v7, v1;
	_ =	sdelay $0x1  }
0x39: {  	vm11 =	vlt.s32 v8, v10;
	vm10 =	veq.f32 v7, v9  }
0x3a: {  	vm12 =	vgt.f32 v7, v9;
	vm10 =	vmand vm10, vm11  }
0x3b: {  	vm10 =	vmor vm12, vm10  }
0x3c: {  	vm10 =	vmxor vm10, vm13  }
0x3d: {  	v7 =	vsel vm10, v7, v9;
	v8 =	vsel vm10, v8, v10  }
0x3e: {  	v9 =	vperm.xlane v7, v2;
	v10 =	vperm.xlane v8, v2;
	_ =	sdelay $0x1  }
0x3f: {  	vm10 =	veq.f32 v7, v9;
	vm11 =	vlt.s32 v8, v10  }
0x40: {  	vm12 =	vgt.f32 v7, v9;
	vm10 =	vmand vm10, vm11  }
0x41: {  	vm10 =	vmor vm12, vm10  }
0x42: {  	vm10 =	vmxor vm10, vm1  }
0x43: {  	v7 =	vsel vm10, v7, v9;
	v8 =	vsel vm10, v8, v10  }
0x44: {  	v9 =	vperm.xlane v7, v1;
	v10 =	vperm.xlane v8, v1;
	_ =	sdelay $0x1  }
0x45: {  	vm10 =	veq.f32 v7, v9;
	vm11 =	vlt.s32 v8, v10  }
0x46: {  	vm12 =	vgt.f32 v7, v9;
	vm10 =	vmand vm10, vm11  }
0x47: {  	vm10 =	vmor vm12, vm10  }
0x48: {  	vm10 =	vmxor vm10, vm2  }
0x49: {  	v7 =	vsel vm10, v7, v9;
	v8 =	vsel vm10, v8, v10  }
0x4a: {  	v9 =	vperm.xlane v7, v3;
	v10 =	vperm.xlane v8, v3;
	_ =	sdelay $0x1  }
0x4b: {  	vm10 =	veq.f32 v7, v9;
	vm11 =	vlt.s32 v8, v10  }
0x4c: {  	vm12 =	vgt.f32 v7, v9;
	vm10 =	vmand vm10, vm11  }
0x4d: {  	vm10 =	vmor vm12, vm10  }
0x4e: {  	vm10 =	vmxor vm10, vm0  }
0x4f: {  	v11 =	vld [tilespmem:s31+$0xFFFFFFF0];
	v7 =	vsel vm10, v7, v9;
	v8 =	vsel vm10, v8, v10  }
0x50: {  	v9 =	vperm.xlane v7, v2;
	v10 =	vperm.xlane v8, v2  }
0x51: {  	s23 =	sadd.s32 $0xFFFFFFD0, s16  }
0x52: {  	v12 =	vor.u32 s23, v0;
	vm10 =	veq.f32 v7, v9;
	vm11 =	vlt.s32 v8, v10  }
0x53: {  	v14 =	vperm.xlane v12, v1;
	vm12 =	vgt.f32 v7, v9;
	vm10 =	vmand vm10, vm11  }
0x54: {  	v13 =	vperm.xlane v11, v1;
	vm10 =	vmor vm12, vm10  }
0x55: {  	vm11 =	vlt.s32 v12, v14;
	vm10 =	vmxor vm10, vm3  }
0x56: {  	v7 =	vsel vm10, v7, v9;
	v8 =	vsel vm10, v8, v10;
	vm10 =	veq.f32 v11, v13  }
0x57: {  	vm12 =	vgt.f32 v11, v13;
	v9 =	vperm.xlane v7, v1;
	vm10 =	vmand vm10, vm11  }
0x58: {  	v10 =	vperm.xlane v8, v1;
	vm10 =	vmor vm12, vm10  }
0x59: {  	vm11 =	vgt.f32 v7, v9;
	vm12 =	veq.f32 v7, v9;
	vm10 =	vmxor vm10, vm13  }
0x5a: {  	vm13 =	vlt.s32 v8, v10;
	v11 =	vsel vm10, v11, v13;
	v12 =	vsel vm10, v12, v14  }
0x5b: {  	vm10 =	vmand vm12, vm13;
	v13 =	vperm.xlane v11, v2;
	v14 =	vperm.xlane v12, v2  }
0x5c: {  	vm10 =	vmor vm11, vm10  }
0x5d: {  	vm10 =	vmxor vm10, vm4;
	vm11 =	veq.f32 v11, v13;
	vm12 =	vlt.s32 v12, v14  }
0x5e: {  	v7 =	vsel vm10, v7, v9;
	vm13 =	vgt.f32 v11, v13;
	vm11 =	vmand vm11, vm12  }
0x5f: {  	v8 =	vsel vm10, v8, v10;
	v9 =	vperm.xlane v7, v4;
	vm10 =	vmor vm13, vm11  }
0x60: {  	v10 =	vperm.xlane v8, v4;
	vm10 =	vmxor vm10, vm1  }
0x61: {  	vm11 =	veq.f32 v7, v9;
	v11 =	vsel vm10, v11, v13;
	v12 =	vsel vm10, v12, v14  }
0x62: {  	vm10 =	vlt.s32 v8, v10;
	v13 =	vperm.xlane v11, v1;
	v14 =	vperm.xlane v12, v1  }
0x63: {  	vm12 =	vgt.f32 v7, v9;
	vm10 =	vmand vm11, vm10  }
0x64: {  	vm10 =	vmor vm12, vm10;
	vm11 =	veq.f32 v11, v13;
	vm12 =	vlt.s32 v12, v14  }
0x65: {  	vm10 =	vmxor vm10, vm15;
	vm13 =	vgt.f32 v11, v13;
	vm11 =	vmand vm11, vm12  }
0x66: {  	v7 =	vsel vm10, v7, v9;
	vm11 =	vmor vm13, vm11  }
0x67: {  	v8 =	vsel vm10, v8, v10;
	v9 =	vperm.xlane v7, v3;
	vm10 =	vmxor vm11, vm2  }
0x68: {  	v10 =	vperm.xlane v8, v3;
	v11 =	vsel vm10, v11, v13;
	v12 =	vsel vm10, v12, v14  }
0x69: {  	v13 =	vperm.xlane v11, v3;
	v14 =	vperm.xlane v12, v3  }
0x6a: {  	vm10 =	vgt.f32 v7, v9;
	vm11 =	veq.f32 v7, v9;
	vm12 =	vlt.s32 v8, v10  }
0x6b: {  	vm11 =	vmand vm11, vm12;
	vm12 =	veq.f32 v11, v13;
	vm13 =	vlt.s32 v12, v14  }
0x6c: {  	v15 =	vld [tilespmem:s31+$0x0];
	s23 =	sadd.s32 $0xFFFFFFE0, s16;
	vm10 =	vmor vm10, vm11;
	vm11 =	vgt.f32 v11, v13;
	vm12 =	vmand vm12, vm13  }
0x6d: {  	v43 =	vor.u32 s16, v0;
	v16 =	vor.u32 s23, v0;
	vm11 =	vmor vm11, vm12  }
0x6e: {  	v56 =	vld [tilespmem:$0x1FFF0];
	v45 =	vperm.xlane v43, v1;
	v17 =	vperm.xlane v16, v1;
	vm11 =	vmxor vm11, vm0  }
0x6f: {  	vm10 =	vmxor vm10, vm8;
	v11 =	vsel vm11, v11, v13;
	v12 =	vsel vm11, v12, v14  }
0x70: {  	v7 =	vsel vm10, v7, v9;
	v49 =	vperm.xlane v11, v2;
	v50 =	vperm.xlane v12, v2  }
0x71: {  	v54 =	vperm.xlane v15, v1;
	v8 =	vsel vm10, v8, v10;
	v9 =	vperm.xlane v7, v2  }
0x72: {  	v51 =	vperm.xlane v8, v2;
	vm11 =	veq.f32 v11, v49;
	vm12 =	vlt.s32 v12, v50  }
0x73: {  	vm5 =	vnez.u8 v56;
	vm14 =	vgt.f32 v11, v49;
	vm11 =	vmand vm11, vm12  }
0x74: {  	vm10 =	veq.f32 v7, v9;
	vm13 =	vlt.s32 v8, v51;
	vm11 =	vmor vm14, vm11  }
0x75: {  	vm10 =	vmand vm10, vm13;
	vm12 =	vgt.f32 v7, v9;
	vm11 =	vmxor vm11, vm3  }
0x76: {  	vm10 =	vmor vm12, vm10;
	v10 =	vsel vm11, v11, v49;
	v52 =	vsel vm11, v12, v50  }
0x77: {  	vm10 =	vmxor vm10, vm7;
	v53 =	vperm.xlane v10, v1;
	v13 =	vperm.xlane v52, v1  }
0x78: {  	vm14 =	vlt.s32 v16, v17;
	v7 =	vsel vm10, v7, v9;
	v8 =	vsel vm10, v8, v51  }
0x79: {  	v55 =	vperm.xlane v7, v1;
	vm12 =	veq.f32 v10, v53;
	vm13 =	vlt.s32 v52, v13  }
0x7a: {  	vm11 =	vgt.f32 v10, v53;
	vm12 =	vmand vm12, vm13;
	vm13 =	veq.f32 v15, v54  }
0x7b: {  	vm11 =	vmor vm11, vm12;
	vm12 =	vgt.f32 v15, v54;
	vm13 =	vmand vm13, vm14  }
0x7c: {  	v59 =	vperm.xlane v8, v1;
	vm10 =	vmxor vm11, vm4;
	vm11 =	vmor vm12, vm13  }
0x7d: {  	v10 =	vsel vm10, v10, v53;
	vm11 =	vmxor vm11, vm5;
	v11 =	vsel vm10, v52, v13  }
0x7e: {  	vm10 =	vgt.f32 v7, v55;
	vm5 =	vmmov vm4;
	vm4 =	vmmov vm3  }
0x7f: {  	v57 =	vperm.xlane v10, v4;
	v15 =	vsel vm11, v15, v54;
	v16 =	vsel vm11, v16, v17  }
0x80: {  	vm3 =	vmmov vm2;
	v58 =	vperm.xlane v15, v2;
	v17 =	vperm.xlane v16, v2  }
0x81: {  	vm2 =	vmmov vm1;
	vm1 =	vmmov vm15;
	v18 =	vperm.xlane v11, v4  }
0x82: {  	vm11 =	veq.f32 v10, v57;
	vm12 =	veq.f32 v15, v58;
	vm13 =	vlt.s32 v16, v17  }
0x83: {  	vm14 =	vlt.s32 v11, v18;
	vm15 =	vgt.f32 v15, v58;
	vm12 =	vmand vm12, vm13  }
0x84: {  	vm11 =	vmand vm11, vm14;
	vm13 =	vgt.f32 v10, v57;
	vm12 =	vmor vm15, vm12  }
0x85: {  	vm14 =	veq.f32 v7, v55;
	vm11 =	vmor vm13, vm11;
	vm12 =	vmxor vm12, vm2  }
0x86: {  	vm11 =	vmxor vm11, vm1;
	v13 =	vsel vm12, v15, v58;
	v60 =	vsel vm12, v16, v17  }
0x87: {  	v10 =	vsel vm11, v10, v57;
	v61 =	vperm.xlane v13, v1;
	v16 =	vperm.xlane v60, v1  }
0x88: {  	vm12 =	vlt.s32 v8, v59;
	v11 =	vsel vm11, v11, v18;
	v62 =	vperm.xlane v10, v3  }
0x89: {  	v18 =	vperm.xlane v11, v3;
	vm11 =	veq.f32 v13, v61;
	vm13 =	vlt.s32 v60, v16  }
0x8a: {  	vm12 =	vmand vm14, vm12;
	vm14 =	vgt.f32 v13, v61;
	vm11 =	vmand vm11, vm13  }
0x8b: {  	vm15 =	vlt.s32 v11, v18;
	vm13 =	veq.f32 v10, v62;
	vm11 =	vmor vm14, vm11  }
0x8c: {  	vm14 =	vgt.f32 v10, v62;
	vm13 =	vmand vm13, vm15;
	vm11 =	vmxor vm11, vm3  }
0x8d: {  	v25 =	vld [tilespmem:s31+$0x10];
	vm13 =	vmor vm14, vm13;
	v12 =	vsel vm11, v13, v61;
	v63 =	vsel vm11, v60, v16  }
0x8e: {  	s23 =	sadd.s32 $0xFFFFFFF0, s16;
	vm11 =	vmxor vm13, vm8;
	v24 =	vperm.xlane v12, v3;
	v16 =	vperm.xlane v63, v3  }
0x8f: {  	v19 =	vor.u32 s23, v0;
	vm10 =	vmor vm10, vm12;
	v10 =	vsel vm11, v10, v62  }
0x90: {  	v11 =	vsel vm11, v11, v18;
	vm11 =	veq.f32 v12, v24;
	vm12 =	vlt.s32 v63, v16  }
0x91: {  	v21 =	vperm.xlane v19, v1;
	vm13 =	vgt.f32 v12, v24;
	vm11 =	vmand vm11, vm12  }
0x92: {  	v27 =	vperm.xlane v25, v1;
	v20 =	vperm.xlane v11, v2;
	vm11 =	vmor vm13, vm11  }
0x93: {  	v23 =	vld [tilespmem:$0x1FFF0];
	vm15 =	vlt.s32 v19, v21;
	v26 =	vperm.xlane v10, v2;
	vm11 =	vmxor vm11, vm0  }
0x94: {  	vm14 =	vlt.s32 v11, v20;
	v12 =	vsel vm11, v12, v24;
	v13 =	vsel vm11, v63, v16  }
0x95: {  	vm13 =	veq.f32 v10, v26;
	v28 =	vperm.xlane v12, v2;
	v22 =	vperm.xlane v13, v2  }
0x96: {  	vm13 =	vmand vm13, vm14;
	vm14 =	vgt.f32 v25, v27;
	vm11 =	veq.f32 v25, v27  }
0x97: {  	v41 =	vld [tilespmem:s31+$0x20];
	vm11 =	vmand vm11, vm15;
	vm15 =	veq.f32 v12, v28;
	vm6 =	vlt.s32 v13, v22  }
0x98: {  	vm11 =	vmor vm14, vm11;
	vm6 =	vmand vm15, vm6;
	vm15 =	vnez.u8 v23  }
0x99: {  	vm12 =	vgt.f32 v10, v26;
	vm14 =	vgt.f32 v12, v28;
	vm11 =	vmxor vm11, vm15  }
0x9a: {  	vm6 =	vmor vm14, vm6;
	v15 =	vsel vm11, v25, v27;
	v29 =	vsel vm11, v19, v21  }
0x9b: {  	vm6 =	vmxor vm6, vm4;
	v30 =	vperm.xlane v15, v2;
	v21 =	vperm.xlane v29, v2  }
0x9c: {  	v44 =	vperm.xlane v41, v1;
	vm11 =	vmor vm12, vm13;
	v12 =	vsel vm6, v12, v28  }
0x9d: {  	v13 =	vsel vm6, v13, v22;
	vm6 =	veq.f32 v15, v30;
	vm12 =	vlt.s32 v29, v21  }
0x9e: {  	v31 =	vperm.xlane v12, v1;
	vm13 =	vgt.f32 v15, v30;
	vm6 =	vmand vm6, vm12  }
0x9f: {  	vm10 =	vmxor vm10, vm9;
	v32 =	vperm.xlane v13, v1;
	vm6 =	vmor vm13, vm6  }
0xa0: {  	vm11 =	vmxor vm11, vm7;
	vm12 =	vgt.f32 v12, v31;
	vm6 =	vmxor vm6, vm2  }
0xa1: {  	vm14 =	vlt.s32 v13, v32;
	vm13 =	veq.f32 v12, v31;
	v15 =	vsel vm6, v15, v30  }
0xa2: {  	v17 =	vsel vm6, v29, v21;
	vm6 =	vmand vm13, vm14;
	v19 =	vperm.xlane v15, v1  }
0xa3: {  	v18 =	vsel vm11, v10, v26;
	v21 =	vperm.xlane v17, v1;
	vm6 =	vmor vm12, vm6  }
0xa4: {  	v33 =	vsel vm11, v11, v20;
	vm6 =	vmxor vm6, vm5;
	vm11 =	veq.f32 v15, v19  }
0xa5: {  	vm12 =	vlt.s32 v17, v21;
	v34 =	vsel vm6, v12, v31;
	vm13 =	vgt.f32 v15, v19  }
0xa6: {  	v13 =	vsel vm6, v13, v32;
	vm11 =	vmand vm11, vm12;
	v14 =	vperm.xlane v34, v4  }
0xa7: {  	v40 =	vsel vm10, v8, v59;
	v36 =	vperm.xlane v13, v4;
	vm6 =	vmor vm13, vm11  }
0xa8: {  	vm6 =	vmxor vm6, vm3;
	vm11 =	veq.f32 v34, v14;
	vm12 =	vgt.f32 v34, v14  }
0xa9: {  	v15 =	vsel vm6, v15, v19;
	v17 =	vsel vm6, v17, v21;
	vm6 =	vlt.s32 v13, v36  }
0xaa: {  	v19 =	vperm.xlane v15, v3;
	v21 =	vperm.xlane v17, v3;
	vm6 =	vmand vm11, vm6  }
0xab: {  	v35 =	vperm.xlane v18, v1;
	v37 =	vperm.xlane v33, v1;
	vm6 =	vmor vm12, vm6  }
0xac: {  	vm11 =	veq.f32 v15, v19;
	vm12 =	vlt.s32 v17, v21;
	vm6 =	vmxor vm6, vm1  }
0xad: {  	vm13 =	vgt.f32 v15, v19;
	vm12 =	vmand vm11, vm12;
	v11 =	vsel vm6, v34, v14  }
0xae: {  	v13 =	vsel vm6, v13, v36;
	vm12 =	vmor vm13, vm12;
	v14 =	vperm.xlane v11, v3  }
0xaf: {  	vm11 =	vgt.f32 v18, v35;
	v20 =	vperm.xlane v13, v3;
	vm6 =	vmxor vm12, vm0  }
0xb0: {  	v15 =	vsel vm6, v15, v19;
	v17 =	vsel vm6, v17, v21;
	vm13 =	veq.f32 v11, v14  }
0xb1: {  	vm14 =	vlt.s32 v13, v20;
	v19 =	vperm.xlane v15, v2;
	v21 =	vperm.xlane v17, v2  }
0xb2: {  	vm6 =	veq.f32 v18, v35;
	vm12 =	vgt.f32 v11, v14;
	vm13 =	vmand vm13, vm14  }
0xb3: {  	vm12 =	vmor vm12, vm13;
	vm14 =	veq.f32 v15, v19;
	vm15 =	vlt.s32 v17, v21  }
0xb4: {  	vm13 =	vgt.f32 v15, v19;
	vm12 =	vmxor vm12, vm8;
	vm14 =	vmand vm14, vm15  }
0xb5: {  	vm15 =	vlt.s32 v33, v37;
	v14 =	vsel vm12, v11, v14;
	vm13 =	vmor vm13, vm14  }
0xb6: {  	v13 =	vsel vm12, v13, v20;
	v38 =	vperm.xlane v14, v2;
	vm13 =	vmxor vm13, vm4  }
0xb7: {  	v8 =	vperm.xlane v13, v2;
	v15 =	vsel vm13, v15, v19;
	v17 =	vsel vm13, v17, v21  }
0xb8: {  	vm6 =	vmand vm6, vm15;
	v19 =	vperm.xlane v15, v1;
	v39 =	vperm.xlane v17, v1  }
0xb9: {  	v7 =	vsel vm10, v7, v55;
	vm6 =	vmor vm11, vm6;
	vm10 =	veq.f32 v14, v38  }
0xba: {  	vm13 =	vlt.s32 v13, v8;
	vm11 =	veq.f32 v15, v19;
	vm12 =	vlt.s32 v17, v39  }
0xbb: {  	vm13 =	vmand vm10, vm13;
	vm14 =	vgt.f32 v15, v19;
	vm11 =	vmand vm11, vm12  }
0xbc: {  	vm10 =	vmxor vm6, vm9;
	vm12 =	vgt.f32 v14, v38;
	vm11 =	vmor vm14, vm11  }
0xbd: {  	v16 =	vsel vm10, v18, v35;
	vm6 =	vmor vm12, vm13;
	vm11 =	vmxor vm11, vm5  }
0xbe: {  	v24 =	vld [tilespmem:$0x1FFF0];
	vm12 =	vlt.s32 v43, v45;
	v15 =	vsel vm11, v15, v19;
	v17 =	vsel vm11, v17, v39  }
0xbf: {  	vm6 =	vmxor vm6, vm7;
	v42 =	vperm.xlane v15, v4;
	v46 =	vperm.xlane v17, v4  }
0xc0: {  	vm14 =	vgt.f32 v41, v44;
	v14 =	vsel vm6, v14, v38;
	v13 =	vsel vm6, v13, v8  }
0xc1: {  	vm11 =	veq.f32 v41, v44;
	vm6 =	veq.f32 v15, v42;
	vm13 =	vlt.s32 v17, v46  }
0xc2: {  	vm11 =	vmand vm11, vm12;
	vm12 =	vgt.f32 v15, v42;
	vm6 =	vmand vm6, vm13  }
0xc3: {  	vm11 =	vmor vm14, vm11;
	vm6 =	vmor vm12, vm6;
	vm12 =	vnez.u8 v24  }
0xc4: {  	v8 =	vperm.xlane v14, v1;
	v47 =	vperm.xlane v13, v1;
	vm11 =	vmxor vm11, vm12  }
0xc5: {  	vm6 =	vmxor vm6, vm1;
	v9 =	vsel vm11, v41, v44;
	v19 =	vsel vm11, v43, v45  }
0xc6: {  	v15 =	vsel vm6, v15, v42;
	v48 =	vperm.xlane v9, v2;
	v49 =	vperm.xlane v19, v2  }
0xc7: {  	vm13 =	vlt.s32 v13, v47;
	v17 =	vsel vm6, v17, v46;
	v50 =	vperm.xlane v15, v3  }
0xc8: {  	v22 =	vperm.xlane v17, v3;
	vm6 =	veq.f32 v9, v48;
	vm12 =	vlt.s32 v19, v49  }
0xc9: {  	vm11 =	veq.f32 v14, v8;
	vm14 =	vgt.f32 v9, v48;
	vm6 =	vmand vm6, vm12  }
0xca: {  	vm15 =	vlt.s32 v17, v22;
	vm12 =	veq.f32 v15, v50;
	vm6 =	vmor vm14, vm6  }
0xcb: {  	vm14 =	vgt.f32 v15, v50;
	vm12 =	vmand vm12, vm15;
	vm6 =	vmxor vm6, vm2  }
0xcc: {  	vm12 =	vmor vm14, vm12;
	v9 =	vsel vm6, v9, v48;
	v51 =	vsel vm6, v19, v49  }
0xcd: {  	vm6 =	vmxor vm12, vm8;
	v52 =	vperm.xlane v9, v1;
	v20 =	vperm.xlane v51, v1  }
0xce: {  	v12 =	vsel vm10, v33, v37;
	vm11 =	vmand vm11, vm13;
	v15 =	vsel vm6, v15, v50  }
0xcf: {  	v17 =	vsel vm6, v17, v22;
	vm6 =	veq.f32 v9, v52;
	vm13 =	vlt.s32 v51, v20  }
0xd0: {  	v21 =	vperm.xlane v15, v2;
	vm14 =	vgt.f32 v9, v52;
	vm6 =	vmand vm6, vm13  }
0xd1: {  	vm12 =	vgt.f32 v14, v8;
	v22 =	vperm.xlane v17, v2;
	vm6 =	vmor vm14, vm6  }
0xd2: {  	vm11 =	vmor vm12, vm11;
	vm12 =	vgt.f32 v15, v21;
	vm6 =	vmxor vm6, vm3  }
0xd3: {  	vm13 =	veq.f32 v15, v21;
	vm14 =	vlt.s32 v17, v22;
	v9 =	vsel vm6, v9, v52  }
0xd4: {  	v18 =	vsel vm6, v51, v20;
	vm6 =	vmand vm13, vm14;
	v19 =	vperm.xlane v9, v3  }
0xd5: {  	vm10 =	vmxor vm11, vm9;
	v20 =	vperm.xlane v18, v3;
	vm6 =	vmor vm12, vm6  }
0xd6: {  	v8 =	vsel vm10, v14, v8;
	vm6 =	vmxor vm6, vm7;
	vm11 =	veq.f32 v9, v19  }
0xd7: {  	vm12 =	vlt.s32 v18, v20;
	v15 =	vsel vm6, v15, v21;
	vm13 =	vgt.f32 v9, v19  }
0xd8: {  	v17 =	vsel vm6, v17, v22;
	vm11 =	vmand vm11, vm12;
	v21 =	vperm.xlane v15, v1  }
0xd9: {  	v13 =	vsel vm10, v13, v47;
	v53 =	vperm.xlane v17, v1;
	vm6 =	vmor vm13, vm11  }
0xda: {  	vm6 =	vmxor vm6, vm0;
	vm11 =	veq.f32 v15, v21;
	vm10 =	vgt.f32 v15, v21  }
0xdb: {  	v9 =	vsel vm6, v9, v19;
	v18 =	vsel vm6, v18, v20;
	vm6 =	vlt.s32 v17, v53  }
0xdc: {  	v19 =	vperm.xlane v9, v2;
	v20 =	vperm.xlane v18, v2;
	vm6 =	vmand vm11, vm6  }
0xdd: {  	v54 =	vperm.xlane v16, v5;
	v12 =	vperm.xlane v12, v5;
	vm6 =	vmor vm10, vm6  }
0xde: {  	vm10 =	veq.f32 v9, v19;
	vm11 =	vlt.s32 v18, v20;
	vm6 =	vmxor vm6, vm9  }
0xdf: {  	vm12 =	vgt.f32 v9, v19;
	vm10 =	vmand vm10, vm11;
	v15 =	vsel vm6, v15, v21  }
0xe0: {  	v14 =	vsel vm6, v17, v53;
	vm11 =	vlt.s32 v40, v12;
	vm10 =	vmor vm12, vm10  }
0xe1: {  	v57 =	vperm.xlane v15, v5;
	v14 =	vperm.xlane v14, v5;
	vm6 =	vmxor vm10, vm4  }
0xe2: {  	vm10 =	veq.f32 v7, v54;
	v55 =	vsel vm6, v9, v19;
	v56 =	vsel vm6, v18, v20  }
0xe3: {  	vm6 =	vgt.f32 v7, v54;
	vm10 =	vmand vm10, vm11;
	vm12 =	vgt.f32 v8, v57  }
0xe4: {  	vm11 =	vmor vm6, vm10;
	vm6 =	veq.f32 v8, v57;
	vm10 =	vlt.s32 v13, v14  }
0xe5: {  	v59 =	vsel vm11, v7, v54;
	v11 =	vsel vm11, v40, v12;
	vm6 =	vmand vm6, vm10  }
0xe6: {  	v60 =	vperm.xlane v59, v4;
	v61 =	vperm.xlane v11, v4;
	vm10 =	vmor vm12, vm6  }
0xe7: {  	v58 =	vperm.xlane v55, v1;
	v62 =	vsel vm10, v8, v57;
	v13 =	vsel vm10, v13, v14  }
0xe8: {  	vm13 =	vgt.f32 v59, v60;
	vm14 =	veq.f32 v59, v60;
	vm6 =	vlt.s32 v11, v61  }
0xe9: {  	v63 =	vperm.xlane v62, v4;
	v24 =	vperm.xlane v13, v4;
	vm6 =	vmand vm14, vm6  }
0xea: {  	v25 =	vperm.xlane v56, v1;
	vm12 =	veq.f32 v55, v58;
	vm6 =	vmor vm13, vm6  }
0xeb: {  	vm13 =	veq.f32 v62, v63;
	vm14 =	vlt.s32 v13, v24;
	vm6 =	vmxor vm6, vm1  }
0xec: {  	vm15 =	vgt.f32 v62, v63;
	vm13 =	vmand vm13, vm14;
	v12 =	vsel vm6, v59, v60  }
0xed: {  	v11 =	vsel vm6, v11, v61;
	vm6 =	vmor vm15, vm13;
	v18 =	vperm.xlane v12, v3  }
0xee: {  	vm13 =	vlt.s32 v56, v25;
	v19 =	vperm.xlane v11, v3;
	vm6 =	vmxor vm6, vm1  }
0xef: {  	v14 =	vsel vm6, v62, v63;
	v13 =	vsel vm6, v13, v24;
	vm14 =	veq.f32 v12, v18  }
0xf0: {  	vm6 =	vlt.s32 v11, v19;
	v20 =	vperm.xlane v14, v3;
	v21 =	vperm.xlane v13, v3  }
0xf1: {  	vm12 =	vmand vm12, vm13;
	vm13 =	vgt.f32 v12, v18;
	vm6 =	vmand vm14, vm6  }
0xf2: {  	vm6 =	vmor vm13, vm6;
	vm13 =	veq.f32 v14, v20;
	vm14 =	vlt.s32 v13, v21  }
0xf3: {  	vm15 =	vgt.f32 v55, v58;
	vm13 =	vmand vm13, vm14;
	vm14 =	vgt.f32 v14, v20  }
0xf4: {  	vm12 =	vmor vm15, vm12;
	vm6 =	vmxor vm6, vm8;
	vm13 =	vmor vm14, vm13  }
0xf5: {  	vm12 =	vmxor vm12, vm5;
	v12 =	vsel vm6, v12, v18;
	vm13 =	vmxor vm13, vm8  }
0xf6: {  	v18 =	vperm.xlane v12, v2;
	v14 =	vsel vm13, v14, v20;
	v13 =	vsel vm13, v13, v21  }
0xf7: {  	v11 =	vsel vm6, v11, v19;
	v26 =	vperm.xlane v14, v2;
	v27 =	vperm.xlane v13, v2  }
0xf8: {  	v15 =	vsel vm12, v55, v58;
	v28 =	vsel vm12, v56, v25;
	v29 =	vperm.xlane v11, v2  }
0xf9: {  	vm6 =	veq.f32 v12, v18;
	vm12 =	veq.f32 v14, v26;
	vm13 =	vlt.s32 v13, v27  }
0xfa: {  	vm14 =	vlt.s32 v11, v29;
	vm12 =	vmand vm12, vm13;
	vm13 =	vgt.f32 v14, v26  }
0xfb: {  	vm6 =	vmand vm6, vm14;
	vm14 =	vgt.f32 v12, v18;
	vm12 =	vmor vm13, vm12  }
0xfc: {  	v30 =	vperm.xlane v15, v4;
	vm6 =	vmor vm14, vm6;
	vm12 =	vmxor vm12, vm7  }
0xfd: {  	vm6 =	vmxor vm6, vm7;
	v14 =	vsel vm12, v14, v26;
	v13 =	vsel vm12, v13, v27  }
0xfe: {  	v12 =	vsel vm6, v12, v18;
	v31 =	vperm.xlane v14, v1;
	v32 =	vperm.xlane v13, v1  }
0xff: {  	v33 =	vperm.xlane v28, v4;
	v11 =	vsel vm6, v11, v29;
	v34 =	vperm.xlane v12, v1  }
0x100: {  	v35 =	vperm.xlane v11, v1;
	vm6 =	veq.f32 v14, v31;
	vm12 =	vlt.s32 v13, v32  }
0x101: {  	vm13 =	veq.f32 v15, v30;
	vm14 =	vgt.f32 v14, v31;
	vm6 =	vmand vm6, vm12  }
0x102: {  	vm12 =	veq.f32 v12, v34;
	vm6 =	vmor vm14, vm6;
	vm14 =	vlt.s32 v11, v35  }
0x103: {  	vm12 =	vmand vm12, vm14;
	vm14 =	vgt.f32 v12, v34;
	vm6 =	vmxor vm6, vm9  }
0x104: {  	vm12 =	vmor vm14, vm12;
	v14 =	vsel vm6, v14, v31;
	v13 =	vsel vm6, v13, v32  }
0x105: {  	vm6 =	vmxor vm12, vm9;
	v14 =	vperm.xlane v14, v5;
	v13 =	vperm.xlane v13, v5  }
0x106: {  	vm12 =	vlt.s32 v28, v33;
	v12 =	vsel vm6, v12, v34;
	v11 =	vsel vm6, v11, v35  }
0x107: {  	vm6 =	vmand vm13, vm12;
	vm12 =	veq.f32 v12, v14;
	vm13 =	vlt.s32 v11, v13  }
0x108: {  	vm14 =	vgt.f32 v15, v30;
	vm12 =	vmand vm12, vm13;
	vm13 =	vgt.f32 v12, v14  }
0x109: {  	vm15 =	vmmov vm1;
	vm6 =	vmor vm14, vm6;
	vm12 =	vmor vm13, vm12  }
0x10a: {  	vm6 =	vmxor vm6, vm15;
	v17 =	vsel vm12, v12, v14;
	v11 =	vsel vm12, v11, v13  }
0x10b: {  	v36 =	vsel vm6, v15, v30;
	v37 =	vperm.xlane v17, v4;
	v38 =	vperm.xlane v11, v4  }
0x10c: {  	v16 =	vsel vm6, v28, v33;
	v39 =	vperm.xlane v36, v3  }
0x10d: {  	v20 =	vperm.xlane v16, v3;
	vm6 =	veq.f32 v17, v37;
	vm13 =	vlt.s32 v11, v38  }
0x10e: {  	vm14 =	vgt.f32 v17, v37;
	vm6 =	vmand vm6, vm13  }
0x10f: {  	vm13 =	veq.f32 v36, v39;
	vm6 =	vmor vm14, vm6;
	vm14 =	vlt.s32 v16, v20  }
0x110: {  	vm13 =	vmand vm13, vm14;
	vm14 =	vgt.f32 v36, v39;
	vm6 =	vmxor vm6, vm15  }
0x111: {  	vm13 =	vmor vm14, vm13;
	v15 =	vsel vm6, v17, v37;
	v11 =	vsel vm6, v11, v38  }
0x112: {  	vm6 =	vmxor vm13, vm8;
	v17 =	vperm.xlane v15, v3;
	v18 =	vperm.xlane v11, v3  }
0x113: {  	v13 =	vsel vm6, v36, v39  }
0x114: {  	v16 =	vsel vm6, v16, v20;
	vm6 =	veq.f32 v15, v17;
	vm13 =	vlt.s32 v11, v18  }
0x115: {  	v19 =	vperm.xlane v13, v2;
	vm14 =	vgt.f32 v15, v17;
	vm6 =	vmand vm6, vm13  }
0x116: {  	v20 =	vperm.xlane v16, v2;
	vm6 =	vmor vm14, vm6  }
0x117: {  	vm13 =	vgt.f32 v13, v19;
	vm14 =	veq.f32 v13, v19;
	vm6 =	vmxor vm6, vm8  }
0x118: {  	v15 =	vsel vm6, v15, v17;
	v11 =	vsel vm6, v11, v18;
	vm6 =	vlt.s32 v16, v20  }
0x119: {  	vm6 =	vmand vm14, vm6;
	v17 =	vperm.xlane v15, v2;
	v18 =	vperm.xlane v11, v2  }
0x11a: {  	vm6 =	vmor vm13, vm6  }
0x11b: {  	vm6 =	vmxor vm6, vm7;
	vm13 =	veq.f32 v15, v17;
	vm14 =	vlt.s32 v11, v18  }
0x11c: {  	v13 =	vsel vm6, v13, v19;
	vm13 =	vmand vm13, vm14;
	vm14 =	vgt.f32 v15, v17  }
0x11d: {  	v16 =	vsel vm6, v16, v20;
	v19 =	vperm.xlane v13, v1;
	vm6 =	vmor vm14, vm13  }
0x11e: {  	v20 =	vperm.xlane v16, v1;
	vm6 =	vmxor vm6, vm7  }
0x11f: {  	vm13 =	veq.f32 v13, v19;
	v15 =	vsel vm6, v15, v17;
	v11 =	vsel vm6, v11, v18  }
0x120: {  	vm6 =	vlt.s32 v16, v20;
	v17 =	vperm.xlane v15, v1;
	v18 =	vperm.xlane v11, v1  }
0x121: {  	vm14 =	vgt.f32 v13, v19;
	vm6 =	vmand vm13, vm6  }
0x122: {  	vm6 =	vmor vm14, vm6;
	vm13 =	veq.f32 v15, v17;
	vm14 =	vlt.s32 v11, v18  }
0x123: {  	vm6 =	vmxor vm6, vm9;
	vm13 =	vmand vm13, vm14;
	vm14 =	vgt.f32 v15, v17  }
0x124: {  	v13 =	vsel vm6, v13, v19;
	v16 =	vsel vm6, v16, v20;
	vm6 =	vmor vm14, vm13  }
0x125: {  	v13 =	vperm.xlane v13, v5;
	v16 =	vperm.xlane v16, v5;
	vm6 =	vmxor vm6, vm9  }
0x126: {  	v15 =	vsel vm6, v15, v17;
	v11 =	vsel vm6, v11, v18  }
0x127: {  	vm6 =	veq.f32 v15, v13;
	vm13 =	vlt.s32 v11, v16  }
0x128: {  	vm14 =	vgt.f32 v15, v13;
	vm6 =	vmand vm6, vm13  }
0x129: {  	vm13 =	vmor vm14, vm6  }
0x12a: {  	v17 =	vsel vm13, v15, v13;
	v11 =	vsel vm13, v11, v16  }
0x12b: {  	v40 =	vperm.xlane v17, v4;
	v41 =	vperm.xlane v11, v4;
	_ =	sdelay $0x1  }
0x12c: {  	vm6 =	veq.f32 v17, v40;
	vm14 =	vlt.s32 v11, v41  }
0x12d: {  	vm6 =	vmand vm6, vm14;
	vm14 =	vgt.f32 v17, v40  }
0x12e: {  	vm6 =	vmor vm14, vm6  }
0x12f: {  	vm6 =	vmxor vm6, vm15  }
0x130: {  	v16 =	vsel vm6, v17, v40;
	v11 =	vsel vm6, v11, v41  }
0x131: {  	v42 =	vperm.xlane v16, v3;
	v43 =	vperm.xlane v11, v3  }
0x132: {  	v7 =	vsel vm11, v54, v7;
	v8 =	vsel vm10, v57, v8  }
0x133: {  	v9 =	vperm.xlane v8, v4;
	vm6 =	veq.f32 v16, v42;
	vm11 =	vlt.s32 v11, v43  }
0x134: {  	v10 =	vperm.xlane v7, v4;
	vm6 =	vmand vm6, vm11;
	vm11 =	vgt.f32 v16, v42  }
0x135: {  	v47 =	vmov s22;
	v8 =	vmax.f32 v8, v9;
	vm6 =	vmor vm11, vm6  }
0x136: {  	v7 =	vmax.f32 v7, v10;
	v48 =	vperm.xlane v8, v3;
	vm6 =	vmxor vm6, vm8  }
0x137: {  	v44 =	vperm.xlane v7, v3;
	v10 =	vsel vm6, v16, v42;
	v11 =	vsel vm6, v11, v43  }
0x138: {  	v8 =	vmax.f32 v8, v48;
	v45 =	vperm.xlane v10, v2;
	v46 =	vperm.xlane v11, v2  }
0x139: {  	v7 =	vmax.f32 v7, v44;
	v50 =	vperm.xlane v8, v2;
	v12 =	vsel vm12, v14, v12  }
0x13a: {  	v52 =	vld [tilespmem:s1+$0xFFFFFFE0];
	v14 =	vperm.xlane v12, v4;
	vm6 =	veq.f32 v10, v45;
	vm10 =	vlt.s32 v11, v46  }
0x13b: {  	v54 =	vld [tilespmem:s1+$0xFFFFFFF0];
	v8 =	vmax.f32 v8, v50;
	vm11 =	vgt.f32 v10, v45;
	vm6 =	vmand vm6, vm10  }
0x13c: {  	v57 =	vld [tilespmem:s1+$0x0];
	v59 =	vperm.xlane v8, v1;
	v12 =	vmax.f32 v12, v14;
	vm6 =	vmor vm11, vm6  }
0x13d: {  	v44 =	vld [tilespmem:s19+$0xFFFFFFE0];
	v14 =	vperm.xlane v12, v3;
	v13 =	vsel vm13, v13, v15;
	vm6 =	vmxor vm6, vm7  }
0x13e: {  	v60 =	vld [tilespmem:s1+$0x10];
	v49 =	vperm.xlane v13, v4;
	v9 =	vsel vm6, v10, v45;
	v11 =	vsel vm6, v11, v46  }
0x13f: {  	v61 =	vld [tilespmem:s1+$0x20];
	vm1 =	vmmov vm2;
	v53 =	vperm.xlane v9, v1;
	v55 =	vperm.xlane v11, v1  }
0x140: {  	v63 =	vld [tilespmem:s0+$0xFFFFFFE0];
	v8 =	vmax.f32 v8, v59;
	v12 =	vmax.f32 v12, v14;
	v13 =	vmax.f32 v13, v49  }
0x141: {  	v25 =	vld [tilespmem:s0+$0xFFFFFFF0];
	v56 =	vperm.xlane v13, v3;
	vm6 =	veq.f32 v9, v53;
	vm10 =	vlt.s32 v11, v55  }
0x142: {  	v50 =	vld [tilespmem:s19+$0x0];
	v18 =	vperm.xlane v7, v2;
	vm11 =	vgt.f32 v9, v53;
	vm6 =	vmand vm6, vm10  }
0x143: {  	v29 =	vld [tilespmem:s0+$0x0];
	v51 =	vperm.xlane v12, v2;
	v13 =	vmax.f32 v13, v56;
	vm6 =	vmor vm11, vm6  }
0x144: {  	v26 =	vld [tilespmem:s18+$0x0];
	v7 =	vmax.f32 v7, v18;
	v62 =	vperm.xlane v13, v2;
	vm6 =	vmxor vm6, vm9  }
0x145: {  	v31 =	vld [tilespmem:s0+$0x10];
	v12 =	vmax.f32 v12, v51;
	v58 =	vperm.xlane v7, v1;
	v11 =	vsel vm6, v11, v55  }
0x146: {  	v36 =	vld [tilespmem:s18+$0xFFFFFFE0];
	v28 =	vperm.xlane v12, v1;
	v13 =	vmax.f32 v13, v62;
	v33 =	vand.u32 $0xF, v11  }
0x147: {  	v37 =	vld [tilespmem:s18+$0xFFFFFFF0];
	v7 =	vmax.f32 v7, v58;
	v30 =	vperm.xlane v13, v1;
	v10 =	vperm.xlane v52, v33  }
0x148: {  	v34 =	vld [tilespmem:s0+$0x20];
	v7 =	vmax.f32 v7, v8;
	v8 =	vperm.xlane v54, v33;
	v20 =	vperm.xlane v57, v33  }
0x149: {  	vm2 =	vmmov vm3;
	v39 =	vld [tilespmem:s18+$0x10];
	v38 =	vperm.xlane v60, v33;
	v40 =	vperm.xlane v63, v33  }
0x14a: {  	v12 =	vmax.f32 v12, v28;
	v41 =	vld [tilespmem:s18+$0x20];
	v42 =	vperm.xlane v61, v33;
	v43 =	vperm.xlane v25, v33  }
0x14b: {  	v13 =	vmax.f32 v13, v30;
	v46 =	vperm.xlane v29, v33;
	v49 =	vperm.xlane v36, v33  }
0x14c: {  	v9 =	vsel vm6, v9, v53;
	v51 =	vperm.xlane v31, v33;
	v14 =	vperm.xlane v37, v33  }
0x14d: {  	v32 =	vsub.s32 v11, v47;
	v53 =	vperm.xlane v34, v33;
	v54 =	vperm.xlane v26, v33  }
0x14e: {  	v55 =	vld [tilespmem:s19+$0x20];
	v35 =	vshra.s32 v32, $0x4;
	v56 =	vperm.xlane v44, v33;
	v59 =	vperm.xlane v39, v33  }
0x14f: {  	v47 =	vld [tilespmem:s19+$0xFFFFFFF0];
	v16 =	vperm.xlane v50, v33;
	v61 =	vperm.xlane v41, v33;
	vm11 =	veq.s32 v35, $0x0  }
0x150: {  	vm13 =	veq.s32 v35, $0x1;
	vm12 =	veq.s32 v35, $0x2;
	vm10 =	veq.s32 v35, $0x3  }
0x151: {  	v52 =	vld [tilespmem:s19+$0x10];
	vm14 =	veq.s32 v35, $0x4;
	v10 =	vnsel vm11, $0x0, v10;
	v45 =	vnsel vm11, $0x0, v40  }
0x152: {  	v15 =	vnsel vm11, $0x0, v49;
	v58 =	vnsel vm11, $0x0, v56;
	v8 =	vsel vm13, v8, v10  }
0x153: {  	v48 =	vsel vm13, v43, v45;
	v14 =	vsel vm13, v14, v15;
	v63 =	vperm.xlane v55, v33  }
0x154: {  	s23 =	sshra.s32 s21, $0x2;
	v8 =	vsel vm12, v20, v8;
	v10 =	vsel vm12, v46, v48;
	v57 =	vperm.xlane v47, v33  }
0x155: {  	p0 =	sne.s32 s21, $0x1C0;
	[tilespmem:s23+$0xC80] =	vst v9;
	v60 =	vld [tilespmem:$0x1FFF0];
	v14 =	vsel vm12, v54, v14;
	v8 =	vsel vm10, v38, v8;
	v10 =	vsel vm10, v51, v10  }
.Ltmp0:
0x156: {  	[tilespmem:s23+$0xD00] =	vst v11;
	v62 =	vperm.xlane v52, v33;
	v8 =	vsel vm14, v42, v8;
	v9 =	vsel vm13, v57, v58;
	(pc) =	sbr.rel @p0 .LBB2_2-.Ltmp0, $4  }
0x157: {  	v14 =	vsel vm10, v59, v14;
	v10 =	vsel vm14, v53, v10;
	v9 =	vsel vm12, v16, v9;
	[tilespmem:s23+$0xD80] =	vst v8  }
0x158: {  	s31 =	sadd.s32 $0x50, s31;
	v11 =	vsel vm14, v61, v14;
	v8 =	vmax.f32 v12, v13;
	[tilespmem:s23+$0xE00] =	vst v10;
	v9 =	vsel vm10, v62, v9  }
0x159: {  	s16 =	sadd.s32 $0x50, s16;
	s21 =	sadd.s32 $0x40, s21;
	s1 =	sadd.s32 $0x50, s1;
	vm3 =	vmmov vm4;
	[tilespmem:s23+$0xE80] =	vst v11;
	v7 =	vmax.f32 v7, v8;
	v8 =	vsel vm14, v63, v9  }
0x15a: {  	vm4 =	vmmov vm5;
	s0 =	sadd.s32 $0x50, s0;
	s18 =	sadd.s32 $0x50, s18;
	s19 =	sadd.s32 $0x50, s19;
	vm13 =	vnez.u8 v60;
	v6 =	vmax.f32 v6, v7;
	[tilespmem:s23+$0xF00] =	vst v8  }
0x15b: {  	[tilespmem:$0xF80] =	vst v6;
	s0 =	simm.s32 $0xC80  }
0x15c: {  	[hbm4b:s8+s2] =	stream.linear.scatter [tilespmem:s0], [sflag:$0x1], $0x80, $0x38;
	[tilespmem:$0x1000] =	vst v63  }
0x15d: {  	_ =	swait.ge [sflag:s17], $0x80  }
0x15e: {  	[sflag:s17] =	ssyncset.done $0x0  }
0x15f: {  	s31 =	simm.s32 $0xD00;
	[sflag:s17] =	ssyncadd.s32 $0xFFFFFF80  }
0x160: {  	[hbm4b:s9+s2] =	stream.linear.scatter [tilespmem:s31], [sflag:$0x1], $0x80, $0x38;
	[tilespmem:$0x1000] =	vst v63  }
0x161: {  	_ =	swait.ge [sflag:s17], $0x80  }
0x162: {  	[sflag:s17] =	ssyncset.done $0x0  }
0x163: {  	[sflag:s17] =	ssyncadd.s32 $0xFFFFFF80  }
0x164: {  	[hbm4b:s10+s2] =	stream.linear.scatter [tilespmem:s24], [sflag:$0x1], $0x80, $0x38;
	[tilespmem:$0x1000] =	vst v63  }
0x165: {  	_ =	swait.ge [sflag:s17], $0x80  }
0x166: {  	[sflag:s17] =	ssyncset.done $0x0  }
0x167: {  	[sflag:s17] =	ssyncadd.s32 $0xFFFFFF80  }
0x168: {  	[hbm4b:s11+s2] =	stream.linear.scatter [tilespmem:s25], [sflag:$0x1], $0x80, $0x38;
	[tilespmem:$0x1000] =	vst v63  }
0x169: {  	_ =	swait.ge [sflag:s17], $0x80  }
0x16a: {  	[sflag:s17] =	ssyncset.done $0x0  }
0x16b: {  	[sflag:s17] =	ssyncadd.s32 $0xFFFFFF80  }
0x16c: {  	[hbm4b:s12+s2] =	stream.linear.scatter [tilespmem:s26], [sflag:$0x1], $0x80, $0x38;
	[tilespmem:$0x1000] =	vst v63  }
0x16d: {  	_ =	swait.ge [sflag:s17], $0x80  }
0x16e: {  	[sflag:s17] =	ssyncset.done $0x0  }
0x16f: {  	[sflag:s17] =	ssyncadd.s32 $0xFFFFFF80  }
0x170: {  	[hbm4b:s13+s2] =	stream.linear.scatter [tilespmem:s28], [sflag:$0x1], $0x80, $0x38;
	[tilespmem:$0x1000] =	vst v63  }
0x171: {  	s30 =	sadd.s32 $0x1, s30;
	_ =	swait.ge [sflag:s17], $0x80  }
0x172: {  	p0 =	sne.s32 s30, s15;
	[sflag:s17] =	ssyncset.done $0x0  }
.Ltmp1:
0x173: {  	[sflag:s17] =	ssyncadd.s32 $0xFFFFFF80;
	(pc) =	sbr.rel @p0 .LBB2_1-.Ltmp1, $4  }
0x174: {  	[hbm4b:s14+s2] =	stream.linear.scatter [tilespmem:s29], [sflag:$0x1], $0x10, $0x38;
	[tilespmem:$0x1000] =	vst v63  }
0x175: {  	_ =	swait.ge [sflag:s17], $0x10  }
0x176: {  	[sflag:s17] =	ssyncset.done $0x0  }
0x177: {  	[sflag:s17] =	ssyncadd.s32 $0xFFFFFFF0  }
0x178: {  	_ =	sfence.sel $0x180000  }
0x179: {  	[bflag:$0x0] =	sbarrier.arrive $0xFFFF  }
0x17a: {  	_ =	strace $0x90000047  }
0x17b: {  	s0 =	stileid.u32;
	[bflag:$0x2] =	sbarrier.arrive $0xFFFF  }
0x17c: {  	p0 =	sne.s32 s0, $0x0;
	s0 =	rddreg [dreg:$0x2]  }
0x17d: {  	s0 =	sadd.s32 @!p0 $0x100000, s0  }
0x17e: {  	[sflag:s0] =	ssyncadd.tile.s32 @!p0 $0x1;
	_ =	shalt  }
.Lfunc_end2:
_tile_overlayer_lowered:
.L_overlay_start_2:
0x17f: {  	(tag) =	ssettag $0x2  }
0x180: {  	s0 =	rddreg [dreg:$0x0];
	s2 =	stileid.u32  }
0x181: {  	s1 =	rddreg [dreg:$0x1];
	p0 =	sne.s32 s2, $0x0  }
0x182: {  	s3 =	rddreg [dreg:$0x2];
	[bflag:$0x3] =	sbarrier.arrive $0xFFFF;
	s2 =	simm.s32 @!p0 $0x1C01  }
0x183: {  	[timem:s3], [sflag:s2] =	dma.local @!p0 [hbm:s0], s1  }
0x184: {  	s0 =	simm.s32 @!p0 $0x1  }
0x185: {  	_ =	swait.ge @!p0 [sflag:s0], s1  }
0x186: {  	s1 =	ssub.s32 @!p0 $0x0, s1;
	[sflag:s0] =	ssyncset.done @!p0 $0x0  }
0x187: {  	[sflag:s0] =	ssyncadd.s32 @!p0 s1  }
0x188: {  	[bflag:$0x3] =	sbarrier.arrive $0xFFFF  }
0x189: {  	_ =	shalt  }

</sc_bundles>
